<compile_context>
chip_gen: v7x
topology: tpu7x:2x2x1
jax: 0.10.2.dev20260603
libtpu: 0.0.44.dev20260713+nightly
codegen_flags: <defaults>
</compile_context>

<pallas_src>
import functools

import jax
import jax.numpy as jnp
from jax import lax
from jax.experimental import pallas as pl
from jax.experimental.pallas import tpu as pltpu
from jax.experimental.pallas import tpu_sc as plsc

_T = 16384
_D = 2048
_E = 16
_K = 2
_B = 1024
_NB = _T // _B

_NC = 2
_NS = 16
_CH = _T // _NS
_EPW = _K * _CH


def _route_block(x_ref, w_ref, er_ref, sv_ref, cnt_ref, off_ref):
    pid = pl.program_id(0)

    @pl.when(pid == 0)
    def _():
        cnt_ref[...] = jnp.zeros_like(cnt_ref)

    scores = jax.nn.sigmoid(
        jnp.dot(x_ref[...], w_ref[...], preferred_element_type=jnp.float32))
    iota_e = lax.broadcasted_iota(jnp.int32, (_B, _E), 1)

    s1 = jnp.max(scores, axis=1, keepdims=True)
    e1 = jnp.min(jnp.where(scores == s1, iota_e, _E), axis=1, keepdims=True)
    oh1 = iota_e == e1
    masked = jnp.where(oh1, -1.0, scores)
    s2 = jnp.max(masked, axis=1, keepdims=True)
    e2 = jnp.min(jnp.where(masked == s2, iota_e, _E), axis=1, keepdims=True)
    oh2 = iota_e == e2

    c = oh1.astype(jnp.int32) + oh2.astype(jnp.int32)
    ii = lax.broadcasted_iota(jnp.int32, (_B, _B), 0)
    jj = lax.broadcasted_iota(jnp.int32, (_B, _B), 1)
    tri = (jj < ii).astype(jnp.float32)
    pref = jnp.dot(tri, c.astype(jnp.float32),
                   preferred_element_type=jnp.float32).astype(jnp.int32)
    carry = cnt_ref[...]
    g = pref + carry
    r1 = jnp.sum(jnp.where(oh1, g, 0), axis=1, keepdims=True)
    r2 = jnp.sum(jnp.where(oh2, g, 0), axis=1, keepdims=True)
    red = jnp.concatenate([e1, e2, r1, r2], axis=1)
    new_cnt = carry + jnp.sum(c, axis=0, keepdims=True)
    cnt_ref[...] = new_cnt
    eii = lax.broadcasted_iota(jnp.int32, (_E, _E), 0)
    ejj = lax.broadcasted_iota(jnp.int32, (_E, _E), 1)
    off_ref[...] = jnp.dot(new_cnt.astype(jnp.float32),
                           (eii < ejj).astype(jnp.float32),
                           preferred_element_type=jnp.float32,
                           precision=lax.Precision.HIGHEST).astype(jnp.int32)

    er_ref[...] = red
    sv_ref[...] = jnp.concatenate([s1, s2], axis=1)


_route = pl.pallas_call(
    _route_block,
    grid=(_NB,),
    in_specs=[
        pl.BlockSpec((_B, _D), lambda i: (i, 0)),
        pl.BlockSpec((_D, _E), lambda i: (0, 0)),
    ],
    out_specs=[
        pl.BlockSpec((_B, 4), lambda i: (i, 0)),
        pl.BlockSpec((_B, 2), lambda i: (i, 0)),
        pl.BlockSpec((1, _E), lambda i: (0, 0)),
        pl.BlockSpec((1, _E), lambda i: (0, 0)),
    ],
    out_shape=[
        jax.ShapeDtypeStruct((_T, 4), jnp.int32),
        jax.ShapeDtypeStruct((_T, 2), jnp.float32),
        jax.ShapeDtypeStruct((1, _E), jnp.int32),
        jax.ShapeDtypeStruct((1, _E), jnp.int32),
    ],
)


@functools.cache
def _make_dispatch():
  return functools.partial(
    pl.kernel,
    out_type=(jax.ShapeDtypeStruct((_K * _T,), jnp.float32),
              jax.ShapeDtypeStruct((_K * _T,), jnp.int32)),
    mesh=plsc.VectorSubcoreMesh(core_axis_name="c", subcore_axis_name="s",
                                num_cores=_NC, num_subcores=_NS),
    compiler_params=pltpu.CompilerParams(needs_layout_passes=False),
    scratch_types=[
        pltpu.VMEM((4 * _CH,), jnp.int32),
        pltpu.VMEM((_E,), jnp.int32),
        pltpu.VMEM((_EPW,), jnp.float32),
        pltpu.VMEM((_EPW,), jnp.int32),
        pltpu.VMEM((_EPW,), jnp.int32),
        pltpu.VMEM_SHARED((_K * _T,), jnp.float32),
        pltpu.VMEM_SHARED((_K * _T,), jnp.int32),
    ],
  )(_dispatch_body)


def _dispatch_body(er_hbm, off_hbm, sv_hbm, out_s_hbm, out_t_hbm,
                   er_v, off_v, sv_v, pos_v, tok_v, spm_s, spm_t):
    cid = lax.axis_index("c")
    sid = lax.axis_index("s")
    pltpu.sync_copy(er_hbm.at[pl.ds(sid * 4 * _CH, 4 * _CH)], er_v)
    pltpu.sync_copy(off_hbm, off_v)

    @pl.when(cid == 0)
    def _():
        pltpu.sync_copy(sv_hbm.at[pl.ds(sid * _EPW, _EPW)], sv_v)

    base_tok = sid * _CH
    for j in range(_CH // 16):
        t_loc = j * 16 + lax.broadcasted_iota(jnp.int32, (16,), 0)
        e1j = plsc.load_gather(er_v, [4 * t_loc])
        e2j = plsc.load_gather(er_v, [4 * t_loc + 1])
        r1j = plsc.load_gather(er_v, [4 * t_loc + 2])
        r2j = plsc.load_gather(er_v, [4 * t_loc + 3])
        p1 = plsc.load_gather(off_v, [e1j]) + r1j
        p2 = plsc.load_gather(off_v, [e2j]) + r2j
        tok = base_tok + t_loc
        f1 = 2 * t_loc
        f2 = f1 + 1
        plsc.store_scatter(pos_v, [f1], p1)
        plsc.store_scatter(pos_v, [f2], p2)
        plsc.store_scatter(tok_v, [f1], tok)
        plsc.store_scatter(tok_v, [f2], tok)

    @pl.when(cid == 0)
    def _():
        pltpu.sync_copy(sv_v, spm_s.at[pos_v])

    @pl.when(cid == 1)
    def _():
        pltpu.sync_copy(tok_v, spm_t.at[pos_v])

    plsc.subcore_barrier()

    sl = pl.ds(sid * _EPW, _EPW)

    @pl.when(cid == 0)
    def _():
        pltpu.sync_copy(spm_s.at[sl], sv_v)
        pltpu.sync_copy(sv_v, out_s_hbm.at[sl])

    @pl.when(cid == 1)
    def _():
        pltpu.sync_copy(spm_t.at[sl], tok_v)
        pltpu.sync_copy(tok_v, out_t_hbm.at[sl])


def kernel(x, W_gate):
    er, sv, cnt, off = _route(x, W_gate)
    out_s, out_t = _make_dispatch()(er.reshape(-1), off.reshape(-1),
                                    sv.reshape(-1))
    return out_s, out_t, cnt.reshape(_E)

# --- scband reference (transcript-rebuilt; emitter-appended) ---
"""Pipeline reference for scband-token-choice-top-krouter-26113401160073 (READ-ONLY COPY).

The authoritative reference and input builder live on the scoring server;
editing this copy changes nothing except your own understanding.
"""

import jax, jax.numpy as jnp
import numpy as np

DIM = 2048
NUM_EXPERTS = 16
TOP_K = 2
TOKENS = 16384


def setup_inputs(seed: int = 0) -> dict:
    key = jax.random.key(seed)
    k1, k2 = jax.random.split(key)
    x = jax.random.normal(k1, (TOKENS, DIM), dtype=jnp.float32)
    W_gate = jax.random.normal(k2, (DIM, NUM_EXPERTS), dtype=jnp.float32) * 0.02
    return {"x": x, "W_gate": W_gate}


def reference(x, W_gate):
    # gate: nn.Linear(dim, num_experts, bias=False)
    scores = x @ W_gate
    scores = jax.nn.sigmoid(scores.astype(jnp.float32)).astype(x.dtype)
    # stable descending argsort along experts dim
    sorted_indices = jnp.argsort(-scores, axis=1)
    selected_experts_indices = sorted_indices[:, :TOP_K]
    top_scores = jnp.take_along_axis(scores, selected_experts_indices, axis=1)
    num_tokens_per_expert = jnp.bincount(
        selected_experts_indices.reshape(-1), minlength=NUM_EXPERTS, length=NUM_EXPERTS
    )
    token_indices_experts_sorted = jnp.argsort(selected_experts_indices.reshape(-1))
    top_scores = top_scores.reshape(-1)[token_indices_experts_sorted]
    token_indices_experts_sorted = token_indices_experts_sorted // TOP_K
    return (top_scores, token_indices_experts_sorted, num_tokens_per_expert)

if __name__ == "__main__":
    import jax
    _d = setup_inputs()
    print(jax.jit(kernel)(*tuple(_d.values())))

</pallas_src>

<mosaic_0001>
#map = affine_map<(d0, d1) -> (0)>
module attributes {stable_mosaic.version = 14 : i64} {
  func.func @_dispatch_body(%arg0: i32, %arg1: i32, %arg2: memref<65536xi32, #tpu.memory_space<hbm>>, %arg3: memref<16xi32, #tpu.memory_space<hbm>>, %arg4: memref<32768xf32, #tpu.memory_space<hbm>>, %arg5: memref<32768xf32, #tpu.memory_space<hbm>>, %arg6: memref<32768xi32, #tpu.memory_space<hbm>>, %arg7: memref<4096xi32, #tpu.memory_space<vmem>>, %arg8: memref<16xi32, #tpu.memory_space<vmem>>, %arg9: memref<2048xf32, #tpu.memory_space<vmem>>, %arg10: memref<2048xi32, #tpu.memory_space<vmem>>, %arg11: memref<2048xi32, #tpu.memory_space<vmem>>, %arg12: memref<32768xf32, #tpu.memory_space<vmem_shared>>, %arg13: memref<32768xi32, #tpu.memory_space<vmem_shared>>) attributes {dimension_semantics = [#tpu.dimension_semantics<core_parallel>, #tpu.dimension_semantics<subcore_parallel>], iteration_bounds = array<i64: 2, 16>, scalar_prefetch = 0 : i64, scratch_operands = 7 : i64, tpu.core_type = #tpu.core_type<sc_vector_subcore>, window_params = [{transform_indices = #map}, {transform_indices = #map}, {transform_indices = #map}, {transform_indices = #map}, {transform_indices = #map}]} {
    %mul3A = arith.constant 4 : i32
    %mul3A_0 = arith.muli %arg1, %mul3A : i32
    %mul3A_1 = arith.constant 1024 : i32
    %mul3A_2 = arith.muli %mul3A_0, %mul3A_1 : i32
    "tpu.region"() ({
      %run_scoped3A = tpu.sem_alloc : memref<!tpu.dma_semaphore, #tpu.memory_space<semaphore_mem>>
      %dma_start3A = tpu.memref_slice %arg2[%mul3A_2] : memref<65536xi32, #tpu.memory_space<hbm>> -> memref<4096xi32, #tpu.memory_space<hbm>>
      %dma_start3A_2650 = tpu.memref_slice %arg2[%mul3A_2] : memref<65536xi32, #tpu.memory_space<hbm>> -> memref<4096xi32, #tpu.memory_space<hbm>>
      tpu.enqueue_dma source(%dma_start3A_2650 : memref<4096xi32, #tpu.memory_space<hbm>>) target(%arg7 : memref<4096xi32, #tpu.memory_space<vmem>>) target_semaphore(%run_scoped3A : memref<!tpu.dma_semaphore, #tpu.memory_space<semaphore_mem>>)
      %dma_wait3A = tpu.memref_slice %arg2[%mul3A_2] : memref<65536xi32, #tpu.memory_space<hbm>> -> memref<4096xi32, #tpu.memory_space<hbm>>
      %dma_wait3A_2651 = tpu.memref_slice %arg2[%mul3A_2] : memref<65536xi32, #tpu.memory_space<hbm>> -> memref<4096xi32, #tpu.memory_space<hbm>>
      tpu.wait_dma2 semaphore(%run_scoped3A : memref<!tpu.dma_semaphore, #tpu.memory_space<semaphore_mem>>) src(%dma_wait3A_2651 : memref<4096xi32, #tpu.memory_space<hbm>>) dst(%arg7 : memref<4096xi32, #tpu.memory_space<vmem>>)
      tpu.yield
    }) : () -> ()
    "tpu.region"() ({
      %run_scoped3A = tpu.sem_alloc : memref<!tpu.dma_semaphore, #tpu.memory_space<semaphore_mem>>
      tpu.enqueue_dma source(%arg3 : memref<16xi32, #tpu.memory_space<hbm>>) target(%arg8 : memref<16xi32, #tpu.memory_space<vmem>>) target_semaphore(%run_scoped3A : memref<!tpu.dma_semaphore, #tpu.memory_space<semaphore_mem>>)
      tpu.wait_dma2 semaphore(%run_scoped3A : memref<!tpu.dma_semaphore, #tpu.memory_space<semaphore_mem>>) src(%arg3 : memref<16xi32, #tpu.memory_space<hbm>>) dst(%arg8 : memref<16xi32, #tpu.memory_space<vmem>>)
      tpu.yield
    }) : () -> ()
    %eq3A = arith.constant 0 : i32
    %eq3A_3 = arith.cmpi eq, %arg0, %eq3A : i32
    %convert_element_type3A = arith.extui %eq3A_3 : i1 to i32
    %cond3A = arith.constant 0 : i32
    %cond3A_4 = arith.cmpi ne, %convert_element_type3A, %cond3A : i32
    scf.if %cond3A_4 {
      %mul3A_2650 = arith.constant 2048 : i32
      %mul3A_2651 = arith.muli %arg1, %mul3A_2650 : i32
      "tpu.region"() ({
        %run_scoped3A = tpu.sem_alloc : memref<!tpu.dma_semaphore, #tpu.memory_space<semaphore_mem>>
        %dma_start3A = tpu.memref_slice %arg4[%mul3A_2651] : memref<32768xf32, #tpu.memory_space<hbm>> -> memref<2048xf32, #tpu.memory_space<hbm>>
        %dma_start3A_2652 = tpu.memref_slice %arg4[%mul3A_2651] : memref<32768xf32, #tpu.memory_space<hbm>> -> memref<2048xf32, #tpu.memory_space<hbm>>
        tpu.enqueue_dma source(%dma_start3A_2652 : memref<2048xf32, #tpu.memory_space<hbm>>) target(%arg9 : memref<2048xf32, #tpu.memory_space<vmem>>) target_semaphore(%run_scoped3A : memref<!tpu.dma_semaphore, #tpu.memory_space<semaphore_mem>>)
        %dma_wait3A = tpu.memref_slice %arg4[%mul3A_2651] : memref<32768xf32, #tpu.memory_space<hbm>> -> memref<2048xf32, #tpu.memory_space<hbm>>
        %dma_wait3A_2653 = tpu.memref_slice %arg4[%mul3A_2651] : memref<32768xf32, #tpu.memory_space<hbm>> -> memref<2048xf32, #tpu.memory_space<hbm>>
        tpu.wait_dma2 semaphore(%run_scoped3A : memref<!tpu.dma_semaphore, #tpu.memory_space<semaphore_mem>>) src(%dma_wait3A_2653 : memref<2048xf32, #tpu.memory_space<hbm>>) dst(%arg9 : memref<2048xf32, #tpu.memory_space<vmem>>)
        tpu.yield
      }) : () -> ()
    } else {
    }
    %mul3A_5 = arith.constant 1024 : i32
    %mul3A_6 = arith.muli %arg1, %mul3A_5 : i32
    %iota3A = tpu.iota {dimensions = array<i32: 0>} : vector<16xi32>
    %add3A = arith.constant 0 : i32
    %add3A_7 = vector.broadcast %add3A : i32 to vector<16xi32>
    %add3A_8 = arith.addi %add3A_7, %iota3A : vector<16xi32>
    %mul3A_9 = arith.constant 4 : i32
    %mul3A_10 = vector.broadcast %mul3A_9 : i32 to vector<16xi32>
    %mul3A_11 = arith.muli %mul3A_10, %add3A_8 : vector<16xi32>
    %gather3A = tpu.vector_load_idx %arg7[%mul3A_11] : memref<4096xi32, #tpu.memory_space<vmem>>[vector<16xi32>], vector<16xi32>,
    %mul3A_12 = arith.constant 4 : i32
    %mul3A_13 = vector.broadcast %mul3A_12 : i32 to vector<16xi32>
    %mul3A_14 = arith.muli %mul3A_13, %add3A_8 : vector<16xi32>
    %add3A_15 = arith.constant 1 : i32
    %add3A_16 = vector.broadcast %add3A_15 : i32 to vector<16xi32>
    %add3A_17 = arith.addi %mul3A_14, %add3A_16 : vector<16xi32>
    %gather3A_18 = tpu.vector_load_idx %arg7[%add3A_17] : memref<4096xi32, #tpu.memory_space<vmem>>[vector<16xi32>], vector<16xi32>,
    %mul3A_19 = arith.constant 4 : i32
    %mul3A_20 = vector.broadcast %mul3A_19 : i32 to vector<16xi32>
    %mul3A_21 = arith.muli %mul3A_20, %add3A_8 : vector<16xi32>
    %add3A_22 = arith.constant 2 : i32
    %add3A_23 = vector.broadcast %add3A_22 : i32 to vector<16xi32>
    %add3A_24 = arith.addi %mul3A_21, %add3A_23 : vector<16xi32>
    %gather3A_25 = tpu.vector_load_idx %arg7[%add3A_24] : memref<4096xi32, #tpu.memory_space<vmem>>[vector<16xi32>], vector<16xi32>,
    %mul3A_26 = arith.constant 4 : i32
    %mul3A_27 = vector.broadcast %mul3A_26 : i32 to vector<16xi32>
    %mul3A_28 = arith.muli %mul3A_27, %add3A_8 : vector<16xi32>
    %add3A_29 = arith.constant 3 : i32
    %add3A_30 = vector.broadcast %add3A_29 : i32 to vector<16xi32>
    %add3A_31 = arith.addi %mul3A_28, %add3A_30 : vector<16xi32>
    %gather3A_32 = tpu.vector_load_idx %arg7[%add3A_31] : memref<4096xi32, #tpu.memory_space<vmem>>[vector<16xi32>], vector<16xi32>,
    %gather3A_33 = tpu.vector_load_idx %arg8[%gather3A] : memref<16xi32, #tpu.memory_space<vmem>>[vector<16xi32>], vector<16xi32>,
    %add3A_34 = arith.addi %gather3A_33, %gather3A_25 : vector<16xi32>
    %gather3A_35 = tpu.vector_load_idx %arg8[%gather3A_18] : memref<16xi32, #tpu.memory_space<vmem>>[vector<16xi32>], vector<16xi32>,
    %add3A_36 = arith.addi %gather3A_35, %gather3A_32 : vector<16xi32>
    %add3A_37 = vector.broadcast %mul3A_6 : i32 to vector<16xi32>
    %add3A_38 = arith.addi %add3A_37, %add3A_8 : vector<16xi32>
    %mul3A_39 = arith.constant 2 : i32
    %mul3A_40 = vector.broadcast %mul3A_39 : i32 to vector<16xi32>
    %mul3A_41 = arith.muli %mul3A_40, %add3A_8 : vector<16xi32>
    %add3A_42 = arith.constant 1 : i32
    %add3A_43 = vector.broadcast %add3A_42 : i32 to vector<16xi32>
    %add3A_44 = arith.addi %mul3A_41, %add3A_43 : vector<16xi32>
    tpu.vector_store_idx %arg10[%mul3A_41], %add3A_34 : memref<2048xi32, #tpu.memory_space<vmem>>[vector<16xi32>], vector<16xi32>,
    tpu.vector_store_idx %arg10[%add3A_44], %add3A_36 : memref<2048xi32, #tpu.memory_space<vmem>>[vector<16xi32>], vector<16xi32>,
    tpu.vector_store_idx %arg11[%mul3A_41], %add3A_38 : memref<2048xi32, #tpu.memory_space<vmem>>[vector<16xi32>], vector<16xi32>,
    tpu.vector_store_idx %arg11[%add3A_44], %add3A_38 : memref<2048xi32, #tpu.memory_space<vmem>>[vector<16xi32>], vector<16xi32>,
    %iota3A_45 = tpu.iota {dimensions = array<i32: 0>} : vector<16xi32>
    %add3A_46 = arith.constant 16 : i32
    %add3A_47 = vector.broadcast %add3A_46 : i32 to vector<16xi32>
    %add3A_48 = arith.addi %add3A_47, %iota3A_45 : vector<16xi32>
    %mul3A_49 = arith.constant 4 : i32
    %mul3A_50 = vector.broadcast %mul3A_49 : i32 to vector<16xi32>
    %mul3A_51 = arith.muli %mul3A_50, %add3A_48 : vector<16xi32>
    %gather3A_52 = tpu.vector_load_idx %arg7[%mul3A_51] : memref<4096xi32, #tpu.memory_space<vmem>>[vector<16xi32>], vector<16xi32>,
    %mul3A_53 = arith.constant 4 : i32
    %mul3A_54 = vector.broadcast %mul3A_53 : i32 to vector<16xi32>
    %mul3A_55 = arith.muli %mul3A_54, %add3A_48 : vector<16xi32>
    %add3A_56 = arith.constant 1 : i32
    %add3A_57 = vector.broadcast %add3A_56 : i32 to vector<16xi32>
    %add3A_58 = arith.addi %mul3A_55, %add3A_57 : vector<16xi32>
    %gather3A_59 = tpu.vector_load_idx %arg7[%add3A_58] : memref<4096xi32, #tpu.memory_space<vmem>>[vector<16xi32>], vector<16xi32>,
    %mul3A_60 = arith.constant 4 : i32
    %mul3A_61 = vector.broadcast %mul3A_60 : i32 to vector<16xi32>
    %mul3A_62 = arith.muli %mul3A_61, %add3A_48 : vector<16xi32>
    %add3A_63 = arith.constant 2 : i32
    %add3A_64 = vector.broadcast %add3A_63 : i32 to vector<16xi32>
    %add3A_65 = arith.addi %mul3A_62, %add3A_64 : vector<16xi32>
    %gather3A_66 = tpu.vector_load_idx %arg7[%add3A_65] : memref<4096xi32, #tpu.memory_space<vmem>>[vector<16xi32>], vector<16xi32>,
    %mul3A_67 = arith.constant 4 : i32
    %mul3A_68 = vector.broadcast %mul3A_67 : i32 to vector<16xi32>
    %mul3A_69 = arith.muli %mul3A_68, %add3A_48 : vector<16xi32>
    %add3A_70 = arith.constant 3 : i32
    %add3A_71 = vector.broadcast %add3A_70 : i32 to vector<16xi32>
    %add3A_72 = arith.addi %mul3A_69, %add3A_71 : vector<16xi32>
    %gather3A_73 = tpu.vector_load_idx %arg7[%add3A_72] : memref<4096xi32, #tpu.memory_space<vmem>>[vector<16xi32>], vector<16xi32>,
    %gather3A_74 = tpu.vector_load_idx %arg8[%gather3A_52] : memref<16xi32, #tpu.memory_space<vmem>>[vector<16xi32>], vector<16xi32>,
    %add3A_75 = arith.addi %gather3A_74, %gather3A_66 : vector<16xi32>
    %gather3A_76 = tpu.vector_load_idx %arg8[%gather3A_59] : memref<16xi32, #tpu.memory_space<vmem>>[vector<16xi32>], vector<16xi32>,
    %add3A_77 = arith.addi %gather3A_76, %gather3A_73 : vector<16xi32>
    %add3A_78 = vector.broadcast %mul3A_6 : i32 to vector<16xi32>
    %add3A_79 = arith.addi %add3A_78, %add3A_48 : vector<16xi32>
    %mul3A_80 = arith.constant 2 : i32
    %mul3A_81 = vector.broadcast %mul3A_80 : i32 to vector<16xi32>
    %mul3A_82 = arith.muli %mul3A_81, %add3A_48 : vector<16xi32>
    %add3A_83 = arith.constant 1 : i32
    %add3A_84 = vector.broadcast %add3A_83 : i32 to vector<16xi32>
    %add3A_85 = arith.addi %mul3A_82, %add3A_84 : vector<16xi32>
    tpu.vector_store_idx %arg10[%mul3A_82], %add3A_75 : memref<2048xi32, #tpu.memory_space<vmem>>[vector<16xi32>], vector<16xi32>,
    tpu.vector_store_idx %arg10[%add3A_85], %add3A_77 : memref<2048xi32, #tpu.memory_space<vmem>>[vector<16xi32>], vector<16xi32>,
    tpu.vector_store_idx %arg11[%mul3A_82], %add3A_79 : memref<2048xi32, #tpu.memory_space<vmem>>[vector<16xi32>], vector<16xi32>,
    tpu.vector_store_idx %arg11[%add3A_85], %add3A_79 : memref<2048xi32, #tpu.memory_space<vmem>>[vector<16xi32>], vector<16xi32>,
    %iota3A_86 = tpu.iota {dimensions = array<i32: 0>} : vector<16xi32>
    %add3A_87 = arith.constant 32 : i32
    %add3A_88 = vector.broadcast %add3A_87 : i32 to vector<16xi32>
    %add3A_89 = arith.addi %add3A_88, %iota3A_86 : vector<16xi32>
    %mul3A_90 = arith.constant 4 : i32
    %mul3A_91 = vector.broadcast %mul3A_90 : i32 to vector<16xi32>
    %mul3A_92 = arith.muli %mul3A_91, %add3A_89 : vector<16xi32>
    %gather3A_93 = tpu.vector_load_idx %arg7[%mul3A_92] : memref<4096xi32, #tpu.memory_space<vmem>>[vector<16xi32>], vector<16xi32>,
    %mul3A_94 = arith.constant 4 : i32
    %mul3A_95 = vector.broadcast %mul3A_94 : i32 to vector<16xi32>
    %mul3A_96 = arith.muli %mul3A_95, %add3A_89 : vector<16xi32>
    %add3A_97 = arith.constant 1 : i32
    %add3A_98 = vector.broadcast %add3A_97 : i32 to vector<16xi32>
    %add3A_99 = arith.addi %mul3A_96, %add3A_98 : vector<16xi32>
    %gather3A_100 = tpu.vector_load_idx %arg7[%add3A_99] : memref<4096xi32, #tpu.memory_space<vmem>>[vector<16xi32>], vector<16xi32>,
    %mul3A_101 = arith.constant 4 : i32
    %mul3A_102 = vector.broadcast %mul3A_101 : i32 to vector<16xi32>
    %mul3A_103 = arith.muli %mul3A_102, %add3A_89 : vector<16xi32>
    %add3A_104 = arith.constant 2 : i32
    %add3A_105 = vector.broadcast %add3A_104 : i32 to vector<16xi32>
    %add3A_106 = arith.addi %mul3A_103, %add3A_105 : vector<16xi32>
    %gather3A_107 = tpu.vector_load_idx %arg7[%add3A_106] : memref<4096xi32, #tpu.memory_space<vmem>>[vector<16xi32>], vector<16xi32>,
    %mul3A_108 = arith.constant 4 : i32
    %mul3A_109 = vector.broadcast %mul3A_108 : i32 to vector<16xi32>
    %mul3A_110 = arith.muli %mul3A_109, %add3A_89 : vector<16xi32>
    %add3A_111 = arith.constant 3 : i32
    %add3A_112 = vector.broadcast %add3A_111 : i32 to vector<16xi32>
    %add3A_113 = arith.addi %mul3A_110, %add3A_112 : vector<16xi32>
    %gather3A_114 = tpu.vector_load_idx %arg7[%add3A_113] : memref<4096xi32, #tpu.memory_space<vmem>>[vector<16xi32>], vector<16xi32>,
    %gather3A_115 = tpu.vector_load_idx %arg8[%gather3A_93] : memref<16xi32, #tpu.memory_space<vmem>>[vector<16xi32>], vector<16xi32>,
    %add3A_116 = arith.addi %gather3A_115, %gather3A_107 : vector<16xi32>
    %gather3A_117 = tpu.vector_load_idx %arg8[%gather3A_100] : memref<16xi32, #tpu.memory_space<vmem>>[vector<16xi32>], vector<16xi32>,
    %add3A_118 = arith.addi %gather3A_117, %gather3A_114 : vector<16xi32>
    %add3A_119 = vector.broadcast %mul3A_6 : i32 to vector<16xi32>
    %add3A_120 = arith.addi %add3A_119, %add3A_89 : vector<16xi32>
    %mul3A_121 = arith.constant 2 : i32
    %mul3A_122 = vector.broadcast %mul3A_121 : i32 to vector<16xi32>
    %mul3A_123 = arith.muli %mul3A_122, %add3A_89 : vector<16xi32>
    %add3A_124 = arith.constant 1 : i32
    %add3A_125 = vector.broadcast %add3A_124 : i32 to vector<16xi32>
    %add3A_126 = arith.addi %mul3A_123, %add3A_125 : vector<16xi32>
    tpu.vector_store_idx %arg10[%mul3A_123], %add3A_116 : memref<2048xi32, #tpu.memory_space<vmem>>[vector<16xi32>], vector<16xi32>,
    tpu.vector_store_idx %arg10[%add3A_126], %add3A_118 : memref<2048xi32, #tpu.memory_space<vmem>>[vector<16xi32>], vector<16xi32>,
    tpu.vector_store_idx %arg11[%mul3A_123], %add3A_120 : memref<2048xi32, #tpu.memory_space<vmem>>[vector<16xi32>], vector<16xi32>,
    tpu.vector_store_idx %arg11[%add3A_126], %add3A_120 : memref<2048xi32, #tpu.memory_space<vmem>>[vector<16xi32>], vector<16xi32>,
    %iota3A_127 = tpu.iota {dimensions = array<i32: 0>} : vector<16xi32>
    %add3A_128 = arith.constant 48 : i32
    %add3A_129 = vector.broadcast %add3A_128 : i32 to vector<16xi32>
    %add3A_130 = arith.addi %add3A_129, %iota3A_127 : vector<16xi32>
    %mul3A_131 = arith.constant 4 : i32
    %mul3A_132 = vector.broadcast %mul3A_131 : i32 to vector<16xi32>
    %mul3A_133 = arith.muli %mul3A_132, %add3A_130 : vector<16xi32>
    %gather3A_134 = tpu.vector_load_idx %arg7[%mul3A_133] : memref<4096xi32, #tpu.memory_space<vmem>>[vector<16xi32>], vector<16xi32>,
    %mul3A_135 = arith.constant 4 : i32
    %mul3A_136 = vector.broadcast %mul3A_135 : i32 to vector<16xi32>
    %mul3A_137 = arith.muli %mul3A_136, %add3A_130 : vector<16xi32>
    %add3A_138 = arith.constant 1 : i32
    %add3A_139 = vector.broadcast %add3A_138 : i32 to vector<16xi32>
    %add3A_140 = arith.addi %mul3A_137, %add3A_139 : vector<16xi32>
    %gather3A_141 = tpu.vector_load_idx %arg7[%add3A_140] : memref<4096xi32, #tpu.memory_space<vmem>>[vector<16xi32>], vector<16xi32>,
    %mul3A_142 = arith.constant 4 : i32
    %mul3A_143 = vector.broadcast %mul3A_142 : i32 to vector<16xi32>
    %mul3A_144 = arith.muli %mul3A_143, %add3A_130 : vector<16xi32>
    %add3A_145 = arith.constant 2 : i32
    %add3A_146 = vector.broadcast %add3A_145 : i32 to vector<16xi32>
    %add3A_147 = arith.addi %mul3A_144, %add3A_146 : vector<16xi32>
    %gather3A_148 = tpu.vector_load_idx %arg7[%add3A_147] : memref<4096xi32, #tpu.memory_space<vmem>>[vector<16xi32>], vector<16xi32>,
    %mul3A_149 = arith.constant 4 : i32
    %mul3A_150 = vector.broadcast %mul3A_149 : i32 to vector<16xi32>
    %mul3A_151 = arith.muli %mul3A_150, %add3A_130 : vector<16xi32>
    %add3A_152 = arith.constant 3 : i32
    %add3A_153 = vector.broadcast %add3A_152 : i32 to vector<16xi32>
    %add3A_154 = arith.addi %mul3A_151, %add3A_153 : vector<16xi32>
    %gather3A_155 = tpu.vector_load_idx %arg7[%add3A_154] : memref<4096xi32, #tpu.memory_space<vmem>>[vector<16xi32>], vector<16xi32>,
    %gather3A_156 = tpu.vector_load_idx %arg8[%gather3A_134] : memref<16xi32, #tpu.memory_space<vmem>>[vector<16xi32>], vector<16xi32>,
    %add3A_157 = arith.addi %gather3A_156, %gather3A_148 : vector<16xi32>
    %gather3A_158 = tpu.vector_load_idx %arg8[%gather3A_141] : memref<16xi32, #tpu.memory_space<vmem>>[vector<16xi32>], vector<16xi32>,
    %add3A_159 = arith.addi %gather3A_158, %gather3A_155 : vector<16xi32>
    %add3A_160 = vector.broadcast %mul3A_6 : i32 to vector<16xi32>
    %add3A_161 = arith.addi %add3A_160, %add3A_130 : vector<16xi32>
    %mul3A_162 = arith.constant 2 : i32
    %mul3A_163 = vector.broadcast %mul3A_162 : i32 to vector<16xi32>
    %mul3A_164 = arith.muli %mul3A_163, %add3A_130 : vector<16xi32>
    %add3A_165 = arith.constant 1 : i32
    %add3A_166 = vector.broadcast %add3A_165 : i32 to vector<16xi32>
    %add3A_167 = arith.addi %mul3A_164, %add3A_166 : vector<16xi32>
    tpu.vector_store_idx %arg10[%mul3A_164], %add3A_157 : memref<2048xi32, #tpu.memory_space<vmem>>[vector<16xi32>], vector<16xi32>,
    tpu.vector_store_idx %arg10[%add3A_167], %add3A_159 : memref<2048xi32, #tpu.memory_space<vmem>>[vector<16xi32>], vector<16xi32>,
    tpu.vector_store_idx %arg11[%mul3A_164], %add3A_161 : memref<2048xi32, #tpu.memory_space<vmem>>[vector<16xi32>], vector<16xi32>,
    tpu.vector_store_idx %arg11[%add3A_167], %add3A_161 : memref<2048xi32, #tpu.memory_space<vmem>>[vector<16xi32>], vector<16xi32>,
    %iota3A_168 = tpu.iota {dimensions = array<i32: 0>} : vector<16xi32>
    %add3A_169 = arith.constant 64 : i32
    %add3A_170 = vector.broadcast %add3A_169 : i32 to vector<16xi32>
    %add3A_171 = arith.addi %add3A_170, %iota3A_168 : vector<16xi32>
    %mul3A_172 = arith.constant 4 : i32
    %mul3A_173 = vector.broadcast %mul3A_172 : i32 to vector<16xi32>
    %mul3A_174 = arith.muli %mul3A_173, %add3A_171 : vector<16xi32>
    %gather3A_175 = tpu.vector_load_idx %arg7[%mul3A_174] : memref<4096xi32, #tpu.memory_space<vmem>>[vector<16xi32>], vector<16xi32>,
    %mul3A_176 = arith.constant 4 : i32
    %mul3A_177 = vector.broadcast %mul3A_176 : i32 to vector<16xi32>
    %mul3A_178 = arith.muli %mul3A_177, %add3A_171 : vector<16xi32>
    %add3A_179 = arith.constant 1 : i32
    %add3A_180 = vector.broadcast %add3A_179 : i32 to vector<16xi32>
    %add3A_181 = arith.addi %mul3A_178, %add3A_180 : vector<16xi32>
    %gather3A_182 = tpu.vector_load_idx %arg7[%add3A_181] : memref<4096xi32, #tpu.memory_space<vmem>>[vector<16xi32>], vector<16xi32>,
    %mul3A_183 = arith.constant 4 : i32
    %mul3A_184 = vector.broadcast %mul3A_183 : i32 to vector<16xi32>
    %mul3A_185 = arith.muli %mul3A_184, %add3A_171 : vector<16xi32>
    %add3A_186 = arith.constant 2 : i32
    %add3A_187 = vector.broadcast %add3A_186 : i32 to vector<16xi32>
    %add3A_188 = arith.addi %mul3A_185, %add3A_187 : vector<16xi32>
    %gather3A_189 = tpu.vector_load_idx %arg7[%add3A_188] : memref<4096xi32, #tpu.memory_space<vmem>>[vector<16xi32>], vector<16xi32>,
    %mul3A_190 = arith.constant 4 : i32
    %mul3A_191 = vector.broadcast %mul3A_190 : i32 to vector<16xi32>
    %mul3A_192 = arith.muli %mul3A_191, %add3A_171 : vector<16xi32>
    %add3A_193 = arith.constant 3 : i32
    %add3A_194 = vector.broadcast %add3A_193 : i32 to vector<16xi32>
    %add3A_195 = arith.addi %mul3A_192, %add3A_194 : vector<16xi32>
    %gather3A_196 = tpu.vector_load_idx %arg7[%add3A_195] : memref<4096xi32, #tpu.memory_space<vmem>>[vector<16xi32>], vector<16xi32>,
    %gather3A_197 = tpu.vector_load_idx %arg8[%gather3A_175] : memref<16xi32, #tpu.memory_space<vmem>>[vector<16xi32>], vector<16xi32>,
    %add3A_198 = arith.addi %gather3A_197, %gather3A_189 : vector<16xi32>
    %gather3A_199 = tpu.vector_load_idx %arg8[%gather3A_182] : memref<16xi32, #tpu.memory_space<vmem>>[vector<16xi32>], vector<16xi32>,
    %add3A_200 = arith.addi %gather3A_199, %gather3A_196 : vector<16xi32>
    %add3A_201 = vector.broadcast %mul3A_6 : i32 to vector<16xi32>
    %add3A_202 = arith.addi %add3A_201, %add3A_171 : vector<16xi32>
    %mul3A_203 = arith.constant 2 : i32
    %mul3A_204 = vector.broadcast %mul3A_203 : i32 to vector<16xi32>
    %mul3A_205 = arith.muli %mul3A_204, %add3A_171 : vector<16xi32>
    %add3A_206 = arith.constant 1 : i32
    %add3A_207 = vector.broadcast %add3A_206 : i32 to vector<16xi32>
    %add3A_208 = arith.addi %mul3A_205, %add3A_207 : vector<16xi32>
    tpu.vector_store_idx %arg10[%mul3A_205], %add3A_198 : memref<2048xi32, #tpu.memory_space<vmem>>[vector<16xi32>], vector<16xi32>,
    tpu.vector_store_idx %arg10[%add3A_208], %add3A_200 : memref<2048xi32, #tpu.memory_space<vmem>>[vector<16xi32>], vector<16xi32>,
    tpu.vector_store_idx %arg11[%mul3A_205], %add3A_202 : memref<2048xi32, #tpu.memory_space<vmem>>[vector<16xi32>], vector<16xi32>,
    tpu.vector_store_idx %arg11[%add3A_208], %add3A_202 : memref<2048xi32, #tpu.memory_space<vmem>>[vector<16xi32>], vector<16xi32>,
    %iota3A_209 = tpu.iota {dimensions = array<i32: 0>} : vector<16xi32>
    %add3A_210 = arith.constant 80 : i32
    %add3A_211 = vector.broadcast %add3A_210 : i32 to vector<16xi32>
    %add3A_212 = arith.addi %add3A_211, %iota3A_209 : vector<16xi32>
    %mul3A_213 = arith.constant 4 : i32
    %mul3A_214 = vector.broadcast %mul3A_213 : i32 to vector<16xi32>
    %mul3A_215 = arith.muli %mul3A_214, %add3A_212 : vector<16xi32>
    %gather3A_216 = tpu.vector_load_idx %arg7[%mul3A_215] : memref<4096xi32, #tpu.memory_space<vmem>>[vector<16xi32>], vector<16xi32>,
    %mul3A_217 = arith.constant 4 : i32
    %mul3A_218 = vector.broadcast %mul3A_217 : i32 to vector<16xi32>
    %mul3A_219 = arith.muli %mul3A_218, %add3A_212 : vector<16xi32>
    %add3A_220 = arith.constant 1 : i32
    %add3A_221 = vector.broadcast %add3A_220 : i32 to vector<16xi32>
    %add3A_222 = arith.addi %mul3A_219, %add3A_221 : vector<16xi32>
    %gather3A_223 = tpu.vector_load_idx %arg7[%add3A_222] : memref<4096xi32, #tpu.memory_space<vmem>>[vector<16xi32>], vector<16xi32>,
    %mul3A_224 = arith.constant 4 : i32
    %mul3A_225 = vector.broadcast %mul3A_224 : i32 to vector<16xi32>
    %mul3A_226 = arith.muli %mul3A_225, %add3A_212 : vector<16xi32>
    %add3A_227 = arith.constant 2 : i32
    %add3A_228 = vector.broadcast %add3A_227 : i32 to vector<16xi32>
    %add3A_229 = arith.addi %mul3A_226, %add3A_228 : vector<16xi32>
    %gather3A_230 = tpu.vector_load_idx %arg7[%add3A_229] : memref<4096xi32, #tpu.memory_space<vmem>>[vector<16xi32>], vector<16xi32>,
    %mul3A_231 = arith.constant 4 : i32
    %mul3A_232 = vector.broadcast %mul3A_231 : i32 to vector<16xi32>
    %mul3A_233 = arith.muli %mul3A_232, %add3A_212 : vector<16xi32>
    %add3A_234 = arith.constant 3 : i32
    %add3A_235 = vector.broadcast %add3A_234 : i32 to vector<16xi32>
    %add3A_236 = arith.addi %mul3A_233, %add3A_235 : vector<16xi32>
    %gather3A_237 = tpu.vector_load_idx %arg7[%add3A_236] : memref<4096xi32, #tpu.memory_space<vmem>>[vector<16xi32>], vector<16xi32>,
    %gather3A_238 = tpu.vector_load_idx %arg8[%gather3A_216] : memref<16xi32, #tpu.memory_space<vmem>>[vector<16xi32>], vector<16xi32>,
    %add3A_239 = arith.addi %gather3A_238, %gather3A_230 : vector<16xi32>
    %gather3A_240 = tpu.vector_load_idx %arg8[%gather3A_223] : memref<16xi32, #tpu.memory_space<vmem>>[vector<16xi32>], vector<16xi32>,
    %add3A_241 = arith.addi %gather3A_240, %gather3A_237 : vector<16xi32>
    %add3A_242 = vector.broadcast %mul3A_6 : i32 to vector<16xi32>
    %add3A_243 = arith.addi %add3A_242, %add3A_212 : vector<16xi32>
    %mul3A_244 = arith.constant 2 : i32
    %mul3A_245 = vector.broadcast %mul3A_244 : i32 to vector<16xi32>
    %mul3A_246 = arith.muli %mul3A_245, %add3A_212 : vector<16xi32>
    %add3A_247 = arith.constant 1 : i32
    %add3A_248 = vector.broadcast %add3A_247 : i32 to vector<16xi32>
    %add3A_249 = arith.addi %mul3A_246, %add3A_248 : vector<16xi32>
    tpu.vector_store_idx %arg10[%mul3A_246], %add3A_239 : memref<2048xi32, #tpu.memory_space<vmem>>[vector<16xi32>], vector<16xi32>,
    tpu.vector_store_idx %arg10[%add3A_249], %add3A_241 : memref<2048xi32, #tpu.memory_space<vmem>>[vector<16xi32>], vector<16xi32>,
    tpu.vector_store_idx %arg11[%mul3A_246], %add3A_243 : memref<2048xi32, #tpu.memory_space<vmem>>[vector<16xi32>], vector<16xi32>,
    tpu.vector_store_idx %arg11[%add3A_249], %add3A_243 : memref<2048xi32, #tpu.memory_space<vmem>>[vector<16xi32>], vector<16xi32>,
    %iota3A_250 = tpu.iota {dimensions = array<i32: 0>} : vector<16xi32>
    %add3A_251 = arith.constant 96 : i32
    %add3A_252 = vector.broadcast %add3A_251 : i32 to vector<16xi32>
    %add3A_253 = arith.addi %add3A_252, %iota3A_250 : vector<16xi32>
    %mul3A_254 = arith.constant 4 : i32
    %mul3A_255 = vector.broadcast %mul3A_254 : i32 to vector<16xi32>
    %mul3A_256 = arith.muli %mul3A_255, %add3A_253 : vector<16xi32>
    %gather3A_257 = tpu.vector_load_idx %arg7[%mul3A_256] : memref<4096xi32, #tpu.memory_space<vmem>>[vector<16xi32>], vector<16xi32>,
    %mul3A_258 = arith.constant 4 : i32
    %mul3A_259 = vector.broadcast %mul3A_258 : i32 to vector<16xi32>
    %mul3A_260 = arith.muli %mul3A_259, %add3A_253 : vector<16xi32>
    %add3A_261 = arith.constant 1 : i32
    %add3A_262 = vector.broadcast %add3A_261 : i32 to vector<16xi32>
    %add3A_263 = arith.addi %mul3A_260, %add3A_262 : vector<16xi32>
    %gather3A_264 = tpu.vector_load_idx %arg7[%add3A_263] : memref<4096xi32, #tpu.memory_space<vmem>>[vector<16xi32>], vector<16xi32>,
    %mul3A_265 = arith.constant 4 : i32
    %mul3A_266 = vector.broadcast %mul3A_265 : i32 to vector<16xi32>
    %mul3A_267 = arith.muli %mul3A_266, %add3A_253 : vector<16xi32>
    %add3A_268 = arith.constant 2 : i32
    %add3A_269 = vector.broadcast %add3A_268 : i32 to vector<16xi32>
    %add3A_270 = arith.addi %mul3A_267, %add3A_269 : vector<16xi32>
    %gather3A_271 = tpu.vector_load_idx %arg7[%add3A_270] : memref<4096xi32, #tpu.memory_space<vmem>>[vector<16xi32>], vector<16xi32>,
    %mul3A_272 = arith.constant 4 : i32
    %mul3A_273 = vector.broadcast %mul3A_272 : i32 to vector<16xi32>
    %mul3A_274 = arith.muli %mul3A_273, %add3A_253 : vector<16xi32>
    %add3A_275 = arith.constant 3 : i32
    %add3A_276 = vector.broadcast %add3A_275 : i32 to vector<16xi32>
    %add3A_277 = arith.addi %mul3A_274, %add3A_276 : vector<16xi32>
    %gather3A_278 = tpu.vector_load_idx %arg7[%add3A_277] : memref<4096xi32, #tpu.memory_space<vmem>>[vector<16xi32>], vector<16xi32>,
    %gather3A_279 = tpu.vector_load_idx %arg8[%gather3A_257] : memref<16xi32, #tpu.memory_space<vmem>>[vector<16xi32>], vector<16xi32>,
    %add3A_280 = arith.addi %gather3A_279, %gather3A_271 : vector<16xi32>
    %gather3A_281 = tpu.vector_load_idx %arg8[%gather3A_264] : memref<16xi32, #tpu.memory_space<vmem>>[vector<16xi32>], vector<16xi32>,
    %add3A_282 = arith.addi %gather3A_281, %gather3A_278 : vector<16xi32>
    %add3A_283 = vector.broadcast %mul3A_6 : i32 to vector<16xi32>
    %add3A_284 = arith.addi %add3A_283, %add3A_253 : vector<16xi32>
    %mul3A_285 = arith.constant 2 : i32
    %mul3A_286 = vector.broadcast %mul3A_285 : i32 to vector<16xi32>
    %mul3A_287 = arith.muli %mul3A_286, %add3A_253 : vector<16xi32>
    %add3A_288 = arith.constant 1 : i32
    %add3A_289 = vector.broadcast %add3A_288 : i32 to vector<16xi32>
    %add3A_290 = arith.addi %mul3A_287, %add3A_289 : vector<16xi32>
    tpu.vector_store_idx %arg10[%mul3A_287], %add3A_280 : memref<2048xi32, #tpu.memory_space<vmem>>[vector<16xi32>], vector<16xi32>,
    tpu.vector_store_idx %arg10[%add3A_290], %add3A_282 : memref<2048xi32, #tpu.memory_space<vmem>>[vector<16xi32>], vector<16xi32>,
    tpu.vector_store_idx %arg11[%mul3A_287], %add3A_284 : memref<2048xi32, #tpu.memory_space<vmem>>[vector<16xi32>], vector<16xi32>,
    tpu.vector_store_idx %arg11[%add3A_290], %add3A_284 : memref<2048xi32, #tpu.memory_space<vmem>>[vector<16xi32>], vector<16xi32>,
    %iota3A_291 = tpu.iota {dimensions = array<i32: 0>} : vector<16xi32>
    %add3A_292 = arith.constant 112 : i32
    %add3A_293 = vector.broadcast %add3A_292 : i32 to vector<16xi32>
    %add3A_294 = arith.addi %add3A_293, %iota3A_291 : vector<16xi32>
    %mul3A_295 = arith.constant 4 : i32
    %mul3A_296 = vector.broadcast %mul3A_295 : i32 to vector<16xi32>
    %mul3A_297 = arith.muli %mul3A_296, %add3A_294 : vector<16xi32>
    %gather3A_298 = tpu.vector_load_idx %arg7[%mul3A_297] : memref<4096xi32, #tpu.memory_space<vmem>>[vector<16xi32>], vector<16xi32>,
    %mul3A_299 = arith.constant 4 : i32
    %mul3A_300 = vector.broadcast %mul3A_299 : i32 to vector<16xi32>
    %mul3A_301 = arith.muli %mul3A_300, %add3A_294 : vector<16xi32>
    %add3A_302 = arith.constant 1 : i32
    %add3A_303 = vector.broadcast %add3A_302 : i32 to vector<16xi32>
    %add3A_304 = arith.addi %mul3A_301, %add3A_303 : vector<16xi32>
    %gather3A_305 = tpu.vector_load_idx %arg7[%add3A_304] : memref<4096xi32, #tpu.memory_space<vmem>>[vector<16xi32>], vector<16xi32>,
    %mul3A_306 = arith.constant 4 : i32
    %mul3A_307 = vector.broadcast %mul3A_306 : i32 to vector<16xi32>
    %mul3A_308 = arith.muli %mul3A_307, %add3A_294 : vector<16xi32>
    %add3A_309 = arith.constant 2 : i32
    %add3A_310 = vector.broadcast %add3A_309 : i32 to vector<16xi32>
    %add3A_311 = arith.addi %mul3A_308, %add3A_310 : vector<16xi32>
    %gather3A_312 = tpu.vector_load_idx %arg7[%add3A_311] : memref<4096xi32, #tpu.memory_space<vmem>>[vector<16xi32>], vector<16xi32>,
    %mul3A_313 = arith.constant 4 : i32
    %mul3A_314 = vector.broadcast %mul3A_313 : i32 to vector<16xi32>
    %mul3A_315 = arith.muli %mul3A_314, %add3A_294 : vector<16xi32>
    %add3A_316 = arith.constant 3 : i32
    %add3A_317 = vector.broadcast %add3A_316 : i32 to vector<16xi32>
    %add3A_318 = arith.addi %mul3A_315, %add3A_317 : vector<16xi32>
    %gather3A_319 = tpu.vector_load_idx %arg7[%add3A_318] : memref<4096xi32, #tpu.memory_space<vmem>>[vector<16xi32>], vector<16xi32>,
    %gather3A_320 = tpu.vector_load_idx %arg8[%gather3A_298] : memref<16xi32, #tpu.memory_space<vmem>>[vector<16xi32>], vector<16xi32>,
    %add3A_321 = arith.addi %gather3A_320, %gather3A_312 : vector<16xi32>
    %gather3A_322 = tpu.vector_load_idx %arg8[%gather3A_305] : memref<16xi32, #tpu.memory_space<vmem>>[vector<16xi32>], vector<16xi32>,
    %add3A_323 = arith.addi %gather3A_322, %gather3A_319 : vector<16xi32>
    %add3A_324 = vector.broadcast %mul3A_6 : i32 to vector<16xi32>
    %add3A_325 = arith.addi %add3A_324, %add3A_294 : vector<16xi32>
    %mul3A_326 = arith.constant 2 : i32
    %mul3A_327 = vector.broadcast %mul3A_326 : i32 to vector<16xi32>
    %mul3A_328 = arith.muli %mul3A_327, %add3A_294 : vector<16xi32>
    %add3A_329 = arith.constant 1 : i32
    %add3A_330 = vector.broadcast %add3A_329 : i32 to vector<16xi32>
    %add3A_331 = arith.addi %mul3A_328, %add3A_330 : vector<16xi32>
    tpu.vector_store_idx %arg10[%mul3A_328], %add3A_321 : memref<2048xi32, #tpu.memory_space<vmem>>[vector<16xi32>], vector<16xi32>,
    tpu.vector_store_idx %arg10[%add3A_331], %add3A_323 : memref<2048xi32, #tpu.memory_space<vmem>>[vector<16xi32>], vector<16xi32>,
    tpu.vector_store_idx %arg11[%mul3A_328], %add3A_325 : memref<2048xi32, #tpu.memory_space<vmem>>[vector<16xi32>], vector<16xi32>,
    tpu.vector_store_idx %arg11[%add3A_331], %add3A_325 : memref<2048xi32, #tpu.memory_space<vmem>>[vector<16xi32>], vector<16xi32>,
    %iota3A_332 = tpu.iota {dimensions = array<i32: 0>} : vector<16xi32>
    %add3A_333 = arith.constant 128 : i32
    %add3A_334 = vector.broadcast %add3A_333 : i32 to vector<16xi32>
    %add3A_335 = arith.addi %add3A_334, %iota3A_332 : vector<16xi32>
    %mul3A_336 = arith.constant 4 : i32
    %mul3A_337 = vector.broadcast %mul3A_336 : i32 to vector<16xi32>
    %mul3A_338 = arith.muli %mul3A_337, %add3A_335 : vector<16xi32>
    %gather3A_339 = tpu.vector_load_idx %arg7[%mul3A_338] : memref<4096xi32, #tpu.memory_space<vmem>>[vector<16xi32>], vector<16xi32>,
    %mul3A_340 = arith.constant 4 : i32
    %mul3A_341 = vector.broadcast %mul3A_340 : i32 to vector<16xi32>
    %mul3A_342 = arith.muli %mul3A_341, %add3A_335 : vector<16xi32>
    %add3A_343 = arith.constant 1 : i32
    %add3A_344 = vector.broadcast %add3A_343 : i32 to vector<16xi32>
    %add3A_345 = arith.addi %mul3A_342, %add3A_344 : vector<16xi32>
    %gather3A_346 = tpu.vector_load_idx %arg7[%add3A_345] : memref<4096xi32, #tpu.memory_space<vmem>>[vector<16xi32>], vector<16xi32>,
    %mul3A_347 = arith.constant 4 : i32
    %mul3A_348 = vector.broadcast %mul3A_347 : i32 to vector<16xi32>
    %mul3A_349 = arith.muli %mul3A_348, %add3A_335 : vector<16xi32>
    %add3A_350 = arith.constant 2 : i32
    %add3A_351 = vector.broadcast %add3A_350 : i32 to vector<16xi32>
    %add3A_352 = arith.addi %mul3A_349, %add3A_351 : vector<16xi32>
    %gather3A_353 = tpu.vector_load_idx %arg7[%add3A_352] : memref<4096xi32, #tpu.memory_space<vmem>>[vector<16xi32>], vector<16xi32>,
    %mul3A_354 = arith.constant 4 : i32
    %mul3A_355 = vector.broadcast %mul3A_354 : i32 to vector<16xi32>
    %mul3A_356 = arith.muli %mul3A_355, %add3A_335 : vector<16xi32>
    %add3A_357 = arith.constant 3 : i32
    %add3A_358 = vector.broadcast %add3A_357 : i32 to vector<16xi32>
    %add3A_359 = arith.addi %mul3A_356, %add3A_358 : vector<16xi32>
    %gather3A_360 = tpu.vector_load_idx %arg7[%add3A_359] : memref<4096xi32, #tpu.memory_space<vmem>>[vector<16xi32>], vector<16xi32>,
    %gather3A_361 = tpu.vector_load_idx %arg8[%gather3A_339] : memref<16xi32, #tpu.memory_space<vmem>>[vector<16xi32>], vector<16xi32>,
    %add3A_362 = arith.addi %gather3A_361, %gather3A_353 : vector<16xi32>
    %gather3A_363 = tpu.vector_load_idx %arg8[%gather3A_346] : memref<16xi32, #tpu.memory_space<vmem>>[vector<16xi32>], vector<16xi32>,
    %add3A_364 = arith.addi %gather3A_363, %gather3A_360 : vector<16xi32>
    %add3A_365 = vector.broadcast %mul3A_6 : i32 to vector<16xi32>
    %add3A_366 = arith.addi %add3A_365, %add3A_335 : vector<16xi32>
    %mul3A_367 = arith.constant 2 : i32
    %mul3A_368 = vector.broadcast %mul3A_367 : i32 to vector<16xi32>
    %mul3A_369 = arith.muli %mul3A_368, %add3A_335 : vector<16xi32>
    %add3A_370 = arith.constant 1 : i32
    %add3A_371 = vector.broadcast %add3A_370 : i32 to vector<16xi32>
    %add3A_372 = arith.addi %mul3A_369, %add3A_371 : vector<16xi32>
    tpu.vector_store_idx %arg10[%mul3A_369], %add3A_362 : memref<2048xi32, #tpu.memory_space<vmem>>[vector<16xi32>], vector<16xi32>,
    tpu.vector_store_idx %arg10[%add3A_372], %add3A_364 : memref<2048xi32, #tpu.memory_space<vmem>>[vector<16xi32>], vector<16xi32>,
    tpu.vector_store_idx %arg11[%mul3A_369], %add3A_366 : memref<2048xi32, #tpu.memory_space<vmem>>[vector<16xi32>], vector<16xi32>,
    tpu.vector_store_idx %arg11[%add3A_372], %add3A_366 : memref<2048xi32, #tpu.memory_space<vmem>>[vector<16xi32>], vector<16xi32>,
    %iota3A_373 = tpu.iota {dimensions = array<i32: 0>} : vector<16xi32>
    %add3A_374 = arith.constant 144 : i32
    %add3A_375 = vector.broadcast %add3A_374 : i32 to vector<16xi32>
    %add3A_376 = arith.addi %add3A_375, %iota3A_373 : vector<16xi32>
    %mul3A_377 = arith.constant 4 : i32
    %mul3A_378 = vector.broadcast %mul3A_377 : i32 to vector<16xi32>
    %mul3A_379 = arith.muli %mul3A_378, %add3A_376 : vector<16xi32>
    %gather3A_380 = tpu.vector_load_idx %arg7[%mul3A_379] : memref<4096xi32, #tpu.memory_space<vmem>>[vector<16xi32>], vector<16xi32>,
    %mul3A_381 = arith.constant 4 : i32
    %mul3A_382 = vector.broadcast %mul3A_381 : i32 to vector<16xi32>
    %mul3A_383 = arith.muli %mul3A_382, %add3A_376 : vector<16xi32>
    %add3A_384 = arith.constant 1 : i32
    %add3A_385 = vector.broadcast %add3A_384 : i32 to vector<16xi32>
    %add3A_386 = arith.addi %mul3A_383, %add3A_385 : vector<16xi32>
    %gather3A_387 = tpu.vector_load_idx %arg7[%add3A_386] : memref<4096xi32, #tpu.memory_space<vmem>>[vector<16xi32>], vector<16xi32>,
    %mul3A_388 = arith.constant 4 : i32
    %mul3A_389 = vector.broadcast %mul3A_388 : i32 to vector<16xi32>
    %mul3A_390 = arith.muli %mul3A_389, %add3A_376 : vector<16xi32>
    %add3A_391 = arith.constant 2 : i32
    %add3A_392 = vector.broadcast %add3A_391 : i32 to vector<16xi32>
    %add3A_393 = arith.addi %mul3A_390, %add3A_392 : vector<16xi32>
    %gather3A_394 = tpu.vector_load_idx %arg7[%add3A_393] : memref<4096xi32, #tpu.memory_space<vmem>>[vector<16xi32>], vector<16xi32>,
    %mul3A_395 = arith.constant 4 : i32
    %mul3A_396 = vector.broadcast %mul3A_395 : i32 to vector<16xi32>
    %mul3A_397 = arith.muli %mul3A_396, %add3A_376 : vector<16xi32>
    %add3A_398 = arith.constant 3 : i32
    %add3A_399 = vector.broadcast %add3A_398 : i32 to vector<16xi32>
    %add3A_400 = arith.addi %mul3A_397, %add3A_399 : vector<16xi32>
    %gather3A_401 = tpu.vector_load_idx %arg7[%add3A_400] : memref<4096xi32, #tpu.memory_space<vmem>>[vector<16xi32>], vector<16xi32>,
    %gather3A_402 = tpu.vector_load_idx %arg8[%gather3A_380] : memref<16xi32, #tpu.memory_space<vmem>>[vector<16xi32>], vector<16xi32>,
    %add3A_403 = arith.addi %gather3A_402, %gather3A_394 : vector<16xi32>
    %gather3A_404 = tpu.vector_load_idx %arg8[%gather3A_387] : memref<16xi32, #tpu.memory_space<vmem>>[vector<16xi32>], vector<16xi32>,
    %add3A_405 = arith.addi %gather3A_404, %gather3A_401 : vector<16xi32>
    %add3A_406 = vector.broadcast %mul3A_6 : i32 to vector<16xi32>
    %add3A_407 = arith.addi %add3A_406, %add3A_376 : vector<16xi32>
    %mul3A_408 = arith.constant 2 : i32
    %mul3A_409 = vector.broadcast %mul3A_408 : i32 to vector<16xi32>
    %mul3A_410 = arith.muli %mul3A_409, %add3A_376 : vector<16xi32>
    %add3A_411 = arith.constant 1 : i32
    %add3A_412 = vector.broadcast %add3A_411 : i32 to vector<16xi32>
    %add3A_413 = arith.addi %mul3A_410, %add3A_412 : vector<16xi32>
    tpu.vector_store_idx %arg10[%mul3A_410], %add3A_403 : memref<2048xi32, #tpu.memory_space<vmem>>[vector<16xi32>], vector<16xi32>,
    tpu.vector_store_idx %arg10[%add3A_413], %add3A_405 : memref<2048xi32, #tpu.memory_space<vmem>>[vector<16xi32>], vector<16xi32>,
    tpu.vector_store_idx %arg11[%mul3A_410], %add3A_407 : memref<2048xi32, #tpu.memory_space<vmem>>[vector<16xi32>], vector<16xi32>,
    tpu.vector_store_idx %arg11[%add3A_413], %add3A_407 : memref<2048xi32, #tpu.memory_space<vmem>>[vector<16xi32>], vector<16xi32>,
    %iota3A_414 = tpu.iota {dimensions = array<i32: 0>} : vector<16xi32>
    %add3A_415 = arith.constant 160 : i32
    %add3A_416 = vector.broadcast %add3A_415 : i32 to vector<16xi32>
    %add3A_417 = arith.addi %add3A_416, %iota3A_414 : vector<16xi32>
    %mul3A_418 = arith.constant 4 : i32
    %mul3A_419 = vector.broadcast %mul3A_418 : i32 to vector<16xi32>
    %mul3A_420 = arith.muli %mul3A_419, %add3A_417 : vector<16xi32>
    %gather3A_421 = tpu.vector_load_idx %arg7[%mul3A_420] : memref<4096xi32, #tpu.memory_space<vmem>>[vector<16xi32>], vector<16xi32>,
    %mul3A_422 = arith.constant 4 : i32
    %mul3A_423 = vector.broadcast %mul3A_422 : i32 to vector<16xi32>
    %mul3A_424 = arith.muli %mul3A_423, %add3A_417 : vector<16xi32>
    %add3A_425 = arith.constant 1 : i32
    %add3A_426 = vector.broadcast %add3A_425 : i32 to vector<16xi32>
    %add3A_427 = arith.addi %mul3A_424, %add3A_426 : vector<16xi32>
    %gather3A_428 = tpu.vector_load_idx %arg7[%add3A_427] : memref<4096xi32, #tpu.memory_space<vmem>>[vector<16xi32>], vector<16xi32>,
    %mul3A_429 = arith.constant 4 : i32
    %mul3A_430 = vector.broadcast %mul3A_429 : i32 to vector<16xi32>
    %mul3A_431 = arith.muli %mul3A_430, %add3A_417 : vector<16xi32>
    %add3A_432 = arith.constant 2 : i32
    %add3A_433 = vector.broadcast %add3A_432 : i32 to vector<16xi32>
    %add3A_434 = arith.addi %mul3A_431, %add3A_433 : vector<16xi32>
    %gather3A_435 = tpu.vector_load_idx %arg7[%add3A_434] : memref<4096xi32, #tpu.memory_space<vmem>>[vector<16xi32>], vector<16xi32>,
    %mul3A_436 = arith.constant 4 : i32
    %mul3A_437 = vector.broadcast %mul3A_436 : i32 to vector<16xi32>
    %mul3A_438 = arith.muli %mul3A_437, %add3A_417 : vector<16xi32>
    %add3A_439 = arith.constant 3 : i32
    %add3A_440 = vector.broadcast %add3A_439 : i32 to vector<16xi32>
    %add3A_441 = arith.addi %mul3A_438, %add3A_440 : vector<16xi32>
    %gather3A_442 = tpu.vector_load_idx %arg7[%add3A_441] : memref<4096xi32, #tpu.memory_space<vmem>>[vector<16xi32>], vector<16xi32>,
    %gather3A_443 = tpu.vector_load_idx %arg8[%gather3A_421] : memref<16xi32, #tpu.memory_space<vmem>>[vector<16xi32>], vector<16xi32>,
    %add3A_444 = arith.addi %gather3A_443, %gather3A_435 : vector<16xi32>
    %gather3A_445 = tpu.vector_load_idx %arg8[%gather3A_428] : memref<16xi32, #tpu.memory_space<vmem>>[vector<16xi32>], vector<16xi32>,
    %add3A_446 = arith.addi %gather3A_445, %gather3A_442 : vector<16xi32>
    %add3A_447 = vector.broadcast %mul3A_6 : i32 to vector<16xi32>
    %add3A_448 = arith.addi %add3A_447, %add3A_417 : vector<16xi32>
    %mul3A_449 = arith.constant 2 : i32
    %mul3A_450 = vector.broadcast %mul3A_449 : i32 to vector<16xi32>
    %mul3A_451 = arith.muli %mul3A_450, %add3A_417 : vector<16xi32>
    %add3A_452 = arith.constant 1 : i32
    %add3A_453 = vector.broadcast %add3A_452 : i32 to vector<16xi32>
    %add3A_454 = arith.addi %mul3A_451, %add3A_453 : vector<16xi32>
    tpu.vector_store_idx %arg10[%mul3A_451], %add3A_444 : memref<2048xi32, #tpu.memory_space<vmem>>[vector<16xi32>], vector<16xi32>,
    tpu.vector_store_idx %arg10[%add3A_454], %add3A_446 : memref<2048xi32, #tpu.memory_space<vmem>>[vector<16xi32>], vector<16xi32>,
    tpu.vector_store_idx %arg11[%mul3A_451], %add3A_448 : memref<2048xi32, #tpu.memory_space<vmem>>[vector<16xi32>], vector<16xi32>,
    tpu.vector_store_idx %arg11[%add3A_454], %add3A_448 : memref<2048xi32, #tpu.memory_space<vmem>>[vector<16xi32>], vector<16xi32>,
    %iota3A_455 = tpu.iota {dimensions = array<i32: 0>} : vector<16xi32>
    %add3A_456 = arith.constant 176 : i32
    %add3A_457 = vector.broadcast %add3A_456 : i32 to vector<16xi32>
    %add3A_458 = arith.addi %add3A_457, %iota3A_455 : vector<16xi32>
    %mul3A_459 = arith.constant 4 : i32
    %mul3A_460 = vector.broadcast %mul3A_459 : i32 to vector<16xi32>
    %mul3A_461 = arith.muli %mul3A_460, %add3A_458 : vector<16xi32>
    %gather3A_462 = tpu.vector_load_idx %arg7[%mul3A_461] : memref<4096xi32, #tpu.memory_space<vmem>>[vector<16xi32>], vector<16xi32>,
    %mul3A_463 = arith.constant 4 : i32
    %mul3A_464 = vector.broadcast %mul3A_463 : i32 to vector<16xi32>
    %mul3A_465 = arith.muli %mul3A_464, %add3A_458 : vector<16xi32>
    %add3A_466 = arith.constant 1 : i32
    %add3A_467 = vector.broadcast %add3A_466 : i32 to vector<16xi32>
    %add3A_468 = arith.addi %mul3A_465, %add3A_467 : vector<16xi32>
    %gather3A_469 = tpu.vector_load_idx %arg7[%add3A_468] : memref<4096xi32, #tpu.memory_space<vmem>>[vector<16xi32>], vector<16xi32>,
    %mul3A_470 = arith.constant 4 : i32
    %mul3A_471 = vector.broadcast %mul3A_470 : i32 to vector<16xi32>
    %mul3A_472 = arith.muli %mul3A_471, %add3A_458 : vector<16xi32>
    %add3A_473 = arith.constant 2 : i32
    %add3A_474 = vector.broadcast %add3A_473 : i32 to vector<16xi32>
    %add3A_475 = arith.addi %mul3A_472, %add3A_474 : vector<16xi32>
    %gather3A_476 = tpu.vector_load_idx %arg7[%add3A_475] : memref<4096xi32, #tpu.memory_space<vmem>>[vector<16xi32>], vector<16xi32>,
    %mul3A_477 = arith.constant 4 : i32
    %mul3A_478 = vector.broadcast %mul3A_477 : i32 to vector<16xi32>
    %mul3A_479 = arith.muli %mul3A_478, %add3A_458 : vector<16xi32>
    %add3A_480 = arith.constant 3 : i32
    %add3A_481 = vector.broadcast %add3A_480 : i32 to vector<16xi32>
    %add3A_482 = arith.addi %mul3A_479, %add3A_481 : vector<16xi32>
    %gather3A_483 = tpu.vector_load_idx %arg7[%add3A_482] : memref<4096xi32, #tpu.memory_space<vmem>>[vector<16xi32>], vector<16xi32>,
    %gather3A_484 = tpu.vector_load_idx %arg8[%gather3A_462] : memref<16xi32, #tpu.memory_space<vmem>>[vector<16xi32>], vector<16xi32>,
    %add3A_485 = arith.addi %gather3A_484, %gather3A_476 : vector<16xi32>
    %gather3A_486 = tpu.vector_load_idx %arg8[%gather3A_469] : memref<16xi32, #tpu.memory_space<vmem>>[vector<16xi32>], vector<16xi32>,
    %add3A_487 = arith.addi %gather3A_486, %gather3A_483 : vector<16xi32>
    %add3A_488 = vector.broadcast %mul3A_6 : i32 to vector<16xi32>
    %add3A_489 = arith.addi %add3A_488, %add3A_458 : vector<16xi32>
    %mul3A_490 = arith.constant 2 : i32
    %mul3A_491 = vector.broadcast %mul3A_490 : i32 to vector<16xi32>
    %mul3A_492 = arith.muli %mul3A_491, %add3A_458 : vector<16xi32>
    %add3A_493 = arith.constant 1 : i32
    %add3A_494 = vector.broadcast %add3A_493 : i32 to vector<16xi32>
    %add3A_495 = arith.addi %mul3A_492, %add3A_494 : vector<16xi32>
    tpu.vector_store_idx %arg10[%mul3A_492], %add3A_485 : memref<2048xi32, #tpu.memory_space<vmem>>[vector<16xi32>], vector<16xi32>,
    tpu.vector_store_idx %arg10[%add3A_495], %add3A_487 : memref<2048xi32, #tpu.memory_space<vmem>>[vector<16xi32>], vector<16xi32>,
    tpu.vector_store_idx %arg11[%mul3A_492], %add3A_489 : memref<2048xi32, #tpu.memory_space<vmem>>[vector<16xi32>], vector<16xi32>,
    tpu.vector_store_idx %arg11[%add3A_495], %add3A_489 : memref<2048xi32, #tpu.memory_space<vmem>>[vector<16xi32>], vector<16xi32>,
    %iota3A_496 = tpu.iota {dimensions = array<i32: 0>} : vector<16xi32>
    %add3A_497 = arith.constant 192 : i32
    %add3A_498 = vector.broadcast %add3A_497 : i32 to vector<16xi32>
    %add3A_499 = arith.addi %add3A_498, %iota3A_496 : vector<16xi32>
    %mul3A_500 = arith.constant 4 : i32
    %mul3A_501 = vector.broadcast %mul3A_500 : i32 to vector<16xi32>
    %mul3A_502 = arith.muli %mul3A_501, %add3A_499 : vector<16xi32>
    %gather3A_503 = tpu.vector_load_idx %arg7[%mul3A_502] : memref<4096xi32, #tpu.memory_space<vmem>>[vector<16xi32>], vector<16xi32>,
    %mul3A_504 = arith.constant 4 : i32
    %mul3A_505 = vector.broadcast %mul3A_504 : i32 to vector<16xi32>
    %mul3A_506 = arith.muli %mul3A_505, %add3A_499 : vector<16xi32>
    %add3A_507 = arith.constant 1 : i32
    %add3A_508 = vector.broadcast %add3A_507 : i32 to vector<16xi32>
    %add3A_509 = arith.addi %mul3A_506, %add3A_508 : vector<16xi32>
    %gather3A_510 = tpu.vector_load_idx %arg7[%add3A_509] : memref<4096xi32, #tpu.memory_space<vmem>>[vector<16xi32>], vector<16xi32>,
    %mul3A_511 = arith.constant 4 : i32
    %mul3A_512 = vector.broadcast %mul3A_511 : i32 to vector<16xi32>
    %mul3A_513 = arith.muli %mul3A_512, %add3A_499 : vector<16xi32>
    %add3A_514 = arith.constant 2 : i32
    %add3A_515 = vector.broadcast %add3A_514 : i32 to vector<16xi32>
    %add3A_516 = arith.addi %mul3A_513, %add3A_515 : vector<16xi32>
    %gather3A_517 = tpu.vector_load_idx %arg7[%add3A_516] : memref<4096xi32, #tpu.memory_space<vmem>>[vector<16xi32>], vector<16xi32>,
    %mul3A_518 = arith.constant 4 : i32
    %mul3A_519 = vector.broadcast %mul3A_518 : i32 to vector<16xi32>
    %mul3A_520 = arith.muli %mul3A_519, %add3A_499 : vector<16xi32>
    %add3A_521 = arith.constant 3 : i32
    %add3A_522 = vector.broadcast %add3A_521 : i32 to vector<16xi32>
    %add3A_523 = arith.addi %mul3A_520, %add3A_522 : vector<16xi32>
    %gather3A_524 = tpu.vector_load_idx %arg7[%add3A_523] : memref<4096xi32, #tpu.memory_space<vmem>>[vector<16xi32>], vector<16xi32>,
    %gather3A_525 = tpu.vector_load_idx %arg8[%gather3A_503] : memref<16xi32, #tpu.memory_space<vmem>>[vector<16xi32>], vector<16xi32>,
    %add3A_526 = arith.addi %gather3A_525, %gather3A_517 : vector<16xi32>
    %gather3A_527 = tpu.vector_load_idx %arg8[%gather3A_510] : memref<16xi32, #tpu.memory_space<vmem>>[vector<16xi32>], vector<16xi32>,
    %add3A_528 = arith.addi %gather3A_527, %gather3A_524 : vector<16xi32>
    %add3A_529 = vector.broadcast %mul3A_6 : i32 to vector<16xi32>
    %add3A_530 = arith.addi %add3A_529, %add3A_499 : vector<16xi32>
    %mul3A_531 = arith.constant 2 : i32
    %mul3A_532 = vector.broadcast %mul3A_531 : i32 to vector<16xi32>
    %mul3A_533 = arith.muli %mul3A_532, %add3A_499 : vector<16xi32>
    %add3A_534 = arith.constant 1 : i32
    %add3A_535 = vector.broadcast %add3A_534 : i32 to vector<16xi32>
    %add3A_536 = arith.addi %mul3A_533, %add3A_535 : vector<16xi32>
    tpu.vector_store_idx %arg10[%mul3A_533], %add3A_526 : memref<2048xi32, #tpu.memory_space<vmem>>[vector<16xi32>], vector<16xi32>,
    tpu.vector_store_idx %arg10[%add3A_536], %add3A_528 : memref<2048xi32, #tpu.memory_space<vmem>>[vector<16xi32>], vector<16xi32>,
    tpu.vector_store_idx %arg11[%mul3A_533], %add3A_530 : memref<2048xi32, #tpu.memory_space<vmem>>[vector<16xi32>], vector<16xi32>,
    tpu.vector_store_idx %arg11[%add3A_536], %add3A_530 : memref<2048xi32, #tpu.memory_space<vmem>>[vector<16xi32>], vector<16xi32>,
    %iota3A_537 = tpu.iota {dimensions = array<i32: 0>} : vector<16xi32>
    %add3A_538 = arith.constant 208 : i32
    %add3A_539 = vector.broadcast %add3A_538 : i32 to vector<16xi32>
    %add3A_540 = arith.addi %add3A_539, %iota3A_537 : vector<16xi32>
    %mul3A_541 = arith.constant 4 : i32
    %mul3A_542 = vector.broadcast %mul3A_541 : i32 to vector<16xi32>
    %mul3A_543 = arith.muli %mul3A_542, %add3A_540 : vector<16xi32>
    %gather3A_544 = tpu.vector_load_idx %arg7[%mul3A_543] : memref<4096xi32, #tpu.memory_space<vmem>>[vector<16xi32>], vector<16xi32>,
    %mul3A_545 = arith.constant 4 : i32
    %mul3A_546 = vector.broadcast %mul3A_545 : i32 to vector<16xi32>
    %mul3A_547 = arith.muli %mul3A_546, %add3A_540 : vector<16xi32>
    %add3A_548 = arith.constant 1 : i32
    %add3A_549 = vector.broadcast %add3A_548 : i32 to vector<16xi32>
    %add3A_550 = arith.addi %mul3A_547, %add3A_549 : vector<16xi32>
    %gather3A_551 = tpu.vector_load_idx %arg7[%add3A_550] : memref<4096xi32, #tpu.memory_space<vmem>>[vector<16xi32>], vector<16xi32>,
    %mul3A_552 = arith.constant 4 : i32
    %mul3A_553 = vector.broadcast %mul3A_552 : i32 to vector<16xi32>
    %mul3A_554 = arith.muli %mul3A_553, %add3A_540 : vector<16xi32>
    %add3A_555 = arith.constant 2 : i32
    %add3A_556 = vector.broadcast %add3A_555 : i32 to vector<16xi32>
    %add3A_557 = arith.addi %mul3A_554, %add3A_556 : vector<16xi32>
    %gather3A_558 = tpu.vector_load_idx %arg7[%add3A_557] : memref<4096xi32, #tpu.memory_space<vmem>>[vector<16xi32>], vector<16xi32>,
    %mul3A_559 = arith.constant 4 : i32
    %mul3A_560 = vector.broadcast %mul3A_559 : i32 to vector<16xi32>
    %mul3A_561 = arith.muli %mul3A_560, %add3A_540 : vector<16xi32>
    %add3A_562 = arith.constant 3 : i32
    %add3A_563 = vector.broadcast %add3A_562 : i32 to vector<16xi32>
    %add3A_564 = arith.addi %mul3A_561, %add3A_563 : vector<16xi32>
    %gather3A_565 = tpu.vector_load_idx %arg7[%add3A_564] : memref<4096xi32, #tpu.memory_space<vmem>>[vector<16xi32>], vector<16xi32>,
    %gather3A_566 = tpu.vector_load_idx %arg8[%gather3A_544] : memref<16xi32, #tpu.memory_space<vmem>>[vector<16xi32>], vector<16xi32>,
    %add3A_567 = arith.addi %gather3A_566, %gather3A_558 : vector<16xi32>
    %gather3A_568 = tpu.vector_load_idx %arg8[%gather3A_551] : memref<16xi32, #tpu.memory_space<vmem>>[vector<16xi32>], vector<16xi32>,
    %add3A_569 = arith.addi %gather3A_568, %gather3A_565 : vector<16xi32>
    %add3A_570 = vector.broadcast %mul3A_6 : i32 to vector<16xi32>
    %add3A_571 = arith.addi %add3A_570, %add3A_540 : vector<16xi32>
    %mul3A_572 = arith.constant 2 : i32
    %mul3A_573 = vector.broadcast %mul3A_572 : i32 to vector<16xi32>
    %mul3A_574 = arith.muli %mul3A_573, %add3A_540 : vector<16xi32>
    %add3A_575 = arith.constant 1 : i32
    %add3A_576 = vector.broadcast %add3A_575 : i32 to vector<16xi32>
    %add3A_577 = arith.addi %mul3A_574, %add3A_576 : vector<16xi32>
    tpu.vector_store_idx %arg10[%mul3A_574], %add3A_567 : memref<2048xi32, #tpu.memory_space<vmem>>[vector<16xi32>], vector<16xi32>,
    tpu.vector_store_idx %arg10[%add3A_577], %add3A_569 : memref<2048xi32, #tpu.memory_space<vmem>>[vector<16xi32>], vector<16xi32>,
    tpu.vector_store_idx %arg11[%mul3A_574], %add3A_571 : memref<2048xi32, #tpu.memory_space<vmem>>[vector<16xi32>], vector<16xi32>,
    tpu.vector_store_idx %arg11[%add3A_577], %add3A_571 : memref<2048xi32, #tpu.memory_space<vmem>>[vector<16xi32>], vector<16xi32>,
    %iota3A_578 = tpu.iota {dimensions = array<i32: 0>} : vector<16xi32>
    %add3A_579 = arith.constant 224 : i32
    %add3A_580 = vector.broadcast %add3A_579 : i32 to vector<16xi32>
    %add3A_581 = arith.addi %add3A_580, %iota3A_578 : vector<16xi32>
    %mul3A_582 = arith.constant 4 : i32
    %mul3A_583 = vector.broadcast %mul3A_582 : i32 to vector<16xi32>
    %mul3A_584 = arith.muli %mul3A_583, %add3A_581 : vector<16xi32>
    %gather3A_585 = tpu.vector_load_idx %arg7[%mul3A_584] : memref<4096xi32, #tpu.memory_space<vmem>>[vector<16xi32>], vector<16xi32>,
    %mul3A_586 = arith.constant 4 : i32
    %mul3A_587 = vector.broadcast %mul3A_586 : i32 to vector<16xi32>
    %mul3A_588 = arith.muli %mul3A_587, %add3A_581 : vector<16xi32>
    %add3A_589 = arith.constant 1 : i32
    %add3A_590 = vector.broadcast %add3A_589 : i32 to vector<16xi32>
    %add3A_591 = arith.addi %mul3A_588, %add3A_590 : vector<16xi32>
    %gather3A_592 = tpu.vector_load_idx %arg7[%add3A_591] : memref<4096xi32, #tpu.memory_space<vmem>>[vector<16xi32>], vector<16xi32>,
    %mul3A_593 = arith.constant 4 : i32
    %mul3A_594 = vector.broadcast %mul3A_593 : i32 to vector<16xi32>
    %mul3A_595 = arith.muli %mul3A_594, %add3A_581 : vector<16xi32>
    %add3A_596 = arith.constant 2 : i32
    %add3A_597 = vector.broadcast %add3A_596 : i32 to vector<16xi32>
    %add3A_598 = arith.addi %mul3A_595, %add3A_597 : vector<16xi32>
    %gather3A_599 = tpu.vector_load_idx %arg7[%add3A_598] : memref<4096xi32, #tpu.memory_space<vmem>>[vector<16xi32>], vector<16xi32>,
    %mul3A_600 = arith.constant 4 : i32
    %mul3A_601 = vector.broadcast %mul3A_600 : i32 to vector<16xi32>
    %mul3A_602 = arith.muli %mul3A_601, %add3A_581 : vector<16xi32>
    %add3A_603 = arith.constant 3 : i32
    %add3A_604 = vector.broadcast %add3A_603 : i32 to vector<16xi32>
    %add3A_605 = arith.addi %mul3A_602, %add3A_604 : vector<16xi32>
    %gather3A_606 = tpu.vector_load_idx %arg7[%add3A_605] : memref<4096xi32, #tpu.memory_space<vmem>>[vector<16xi32>], vector<16xi32>,
    %gather3A_607 = tpu.vector_load_idx %arg8[%gather3A_585] : memref<16xi32, #tpu.memory_space<vmem>>[vector<16xi32>], vector<16xi32>,
    %add3A_608 = arith.addi %gather3A_607, %gather3A_599 : vector<16xi32>
    %gather3A_609 = tpu.vector_load_idx %arg8[%gather3A_592] : memref<16xi32, #tpu.memory_space<vmem>>[vector<16xi32>], vector<16xi32>,
    %add3A_610 = arith.addi %gather3A_609, %gather3A_606 : vector<16xi32>
    %add3A_611 = vector.broadcast %mul3A_6 : i32 to vector<16xi32>
    %add3A_612 = arith.addi %add3A_611, %add3A_581 : vector<16xi32>
    %mul3A_613 = arith.constant 2 : i32
    %mul3A_614 = vector.broadcast %mul3A_613 : i32 to vector<16xi32>
    %mul3A_615 = arith.muli %mul3A_614, %add3A_581 : vector<16xi32>
    %add3A_616 = arith.constant 1 : i32
    %add3A_617 = vector.broadcast %add3A_616 : i32 to vector<16xi32>
    %add3A_618 = arith.addi %mul3A_615, %add3A_617 : vector<16xi32>
    tpu.vector_store_idx %arg10[%mul3A_615], %add3A_608 : memref<2048xi32, #tpu.memory_space<vmem>>[vector<16xi32>], vector<16xi32>,
    tpu.vector_store_idx %arg10[%add3A_618], %add3A_610 : memref<2048xi32, #tpu.memory_space<vmem>>[vector<16xi32>], vector<16xi32>,
    tpu.vector_store_idx %arg11[%mul3A_615], %add3A_612 : memref<2048xi32, #tpu.memory_space<vmem>>[vector<16xi32>], vector<16xi32>,
    tpu.vector_store_idx %arg11[%add3A_618], %add3A_612 : memref<2048xi32, #tpu.memory_space<vmem>>[vector<16xi32>], vector<16xi32>,
    %iota3A_619 = tpu.iota {dimensions = array<i32: 0>} : vector<16xi32>
    %add3A_620 = arith.constant 240 : i32
    %add3A_621 = vector.broadcast %add3A_620 : i32 to vector<16xi32>
    %add3A_622 = arith.addi %add3A_621, %iota3A_619 : vector<16xi32>
    %mul3A_623 = arith.constant 4 : i32
    %mul3A_624 = vector.broadcast %mul3A_623 : i32 to vector<16xi32>
    %mul3A_625 = arith.muli %mul3A_624, %add3A_622 : vector<16xi32>
    %gather3A_626 = tpu.vector_load_idx %arg7[%mul3A_625] : memref<4096xi32, #tpu.memory_space<vmem>>[vector<16xi32>], vector<16xi32>,
    %mul3A_627 = arith.constant 4 : i32
    %mul3A_628 = vector.broadcast %mul3A_627 : i32 to vector<16xi32>
    %mul3A_629 = arith.muli %mul3A_628, %add3A_622 : vector<16xi32>
    %add3A_630 = arith.constant 1 : i32
    %add3A_631 = vector.broadcast %add3A_630 : i32 to vector<16xi32>
    %add3A_632 = arith.addi %mul3A_629, %add3A_631 : vector<16xi32>
    %gather3A_633 = tpu.vector_load_idx %arg7[%add3A_632] : memref<4096xi32, #tpu.memory_space<vmem>>[vector<16xi32>], vector<16xi32>,
    %mul3A_634 = arith.constant 4 : i32
    %mul3A_635 = vector.broadcast %mul3A_634 : i32 to vector<16xi32>
    %mul3A_636 = arith.muli %mul3A_635, %add3A_622 : vector<16xi32>
    %add3A_637 = arith.constant 2 : i32
    %add3A_638 = vector.broadcast %add3A_637 : i32 to vector<16xi32>
    %add3A_639 = arith.addi %mul3A_636, %add3A_638 : vector<16xi32>
    %gather3A_640 = tpu.vector_load_idx %arg7[%add3A_639] : memref<4096xi32, #tpu.memory_space<vmem>>[vector<16xi32>], vector<16xi32>,
    %mul3A_641 = arith.constant 4 : i32
    %mul3A_642 = vector.broadcast %mul3A_641 : i32 to vector<16xi32>
    %mul3A_643 = arith.muli %mul3A_642, %add3A_622 : vector<16xi32>
    %add3A_644 = arith.constant 3 : i32
    %add3A_645 = vector.broadcast %add3A_644 : i32 to vector<16xi32>
    %add3A_646 = arith.addi %mul3A_643, %add3A_645 : vector<16xi32>
    %gather3A_647 = tpu.vector_load_idx %arg7[%add3A_646] : memref<4096xi32, #tpu.memory_space<vmem>>[vector<16xi32>], vector<16xi32>,
    %gather3A_648 = tpu.vector_load_idx %arg8[%gather3A_626] : memref<16xi32, #tpu.memory_space<vmem>>[vector<16xi32>], vector<16xi32>,
    %add3A_649 = arith.addi %gather3A_648, %gather3A_640 : vector<16xi32>
    %gather3A_650 = tpu.vector_load_idx %arg8[%gather3A_633] : memref<16xi32, #tpu.memory_space<vmem>>[vector<16xi32>], vector<16xi32>,
    %add3A_651 = arith.addi %gather3A_650, %gather3A_647 : vector<16xi32>
    %add3A_652 = vector.broadcast %mul3A_6 : i32 to vector<16xi32>
    %add3A_653 = arith.addi %add3A_652, %add3A_622 : vector<16xi32>
    %mul3A_654 = arith.constant 2 : i32
    %mul3A_655 = vector.broadcast %mul3A_654 : i32 to vector<16xi32>
    %mul3A_656 = arith.muli %mul3A_655, %add3A_622 : vector<16xi32>
    %add3A_657 = arith.constant 1 : i32
    %add3A_658 = vector.broadcast %add3A_657 : i32 to vector<16xi32>
    %add3A_659 = arith.addi %mul3A_656, %add3A_658 : vector<16xi32>
    tpu.vector_store_idx %arg10[%mul3A_656], %add3A_649 : memref<2048xi32, #tpu.memory_space<vmem>>[vector<16xi32>], vector<16xi32>,
    tpu.vector_store_idx %arg10[%add3A_659], %add3A_651 : memref<2048xi32, #tpu.memory_space<vmem>>[vector<16xi32>], vector<16xi32>,
    tpu.vector_store_idx %arg11[%mul3A_656], %add3A_653 : memref<2048xi32, #tpu.memory_space<vmem>>[vector<16xi32>], vector<16xi32>,
    tpu.vector_store_idx %arg11[%add3A_659], %add3A_653 : memref<2048xi32, #tpu.memory_space<vmem>>[vector<16xi32>], vector<16xi32>,
    %iota3A_660 = tpu.iota {dimensions = array<i32: 0>} : vector<16xi32>
    %add3A_661 = arith.constant 256 : i32
    %add3A_662 = vector.broadcast %add3A_661 : i32 to vector<16xi32>
    %add3A_663 = arith.addi %add3A_662, %iota3A_660 : vector<16xi32>
    %mul3A_664 = arith.constant 4 : i32
    %mul3A_665 = vector.broadcast %mul3A_664 : i32 to vector<16xi32>
    %mul3A_666 = arith.muli %mul3A_665, %add3A_663 : vector<16xi32>
    %gather3A_667 = tpu.vector_load_idx %arg7[%mul3A_666] : memref<4096xi32, #tpu.memory_space<vmem>>[vector<16xi32>], vector<16xi32>,
    %mul3A_668 = arith.constant 4 : i32
    %mul3A_669 = vector.broadcast %mul3A_668 : i32 to vector<16xi32>
    %mul3A_670 = arith.muli %mul3A_669, %add3A_663 : vector<16xi32>
    %add3A_671 = arith.constant 1 : i32
    %add3A_672 = vector.broadcast %add3A_671 : i32 to vector<16xi32>
    %add3A_673 = arith.addi %mul3A_670, %add3A_672 : vector<16xi32>
    %gather3A_674 = tpu.vector_load_idx %arg7[%add3A_673] : memref<4096xi32, #tpu.memory_space<vmem>>[vector<16xi32>], vector<16xi32>,
    %mul3A_675 = arith.constant 4 : i32
    %mul3A_676 = vector.broadcast %mul3A_675 : i32 to vector<16xi32>
    %mul3A_677 = arith.muli %mul3A_676, %add3A_663 : vector<16xi32>
    %add3A_678 = arith.constant 2 : i32
    %add3A_679 = vector.broadcast %add3A_678 : i32 to vector<16xi32>
    %add3A_680 = arith.addi %mul3A_677, %add3A_679 : vector<16xi32>
    %gather3A_681 = tpu.vector_load_idx %arg7[%add3A_680] : memref<4096xi32, #tpu.memory_space<vmem>>[vector<16xi32>], vector<16xi32>,
    %mul3A_682 = arith.constant 4 : i32
    %mul3A_683 = vector.broadcast %mul3A_682 : i32 to vector<16xi32>
    %mul3A_684 = arith.muli %mul3A_683, %add3A_663 : vector<16xi32>
    %add3A_685 = arith.constant 3 : i32
    %add3A_686 = vector.broadcast %add3A_685 : i32 to vector<16xi32>
    %add3A_687 = arith.addi %mul3A_684, %add3A_686 : vector<16xi32>
    %gather3A_688 = tpu.vector_load_idx %arg7[%add3A_687] : memref<4096xi32, #tpu.memory_space<vmem>>[vector<16xi32>], vector<16xi32>,
    %gather3A_689 = tpu.vector_load_idx %arg8[%gather3A_667] : memref<16xi32, #tpu.memory_space<vmem>>[vector<16xi32>], vector<16xi32>,
    %add3A_690 = arith.addi %gather3A_689, %gather3A_681 : vector<16xi32>
    %gather3A_691 = tpu.vector_load_idx %arg8[%gather3A_674] : memref<16xi32, #tpu.memory_space<vmem>>[vector<16xi32>], vector<16xi32>,
    %add3A_692 = arith.addi %gather3A_691, %gather3A_688 : vector<16xi32>
    %add3A_693 = vector.broadcast %mul3A_6 : i32 to vector<16xi32>
    %add3A_694 = arith.addi %add3A_693, %add3A_663 : vector<16xi32>
    %mul3A_695 = arith.constant 2 : i32
    %mul3A_696 = vector.broadcast %mul3A_695 : i32 to vector<16xi32>
    %mul3A_697 = arith.muli %mul3A_696, %add3A_663 : vector<16xi32>
    %add3A_698 = arith.constant 1 : i32
    %add3A_699 = vector.broadcast %add3A_698 : i32 to vector<16xi32>
    %add3A_700 = arith.addi %mul3A_697, %add3A_699 : vector<16xi32>
    tpu.vector_store_idx %arg10[%mul3A_697], %add3A_690 : memref<2048xi32, #tpu.memory_space<vmem>>[vector<16xi32>], vector<16xi32>,
    tpu.vector_store_idx %arg10[%add3A_700], %add3A_692 : memref<2048xi32, #tpu.memory_space<vmem>>[vector<16xi32>], vector<16xi32>,
    tpu.vector_store_idx %arg11[%mul3A_697], %add3A_694 : memref<2048xi32, #tpu.memory_space<vmem>>[vector<16xi32>], vector<16xi32>,
    tpu.vector_store_idx %arg11[%add3A_700], %add3A_694 : memref<2048xi32, #tpu.memory_space<vmem>>[vector<16xi32>], vector<16xi32>,
    %iota3A_701 = tpu.iota {dimensions = array<i32: 0>} : vector<16xi32>
    %add3A_702 = arith.constant 272 : i32
    %add3A_703 = vector.broadcast %add3A_702 : i32 to vector<16xi32>
    %add3A_704 = arith.addi %add3A_703, %iota3A_701 : vector<16xi32>
    %mul3A_705 = arith.constant 4 : i32
    %mul3A_706 = vector.broadcast %mul3A_705 : i32 to vector<16xi32>
    %mul3A_707 = arith.muli %mul3A_706, %add3A_704 : vector<16xi32>
    %gather3A_708 = tpu.vector_load_idx %arg7[%mul3A_707] : memref<4096xi32, #tpu.memory_space<vmem>>[vector<16xi32>], vector<16xi32>,
    %mul3A_709 = arith.constant 4 : i32
    %mul3A_710 = vector.broadcast %mul3A_709 : i32 to vector<16xi32>
    %mul3A_711 = arith.muli %mul3A_710, %add3A_704 : vector<16xi32>
    %add3A_712 = arith.constant 1 : i32
    %add3A_713 = vector.broadcast %add3A_712 : i32 to vector<16xi32>
    %add3A_714 = arith.addi %mul3A_711, %add3A_713 : vector<16xi32>
    %gather3A_715 = tpu.vector_load_idx %arg7[%add3A_714] : memref<4096xi32, #tpu.memory_space<vmem>>[vector<16xi32>], vector<16xi32>,
    %mul3A_716 = arith.constant 4 : i32
    %mul3A_717 = vector.broadcast %mul3A_716 : i32 to vector<16xi32>
    %mul3A_718 = arith.muli %mul3A_717, %add3A_704 : vector<16xi32>
    %add3A_719 = arith.constant 2 : i32
    %add3A_720 = vector.broadcast %add3A_719 : i32 to vector<16xi32>
    %add3A_721 = arith.addi %mul3A_718, %add3A_720 : vector<16xi32>
    %gather3A_722 = tpu.vector_load_idx %arg7[%add3A_721] : memref<4096xi32, #tpu.memory_space<vmem>>[vector<16xi32>], vector<16xi32>,
    %mul3A_723 = arith.constant 4 : i32
    %mul3A_724 = vector.broadcast %mul3A_723 : i32 to vector<16xi32>
    %mul3A_725 = arith.muli %mul3A_724, %add3A_704 : vector<16xi32>
    %add3A_726 = arith.constant 3 : i32
    %add3A_727 = vector.broadcast %add3A_726 : i32 to vector<16xi32>
    %add3A_728 = arith.addi %mul3A_725, %add3A_727 : vector<16xi32>
    %gather3A_729 = tpu.vector_load_idx %arg7[%add3A_728] : memref<4096xi32, #tpu.memory_space<vmem>>[vector<16xi32>], vector<16xi32>,
    %gather3A_730 = tpu.vector_load_idx %arg8[%gather3A_708] : memref<16xi32, #tpu.memory_space<vmem>>[vector<16xi32>], vector<16xi32>,
    %add3A_731 = arith.addi %gather3A_730, %gather3A_722 : vector<16xi32>
    %gather3A_732 = tpu.vector_load_idx %arg8[%gather3A_715] : memref<16xi32, #tpu.memory_space<vmem>>[vector<16xi32>], vector<16xi32>,
    %add3A_733 = arith.addi %gather3A_732, %gather3A_729 : vector<16xi32>
    %add3A_734 = vector.broadcast %mul3A_6 : i32 to vector<16xi32>
    %add3A_735 = arith.addi %add3A_734, %add3A_704 : vector<16xi32>
    %mul3A_736 = arith.constant 2 : i32
    %mul3A_737 = vector.broadcast %mul3A_736 : i32 to vector<16xi32>
    %mul3A_738 = arith.muli %mul3A_737, %add3A_704 : vector<16xi32>
    %add3A_739 = arith.constant 1 : i32
    %add3A_740 = vector.broadcast %add3A_739 : i32 to vector<16xi32>
    %add3A_741 = arith.addi %mul3A_738, %add3A_740 : vector<16xi32>
    tpu.vector_store_idx %arg10[%mul3A_738], %add3A_731 : memref<2048xi32, #tpu.memory_space<vmem>>[vector<16xi32>], vector<16xi32>,
    tpu.vector_store_idx %arg10[%add3A_741], %add3A_733 : memref<2048xi32, #tpu.memory_space<vmem>>[vector<16xi32>], vector<16xi32>,
    tpu.vector_store_idx %arg11[%mul3A_738], %add3A_735 : memref<2048xi32, #tpu.memory_space<vmem>>[vector<16xi32>], vector<16xi32>,
    tpu.vector_store_idx %arg11[%add3A_741], %add3A_735 : memref<2048xi32, #tpu.memory_space<vmem>>[vector<16xi32>], vector<16xi32>,
    %iota3A_742 = tpu.iota {dimensions = array<i32: 0>} : vector<16xi32>
    %add3A_743 = arith.constant 288 : i32
    %add3A_744 = vector.broadcast %add3A_743 : i32 to vector<16xi32>
    %add3A_745 = arith.addi %add3A_744, %iota3A_742 : vector<16xi32>
    %mul3A_746 = arith.constant 4 : i32
    %mul3A_747 = vector.broadcast %mul3A_746 : i32 to vector<16xi32>
    %mul3A_748 = arith.muli %mul3A_747, %add3A_745 : vector<16xi32>
    %gather3A_749 = tpu.vector_load_idx %arg7[%mul3A_748] : memref<4096xi32, #tpu.memory_space<vmem>>[vector<16xi32>], vector<16xi32>,
    %mul3A_750 = arith.constant 4 : i32
    %mul3A_751 = vector.broadcast %mul3A_750 : i32 to vector<16xi32>
    %mul3A_752 = arith.muli %mul3A_751, %add3A_745 : vector<16xi32>
    %add3A_753 = arith.constant 1 : i32
    %add3A_754 = vector.broadcast %add3A_753 : i32 to vector<16xi32>
    %add3A_755 = arith.addi %mul3A_752, %add3A_754 : vector<16xi32>
    %gather3A_756 = tpu.vector_load_idx %arg7[%add3A_755] : memref<4096xi32, #tpu.memory_space<vmem>>[vector<16xi32>], vector<16xi32>,
    %mul3A_757 = arith.constant 4 : i32
    %mul3A_758 = vector.broadcast %mul3A_757 : i32 to vector<16xi32>
    %mul3A_759 = arith.muli %mul3A_758, %add3A_745 : vector<16xi32>
    %add3A_760 = arith.constant 2 : i32
    %add3A_761 = vector.broadcast %add3A_760 : i32 to vector<16xi32>
    %add3A_762 = arith.addi %mul3A_759, %add3A_761 : vector<16xi32>
    %gather3A_763 = tpu.vector_load_idx %arg7[%add3A_762] : memref<4096xi32, #tpu.memory_space<vmem>>[vector<16xi32>], vector<16xi32>,
    %mul3A_764 = arith.constant 4 : i32
    %mul3A_765 = vector.broadcast %mul3A_764 : i32 to vector<16xi32>
    %mul3A_766 = arith.muli %mul3A_765, %add3A_745 : vector<16xi32>
    %add3A_767 = arith.constant 3 : i32
    %add3A_768 = vector.broadcast %add3A_767 : i32 to vector<16xi32>
    %add3A_769 = arith.addi %mul3A_766, %add3A_768 : vector<16xi32>
    %gather3A_770 = tpu.vector_load_idx %arg7[%add3A_769] : memref<4096xi32, #tpu.memory_space<vmem>>[vector<16xi32>], vector<16xi32>,
    %gather3A_771 = tpu.vector_load_idx %arg8[%gather3A_749] : memref<16xi32, #tpu.memory_space<vmem>>[vector<16xi32>], vector<16xi32>,
    %add3A_772 = arith.addi %gather3A_771, %gather3A_763 : vector<16xi32>
    %gather3A_773 = tpu.vector_load_idx %arg8[%gather3A_756] : memref<16xi32, #tpu.memory_space<vmem>>[vector<16xi32>], vector<16xi32>,
    %add3A_774 = arith.addi %gather3A_773, %gather3A_770 : vector<16xi32>
    %add3A_775 = vector.broadcast %mul3A_6 : i32 to vector<16xi32>
    %add3A_776 = arith.addi %add3A_775, %add3A_745 : vector<16xi32>
    %mul3A_777 = arith.constant 2 : i32
    %mul3A_778 = vector.broadcast %mul3A_777 : i32 to vector<16xi32>
    %mul3A_779 = arith.muli %mul3A_778, %add3A_745 : vector<16xi32>
    %add3A_780 = arith.constant 1 : i32
    %add3A_781 = vector.broadcast %add3A_780 : i32 to vector<16xi32>
    %add3A_782 = arith.addi %mul3A_779, %add3A_781 : vector<16xi32>
    tpu.vector_store_idx %arg10[%mul3A_779], %add3A_772 : memref<2048xi32, #tpu.memory_space<vmem>>[vector<16xi32>], vector<16xi32>,
    tpu.vector_store_idx %arg10[%add3A_782], %add3A_774 : memref<2048xi32, #tpu.memory_space<vmem>>[vector<16xi32>], vector<16xi32>,
    tpu.vector_store_idx %arg11[%mul3A_779], %add3A_776 : memref<2048xi32, #tpu.memory_space<vmem>>[vector<16xi32>], vector<16xi32>,
    tpu.vector_store_idx %arg11[%add3A_782], %add3A_776 : memref<2048xi32, #tpu.memory_space<vmem>>[vector<16xi32>], vector<16xi32>,
    %iota3A_783 = tpu.iota {dimensions = array<i32: 0>} : vector<16xi32>
    %add3A_784 = arith.constant 304 : i32
    %add3A_785 = vector.broadcast %add3A_784 : i32 to vector<16xi32>
    %add3A_786 = arith.addi %add3A_785, %iota3A_783 : vector<16xi32>
    %mul3A_787 = arith.constant 4 : i32
    %mul3A_788 = vector.broadcast %mul3A_787 : i32 to vector<16xi32>
    %mul3A_789 = arith.muli %mul3A_788, %add3A_786 : vector<16xi32>
    %gather3A_790 = tpu.vector_load_idx %arg7[%mul3A_789] : memref<4096xi32, #tpu.memory_space<vmem>>[vector<16xi32>], vector<16xi32>,
    %mul3A_791 = arith.constant 4 : i32
    %mul3A_792 = vector.broadcast %mul3A_791 : i32 to vector<16xi32>
    %mul3A_793 = arith.muli %mul3A_792, %add3A_786 : vector<16xi32>
    %add3A_794 = arith.constant 1 : i32
    %add3A_795 = vector.broadcast %add3A_794 : i32 to vector<16xi32>
    %add3A_796 = arith.addi %mul3A_793, %add3A_795 : vector<16xi32>
    %gather3A_797 = tpu.vector_load_idx %arg7[%add3A_796] : memref<4096xi32, #tpu.memory_space<vmem>>[vector<16xi32>], vector<16xi32>,
    %mul3A_798 = arith.constant 4 : i32
    %mul3A_799 = vector.broadcast %mul3A_798 : i32 to vector<16xi32>
    %mul3A_800 = arith.muli %mul3A_799, %add3A_786 : vector<16xi32>
    %add3A_801 = arith.constant 2 : i32
    %add3A_802 = vector.broadcast %add3A_801 : i32 to vector<16xi32>
    %add3A_803 = arith.addi %mul3A_800, %add3A_802 : vector<16xi32>
    %gather3A_804 = tpu.vector_load_idx %arg7[%add3A_803] : memref<4096xi32, #tpu.memory_space<vmem>>[vector<16xi32>], vector<16xi32>,
    %mul3A_805 = arith.constant 4 : i32
    %mul3A_806 = vector.broadcast %mul3A_805 : i32 to vector<16xi32>
    %mul3A_807 = arith.muli %mul3A_806, %add3A_786 : vector<16xi32>
    %add3A_808 = arith.constant 3 : i32
    %add3A_809 = vector.broadcast %add3A_808 : i32 to vector<16xi32>
    %add3A_810 = arith.addi %mul3A_807, %add3A_809 : vector<16xi32>
    %gather3A_811 = tpu.vector_load_idx %arg7[%add3A_810] : memref<4096xi32, #tpu.memory_space<vmem>>[vector<16xi32>], vector<16xi32>,
    %gather3A_812 = tpu.vector_load_idx %arg8[%gather3A_790] : memref<16xi32, #tpu.memory_space<vmem>>[vector<16xi32>], vector<16xi32>,
    %add3A_813 = arith.addi %gather3A_812, %gather3A_804 : vector<16xi32>
    %gather3A_814 = tpu.vector_load_idx %arg8[%gather3A_797] : memref<16xi32, #tpu.memory_space<vmem>>[vector<16xi32>], vector<16xi32>,
    %add3A_815 = arith.addi %gather3A_814, %gather3A_811 : vector<16xi32>
    %add3A_816 = vector.broadcast %mul3A_6 : i32 to vector<16xi32>
    %add3A_817 = arith.addi %add3A_816, %add3A_786 : vector<16xi32>
    %mul3A_818 = arith.constant 2 : i32
    %mul3A_819 = vector.broadcast %mul3A_818 : i32 to vector<16xi32>
    %mul3A_820 = arith.muli %mul3A_819, %add3A_786 : vector<16xi32>
    %add3A_821 = arith.constant 1 : i32
    %add3A_822 = vector.broadcast %add3A_821 : i32 to vector<16xi32>
    %add3A_823 = arith.addi %mul3A_820, %add3A_822 : vector<16xi32>
    tpu.vector_store_idx %arg10[%mul3A_820], %add3A_813 : memref<2048xi32, #tpu.memory_space<vmem>>[vector<16xi32>], vector<16xi32>,
    tpu.vector_store_idx %arg10[%add3A_823], %add3A_815 : memref<2048xi32, #tpu.memory_space<vmem>>[vector<16xi32>], vector<16xi32>,
    tpu.vector_store_idx %arg11[%mul3A_820], %add3A_817 : memref<2048xi32, #tpu.memory_space<vmem>>[vector<16xi32>], vector<16xi32>,
    tpu.vector_store_idx %arg11[%add3A_823], %add3A_817 : memref<2048xi32, #tpu.memory_space<vmem>>[vector<16xi32>], vector<16xi32>,
    %iota3A_824 = tpu.iota {dimensions = array<i32: 0>} : vector<16xi32>
    %add3A_825 = arith.constant 320 : i32
    %add3A_826 = vector.broadcast %add3A_825 : i32 to vector<16xi32>
    %add3A_827 = arith.addi %add3A_826, %iota3A_824 : vector<16xi32>
    %mul3A_828 = arith.constant 4 : i32
    %mul3A_829 = vector.broadcast %mul3A_828 : i32 to vector<16xi32>
    %mul3A_830 = arith.muli %mul3A_829, %add3A_827 : vector<16xi32>
    %gather3A_831 = tpu.vector_load_idx %arg7[%mul3A_830] : memref<4096xi32, #tpu.memory_space<vmem>>[vector<16xi32>], vector<16xi32>,
    %mul3A_832 = arith.constant 4 : i32
    %mul3A_833 = vector.broadcast %mul3A_832 : i32 to vector<16xi32>
    %mul3A_834 = arith.muli %mul3A_833, %add3A_827 : vector<16xi32>
    %add3A_835 = arith.constant 1 : i32
    %add3A_836 = vector.broadcast %add3A_835 : i32 to vector<16xi32>
    %add3A_837 = arith.addi %mul3A_834, %add3A_836 : vector<16xi32>
    %gather3A_838 = tpu.vector_load_idx %arg7[%add3A_837] : memref<4096xi32, #tpu.memory_space<vmem>>[vector<16xi32>], vector<16xi32>,
    %mul3A_839 = arith.constant 4 : i32
    %mul3A_840 = vector.broadcast %mul3A_839 : i32 to vector<16xi32>
    %mul3A_841 = arith.muli %mul3A_840, %add3A_827 : vector<16xi32>
    %add3A_842 = arith.constant 2 : i32
    %add3A_843 = vector.broadcast %add3A_842 : i32 to vector<16xi32>
    %add3A_844 = arith.addi %mul3A_841, %add3A_843 : vector<16xi32>
    %gather3A_845 = tpu.vector_load_idx %arg7[%add3A_844] : memref<4096xi32, #tpu.memory_space<vmem>>[vector<16xi32>], vector<16xi32>,
    %mul3A_846 = arith.constant 4 : i32
    %mul3A_847 = vector.broadcast %mul3A_846 : i32 to vector<16xi32>
    %mul3A_848 = arith.muli %mul3A_847, %add3A_827 : vector<16xi32>
    %add3A_849 = arith.constant 3 : i32
    %add3A_850 = vector.broadcast %add3A_849 : i32 to vector<16xi32>
    %add3A_851 = arith.addi %mul3A_848, %add3A_850 : vector<16xi32>
    %gather3A_852 = tpu.vector_load_idx %arg7[%add3A_851] : memref<4096xi32, #tpu.memory_space<vmem>>[vector<16xi32>], vector<16xi32>,
    %gather3A_853 = tpu.vector_load_idx %arg8[%gather3A_831] : memref<16xi32, #tpu.memory_space<vmem>>[vector<16xi32>], vector<16xi32>,
    %add3A_854 = arith.addi %gather3A_853, %gather3A_845 : vector<16xi32>
    %gather3A_855 = tpu.vector_load_idx %arg8[%gather3A_838] : memref<16xi32, #tpu.memory_space<vmem>>[vector<16xi32>], vector<16xi32>,
    %add3A_856 = arith.addi %gather3A_855, %gather3A_852 : vector<16xi32>
    %add3A_857 = vector.broadcast %mul3A_6 : i32 to vector<16xi32>
    %add3A_858 = arith.addi %add3A_857, %add3A_827 : vector<16xi32>
    %mul3A_859 = arith.constant 2 : i32
    %mul3A_860 = vector.broadcast %mul3A_859 : i32 to vector<16xi32>
    %mul3A_861 = arith.muli %mul3A_860, %add3A_827 : vector<16xi32>
    %add3A_862 = arith.constant 1 : i32
    %add3A_863 = vector.broadcast %add3A_862 : i32 to vector<16xi32>
    %add3A_864 = arith.addi %mul3A_861, %add3A_863 : vector<16xi32>
    tpu.vector_store_idx %arg10[%mul3A_861], %add3A_854 : memref<2048xi32, #tpu.memory_space<vmem>>[vector<16xi32>], vector<16xi32>,
    tpu.vector_store_idx %arg10[%add3A_864], %add3A_856 : memref<2048xi32, #tpu.memory_space<vmem>>[vector<16xi32>], vector<16xi32>,
    tpu.vector_store_idx %arg11[%mul3A_861], %add3A_858 : memref<2048xi32, #tpu.memory_space<vmem>>[vector<16xi32>], vector<16xi32>,
    tpu.vector_store_idx %arg11[%add3A_864], %add3A_858 : memref<2048xi32, #tpu.memory_space<vmem>>[vector<16xi32>], vector<16xi32>,
    %iota3A_865 = tpu.iota {dimensions = array<i32: 0>} : vector<16xi32>
    %add3A_866 = arith.constant 336 : i32
    %add3A_867 = vector.broadcast %add3A_866 : i32 to vector<16xi32>
    %add3A_868 = arith.addi %add3A_867, %iota3A_865 : vector<16xi32>
    %mul3A_869 = arith.constant 4 : i32
    %mul3A_870 = vector.broadcast %mul3A_869 : i32 to vector<16xi32>
    %mul3A_871 = arith.muli %mul3A_870, %add3A_868 : vector<16xi32>
    %gather3A_872 = tpu.vector_load_idx %arg7[%mul3A_871] : memref<4096xi32, #tpu.memory_space<vmem>>[vector<16xi32>], vector<16xi32>,
    %mul3A_873 = arith.constant 4 : i32
    %mul3A_874 = vector.broadcast %mul3A_873 : i32 to vector<16xi32>
    %mul3A_875 = arith.muli %mul3A_874, %add3A_868 : vector<16xi32>
    %add3A_876 = arith.constant 1 : i32
    %add3A_877 = vector.broadcast %add3A_876 : i32 to vector<16xi32>
    %add3A_878 = arith.addi %mul3A_875, %add3A_877 : vector<16xi32>
    %gather3A_879 = tpu.vector_load_idx %arg7[%add3A_878] : memref<4096xi32, #tpu.memory_space<vmem>>[vector<16xi32>], vector<16xi32>,
    %mul3A_880 = arith.constant 4 : i32
    %mul3A_881 = vector.broadcast %mul3A_880 : i32 to vector<16xi32>
    %mul3A_882 = arith.muli %mul3A_881, %add3A_868 : vector<16xi32>
    %add3A_883 = arith.constant 2 : i32
    %add3A_884 = vector.broadcast %add3A_883 : i32 to vector<16xi32>
    %add3A_885 = arith.addi %mul3A_882, %add3A_884 : vector<16xi32>
    %gather3A_886 = tpu.vector_load_idx %arg7[%add3A_885] : memref<4096xi32, #tpu.memory_space<vmem>>[vector<16xi32>], vector<16xi32>,
    %mul3A_887 = arith.constant 4 : i32
    %mul3A_888 = vector.broadcast %mul3A_887 : i32 to vector<16xi32>
    %mul3A_889 = arith.muli %mul3A_888, %add3A_868 : vector<16xi32>
    %add3A_890 = arith.constant 3 : i32
    %add3A_891 = vector.broadcast %add3A_890 : i32 to vector<16xi32>
    %add3A_892 = arith.addi %mul3A_889, %add3A_891 : vector<16xi32>
    %gather3A_893 = tpu.vector_load_idx %arg7[%add3A_892] : memref<4096xi32, #tpu.memory_space<vmem>>[vector<16xi32>], vector<16xi32>,
    %gather3A_894 = tpu.vector_load_idx %arg8[%gather3A_872] : memref<16xi32, #tpu.memory_space<vmem>>[vector<16xi32>], vector<16xi32>,
    %add3A_895 = arith.addi %gather3A_894, %gather3A_886 : vector<16xi32>
    %gather3A_896 = tpu.vector_load_idx %arg8[%gather3A_879] : memref<16xi32, #tpu.memory_space<vmem>>[vector<16xi32>], vector<16xi32>,
    %add3A_897 = arith.addi %gather3A_896, %gather3A_893 : vector<16xi32>
    %add3A_898 = vector.broadcast %mul3A_6 : i32 to vector<16xi32>
    %add3A_899 = arith.addi %add3A_898, %add3A_868 : vector<16xi32>
    %mul3A_900 = arith.constant 2 : i32
    %mul3A_901 = vector.broadcast %mul3A_900 : i32 to vector<16xi32>
    %mul3A_902 = arith.muli %mul3A_901, %add3A_868 : vector<16xi32>
    %add3A_903 = arith.constant 1 : i32
    %add3A_904 = vector.broadcast %add3A_903 : i32 to vector<16xi32>
    %add3A_905 = arith.addi %mul3A_902, %add3A_904 : vector<16xi32>
    tpu.vector_store_idx %arg10[%mul3A_902], %add3A_895 : memref<2048xi32, #tpu.memory_space<vmem>>[vector<16xi32>], vector<16xi32>,
    tpu.vector_store_idx %arg10[%add3A_905], %add3A_897 : memref<2048xi32, #tpu.memory_space<vmem>>[vector<16xi32>], vector<16xi32>,
    tpu.vector_store_idx %arg11[%mul3A_902], %add3A_899 : memref<2048xi32, #tpu.memory_space<vmem>>[vector<16xi32>], vector<16xi32>,
    tpu.vector_store_idx %arg11[%add3A_905], %add3A_899 : memref<2048xi32, #tpu.memory_space<vmem>>[vector<16xi32>], vector<16xi32>,
    %iota3A_906 = tpu.iota {dimensions = array<i32: 0>} : vector<16xi32>
    %add3A_907 = arith.constant 352 : i32
    %add3A_908 = vector.broadcast %add3A_907 : i32 to vector<16xi32>
    %add3A_909 = arith.addi %add3A_908, %iota3A_906 : vector<16xi32>
    %mul3A_910 = arith.constant 4 : i32
    %mul3A_911 = vector.broadcast %mul3A_910 : i32 to vector<16xi32>
    %mul3A_912 = arith.muli %mul3A_911, %add3A_909 : vector<16xi32>
    %gather3A_913 = tpu.vector_load_idx %arg7[%mul3A_912] : memref<4096xi32, #tpu.memory_space<vmem>>[vector<16xi32>], vector<16xi32>,
    %mul3A_914 = arith.constant 4 : i32
    %mul3A_915 = vector.broadcast %mul3A_914 : i32 to vector<16xi32>
    %mul3A_916 = arith.muli %mul3A_915, %add3A_909 : vector<16xi32>
    %add3A_917 = arith.constant 1 : i32
    %add3A_918 = vector.broadcast %add3A_917 : i32 to vector<16xi32>
    %add3A_919 = arith.addi %mul3A_916, %add3A_918 : vector<16xi32>
    %gather3A_920 = tpu.vector_load_idx %arg7[%add3A_919] : memref<4096xi32, #tpu.memory_space<vmem>>[vector<16xi32>], vector<16xi32>,
    %mul3A_921 = arith.constant 4 : i32
    %mul3A_922 = vector.broadcast %mul3A_921 : i32 to vector<16xi32>
    %mul3A_923 = arith.muli %mul3A_922, %add3A_909 : vector<16xi32>
    %add3A_924 = arith.constant 2 : i32
    %add3A_925 = vector.broadcast %add3A_924 : i32 to vector<16xi32>
    %add3A_926 = arith.addi %mul3A_923, %add3A_925 : vector<16xi32>
    %gather3A_927 = tpu.vector_load_idx %arg7[%add3A_926] : memref<4096xi32, #tpu.memory_space<vmem>>[vector<16xi32>], vector<16xi32>,
    %mul3A_928 = arith.constant 4 : i32
    %mul3A_929 = vector.broadcast %mul3A_928 : i32 to vector<16xi32>
    %mul3A_930 = arith.muli %mul3A_929, %add3A_909 : vector<16xi32>
    %add3A_931 = arith.constant 3 : i32
    %add3A_932 = vector.broadcast %add3A_931 : i32 to vector<16xi32>
    %add3A_933 = arith.addi %mul3A_930, %add3A_932 : vector<16xi32>
    %gather3A_934 = tpu.vector_load_idx %arg7[%add3A_933] : memref<4096xi32, #tpu.memory_space<vmem>>[vector<16xi32>], vector<16xi32>,
    %gather3A_935 = tpu.vector_load_idx %arg8[%gather3A_913] : memref<16xi32, #tpu.memory_space<vmem>>[vector<16xi32>], vector<16xi32>,
    %add3A_936 = arith.addi %gather3A_935, %gather3A_927 : vector<16xi32>
    %gather3A_937 = tpu.vector_load_idx %arg8[%gather3A_920] : memref<16xi32, #tpu.memory_space<vmem>>[vector<16xi32>], vector<16xi32>,
    %add3A_938 = arith.addi %gather3A_937, %gather3A_934 : vector<16xi32>
    %add3A_939 = vector.broadcast %mul3A_6 : i32 to vector<16xi32>
    %add3A_940 = arith.addi %add3A_939, %add3A_909 : vector<16xi32>
    %mul3A_941 = arith.constant 2 : i32
    %mul3A_942 = vector.broadcast %mul3A_941 : i32 to vector<16xi32>
    %mul3A_943 = arith.muli %mul3A_942, %add3A_909 : vector<16xi32>
    %add3A_944 = arith.constant 1 : i32
    %add3A_945 = vector.broadcast %add3A_944 : i32 to vector<16xi32>
    %add3A_946 = arith.addi %mul3A_943, %add3A_945 : vector<16xi32>
    tpu.vector_store_idx %arg10[%mul3A_943], %add3A_936 : memref<2048xi32, #tpu.memory_space<vmem>>[vector<16xi32>], vector<16xi32>,
    tpu.vector_store_idx %arg10[%add3A_946], %add3A_938 : memref<2048xi32, #tpu.memory_space<vmem>>[vector<16xi32>], vector<16xi32>,
    tpu.vector_store_idx %arg11[%mul3A_943], %add3A_940 : memref<2048xi32, #tpu.memory_space<vmem>>[vector<16xi32>], vector<16xi32>,
    tpu.vector_store_idx %arg11[%add3A_946], %add3A_940 : memref<2048xi32, #tpu.memory_space<vmem>>[vector<16xi32>], vector<16xi32>,
    %iota3A_947 = tpu.iota {dimensions = array<i32: 0>} : vector<16xi32>
    %add3A_948 = arith.constant 368 : i32
    %add3A_949 = vector.broadcast %add3A_948 : i32 to vector<16xi32>
    %add3A_950 = arith.addi %add3A_949, %iota3A_947 : vector<16xi32>
    %mul3A_951 = arith.constant 4 : i32
    %mul3A_952 = vector.broadcast %mul3A_951 : i32 to vector<16xi32>
    %mul3A_953 = arith.muli %mul3A_952, %add3A_950 : vector<16xi32>
    %gather3A_954 = tpu.vector_load_idx %arg7[%mul3A_953] : memref<4096xi32, #tpu.memory_space<vmem>>[vector<16xi32>], vector<16xi32>,
    %mul3A_955 = arith.constant 4 : i32
    %mul3A_956 = vector.broadcast %mul3A_955 : i32 to vector<16xi32>
    %mul3A_957 = arith.muli %mul3A_956, %add3A_950 : vector<16xi32>
    %add3A_958 = arith.constant 1 : i32
    %add3A_959 = vector.broadcast %add3A_958 : i32 to vector<16xi32>
    %add3A_960 = arith.addi %mul3A_957, %add3A_959 : vector<16xi32>
    %gather3A_961 = tpu.vector_load_idx %arg7[%add3A_960] : memref<4096xi32, #tpu.memory_space<vmem>>[vector<16xi32>], vector<16xi32>,
    %mul3A_962 = arith.constant 4 : i32
    %mul3A_963 = vector.broadcast %mul3A_962 : i32 to vector<16xi32>
    %mul3A_964 = arith.muli %mul3A_963, %add3A_950 : vector<16xi32>
    %add3A_965 = arith.constant 2 : i32
    %add3A_966 = vector.broadcast %add3A_965 : i32 to vector<16xi32>
    %add3A_967 = arith.addi %mul3A_964, %add3A_966 : vector<16xi32>
    %gather3A_968 = tpu.vector_load_idx %arg7[%add3A_967] : memref<4096xi32, #tpu.memory_space<vmem>>[vector<16xi32>], vector<16xi32>,
    %mul3A_969 = arith.constant 4 : i32
    %mul3A_970 = vector.broadcast %mul3A_969 : i32 to vector<16xi32>
    %mul3A_971 = arith.muli %mul3A_970, %add3A_950 : vector<16xi32>
    %add3A_972 = arith.constant 3 : i32
    %add3A_973 = vector.broadcast %add3A_972 : i32 to vector<16xi32>
    %add3A_974 = arith.addi %mul3A_971, %add3A_973 : vector<16xi32>
    %gather3A_975 = tpu.vector_load_idx %arg7[%add3A_974] : memref<4096xi32, #tpu.memory_space<vmem>>[vector<16xi32>], vector<16xi32>,
    %gather3A_976 = tpu.vector_load_idx %arg8[%gather3A_954] : memref<16xi32, #tpu.memory_space<vmem>>[vector<16xi32>], vector<16xi32>,
    %add3A_977 = arith.addi %gather3A_976, %gather3A_968 : vector<16xi32>
    %gather3A_978 = tpu.vector_load_idx %arg8[%gather3A_961] : memref<16xi32, #tpu.memory_space<vmem>>[vector<16xi32>], vector<16xi32>,
    %add3A_979 = arith.addi %gather3A_978, %gather3A_975 : vector<16xi32>
    %add3A_980 = vector.broadcast %mul3A_6 : i32 to vector<16xi32>
    %add3A_981 = arith.addi %add3A_980, %add3A_950 : vector<16xi32>
    %mul3A_982 = arith.constant 2 : i32
    %mul3A_983 = vector.broadcast %mul3A_982 : i32 to vector<16xi32>
    %mul3A_984 = arith.muli %mul3A_983, %add3A_950 : vector<16xi32>
    %add3A_985 = arith.constant 1 : i32
    %add3A_986 = vector.broadcast %add3A_985 : i32 to vector<16xi32>
    %add3A_987 = arith.addi %mul3A_984, %add3A_986 : vector<16xi32>
    tpu.vector_store_idx %arg10[%mul3A_984], %add3A_977 : memref<2048xi32, #tpu.memory_space<vmem>>[vector<16xi32>], vector<16xi32>,
    tpu.vector_store_idx %arg10[%add3A_987], %add3A_979 : memref<2048xi32, #tpu.memory_space<vmem>>[vector<16xi32>], vector<16xi32>,
    tpu.vector_store_idx %arg11[%mul3A_984], %add3A_981 : memref<2048xi32, #tpu.memory_space<vmem>>[vector<16xi32>], vector<16xi32>,
    tpu.vector_store_idx %arg11[%add3A_987], %add3A_981 : memref<2048xi32, #tpu.memory_space<vmem>>[vector<16xi32>], vector<16xi32>,
    %iota3A_988 = tpu.iota {dimensions = array<i32: 0>} : vector<16xi32>
    %add3A_989 = arith.constant 384 : i32
    %add3A_990 = vector.broadcast %add3A_989 : i32 to vector<16xi32>
    %add3A_991 = arith.addi %add3A_990, %iota3A_988 : vector<16xi32>
    %mul3A_992 = arith.constant 4 : i32
    %mul3A_993 = vector.broadcast %mul3A_992 : i32 to vector<16xi32>
    %mul3A_994 = arith.muli %mul3A_993, %add3A_991 : vector<16xi32>
    %gather3A_995 = tpu.vector_load_idx %arg7[%mul3A_994] : memref<4096xi32, #tpu.memory_space<vmem>>[vector<16xi32>], vector<16xi32>,
    %mul3A_996 = arith.constant 4 : i32
    %mul3A_997 = vector.broadcast %mul3A_996 : i32 to vector<16xi32>
    %mul3A_998 = arith.muli %mul3A_997, %add3A_991 : vector<16xi32>
    %add3A_999 = arith.constant 1 : i32
    %add3A_1000 = vector.broadcast %add3A_999 : i32 to vector<16xi32>
    %add3A_1001 = arith.addi %mul3A_998, %add3A_1000 : vector<16xi32>
    %gather3A_1002 = tpu.vector_load_idx %arg7[%add3A_1001] : memref<4096xi32, #tpu.memory_space<vmem>>[vector<16xi32>], vector<16xi32>,
    %mul3A_1003 = arith.constant 4 : i32
    %mul3A_1004 = vector.broadcast %mul3A_1003 : i32 to vector<16xi32>
    %mul3A_1005 = arith.muli %mul3A_1004, %add3A_991 : vector<16xi32>
    %add3A_1006 = arith.constant 2 : i32
    %add3A_1007 = vector.broadcast %add3A_1006 : i32 to vector<16xi32>
    %add3A_1008 = arith.addi %mul3A_1005, %add3A_1007 : vector<16xi32>
    %gather3A_1009 = tpu.vector_load_idx %arg7[%add3A_1008] : memref<4096xi32, #tpu.memory_space<vmem>>[vector<16xi32>], vector<16xi32>,
    %mul3A_1010 = arith.constant 4 : i32
    %mul3A_1011 = vector.broadcast %mul3A_1010 : i32 to vector<16xi32>
    %mul3A_1012 = arith.muli %mul3A_1011, %add3A_991 : vector<16xi32>
    %add3A_1013 = arith.constant 3 : i32
    %add3A_1014 = vector.broadcast %add3A_1013 : i32 to vector<16xi32>
    %add3A_1015 = arith.addi %mul3A_1012, %add3A_1014 : vector<16xi32>
    %gather3A_1016 = tpu.vector_load_idx %arg7[%add3A_1015] : memref<4096xi32, #tpu.memory_space<vmem>>[vector<16xi32>], vector<16xi32>,
    %gather3A_1017 = tpu.vector_load_idx %arg8[%gather3A_995] : memref<16xi32, #tpu.memory_space<vmem>>[vector<16xi32>], vector<16xi32>,
    %add3A_1018 = arith.addi %gather3A_1017, %gather3A_1009 : vector<16xi32>
    %gather3A_1019 = tpu.vector_load_idx %arg8[%gather3A_1002] : memref<16xi32, #tpu.memory_space<vmem>>[vector<16xi32>], vector<16xi32>,
    %add3A_1020 = arith.addi %gather3A_1019, %gather3A_1016 : vector<16xi32>
    %add3A_1021 = vector.broadcast %mul3A_6 : i32 to vector<16xi32>
    %add3A_1022 = arith.addi %add3A_1021, %add3A_991 : vector<16xi32>
    %mul3A_1023 = arith.constant 2 : i32
    %mul3A_1024 = vector.broadcast %mul3A_1023 : i32 to vector<16xi32>
    %mul3A_1025 = arith.muli %mul3A_1024, %add3A_991 : vector<16xi32>
    %add3A_1026 = arith.constant 1 : i32
    %add3A_1027 = vector.broadcast %add3A_1026 : i32 to vector<16xi32>
    %add3A_1028 = arith.addi %mul3A_1025, %add3A_1027 : vector<16xi32>
    tpu.vector_store_idx %arg10[%mul3A_1025], %add3A_1018 : memref<2048xi32, #tpu.memory_space<vmem>>[vector<16xi32>], vector<16xi32>,
    tpu.vector_store_idx %arg10[%add3A_1028], %add3A_1020 : memref<2048xi32, #tpu.memory_space<vmem>>[vector<16xi32>], vector<16xi32>,
    tpu.vector_store_idx %arg11[%mul3A_1025], %add3A_1022 : memref<2048xi32, #tpu.memory_space<vmem>>[vector<16xi32>], vector<16xi32>,
    tpu.vector_store_idx %arg11[%add3A_1028], %add3A_1022 : memref<2048xi32, #tpu.memory_space<vmem>>[vector<16xi32>], vector<16xi32>,
    %iota3A_1029 = tpu.iota {dimensions = array<i32: 0>} : vector<16xi32>
    %add3A_1030 = arith.constant 400 : i32
    %add3A_1031 = vector.broadcast %add3A_1030 : i32 to vector<16xi32>
    %add3A_1032 = arith.addi %add3A_1031, %iota3A_1029 : vector<16xi32>
    %mul3A_1033 = arith.constant 4 : i32
    %mul3A_1034 = vector.broadcast %mul3A_1033 : i32 to vector<16xi32>
    %mul3A_1035 = arith.muli %mul3A_1034, %add3A_1032 : vector<16xi32>
    %gather3A_1036 = tpu.vector_load_idx %arg7[%mul3A_1035] : memref<4096xi32, #tpu.memory_space<vmem>>[vector<16xi32>], vector<16xi32>,
    %mul3A_1037 = arith.constant 4 : i32
    %mul3A_1038 = vector.broadcast %mul3A_1037 : i32 to vector<16xi32>
    %mul3A_1039 = arith.muli %mul3A_1038, %add3A_1032 : vector<16xi32>
    %add3A_1040 = arith.constant 1 : i32
    %add3A_1041 = vector.broadcast %add3A_1040 : i32 to vector<16xi32>
    %add3A_1042 = arith.addi %mul3A_1039, %add3A_1041 : vector<16xi32>
    %gather3A_1043 = tpu.vector_load_idx %arg7[%add3A_1042] : memref<4096xi32, #tpu.memory_space<vmem>>[vector<16xi32>], vector<16xi32>,
    %mul3A_1044 = arith.constant 4 : i32
    %mul3A_1045 = vector.broadcast %mul3A_1044 : i32 to vector<16xi32>
    %mul3A_1046 = arith.muli %mul3A_1045, %add3A_1032 : vector<16xi32>
    %add3A_1047 = arith.constant 2 : i32
    %add3A_1048 = vector.broadcast %add3A_1047 : i32 to vector<16xi32>
    %add3A_1049 = arith.addi %mul3A_1046, %add3A_1048 : vector<16xi32>
    %gather3A_1050 = tpu.vector_load_idx %arg7[%add3A_1049] : memref<4096xi32, #tpu.memory_space<vmem>>[vector<16xi32>], vector<16xi32>,
    %mul3A_1051 = arith.constant 4 : i32
    %mul3A_1052 = vector.broadcast %mul3A_1051 : i32 to vector<16xi32>
    %mul3A_1053 = arith.muli %mul3A_1052, %add3A_1032 : vector<16xi32>
    %add3A_1054 = arith.constant 3 : i32
    %add3A_1055 = vector.broadcast %add3A_1054 : i32 to vector<16xi32>
    %add3A_1056 = arith.addi %mul3A_1053, %add3A_1055 : vector<16xi32>
    %gather3A_1057 = tpu.vector_load_idx %arg7[%add3A_1056] : memref<4096xi32, #tpu.memory_space<vmem>>[vector<16xi32>], vector<16xi32>,
    %gather3A_1058 = tpu.vector_load_idx %arg8[%gather3A_1036] : memref<16xi32, #tpu.memory_space<vmem>>[vector<16xi32>], vector<16xi32>,
    %add3A_1059 = arith.addi %gather3A_1058, %gather3A_1050 : vector<16xi32>
    %gather3A_1060 = tpu.vector_load_idx %arg8[%gather3A_1043] : memref<16xi32, #tpu.memory_space<vmem>>[vector<16xi32>], vector<16xi32>,
    %add3A_1061 = arith.addi %gather3A_1060, %gather3A_1057 : vector<16xi32>
    %add3A_1062 = vector.broadcast %mul3A_6 : i32 to vector<16xi32>
    %add3A_1063 = arith.addi %add3A_1062, %add3A_1032 : vector<16xi32>
    %mul3A_1064 = arith.constant 2 : i32
    %mul3A_1065 = vector.broadcast %mul3A_1064 : i32 to vector<16xi32>
    %mul3A_1066 = arith.muli %mul3A_1065, %add3A_1032 : vector<16xi32>
    %add3A_1067 = arith.constant 1 : i32
    %add3A_1068 = vector.broadcast %add3A_1067 : i32 to vector<16xi32>
    %add3A_1069 = arith.addi %mul3A_1066, %add3A_1068 : vector<16xi32>
    tpu.vector_store_idx %arg10[%mul3A_1066], %add3A_1059 : memref<2048xi32, #tpu.memory_space<vmem>>[vector<16xi32>], vector<16xi32>,
    tpu.vector_store_idx %arg10[%add3A_1069], %add3A_1061 : memref<2048xi32, #tpu.memory_space<vmem>>[vector<16xi32>], vector<16xi32>,
    tpu.vector_store_idx %arg11[%mul3A_1066], %add3A_1063 : memref<2048xi32, #tpu.memory_space<vmem>>[vector<16xi32>], vector<16xi32>,
    tpu.vector_store_idx %arg11[%add3A_1069], %add3A_1063 : memref<2048xi32, #tpu.memory_space<vmem>>[vector<16xi32>], vector<16xi32>,
    %iota3A_1070 = tpu.iota {dimensions = array<i32: 0>} : vector<16xi32>
    %add3A_1071 = arith.constant 416 : i32
    %add3A_1072 = vector.broadcast %add3A_1071 : i32 to vector<16xi32>
    %add3A_1073 = arith.addi %add3A_1072, %iota3A_1070 : vector<16xi32>
    %mul3A_1074 = arith.constant 4 : i32
    %mul3A_1075 = vector.broadcast %mul3A_1074 : i32 to vector<16xi32>
    %mul3A_1076 = arith.muli %mul3A_1075, %add3A_1073 : vector<16xi32>
    %gather3A_1077 = tpu.vector_load_idx %arg7[%mul3A_1076] : memref<4096xi32, #tpu.memory_space<vmem>>[vector<16xi32>], vector<16xi32>,
    %mul3A_1078 = arith.constant 4 : i32
    %mul3A_1079 = vector.broadcast %mul3A_1078 : i32 to vector<16xi32>
    %mul3A_1080 = arith.muli %mul3A_1079, %add3A_1073 : vector<16xi32>
    %add3A_1081 = arith.constant 1 : i32
    %add3A_1082 = vector.broadcast %add3A_1081 : i32 to vector<16xi32>
    %add3A_1083 = arith.addi %mul3A_1080, %add3A_1082 : vector<16xi32>
    %gather3A_1084 = tpu.vector_load_idx %arg7[%add3A_1083] : memref<4096xi32, #tpu.memory_space<vmem>>[vector<16xi32>], vector<16xi32>,
    %mul3A_1085 = arith.constant 4 : i32
    %mul3A_1086 = vector.broadcast %mul3A_1085 : i32 to vector<16xi32>
    %mul3A_1087 = arith.muli %mul3A_1086, %add3A_1073 : vector<16xi32>
    %add3A_1088 = arith.constant 2 : i32
    %add3A_1089 = vector.broadcast %add3A_1088 : i32 to vector<16xi32>
    %add3A_1090 = arith.addi %mul3A_1087, %add3A_1089 : vector<16xi32>
    %gather3A_1091 = tpu.vector_load_idx %arg7[%add3A_1090] : memref<4096xi32, #tpu.memory_space<vmem>>[vector<16xi32>], vector<16xi32>,
    %mul3A_1092 = arith.constant 4 : i32
    %mul3A_1093 = vector.broadcast %mul3A_1092 : i32 to vector<16xi32>
    %mul3A_1094 = arith.muli %mul3A_1093, %add3A_1073 : vector<16xi32>
    %add3A_1095 = arith.constant 3 : i32
    %add3A_1096 = vector.broadcast %add3A_1095 : i32 to vector<16xi32>
    %add3A_1097 = arith.addi %mul3A_1094, %add3A_1096 : vector<16xi32>
    %gather3A_1098 = tpu.vector_load_idx %arg7[%add3A_1097] : memref<4096xi32, #tpu.memory_space<vmem>>[vector<16xi32>], vector<16xi32>,
    %gather3A_1099 = tpu.vector_load_idx %arg8[%gather3A_1077] : memref<16xi32, #tpu.memory_space<vmem>>[vector<16xi32>], vector<16xi32>,
    %add3A_1100 = arith.addi %gather3A_1099, %gather3A_1091 : vector<16xi32>
    %gather3A_1101 = tpu.vector_load_idx %arg8[%gather3A_1084] : memref<16xi32, #tpu.memory_space<vmem>>[vector<16xi32>], vector<16xi32>,
    %add3A_1102 = arith.addi %gather3A_1101, %gather3A_1098 : vector<16xi32>
    %add3A_1103 = vector.broadcast %mul3A_6 : i32 to vector<16xi32>
    %add3A_1104 = arith.addi %add3A_1103, %add3A_1073 : vector<16xi32>
    %mul3A_1105 = arith.constant 2 : i32
    %mul3A_1106 = vector.broadcast %mul3A_1105 : i32 to vector<16xi32>
    %mul3A_1107 = arith.muli %mul3A_1106, %add3A_1073 : vector<16xi32>
    %add3A_1108 = arith.constant 1 : i32
    %add3A_1109 = vector.broadcast %add3A_1108 : i32 to vector<16xi32>
    %add3A_1110 = arith.addi %mul3A_1107, %add3A_1109 : vector<16xi32>
    tpu.vector_store_idx %arg10[%mul3A_1107], %add3A_1100 : memref<2048xi32, #tpu.memory_space<vmem>>[vector<16xi32>], vector<16xi32>,
    tpu.vector_store_idx %arg10[%add3A_1110], %add3A_1102 : memref<2048xi32, #tpu.memory_space<vmem>>[vector<16xi32>], vector<16xi32>,
    tpu.vector_store_idx %arg11[%mul3A_1107], %add3A_1104 : memref<2048xi32, #tpu.memory_space<vmem>>[vector<16xi32>], vector<16xi32>,
    tpu.vector_store_idx %arg11[%add3A_1110], %add3A_1104 : memref<2048xi32, #tpu.memory_space<vmem>>[vector<16xi32>], vector<16xi32>,
    %iota3A_1111 = tpu.iota {dimensions = array<i32: 0>} : vector<16xi32>
    %add3A_1112 = arith.constant 432 : i32
    %add3A_1113 = vector.broadcast %add3A_1112 : i32 to vector<16xi32>
    %add3A_1114 = arith.addi %add3A_1113, %iota3A_1111 : vector<16xi32>
    %mul3A_1115 = arith.constant 4 : i32
    %mul3A_1116 = vector.broadcast %mul3A_1115 : i32 to vector<16xi32>
    %mul3A_1117 = arith.muli %mul3A_1116, %add3A_1114 : vector<16xi32>
    %gather3A_1118 = tpu.vector_load_idx %arg7[%mul3A_1117] : memref<4096xi32, #tpu.memory_space<vmem>>[vector<16xi32>], vector<16xi32>,
    %mul3A_1119 = arith.constant 4 : i32
    %mul3A_1120 = vector.broadcast %mul3A_1119 : i32 to vector<16xi32>
    %mul3A_1121 = arith.muli %mul3A_1120, %add3A_1114 : vector<16xi32>
    %add3A_1122 = arith.constant 1 : i32
    %add3A_1123 = vector.broadcast %add3A_1122 : i32 to vector<16xi32>
    %add3A_1124 = arith.addi %mul3A_1121, %add3A_1123 : vector<16xi32>
    %gather3A_1125 = tpu.vector_load_idx %arg7[%add3A_1124] : memref<4096xi32, #tpu.memory_space<vmem>>[vector<16xi32>], vector<16xi32>,
    %mul3A_1126 = arith.constant 4 : i32
    %mul3A_1127 = vector.broadcast %mul3A_1126 : i32 to vector<16xi32>
    %mul3A_1128 = arith.muli %mul3A_1127, %add3A_1114 : vector<16xi32>
    %add3A_1129 = arith.constant 2 : i32
    %add3A_1130 = vector.broadcast %add3A_1129 : i32 to vector<16xi32>
    %add3A_1131 = arith.addi %mul3A_1128, %add3A_1130 : vector<16xi32>
    %gather3A_1132 = tpu.vector_load_idx %arg7[%add3A_1131] : memref<4096xi32, #tpu.memory_space<vmem>>[vector<16xi32>], vector<16xi32>,
    %mul3A_1133 = arith.constant 4 : i32
    %mul3A_1134 = vector.broadcast %mul3A_1133 : i32 to vector<16xi32>
    %mul3A_1135 = arith.muli %mul3A_1134, %add3A_1114 : vector<16xi32>
    %add3A_1136 = arith.constant 3 : i32
    %add3A_1137 = vector.broadcast %add3A_1136 : i32 to vector<16xi32>
    %add3A_1138 = arith.addi %mul3A_1135, %add3A_1137 : vector<16xi32>
    %gather3A_1139 = tpu.vector_load_idx %arg7[%add3A_1138] : memref<4096xi32, #tpu.memory_space<vmem>>[vector<16xi32>], vector<16xi32>,
    %gather3A_1140 = tpu.vector_load_idx %arg8[%gather3A_1118] : memref<16xi32, #tpu.memory_space<vmem>>[vector<16xi32>], vector<16xi32>,
    %add3A_1141 = arith.addi %gather3A_1140, %gather3A_1132 : vector<16xi32>
    %gather3A_1142 = tpu.vector_load_idx %arg8[%gather3A_1125] : memref<16xi32, #tpu.memory_space<vmem>>[vector<16xi32>], vector<16xi32>,
    %add3A_1143 = arith.addi %gather3A_1142, %gather3A_1139 : vector<16xi32>
    %add3A_1144 = vector.broadcast %mul3A_6 : i32 to vector<16xi32>
    %add3A_1145 = arith.addi %add3A_1144, %add3A_1114 : vector<16xi32>
    %mul3A_1146 = arith.constant 2 : i32
    %mul3A_1147 = vector.broadcast %mul3A_1146 : i32 to vector<16xi32>
    %mul3A_1148 = arith.muli %mul3A_1147, %add3A_1114 : vector<16xi32>
    %add3A_1149 = arith.constant 1 : i32
    %add3A_1150 = vector.broadcast %add3A_1149 : i32 to vector<16xi32>
    %add3A_1151 = arith.addi %mul3A_1148, %add3A_1150 : vector<16xi32>
    tpu.vector_store_idx %arg10[%mul3A_1148], %add3A_1141 : memref<2048xi32, #tpu.memory_space<vmem>>[vector<16xi32>], vector<16xi32>,
    tpu.vector_store_idx %arg10[%add3A_1151], %add3A_1143 : memref<2048xi32, #tpu.memory_space<vmem>>[vector<16xi32>], vector<16xi32>,
    tpu.vector_store_idx %arg11[%mul3A_1148], %add3A_1145 : memref<2048xi32, #tpu.memory_space<vmem>>[vector<16xi32>], vector<16xi32>,
    tpu.vector_store_idx %arg11[%add3A_1151], %add3A_1145 : memref<2048xi32, #tpu.memory_space<vmem>>[vector<16xi32>], vector<16xi32>,
    %iota3A_1152 = tpu.iota {dimensions = array<i32: 0>} : vector<16xi32>
    %add3A_1153 = arith.constant 448 : i32
    %add3A_1154 = vector.broadcast %add3A_1153 : i32 to vector<16xi32>
    %add3A_1155 = arith.addi %add3A_1154, %iota3A_1152 : vector<16xi32>
    %mul3A_1156 = arith.constant 4 : i32
    %mul3A_1157 = vector.broadcast %mul3A_1156 : i32 to vector<16xi32>
    %mul3A_1158 = arith.muli %mul3A_1157, %add3A_1155 : vector<16xi32>
    %gather3A_1159 = tpu.vector_load_idx %arg7[%mul3A_1158] : memref<4096xi32, #tpu.memory_space<vmem>>[vector<16xi32>], vector<16xi32>,
    %mul3A_1160 = arith.constant 4 : i32
    %mul3A_1161 = vector.broadcast %mul3A_1160 : i32 to vector<16xi32>
    %mul3A_1162 = arith.muli %mul3A_1161, %add3A_1155 : vector<16xi32>
    %add3A_1163 = arith.constant 1 : i32
    %add3A_1164 = vector.broadcast %add3A_1163 : i32 to vector<16xi32>
    %add3A_1165 = arith.addi %mul3A_1162, %add3A_1164 : vector<16xi32>
    %gather3A_1166 = tpu.vector_load_idx %arg7[%add3A_1165] : memref<4096xi32, #tpu.memory_space<vmem>>[vector<16xi32>], vector<16xi32>,
    %mul3A_1167 = arith.constant 4 : i32
    %mul3A_1168 = vector.broadcast %mul3A_1167 : i32 to vector<16xi32>
    %mul3A_1169 = arith.muli %mul3A_1168, %add3A_1155 : vector<16xi32>
    %add3A_1170 = arith.constant 2 : i32
    %add3A_1171 = vector.broadcast %add3A_1170 : i32 to vector<16xi32>
    %add3A_1172 = arith.addi %mul3A_1169, %add3A_1171 : vector<16xi32>
    %gather3A_1173 = tpu.vector_load_idx %arg7[%add3A_1172] : memref<4096xi32, #tpu.memory_space<vmem>>[vector<16xi32>], vector<16xi32>,
    %mul3A_1174 = arith.constant 4 : i32
    %mul3A_1175 = vector.broadcast %mul3A_1174 : i32 to vector<16xi32>
    %mul3A_1176 = arith.muli %mul3A_1175, %add3A_1155 : vector<16xi32>
    %add3A_1177 = arith.constant 3 : i32
    %add3A_1178 = vector.broadcast %add3A_1177 : i32 to vector<16xi32>
    %add3A_1179 = arith.addi %mul3A_1176, %add3A_1178 : vector<16xi32>
    %gather3A_1180 = tpu.vector_load_idx %arg7[%add3A_1179] : memref<4096xi32, #tpu.memory_space<vmem>>[vector<16xi32>], vector<16xi32>,
    %gather3A_1181 = tpu.vector_load_idx %arg8[%gather3A_1159] : memref<16xi32, #tpu.memory_space<vmem>>[vector<16xi32>], vector<16xi32>,
    %add3A_1182 = arith.addi %gather3A_1181, %gather3A_1173 : vector<16xi32>
    %gather3A_1183 = tpu.vector_load_idx %arg8[%gather3A_1166] : memref<16xi32, #tpu.memory_space<vmem>>[vector<16xi32>], vector<16xi32>,
    %add3A_1184 = arith.addi %gather3A_1183, %gather3A_1180 : vector<16xi32>
    %add3A_1185 = vector.broadcast %mul3A_6 : i32 to vector<16xi32>
    %add3A_1186 = arith.addi %add3A_1185, %add3A_1155 : vector<16xi32>
    %mul3A_1187 = arith.constant 2 : i32
    %mul3A_1188 = vector.broadcast %mul3A_1187 : i32 to vector<16xi32>
    %mul3A_1189 = arith.muli %mul3A_1188, %add3A_1155 : vector<16xi32>
    %add3A_1190 = arith.constant 1 : i32
    %add3A_1191 = vector.broadcast %add3A_1190 : i32 to vector<16xi32>
    %add3A_1192 = arith.addi %mul3A_1189, %add3A_1191 : vector<16xi32>
    tpu.vector_store_idx %arg10[%mul3A_1189], %add3A_1182 : memref<2048xi32, #tpu.memory_space<vmem>>[vector<16xi32>], vector<16xi32>,
    tpu.vector_store_idx %arg10[%add3A_1192], %add3A_1184 : memref<2048xi32, #tpu.memory_space<vmem>>[vector<16xi32>], vector<16xi32>,
    tpu.vector_store_idx %arg11[%mul3A_1189], %add3A_1186 : memref<2048xi32, #tpu.memory_space<vmem>>[vector<16xi32>], vector<16xi32>,
    tpu.vector_store_idx %arg11[%add3A_1192], %add3A_1186 : memref<2048xi32, #tpu.memory_space<vmem>>[vector<16xi32>], vector<16xi32>,
    %iota3A_1193 = tpu.iota {dimensions = array<i32: 0>} : vector<16xi32>
    %add3A_1194 = arith.constant 464 : i32
    %add3A_1195 = vector.broadcast %add3A_1194 : i32 to vector<16xi32>
    %add3A_1196 = arith.addi %add3A_1195, %iota3A_1193 : vector<16xi32>
    %mul3A_1197 = arith.constant 4 : i32
    %mul3A_1198 = vector.broadcast %mul3A_1197 : i32 to vector<16xi32>
    %mul3A_1199 = arith.muli %mul3A_1198, %add3A_1196 : vector<16xi32>
    %gather3A_1200 = tpu.vector_load_idx %arg7[%mul3A_1199] : memref<4096xi32, #tpu.memory_space<vmem>>[vector<16xi32>], vector<16xi32>,
    %mul3A_1201 = arith.constant 4 : i32
    %mul3A_1202 = vector.broadcast %mul3A_1201 : i32 to vector<16xi32>
    %mul3A_1203 = arith.muli %mul3A_1202, %add3A_1196 : vector<16xi32>
    %add3A_1204 = arith.constant 1 : i32
    %add3A_1205 = vector.broadcast %add3A_1204 : i32 to vector<16xi32>
    %add3A_1206 = arith.addi %mul3A_1203, %add3A_1205 : vector<16xi32>
    %gather3A_1207 = tpu.vector_load_idx %arg7[%add3A_1206] : memref<4096xi32, #tpu.memory_space<vmem>>[vector<16xi32>], vector<16xi32>,
    %mul3A_1208 = arith.constant 4 : i32
    %mul3A_1209 = vector.broadcast %mul3A_1208 : i32 to vector<16xi32>
    %mul3A_1210 = arith.muli %mul3A_1209, %add3A_1196 : vector<16xi32>
    %add3A_1211 = arith.constant 2 : i32
    %add3A_1212 = vector.broadcast %add3A_1211 : i32 to vector<16xi32>
    %add3A_1213 = arith.addi %mul3A_1210, %add3A_1212 : vector<16xi32>
    %gather3A_1214 = tpu.vector_load_idx %arg7[%add3A_1213] : memref<4096xi32, #tpu.memory_space<vmem>>[vector<16xi32>], vector<16xi32>,
    %mul3A_1215 = arith.constant 4 : i32
    %mul3A_1216 = vector.broadcast %mul3A_1215 : i32 to vector<16xi32>
    %mul3A_1217 = arith.muli %mul3A_1216, %add3A_1196 : vector<16xi32>
    %add3A_1218 = arith.constant 3 : i32
    %add3A_1219 = vector.broadcast %add3A_1218 : i32 to vector<16xi32>
    %add3A_1220 = arith.addi %mul3A_1217, %add3A_1219 : vector<16xi32>
    %gather3A_1221 = tpu.vector_load_idx %arg7[%add3A_1220] : memref<4096xi32, #tpu.memory_space<vmem>>[vector<16xi32>], vector<16xi32>,
    %gather3A_1222 = tpu.vector_load_idx %arg8[%gather3A_1200] : memref<16xi32, #tpu.memory_space<vmem>>[vector<16xi32>], vector<16xi32>,
    %add3A_1223 = arith.addi %gather3A_1222, %gather3A_1214 : vector<16xi32>
    %gather3A_1224 = tpu.vector_load_idx %arg8[%gather3A_1207] : memref<16xi32, #tpu.memory_space<vmem>>[vector<16xi32>], vector<16xi32>,
    %add3A_1225 = arith.addi %gather3A_1224, %gather3A_1221 : vector<16xi32>
    %add3A_1226 = vector.broadcast %mul3A_6 : i32 to vector<16xi32>
    %add3A_1227 = arith.addi %add3A_1226, %add3A_1196 : vector<16xi32>
    %mul3A_1228 = arith.constant 2 : i32
    %mul3A_1229 = vector.broadcast %mul3A_1228 : i32 to vector<16xi32>
    %mul3A_1230 = arith.muli %mul3A_1229, %add3A_1196 : vector<16xi32>
    %add3A_1231 = arith.constant 1 : i32
    %add3A_1232 = vector.broadcast %add3A_1231 : i32 to vector<16xi32>
    %add3A_1233 = arith.addi %mul3A_1230, %add3A_1232 : vector<16xi32>
    tpu.vector_store_idx %arg10[%mul3A_1230], %add3A_1223 : memref<2048xi32, #tpu.memory_space<vmem>>[vector<16xi32>], vector<16xi32>,
    tpu.vector_store_idx %arg10[%add3A_1233], %add3A_1225 : memref<2048xi32, #tpu.memory_space<vmem>>[vector<16xi32>], vector<16xi32>,
    tpu.vector_store_idx %arg11[%mul3A_1230], %add3A_1227 : memref<2048xi32, #tpu.memory_space<vmem>>[vector<16xi32>], vector<16xi32>,
    tpu.vector_store_idx %arg11[%add3A_1233], %add3A_1227 : memref<2048xi32, #tpu.memory_space<vmem>>[vector<16xi32>], vector<16xi32>,
    %iota3A_1234 = tpu.iota {dimensions = array<i32: 0>} : vector<16xi32>
    %add3A_1235 = arith.constant 480 : i32
    %add3A_1236 = vector.broadcast %add3A_1235 : i32 to vector<16xi32>
    %add3A_1237 = arith.addi %add3A_1236, %iota3A_1234 : vector<16xi32>
    %mul3A_1238 = arith.constant 4 : i32
    %mul3A_1239 = vector.broadcast %mul3A_1238 : i32 to vector<16xi32>
    %mul3A_1240 = arith.muli %mul3A_1239, %add3A_1237 : vector<16xi32>
    %gather3A_1241 = tpu.vector_load_idx %arg7[%mul3A_1240] : memref<4096xi32, #tpu.memory_space<vmem>>[vector<16xi32>], vector<16xi32>,
    %mul3A_1242 = arith.constant 4 : i32
    %mul3A_1243 = vector.broadcast %mul3A_1242 : i32 to vector<16xi32>
    %mul3A_1244 = arith.muli %mul3A_1243, %add3A_1237 : vector<16xi32>
    %add3A_1245 = arith.constant 1 : i32
    %add3A_1246 = vector.broadcast %add3A_1245 : i32 to vector<16xi32>
    %add3A_1247 = arith.addi %mul3A_1244, %add3A_1246 : vector<16xi32>
    %gather3A_1248 = tpu.vector_load_idx %arg7[%add3A_1247] : memref<4096xi32, #tpu.memory_space<vmem>>[vector<16xi32>], vector<16xi32>,
    %mul3A_1249 = arith.constant 4 : i32
    %mul3A_1250 = vector.broadcast %mul3A_1249 : i32 to vector<16xi32>
    %mul3A_1251 = arith.muli %mul3A_1250, %add3A_1237 : vector<16xi32>
    %add3A_1252 = arith.constant 2 : i32
    %add3A_1253 = vector.broadcast %add3A_1252 : i32 to vector<16xi32>
    %add3A_1254 = arith.addi %mul3A_1251, %add3A_1253 : vector<16xi32>
    %gather3A_1255 = tpu.vector_load_idx %arg7[%add3A_1254] : memref<4096xi32, #tpu.memory_space<vmem>>[vector<16xi32>], vector<16xi32>,
    %mul3A_1256 = arith.constant 4 : i32
    %mul3A_1257 = vector.broadcast %mul3A_1256 : i32 to vector<16xi32>
    %mul3A_1258 = arith.muli %mul3A_1257, %add3A_1237 : vector<16xi32>
    %add3A_1259 = arith.constant 3 : i32
    %add3A_1260 = vector.broadcast %add3A_1259 : i32 to vector<16xi32>
    %add3A_1261 = arith.addi %mul3A_1258, %add3A_1260 : vector<16xi32>
    %gather3A_1262 = tpu.vector_load_idx %arg7[%add3A_1261] : memref<4096xi32, #tpu.memory_space<vmem>>[vector<16xi32>], vector<16xi32>,
    %gather3A_1263 = tpu.vector_load_idx %arg8[%gather3A_1241] : memref<16xi32, #tpu.memory_space<vmem>>[vector<16xi32>], vector<16xi32>,
    %add3A_1264 = arith.addi %gather3A_1263, %gather3A_1255 : vector<16xi32>
    %gather3A_1265 = tpu.vector_load_idx %arg8[%gather3A_1248] : memref<16xi32, #tpu.memory_space<vmem>>[vector<16xi32>], vector<16xi32>,
    %add3A_1266 = arith.addi %gather3A_1265, %gather3A_1262 : vector<16xi32>
    %add3A_1267 = vector.broadcast %mul3A_6 : i32 to vector<16xi32>
    %add3A_1268 = arith.addi %add3A_1267, %add3A_1237 : vector<16xi32>
    %mul3A_1269 = arith.constant 2 : i32
    %mul3A_1270 = vector.broadcast %mul3A_1269 : i32 to vector<16xi32>
    %mul3A_1271 = arith.muli %mul3A_1270, %add3A_1237 : vector<16xi32>
    %add3A_1272 = arith.constant 1 : i32
    %add3A_1273 = vector.broadcast %add3A_1272 : i32 to vector<16xi32>
    %add3A_1274 = arith.addi %mul3A_1271, %add3A_1273 : vector<16xi32>
    tpu.vector_store_idx %arg10[%mul3A_1271], %add3A_1264 : memref<2048xi32, #tpu.memory_space<vmem>>[vector<16xi32>], vector<16xi32>,
    tpu.vector_store_idx %arg10[%add3A_1274], %add3A_1266 : memref<2048xi32, #tpu.memory_space<vmem>>[vector<16xi32>], vector<16xi32>,
    tpu.vector_store_idx %arg11[%mul3A_1271], %add3A_1268 : memref<2048xi32, #tpu.memory_space<vmem>>[vector<16xi32>], vector<16xi32>,
    tpu.vector_store_idx %arg11[%add3A_1274], %add3A_1268 : memref<2048xi32, #tpu.memory_space<vmem>>[vector<16xi32>], vector<16xi32>,
    %iota3A_1275 = tpu.iota {dimensions = array<i32: 0>} : vector<16xi32>
    %add3A_1276 = arith.constant 496 : i32
    %add3A_1277 = vector.broadcast %add3A_1276 : i32 to vector<16xi32>
    %add3A_1278 = arith.addi %add3A_1277, %iota3A_1275 : vector<16xi32>
    %mul3A_1279 = arith.constant 4 : i32
    %mul3A_1280 = vector.broadcast %mul3A_1279 : i32 to vector<16xi32>
    %mul3A_1281 = arith.muli %mul3A_1280, %add3A_1278 : vector<16xi32>
    %gather3A_1282 = tpu.vector_load_idx %arg7[%mul3A_1281] : memref<4096xi32, #tpu.memory_space<vmem>>[vector<16xi32>], vector<16xi32>,
    %mul3A_1283 = arith.constant 4 : i32
    %mul3A_1284 = vector.broadcast %mul3A_1283 : i32 to vector<16xi32>
    %mul3A_1285 = arith.muli %mul3A_1284, %add3A_1278 : vector<16xi32>
    %add3A_1286 = arith.constant 1 : i32
    %add3A_1287 = vector.broadcast %add3A_1286 : i32 to vector<16xi32>
    %add3A_1288 = arith.addi %mul3A_1285, %add3A_1287 : vector<16xi32>
    %gather3A_1289 = tpu.vector_load_idx %arg7[%add3A_1288] : memref<4096xi32, #tpu.memory_space<vmem>>[vector<16xi32>], vector<16xi32>,
    %mul3A_1290 = arith.constant 4 : i32
    %mul3A_1291 = vector.broadcast %mul3A_1290 : i32 to vector<16xi32>
    %mul3A_1292 = arith.muli %mul3A_1291, %add3A_1278 : vector<16xi32>
    %add3A_1293 = arith.constant 2 : i32
    %add3A_1294 = vector.broadcast %add3A_1293 : i32 to vector<16xi32>
    %add3A_1295 = arith.addi %mul3A_1292, %add3A_1294 : vector<16xi32>
    %gather3A_1296 = tpu.vector_load_idx %arg7[%add3A_1295] : memref<4096xi32, #tpu.memory_space<vmem>>[vector<16xi32>], vector<16xi32>,
    %mul3A_1297 = arith.constant 4 : i32
    %mul3A_1298 = vector.broadcast %mul3A_1297 : i32 to vector<16xi32>
    %mul3A_1299 = arith.muli %mul3A_1298, %add3A_1278 : vector<16xi32>
    %add3A_1300 = arith.constant 3 : i32
    %add3A_1301 = vector.broadcast %add3A_1300 : i32 to vector<16xi32>
    %add3A_1302 = arith.addi %mul3A_1299, %add3A_1301 : vector<16xi32>
    %gather3A_1303 = tpu.vector_load_idx %arg7[%add3A_1302] : memref<4096xi32, #tpu.memory_space<vmem>>[vector<16xi32>], vector<16xi32>,
    %gather3A_1304 = tpu.vector_load_idx %arg8[%gather3A_1282] : memref<16xi32, #tpu.memory_space<vmem>>[vector<16xi32>], vector<16xi32>,
    %add3A_1305 = arith.addi %gather3A_1304, %gather3A_1296 : vector<16xi32>
    %gather3A_1306 = tpu.vector_load_idx %arg8[%gather3A_1289] : memref<16xi32, #tpu.memory_space<vmem>>[vector<16xi32>], vector<16xi32>,
    %add3A_1307 = arith.addi %gather3A_1306, %gather3A_1303 : vector<16xi32>
    %add3A_1308 = vector.broadcast %mul3A_6 : i32 to vector<16xi32>
    %add3A_1309 = arith.addi %add3A_1308, %add3A_1278 : vector<16xi32>
    %mul3A_1310 = arith.constant 2 : i32
    %mul3A_1311 = vector.broadcast %mul3A_1310 : i32 to vector<16xi32>
    %mul3A_1312 = arith.muli %mul3A_1311, %add3A_1278 : vector<16xi32>
    %add3A_1313 = arith.constant 1 : i32
    %add3A_1314 = vector.broadcast %add3A_1313 : i32 to vector<16xi32>
    %add3A_1315 = arith.addi %mul3A_1312, %add3A_1314 : vector<16xi32>
    tpu.vector_store_idx %arg10[%mul3A_1312], %add3A_1305 : memref<2048xi32, #tpu.memory_space<vmem>>[vector<16xi32>], vector<16xi32>,
    tpu.vector_store_idx %arg10[%add3A_1315], %add3A_1307 : memref<2048xi32, #tpu.memory_space<vmem>>[vector<16xi32>], vector<16xi32>,
    tpu.vector_store_idx %arg11[%mul3A_1312], %add3A_1309 : memref<2048xi32, #tpu.memory_space<vmem>>[vector<16xi32>], vector<16xi32>,
    tpu.vector_store_idx %arg11[%add3A_1315], %add3A_1309 : memref<2048xi32, #tpu.memory_space<vmem>>[vector<16xi32>], vector<16xi32>,
    %iota3A_1316 = tpu.iota {dimensions = array<i32: 0>} : vector<16xi32>
    %add3A_1317 = arith.constant 512 : i32
    %add3A_1318 = vector.broadcast %add3A_1317 : i32 to vector<16xi32>
    %add3A_1319 = arith.addi %add3A_1318, %iota3A_1316 : vector<16xi32>
    %mul3A_1320 = arith.constant 4 : i32
    %mul3A_1321 = vector.broadcast %mul3A_1320 : i32 to vector<16xi32>
    %mul3A_1322 = arith.muli %mul3A_1321, %add3A_1319 : vector<16xi32>
    %gather3A_1323 = tpu.vector_load_idx %arg7[%mul3A_1322] : memref<4096xi32, #tpu.memory_space<vmem>>[vector<16xi32>], vector<16xi32>,
    %mul3A_1324 = arith.constant 4 : i32
    %mul3A_1325 = vector.broadcast %mul3A_1324 : i32 to vector<16xi32>
    %mul3A_1326 = arith.muli %mul3A_1325, %add3A_1319 : vector<16xi32>
    %add3A_1327 = arith.constant 1 : i32
    %add3A_1328 = vector.broadcast %add3A_1327 : i32 to vector<16xi32>
    %add3A_1329 = arith.addi %mul3A_1326, %add3A_1328 : vector<16xi32>
    %gather3A_1330 = tpu.vector_load_idx %arg7[%add3A_1329] : memref<4096xi32, #tpu.memory_space<vmem>>[vector<16xi32>], vector<16xi32>,
    %mul3A_1331 = arith.constant 4 : i32
    %mul3A_1332 = vector.broadcast %mul3A_1331 : i32 to vector<16xi32>
    %mul3A_1333 = arith.muli %mul3A_1332, %add3A_1319 : vector<16xi32>
    %add3A_1334 = arith.constant 2 : i32
    %add3A_1335 = vector.broadcast %add3A_1334 : i32 to vector<16xi32>
    %add3A_1336 = arith.addi %mul3A_1333, %add3A_1335 : vector<16xi32>
    %gather3A_1337 = tpu.vector_load_idx %arg7[%add3A_1336] : memref<4096xi32, #tpu.memory_space<vmem>>[vector<16xi32>], vector<16xi32>,
    %mul3A_1338 = arith.constant 4 : i32
    %mul3A_1339 = vector.broadcast %mul3A_1338 : i32 to vector<16xi32>
    %mul3A_1340 = arith.muli %mul3A_1339, %add3A_1319 : vector<16xi32>
    %add3A_1341 = arith.constant 3 : i32
    %add3A_1342 = vector.broadcast %add3A_1341 : i32 to vector<16xi32>
    %add3A_1343 = arith.addi %mul3A_1340, %add3A_1342 : vector<16xi32>
    %gather3A_1344 = tpu.vector_load_idx %arg7[%add3A_1343] : memref<4096xi32, #tpu.memory_space<vmem>>[vector<16xi32>], vector<16xi32>,
    %gather3A_1345 = tpu.vector_load_idx %arg8[%gather3A_1323] : memref<16xi32, #tpu.memory_space<vmem>>[vector<16xi32>], vector<16xi32>,
    %add3A_1346 = arith.addi %gather3A_1345, %gather3A_1337 : vector<16xi32>
    %gather3A_1347 = tpu.vector_load_idx %arg8[%gather3A_1330] : memref<16xi32, #tpu.memory_space<vmem>>[vector<16xi32>], vector<16xi32>,
    %add3A_1348 = arith.addi %gather3A_1347, %gather3A_1344 : vector<16xi32>
    %add3A_1349 = vector.broadcast %mul3A_6 : i32 to vector<16xi32>
    %add3A_1350 = arith.addi %add3A_1349, %add3A_1319 : vector<16xi32>
    %mul3A_1351 = arith.constant 2 : i32
    %mul3A_1352 = vector.broadcast %mul3A_1351 : i32 to vector<16xi32>
    %mul3A_1353 = arith.muli %mul3A_1352, %add3A_1319 : vector<16xi32>
    %add3A_1354 = arith.constant 1 : i32
    %add3A_1355 = vector.broadcast %add3A_1354 : i32 to vector<16xi32>
    %add3A_1356 = arith.addi %mul3A_1353, %add3A_1355 : vector<16xi32>
    tpu.vector_store_idx %arg10[%mul3A_1353], %add3A_1346 : memref<2048xi32, #tpu.memory_space<vmem>>[vector<16xi32>], vector<16xi32>,
    tpu.vector_store_idx %arg10[%add3A_1356], %add3A_1348 : memref<2048xi32, #tpu.memory_space<vmem>>[vector<16xi32>], vector<16xi32>,
    tpu.vector_store_idx %arg11[%mul3A_1353], %add3A_1350 : memref<2048xi32, #tpu.memory_space<vmem>>[vector<16xi32>], vector<16xi32>,
    tpu.vector_store_idx %arg11[%add3A_1356], %add3A_1350 : memref<2048xi32, #tpu.memory_space<vmem>>[vector<16xi32>], vector<16xi32>,
    %iota3A_1357 = tpu.iota {dimensions = array<i32: 0>} : vector<16xi32>
    %add3A_1358 = arith.constant 528 : i32
    %add3A_1359 = vector.broadcast %add3A_1358 : i32 to vector<16xi32>
    %add3A_1360 = arith.addi %add3A_1359, %iota3A_1357 : vector<16xi32>
    %mul3A_1361 = arith.constant 4 : i32
    %mul3A_1362 = vector.broadcast %mul3A_1361 : i32 to vector<16xi32>
    %mul3A_1363 = arith.muli %mul3A_1362, %add3A_1360 : vector<16xi32>
    %gather3A_1364 = tpu.vector_load_idx %arg7[%mul3A_1363] : memref<4096xi32, #tpu.memory_space<vmem>>[vector<16xi32>], vector<16xi32>,
    %mul3A_1365 = arith.constant 4 : i32
    %mul3A_1366 = vector.broadcast %mul3A_1365 : i32 to vector<16xi32>
    %mul3A_1367 = arith.muli %mul3A_1366, %add3A_1360 : vector<16xi32>
    %add3A_1368 = arith.constant 1 : i32
    %add3A_1369 = vector.broadcast %add3A_1368 : i32 to vector<16xi32>
    %add3A_1370 = arith.addi %mul3A_1367, %add3A_1369 : vector<16xi32>
    %gather3A_1371 = tpu.vector_load_idx %arg7[%add3A_1370] : memref<4096xi32, #tpu.memory_space<vmem>>[vector<16xi32>], vector<16xi32>,
    %mul3A_1372 = arith.constant 4 : i32
    %mul3A_1373 = vector.broadcast %mul3A_1372 : i32 to vector<16xi32>
    %mul3A_1374 = arith.muli %mul3A_1373, %add3A_1360 : vector<16xi32>
    %add3A_1375 = arith.constant 2 : i32
    %add3A_1376 = vector.broadcast %add3A_1375 : i32 to vector<16xi32>
    %add3A_1377 = arith.addi %mul3A_1374, %add3A_1376 : vector<16xi32>
    %gather3A_1378 = tpu.vector_load_idx %arg7[%add3A_1377] : memref<4096xi32, #tpu.memory_space<vmem>>[vector<16xi32>], vector<16xi32>,
    %mul3A_1379 = arith.constant 4 : i32
    %mul3A_1380 = vector.broadcast %mul3A_1379 : i32 to vector<16xi32>
    %mul3A_1381 = arith.muli %mul3A_1380, %add3A_1360 : vector<16xi32>
    %add3A_1382 = arith.constant 3 : i32
    %add3A_1383 = vector.broadcast %add3A_1382 : i32 to vector<16xi32>
    %add3A_1384 = arith.addi %mul3A_1381, %add3A_1383 : vector<16xi32>
    %gather3A_1385 = tpu.vector_load_idx %arg7[%add3A_1384] : memref<4096xi32, #tpu.memory_space<vmem>>[vector<16xi32>], vector<16xi32>,
    %gather3A_1386 = tpu.vector_load_idx %arg8[%gather3A_1364] : memref<16xi32, #tpu.memory_space<vmem>>[vector<16xi32>], vector<16xi32>,
    %add3A_1387 = arith.addi %gather3A_1386, %gather3A_1378 : vector<16xi32>
    %gather3A_1388 = tpu.vector_load_idx %arg8[%gather3A_1371] : memref<16xi32, #tpu.memory_space<vmem>>[vector<16xi32>], vector<16xi32>,
    %add3A_1389 = arith.addi %gather3A_1388, %gather3A_1385 : vector<16xi32>
    %add3A_1390 = vector.broadcast %mul3A_6 : i32 to vector<16xi32>
    %add3A_1391 = arith.addi %add3A_1390, %add3A_1360 : vector<16xi32>
    %mul3A_1392 = arith.constant 2 : i32
    %mul3A_1393 = vector.broadcast %mul3A_1392 : i32 to vector<16xi32>
    %mul3A_1394 = arith.muli %mul3A_1393, %add3A_1360 : vector<16xi32>
    %add3A_1395 = arith.constant 1 : i32
    %add3A_1396 = vector.broadcast %add3A_1395 : i32 to vector<16xi32>
    %add3A_1397 = arith.addi %mul3A_1394, %add3A_1396 : vector<16xi32>
    tpu.vector_store_idx %arg10[%mul3A_1394], %add3A_1387 : memref<2048xi32, #tpu.memory_space<vmem>>[vector<16xi32>], vector<16xi32>,
    tpu.vector_store_idx %arg10[%add3A_1397], %add3A_1389 : memref<2048xi32, #tpu.memory_space<vmem>>[vector<16xi32>], vector<16xi32>,
    tpu.vector_store_idx %arg11[%mul3A_1394], %add3A_1391 : memref<2048xi32, #tpu.memory_space<vmem>>[vector<16xi32>], vector<16xi32>,
    tpu.vector_store_idx %arg11[%add3A_1397], %add3A_1391 : memref<2048xi32, #tpu.memory_space<vmem>>[vector<16xi32>], vector<16xi32>,
    %iota3A_1398 = tpu.iota {dimensions = array<i32: 0>} : vector<16xi32>
    %add3A_1399 = arith.constant 544 : i32
    %add3A_1400 = vector.broadcast %add3A_1399 : i32 to vector<16xi32>
    %add3A_1401 = arith.addi %add3A_1400, %iota3A_1398 : vector<16xi32>
    %mul3A_1402 = arith.constant 4 : i32
    %mul3A_1403 = vector.broadcast %mul3A_1402 : i32 to vector<16xi32>
    %mul3A_1404 = arith.muli %mul3A_1403, %add3A_1401 : vector<16xi32>
    %gather3A_1405 = tpu.vector_load_idx %arg7[%mul3A_1404] : memref<4096xi32, #tpu.memory_space<vmem>>[vector<16xi32>], vector<16xi32>,
    %mul3A_1406 = arith.constant 4 : i32
    %mul3A_1407 = vector.broadcast %mul3A_1406 : i32 to vector<16xi32>
    %mul3A_1408 = arith.muli %mul3A_1407, %add3A_1401 : vector<16xi32>
    %add3A_1409 = arith.constant 1 : i32
    %add3A_1410 = vector.broadcast %add3A_1409 : i32 to vector<16xi32>
    %add3A_1411 = arith.addi %mul3A_1408, %add3A_1410 : vector<16xi32>
    %gather3A_1412 = tpu.vector_load_idx %arg7[%add3A_1411] : memref<4096xi32, #tpu.memory_space<vmem>>[vector<16xi32>], vector<16xi32>,
    %mul3A_1413 = arith.constant 4 : i32
    %mul3A_1414 = vector.broadcast %mul3A_1413 : i32 to vector<16xi32>
    %mul3A_1415 = arith.muli %mul3A_1414, %add3A_1401 : vector<16xi32>
    %add3A_1416 = arith.constant 2 : i32
    %add3A_1417 = vector.broadcast %add3A_1416 : i32 to vector<16xi32>
    %add3A_1418 = arith.addi %mul3A_1415, %add3A_1417 : vector<16xi32>
    %gather3A_1419 = tpu.vector_load_idx %arg7[%add3A_1418] : memref<4096xi32, #tpu.memory_space<vmem>>[vector<16xi32>], vector<16xi32>,
    %mul3A_1420 = arith.constant 4 : i32
    %mul3A_1421 = vector.broadcast %mul3A_1420 : i32 to vector<16xi32>
    %mul3A_1422 = arith.muli %mul3A_1421, %add3A_1401 : vector<16xi32>
    %add3A_1423 = arith.constant 3 : i32
    %add3A_1424 = vector.broadcast %add3A_1423 : i32 to vector<16xi32>
    %add3A_1425 = arith.addi %mul3A_1422, %add3A_1424 : vector<16xi32>
    %gather3A_1426 = tpu.vector_load_idx %arg7[%add3A_1425] : memref<4096xi32, #tpu.memory_space<vmem>>[vector<16xi32>], vector<16xi32>,
    %gather3A_1427 = tpu.vector_load_idx %arg8[%gather3A_1405] : memref<16xi32, #tpu.memory_space<vmem>>[vector<16xi32>], vector<16xi32>,
    %add3A_1428 = arith.addi %gather3A_1427, %gather3A_1419 : vector<16xi32>
    %gather3A_1429 = tpu.vector_load_idx %arg8[%gather3A_1412] : memref<16xi32, #tpu.memory_space<vmem>>[vector<16xi32>], vector<16xi32>,
    %add3A_1430 = arith.addi %gather3A_1429, %gather3A_1426 : vector<16xi32>
    %add3A_1431 = vector.broadcast %mul3A_6 : i32 to vector<16xi32>
    %add3A_1432 = arith.addi %add3A_1431, %add3A_1401 : vector<16xi32>
    %mul3A_1433 = arith.constant 2 : i32
    %mul3A_1434 = vector.broadcast %mul3A_1433 : i32 to vector<16xi32>
    %mul3A_1435 = arith.muli %mul3A_1434, %add3A_1401 : vector<16xi32>
    %add3A_1436 = arith.constant 1 : i32
    %add3A_1437 = vector.broadcast %add3A_1436 : i32 to vector<16xi32>
    %add3A_1438 = arith.addi %mul3A_1435, %add3A_1437 : vector<16xi32>
    tpu.vector_store_idx %arg10[%mul3A_1435], %add3A_1428 : memref<2048xi32, #tpu.memory_space<vmem>>[vector<16xi32>], vector<16xi32>,
    tpu.vector_store_idx %arg10[%add3A_1438], %add3A_1430 : memref<2048xi32, #tpu.memory_space<vmem>>[vector<16xi32>], vector<16xi32>,
    tpu.vector_store_idx %arg11[%mul3A_1435], %add3A_1432 : memref<2048xi32, #tpu.memory_space<vmem>>[vector<16xi32>], vector<16xi32>,
    tpu.vector_store_idx %arg11[%add3A_1438], %add3A_1432 : memref<2048xi32, #tpu.memory_space<vmem>>[vector<16xi32>], vector<16xi32>,
    %iota3A_1439 = tpu.iota {dimensions = array<i32: 0>} : vector<16xi32>
    %add3A_1440 = arith.constant 560 : i32
    %add3A_1441 = vector.broadcast %add3A_1440 : i32 to vector<16xi32>
    %add3A_1442 = arith.addi %add3A_1441, %iota3A_1439 : vector<16xi32>
    %mul3A_1443 = arith.constant 4 : i32
    %mul3A_1444 = vector.broadcast %mul3A_1443 : i32 to vector<16xi32>
    %mul3A_1445 = arith.muli %mul3A_1444, %add3A_1442 : vector<16xi32>
    %gather3A_1446 = tpu.vector_load_idx %arg7[%mul3A_1445] : memref<4096xi32, #tpu.memory_space<vmem>>[vector<16xi32>], vector<16xi32>,
    %mul3A_1447 = arith.constant 4 : i32
    %mul3A_1448 = vector.broadcast %mul3A_1447 : i32 to vector<16xi32>
    %mul3A_1449 = arith.muli %mul3A_1448, %add3A_1442 : vector<16xi32>
    %add3A_1450 = arith.constant 1 : i32
    %add3A_1451 = vector.broadcast %add3A_1450 : i32 to vector<16xi32>
    %add3A_1452 = arith.addi %mul3A_1449, %add3A_1451 : vector<16xi32>
    %gather3A_1453 = tpu.vector_load_idx %arg7[%add3A_1452] : memref<4096xi32, #tpu.memory_space<vmem>>[vector<16xi32>], vector<16xi32>,
    %mul3A_1454 = arith.constant 4 : i32
    %mul3A_1455 = vector.broadcast %mul3A_1454 : i32 to vector<16xi32>
    %mul3A_1456 = arith.muli %mul3A_1455, %add3A_1442 : vector<16xi32>
    %add3A_1457 = arith.constant 2 : i32
    %add3A_1458 = vector.broadcast %add3A_1457 : i32 to vector<16xi32>
    %add3A_1459 = arith.addi %mul3A_1456, %add3A_1458 : vector<16xi32>
    %gather3A_1460 = tpu.vector_load_idx %arg7[%add3A_1459] : memref<4096xi32, #tpu.memory_space<vmem>>[vector<16xi32>], vector<16xi32>,
    %mul3A_1461 = arith.constant 4 : i32
    %mul3A_1462 = vector.broadcast %mul3A_1461 : i32 to vector<16xi32>
    %mul3A_1463 = arith.muli %mul3A_1462, %add3A_1442 : vector<16xi32>
    %add3A_1464 = arith.constant 3 : i32
    %add3A_1465 = vector.broadcast %add3A_1464 : i32 to vector<16xi32>
    %add3A_1466 = arith.addi %mul3A_1463, %add3A_1465 : vector<16xi32>
    %gather3A_1467 = tpu.vector_load_idx %arg7[%add3A_1466] : memref<4096xi32, #tpu.memory_space<vmem>>[vector<16xi32>], vector<16xi32>,
    %gather3A_1468 = tpu.vector_load_idx %arg8[%gather3A_1446] : memref<16xi32, #tpu.memory_space<vmem>>[vector<16xi32>], vector<16xi32>,
    %add3A_1469 = arith.addi %gather3A_1468, %gather3A_1460 : vector<16xi32>
    %gather3A_1470 = tpu.vector_load_idx %arg8[%gather3A_1453] : memref<16xi32, #tpu.memory_space<vmem>>[vector<16xi32>], vector<16xi32>,
    %add3A_1471 = arith.addi %gather3A_1470, %gather3A_1467 : vector<16xi32>
    %add3A_1472 = vector.broadcast %mul3A_6 : i32 to vector<16xi32>
    %add3A_1473 = arith.addi %add3A_1472, %add3A_1442 : vector<16xi32>
    %mul3A_1474 = arith.constant 2 : i32
    %mul3A_1475 = vector.broadcast %mul3A_1474 : i32 to vector<16xi32>
    %mul3A_1476 = arith.muli %mul3A_1475, %add3A_1442 : vector<16xi32>
    %add3A_1477 = arith.constant 1 : i32
    %add3A_1478 = vector.broadcast %add3A_1477 : i32 to vector<16xi32>
    %add3A_1479 = arith.addi %mul3A_1476, %add3A_1478 : vector<16xi32>
    tpu.vector_store_idx %arg10[%mul3A_1476], %add3A_1469 : memref<2048xi32, #tpu.memory_space<vmem>>[vector<16xi32>], vector<16xi32>,
    tpu.vector_store_idx %arg10[%add3A_1479], %add3A_1471 : memref<2048xi32, #tpu.memory_space<vmem>>[vector<16xi32>], vector<16xi32>,
    tpu.vector_store_idx %arg11[%mul3A_1476], %add3A_1473 : memref<2048xi32, #tpu.memory_space<vmem>>[vector<16xi32>], vector<16xi32>,
    tpu.vector_store_idx %arg11[%add3A_1479], %add3A_1473 : memref<2048xi32, #tpu.memory_space<vmem>>[vector<16xi32>], vector<16xi32>,
    %iota3A_1480 = tpu.iota {dimensions = array<i32: 0>} : vector<16xi32>
    %add3A_1481 = arith.constant 576 : i32
    %add3A_1482 = vector.broadcast %add3A_1481 : i32 to vector<16xi32>
    %add3A_1483 = arith.addi %add3A_1482, %iota3A_1480 : vector<16xi32>
    %mul3A_1484 = arith.constant 4 : i32
    %mul3A_1485 = vector.broadcast %mul3A_1484 : i32 to vector<16xi32>
    %mul3A_1486 = arith.muli %mul3A_1485, %add3A_1483 : vector<16xi32>
    %gather3A_1487 = tpu.vector_load_idx %arg7[%mul3A_1486] : memref<4096xi32, #tpu.memory_space<vmem>>[vector<16xi32>], vector<16xi32>,
    %mul3A_1488 = arith.constant 4 : i32
    %mul3A_1489 = vector.broadcast %mul3A_1488 : i32 to vector<16xi32>
    %mul3A_1490 = arith.muli %mul3A_1489, %add3A_1483 : vector<16xi32>
    %add3A_1491 = arith.constant 1 : i32
    %add3A_1492 = vector.broadcast %add3A_1491 : i32 to vector<16xi32>
    %add3A_1493 = arith.addi %mul3A_1490, %add3A_1492 : vector<16xi32>
    %gather3A_1494 = tpu.vector_load_idx %arg7[%add3A_1493] : memref<4096xi32, #tpu.memory_space<vmem>>[vector<16xi32>], vector<16xi32>,
    %mul3A_1495 = arith.constant 4 : i32
    %mul3A_1496 = vector.broadcast %mul3A_1495 : i32 to vector<16xi32>
    %mul3A_1497 = arith.muli %mul3A_1496, %add3A_1483 : vector<16xi32>
    %add3A_1498 = arith.constant 2 : i32
    %add3A_1499 = vector.broadcast %add3A_1498 : i32 to vector<16xi32>
    %add3A_1500 = arith.addi %mul3A_1497, %add3A_1499 : vector<16xi32>
    %gather3A_1501 = tpu.vector_load_idx %arg7[%add3A_1500] : memref<4096xi32, #tpu.memory_space<vmem>>[vector<16xi32>], vector<16xi32>,
    %mul3A_1502 = arith.constant 4 : i32
    %mul3A_1503 = vector.broadcast %mul3A_1502 : i32 to vector<16xi32>
    %mul3A_1504 = arith.muli %mul3A_1503, %add3A_1483 : vector<16xi32>
    %add3A_1505 = arith.constant 3 : i32
    %add3A_1506 = vector.broadcast %add3A_1505 : i32 to vector<16xi32>
    %add3A_1507 = arith.addi %mul3A_1504, %add3A_1506 : vector<16xi32>
    %gather3A_1508 = tpu.vector_load_idx %arg7[%add3A_1507] : memref<4096xi32, #tpu.memory_space<vmem>>[vector<16xi32>], vector<16xi32>,
    %gather3A_1509 = tpu.vector_load_idx %arg8[%gather3A_1487] : memref<16xi32, #tpu.memory_space<vmem>>[vector<16xi32>], vector<16xi32>,
    %add3A_1510 = arith.addi %gather3A_1509, %gather3A_1501 : vector<16xi32>
    %gather3A_1511 = tpu.vector_load_idx %arg8[%gather3A_1494] : memref<16xi32, #tpu.memory_space<vmem>>[vector<16xi32>], vector<16xi32>,
    %add3A_1512 = arith.addi %gather3A_1511, %gather3A_1508 : vector<16xi32>
    %add3A_1513 = vector.broadcast %mul3A_6 : i32 to vector<16xi32>
    %add3A_1514 = arith.addi %add3A_1513, %add3A_1483 : vector<16xi32>
    %mul3A_1515 = arith.constant 2 : i32
    %mul3A_1516 = vector.broadcast %mul3A_1515 : i32 to vector<16xi32>
    %mul3A_1517 = arith.muli %mul3A_1516, %add3A_1483 : vector<16xi32>
    %add3A_1518 = arith.constant 1 : i32
    %add3A_1519 = vector.broadcast %add3A_1518 : i32 to vector<16xi32>
    %add3A_1520 = arith.addi %mul3A_1517, %add3A_1519 : vector<16xi32>
    tpu.vector_store_idx %arg10[%mul3A_1517], %add3A_1510 : memref<2048xi32, #tpu.memory_space<vmem>>[vector<16xi32>], vector<16xi32>,
    tpu.vector_store_idx %arg10[%add3A_1520], %add3A_1512 : memref<2048xi32, #tpu.memory_space<vmem>>[vector<16xi32>], vector<16xi32>,
    tpu.vector_store_idx %arg11[%mul3A_1517], %add3A_1514 : memref<2048xi32, #tpu.memory_space<vmem>>[vector<16xi32>], vector<16xi32>,
    tpu.vector_store_idx %arg11[%add3A_1520], %add3A_1514 : memref<2048xi32, #tpu.memory_space<vmem>>[vector<16xi32>], vector<16xi32>,
    %iota3A_1521 = tpu.iota {dimensions = array<i32: 0>} : vector<16xi32>
    %add3A_1522 = arith.constant 592 : i32
    %add3A_1523 = vector.broadcast %add3A_1522 : i32 to vector<16xi32>
    %add3A_1524 = arith.addi %add3A_1523, %iota3A_1521 : vector<16xi32>
    %mul3A_1525 = arith.constant 4 : i32
    %mul3A_1526 = vector.broadcast %mul3A_1525 : i32 to vector<16xi32>
    %mul3A_1527 = arith.muli %mul3A_1526, %add3A_1524 : vector<16xi32>
    %gather3A_1528 = tpu.vector_load_idx %arg7[%mul3A_1527] : memref<4096xi32, #tpu.memory_space<vmem>>[vector<16xi32>], vector<16xi32>,
    %mul3A_1529 = arith.constant 4 : i32
    %mul3A_1530 = vector.broadcast %mul3A_1529 : i32 to vector<16xi32>
    %mul3A_1531 = arith.muli %mul3A_1530, %add3A_1524 : vector<16xi32>
    %add3A_1532 = arith.constant 1 : i32
    %add3A_1533 = vector.broadcast %add3A_1532 : i32 to vector<16xi32>
    %add3A_1534 = arith.addi %mul3A_1531, %add3A_1533 : vector<16xi32>
    %gather3A_1535 = tpu.vector_load_idx %arg7[%add3A_1534] : memref<4096xi32, #tpu.memory_space<vmem>>[vector<16xi32>], vector<16xi32>,
    %mul3A_1536 = arith.constant 4 : i32
    %mul3A_1537 = vector.broadcast %mul3A_1536 : i32 to vector<16xi32>
    %mul3A_1538 = arith.muli %mul3A_1537, %add3A_1524 : vector<16xi32>
    %add3A_1539 = arith.constant 2 : i32
    %add3A_1540 = vector.broadcast %add3A_1539 : i32 to vector<16xi32>
    %add3A_1541 = arith.addi %mul3A_1538, %add3A_1540 : vector<16xi32>
    %gather3A_1542 = tpu.vector_load_idx %arg7[%add3A_1541] : memref<4096xi32, #tpu.memory_space<vmem>>[vector<16xi32>], vector<16xi32>,
    %mul3A_1543 = arith.constant 4 : i32
    %mul3A_1544 = vector.broadcast %mul3A_1543 : i32 to vector<16xi32>
    %mul3A_1545 = arith.muli %mul3A_1544, %add3A_1524 : vector<16xi32>
    %add3A_1546 = arith.constant 3 : i32
    %add3A_1547 = vector.broadcast %add3A_1546 : i32 to vector<16xi32>
    %add3A_1548 = arith.addi %mul3A_1545, %add3A_1547 : vector<16xi32>
    %gather3A_1549 = tpu.vector_load_idx %arg7[%add3A_1548] : memref<4096xi32, #tpu.memory_space<vmem>>[vector<16xi32>], vector<16xi32>,
    %gather3A_1550 = tpu.vector_load_idx %arg8[%gather3A_1528] : memref<16xi32, #tpu.memory_space<vmem>>[vector<16xi32>], vector<16xi32>,
    %add3A_1551 = arith.addi %gather3A_1550, %gather3A_1542 : vector<16xi32>
    %gather3A_1552 = tpu.vector_load_idx %arg8[%gather3A_1535] : memref<16xi32, #tpu.memory_space<vmem>>[vector<16xi32>], vector<16xi32>,
    %add3A_1553 = arith.addi %gather3A_1552, %gather3A_1549 : vector<16xi32>
    %add3A_1554 = vector.broadcast %mul3A_6 : i32 to vector<16xi32>
    %add3A_1555 = arith.addi %add3A_1554, %add3A_1524 : vector<16xi32>
    %mul3A_1556 = arith.constant 2 : i32
    %mul3A_1557 = vector.broadcast %mul3A_1556 : i32 to vector<16xi32>
    %mul3A_1558 = arith.muli %mul3A_1557, %add3A_1524 : vector<16xi32>
    %add3A_1559 = arith.constant 1 : i32
    %add3A_1560 = vector.broadcast %add3A_1559 : i32 to vector<16xi32>
    %add3A_1561 = arith.addi %mul3A_1558, %add3A_1560 : vector<16xi32>
    tpu.vector_store_idx %arg10[%mul3A_1558], %add3A_1551 : memref<2048xi32, #tpu.memory_space<vmem>>[vector<16xi32>], vector<16xi32>,
    tpu.vector_store_idx %arg10[%add3A_1561], %add3A_1553 : memref<2048xi32, #tpu.memory_space<vmem>>[vector<16xi32>], vector<16xi32>,
    tpu.vector_store_idx %arg11[%mul3A_1558], %add3A_1555 : memref<2048xi32, #tpu.memory_space<vmem>>[vector<16xi32>], vector<16xi32>,
    tpu.vector_store_idx %arg11[%add3A_1561], %add3A_1555 : memref<2048xi32, #tpu.memory_space<vmem>>[vector<16xi32>], vector<16xi32>,
    %iota3A_1562 = tpu.iota {dimensions = array<i32: 0>} : vector<16xi32>
    %add3A_1563 = arith.constant 608 : i32
    %add3A_1564 = vector.broadcast %add3A_1563 : i32 to vector<16xi32>
    %add3A_1565 = arith.addi %add3A_1564, %iota3A_1562 : vector<16xi32>
    %mul3A_1566 = arith.constant 4 : i32
    %mul3A_1567 = vector.broadcast %mul3A_1566 : i32 to vector<16xi32>
    %mul3A_1568 = arith.muli %mul3A_1567, %add3A_1565 : vector<16xi32>
    %gather3A_1569 = tpu.vector_load_idx %arg7[%mul3A_1568] : memref<4096xi32, #tpu.memory_space<vmem>>[vector<16xi32>], vector<16xi32>,
    %mul3A_1570 = arith.constant 4 : i32
    %mul3A_1571 = vector.broadcast %mul3A_1570 : i32 to vector<16xi32>
    %mul3A_1572 = arith.muli %mul3A_1571, %add3A_1565 : vector<16xi32>
    %add3A_1573 = arith.constant 1 : i32
    %add3A_1574 = vector.broadcast %add3A_1573 : i32 to vector<16xi32>
    %add3A_1575 = arith.addi %mul3A_1572, %add3A_1574 : vector<16xi32>
    %gather3A_1576 = tpu.vector_load_idx %arg7[%add3A_1575] : memref<4096xi32, #tpu.memory_space<vmem>>[vector<16xi32>], vector<16xi32>,
    %mul3A_1577 = arith.constant 4 : i32
    %mul3A_1578 = vector.broadcast %mul3A_1577 : i32 to vector<16xi32>
    %mul3A_1579 = arith.muli %mul3A_1578, %add3A_1565 : vector<16xi32>
    %add3A_1580 = arith.constant 2 : i32
    %add3A_1581 = vector.broadcast %add3A_1580 : i32 to vector<16xi32>
    %add3A_1582 = arith.addi %mul3A_1579, %add3A_1581 : vector<16xi32>
    %gather3A_1583 = tpu.vector_load_idx %arg7[%add3A_1582] : memref<4096xi32, #tpu.memory_space<vmem>>[vector<16xi32>], vector<16xi32>,
    %mul3A_1584 = arith.constant 4 : i32
    %mul3A_1585 = vector.broadcast %mul3A_1584 : i32 to vector<16xi32>
    %mul3A_1586 = arith.muli %mul3A_1585, %add3A_1565 : vector<16xi32>
    %add3A_1587 = arith.constant 3 : i32
    %add3A_1588 = vector.broadcast %add3A_1587 : i32 to vector<16xi32>
    %add3A_1589 = arith.addi %mul3A_1586, %add3A_1588 : vector<16xi32>
    %gather3A_1590 = tpu.vector_load_idx %arg7[%add3A_1589] : memref<4096xi32, #tpu.memory_space<vmem>>[vector<16xi32>], vector<16xi32>,
    %gather3A_1591 = tpu.vector_load_idx %arg8[%gather3A_1569] : memref<16xi32, #tpu.memory_space<vmem>>[vector<16xi32>], vector<16xi32>,
    %add3A_1592 = arith.addi %gather3A_1591, %gather3A_1583 : vector<16xi32>
    %gather3A_1593 = tpu.vector_load_idx %arg8[%gather3A_1576] : memref<16xi32, #tpu.memory_space<vmem>>[vector<16xi32>], vector<16xi32>,
    %add3A_1594 = arith.addi %gather3A_1593, %gather3A_1590 : vector<16xi32>
    %add3A_1595 = vector.broadcast %mul3A_6 : i32 to vector<16xi32>
    %add3A_1596 = arith.addi %add3A_1595, %add3A_1565 : vector<16xi32>
    %mul3A_1597 = arith.constant 2 : i32
    %mul3A_1598 = vector.broadcast %mul3A_1597 : i32 to vector<16xi32>
    %mul3A_1599 = arith.muli %mul3A_1598, %add3A_1565 : vector<16xi32>
    %add3A_1600 = arith.constant 1 : i32
    %add3A_1601 = vector.broadcast %add3A_1600 : i32 to vector<16xi32>
    %add3A_1602 = arith.addi %mul3A_1599, %add3A_1601 : vector<16xi32>
    tpu.vector_store_idx %arg10[%mul3A_1599], %add3A_1592 : memref<2048xi32, #tpu.memory_space<vmem>>[vector<16xi32>], vector<16xi32>,
    tpu.vector_store_idx %arg10[%add3A_1602], %add3A_1594 : memref<2048xi32, #tpu.memory_space<vmem>>[vector<16xi32>], vector<16xi32>,
    tpu.vector_store_idx %arg11[%mul3A_1599], %add3A_1596 : memref<2048xi32, #tpu.memory_space<vmem>>[vector<16xi32>], vector<16xi32>,
    tpu.vector_store_idx %arg11[%add3A_1602], %add3A_1596 : memref<2048xi32, #tpu.memory_space<vmem>>[vector<16xi32>], vector<16xi32>,
    %iota3A_1603 = tpu.iota {dimensions = array<i32: 0>} : vector<16xi32>
    %add3A_1604 = arith.constant 624 : i32
    %add3A_1605 = vector.broadcast %add3A_1604 : i32 to vector<16xi32>
    %add3A_1606 = arith.addi %add3A_1605, %iota3A_1603 : vector<16xi32>
    %mul3A_1607 = arith.constant 4 : i32
    %mul3A_1608 = vector.broadcast %mul3A_1607 : i32 to vector<16xi32>
    %mul3A_1609 = arith.muli %mul3A_1608, %add3A_1606 : vector<16xi32>
    %gather3A_1610 = tpu.vector_load_idx %arg7[%mul3A_1609] : memref<4096xi32, #tpu.memory_space<vmem>>[vector<16xi32>], vector<16xi32>,
    %mul3A_1611 = arith.constant 4 : i32
    %mul3A_1612 = vector.broadcast %mul3A_1611 : i32 to vector<16xi32>
    %mul3A_1613 = arith.muli %mul3A_1612, %add3A_1606 : vector<16xi32>
    %add3A_1614 = arith.constant 1 : i32
    %add3A_1615 = vector.broadcast %add3A_1614 : i32 to vector<16xi32>
    %add3A_1616 = arith.addi %mul3A_1613, %add3A_1615 : vector<16xi32>
    %gather3A_1617 = tpu.vector_load_idx %arg7[%add3A_1616] : memref<4096xi32, #tpu.memory_space<vmem>>[vector<16xi32>], vector<16xi32>,
    %mul3A_1618 = arith.constant 4 : i32
    %mul3A_1619 = vector.broadcast %mul3A_1618 : i32 to vector<16xi32>
    %mul3A_1620 = arith.muli %mul3A_1619, %add3A_1606 : vector<16xi32>
    %add3A_1621 = arith.constant 2 : i32
    %add3A_1622 = vector.broadcast %add3A_1621 : i32 to vector<16xi32>
    %add3A_1623 = arith.addi %mul3A_1620, %add3A_1622 : vector<16xi32>
    %gather3A_1624 = tpu.vector_load_idx %arg7[%add3A_1623] : memref<4096xi32, #tpu.memory_space<vmem>>[vector<16xi32>], vector<16xi32>,
    %mul3A_1625 = arith.constant 4 : i32
    %mul3A_1626 = vector.broadcast %mul3A_1625 : i32 to vector<16xi32>
    %mul3A_1627 = arith.muli %mul3A_1626, %add3A_1606 : vector<16xi32>
    %add3A_1628 = arith.constant 3 : i32
    %add3A_1629 = vector.broadcast %add3A_1628 : i32 to vector<16xi32>
    %add3A_1630 = arith.addi %mul3A_1627, %add3A_1629 : vector<16xi32>
    %gather3A_1631 = tpu.vector_load_idx %arg7[%add3A_1630] : memref<4096xi32, #tpu.memory_space<vmem>>[vector<16xi32>], vector<16xi32>,
    %gather3A_1632 = tpu.vector_load_idx %arg8[%gather3A_1610] : memref<16xi32, #tpu.memory_space<vmem>>[vector<16xi32>], vector<16xi32>,
    %add3A_1633 = arith.addi %gather3A_1632, %gather3A_1624 : vector<16xi32>
    %gather3A_1634 = tpu.vector_load_idx %arg8[%gather3A_1617] : memref<16xi32, #tpu.memory_space<vmem>>[vector<16xi32>], vector<16xi32>,
    %add3A_1635 = arith.addi %gather3A_1634, %gather3A_1631 : vector<16xi32>
    %add3A_1636 = vector.broadcast %mul3A_6 : i32 to vector<16xi32>
    %add3A_1637 = arith.addi %add3A_1636, %add3A_1606 : vector<16xi32>
    %mul3A_1638 = arith.constant 2 : i32
    %mul3A_1639 = vector.broadcast %mul3A_1638 : i32 to vector<16xi32>
    %mul3A_1640 = arith.muli %mul3A_1639, %add3A_1606 : vector<16xi32>
    %add3A_1641 = arith.constant 1 : i32
    %add3A_1642 = vector.broadcast %add3A_1641 : i32 to vector<16xi32>
    %add3A_1643 = arith.addi %mul3A_1640, %add3A_1642 : vector<16xi32>
    tpu.vector_store_idx %arg10[%mul3A_1640], %add3A_1633 : memref<2048xi32, #tpu.memory_space<vmem>>[vector<16xi32>], vector<16xi32>,
    tpu.vector_store_idx %arg10[%add3A_1643], %add3A_1635 : memref<2048xi32, #tpu.memory_space<vmem>>[vector<16xi32>], vector<16xi32>,
    tpu.vector_store_idx %arg11[%mul3A_1640], %add3A_1637 : memref<2048xi32, #tpu.memory_space<vmem>>[vector<16xi32>], vector<16xi32>,
    tpu.vector_store_idx %arg11[%add3A_1643], %add3A_1637 : memref<2048xi32, #tpu.memory_space<vmem>>[vector<16xi32>], vector<16xi32>,
    %iota3A_1644 = tpu.iota {dimensions = array<i32: 0>} : vector<16xi32>
    %add3A_1645 = arith.constant 640 : i32
    %add3A_1646 = vector.broadcast %add3A_1645 : i32 to vector<16xi32>
    %add3A_1647 = arith.addi %add3A_1646, %iota3A_1644 : vector<16xi32>
    %mul3A_1648 = arith.constant 4 : i32
    %mul3A_1649 = vector.broadcast %mul3A_1648 : i32 to vector<16xi32>
    %mul3A_1650 = arith.muli %mul3A_1649, %add3A_1647 : vector<16xi32>
    %gather3A_1651 = tpu.vector_load_idx %arg7[%mul3A_1650] : memref<4096xi32, #tpu.memory_space<vmem>>[vector<16xi32>], vector<16xi32>,
    %mul3A_1652 = arith.constant 4 : i32
    %mul3A_1653 = vector.broadcast %mul3A_1652 : i32 to vector<16xi32>
    %mul3A_1654 = arith.muli %mul3A_1653, %add3A_1647 : vector<16xi32>
    %add3A_1655 = arith.constant 1 : i32
    %add3A_1656 = vector.broadcast %add3A_1655 : i32 to vector<16xi32>
    %add3A_1657 = arith.addi %mul3A_1654, %add3A_1656 : vector<16xi32>
    %gather3A_1658 = tpu.vector_load_idx %arg7[%add3A_1657] : memref<4096xi32, #tpu.memory_space<vmem>>[vector<16xi32>], vector<16xi32>,
    %mul3A_1659 = arith.constant 4 : i32
    %mul3A_1660 = vector.broadcast %mul3A_1659 : i32 to vector<16xi32>
    %mul3A_1661 = arith.muli %mul3A_1660, %add3A_1647 : vector<16xi32>
    %add3A_1662 = arith.constant 2 : i32
    %add3A_1663 = vector.broadcast %add3A_1662 : i32 to vector<16xi32>
    %add3A_1664 = arith.addi %mul3A_1661, %add3A_1663 : vector<16xi32>
    %gather3A_1665 = tpu.vector_load_idx %arg7[%add3A_1664] : memref<4096xi32, #tpu.memory_space<vmem>>[vector<16xi32>], vector<16xi32>,
    %mul3A_1666 = arith.constant 4 : i32
    %mul3A_1667 = vector.broadcast %mul3A_1666 : i32 to vector<16xi32>
    %mul3A_1668 = arith.muli %mul3A_1667, %add3A_1647 : vector<16xi32>
    %add3A_1669 = arith.constant 3 : i32
    %add3A_1670 = vector.broadcast %add3A_1669 : i32 to vector<16xi32>
    %add3A_1671 = arith.addi %mul3A_1668, %add3A_1670 : vector<16xi32>
    %gather3A_1672 = tpu.vector_load_idx %arg7[%add3A_1671] : memref<4096xi32, #tpu.memory_space<vmem>>[vector<16xi32>], vector<16xi32>,
    %gather3A_1673 = tpu.vector_load_idx %arg8[%gather3A_1651] : memref<16xi32, #tpu.memory_space<vmem>>[vector<16xi32>], vector<16xi32>,
    %add3A_1674 = arith.addi %gather3A_1673, %gather3A_1665 : vector<16xi32>
    %gather3A_1675 = tpu.vector_load_idx %arg8[%gather3A_1658] : memref<16xi32, #tpu.memory_space<vmem>>[vector<16xi32>], vector<16xi32>,
    %add3A_1676 = arith.addi %gather3A_1675, %gather3A_1672 : vector<16xi32>
    %add3A_1677 = vector.broadcast %mul3A_6 : i32 to vector<16xi32>
    %add3A_1678 = arith.addi %add3A_1677, %add3A_1647 : vector<16xi32>
    %mul3A_1679 = arith.constant 2 : i32
    %mul3A_1680 = vector.broadcast %mul3A_1679 : i32 to vector<16xi32>
    %mul3A_1681 = arith.muli %mul3A_1680, %add3A_1647 : vector<16xi32>
    %add3A_1682 = arith.constant 1 : i32
    %add3A_1683 = vector.broadcast %add3A_1682 : i32 to vector<16xi32>
    %add3A_1684 = arith.addi %mul3A_1681, %add3A_1683 : vector<16xi32>
    tpu.vector_store_idx %arg10[%mul3A_1681], %add3A_1674 : memref<2048xi32, #tpu.memory_space<vmem>>[vector<16xi32>], vector<16xi32>,
    tpu.vector_store_idx %arg10[%add3A_1684], %add3A_1676 : memref<2048xi32, #tpu.memory_space<vmem>>[vector<16xi32>], vector<16xi32>,
    tpu.vector_store_idx %arg11[%mul3A_1681], %add3A_1678 : memref<2048xi32, #tpu.memory_space<vmem>>[vector<16xi32>], vector<16xi32>,
    tpu.vector_store_idx %arg11[%add3A_1684], %add3A_1678 : memref<2048xi32, #tpu.memory_space<vmem>>[vector<16xi32>], vector<16xi32>,
    %iota3A_1685 = tpu.iota {dimensions = array<i32: 0>} : vector<16xi32>
    %add3A_1686 = arith.constant 656 : i32
    %add3A_1687 = vector.broadcast %add3A_1686 : i32 to vector<16xi32>
    %add3A_1688 = arith.addi %add3A_1687, %iota3A_1685 : vector<16xi32>
    %mul3A_1689 = arith.constant 4 : i32
    %mul3A_1690 = vector.broadcast %mul3A_1689 : i32 to vector<16xi32>
    %mul3A_1691 = arith.muli %mul3A_1690, %add3A_1688 : vector<16xi32>
    %gather3A_1692 = tpu.vector_load_idx %arg7[%mul3A_1691] : memref<4096xi32, #tpu.memory_space<vmem>>[vector<16xi32>], vector<16xi32>,
    %mul3A_1693 = arith.constant 4 : i32
    %mul3A_1694 = vector.broadcast %mul3A_1693 : i32 to vector<16xi32>
    %mul3A_1695 = arith.muli %mul3A_1694, %add3A_1688 : vector<16xi32>
    %add3A_1696 = arith.constant 1 : i32
    %add3A_1697 = vector.broadcast %add3A_1696 : i32 to vector<16xi32>
    %add3A_1698 = arith.addi %mul3A_1695, %add3A_1697 : vector<16xi32>
    %gather3A_1699 = tpu.vector_load_idx %arg7[%add3A_1698] : memref<4096xi32, #tpu.memory_space<vmem>>[vector<16xi32>], vector<16xi32>,
    %mul3A_1700 = arith.constant 4 : i32
    %mul3A_1701 = vector.broadcast %mul3A_1700 : i32 to vector<16xi32>
    %mul3A_1702 = arith.muli %mul3A_1701, %add3A_1688 : vector<16xi32>
    %add3A_1703 = arith.constant 2 : i32
    %add3A_1704 = vector.broadcast %add3A_1703 : i32 to vector<16xi32>
    %add3A_1705 = arith.addi %mul3A_1702, %add3A_1704 : vector<16xi32>
    %gather3A_1706 = tpu.vector_load_idx %arg7[%add3A_1705] : memref<4096xi32, #tpu.memory_space<vmem>>[vector<16xi32>], vector<16xi32>,
    %mul3A_1707 = arith.constant 4 : i32
    %mul3A_1708 = vector.broadcast %mul3A_1707 : i32 to vector<16xi32>
    %mul3A_1709 = arith.muli %mul3A_1708, %add3A_1688 : vector<16xi32>
    %add3A_1710 = arith.constant 3 : i32
    %add3A_1711 = vector.broadcast %add3A_1710 : i32 to vector<16xi32>
    %add3A_1712 = arith.addi %mul3A_1709, %add3A_1711 : vector<16xi32>
    %gather3A_1713 = tpu.vector_load_idx %arg7[%add3A_1712] : memref<4096xi32, #tpu.memory_space<vmem>>[vector<16xi32>], vector<16xi32>,
    %gather3A_1714 = tpu.vector_load_idx %arg8[%gather3A_1692] : memref<16xi32, #tpu.memory_space<vmem>>[vector<16xi32>], vector<16xi32>,
    %add3A_1715 = arith.addi %gather3A_1714, %gather3A_1706 : vector<16xi32>
    %gather3A_1716 = tpu.vector_load_idx %arg8[%gather3A_1699] : memref<16xi32, #tpu.memory_space<vmem>>[vector<16xi32>], vector<16xi32>,
    %add3A_1717 = arith.addi %gather3A_1716, %gather3A_1713 : vector<16xi32>
    %add3A_1718 = vector.broadcast %mul3A_6 : i32 to vector<16xi32>
    %add3A_1719 = arith.addi %add3A_1718, %add3A_1688 : vector<16xi32>
    %mul3A_1720 = arith.constant 2 : i32
    %mul3A_1721 = vector.broadcast %mul3A_1720 : i32 to vector<16xi32>
    %mul3A_1722 = arith.muli %mul3A_1721, %add3A_1688 : vector<16xi32>
    %add3A_1723 = arith.constant 1 : i32
    %add3A_1724 = vector.broadcast %add3A_1723 : i32 to vector<16xi32>
    %add3A_1725 = arith.addi %mul3A_1722, %add3A_1724 : vector<16xi32>
    tpu.vector_store_idx %arg10[%mul3A_1722], %add3A_1715 : memref<2048xi32, #tpu.memory_space<vmem>>[vector<16xi32>], vector<16xi32>,
    tpu.vector_store_idx %arg10[%add3A_1725], %add3A_1717 : memref<2048xi32, #tpu.memory_space<vmem>>[vector<16xi32>], vector<16xi32>,
    tpu.vector_store_idx %arg11[%mul3A_1722], %add3A_1719 : memref<2048xi32, #tpu.memory_space<vmem>>[vector<16xi32>], vector<16xi32>,
    tpu.vector_store_idx %arg11[%add3A_1725], %add3A_1719 : memref<2048xi32, #tpu.memory_space<vmem>>[vector<16xi32>], vector<16xi32>,
    %iota3A_1726 = tpu.iota {dimensions = array<i32: 0>} : vector<16xi32>
    %add3A_1727 = arith.constant 672 : i32
    %add3A_1728 = vector.broadcast %add3A_1727 : i32 to vector<16xi32>
    %add3A_1729 = arith.addi %add3A_1728, %iota3A_1726 : vector<16xi32>
    %mul3A_1730 = arith.constant 4 : i32
    %mul3A_1731 = vector.broadcast %mul3A_1730 : i32 to vector<16xi32>
    %mul3A_1732 = arith.muli %mul3A_1731, %add3A_1729 : vector<16xi32>
    %gather3A_1733 = tpu.vector_load_idx %arg7[%mul3A_1732] : memref<4096xi32, #tpu.memory_space<vmem>>[vector<16xi32>], vector<16xi32>,
    %mul3A_1734 = arith.constant 4 : i32
    %mul3A_1735 = vector.broadcast %mul3A_1734 : i32 to vector<16xi32>
    %mul3A_1736 = arith.muli %mul3A_1735, %add3A_1729 : vector<16xi32>
    %add3A_1737 = arith.constant 1 : i32
    %add3A_1738 = vector.broadcast %add3A_1737 : i32 to vector<16xi32>
    %add3A_1739 = arith.addi %mul3A_1736, %add3A_1738 : vector<16xi32>
    %gather3A_1740 = tpu.vector_load_idx %arg7[%add3A_1739] : memref<4096xi32, #tpu.memory_space<vmem>>[vector<16xi32>], vector<16xi32>,
    %mul3A_1741 = arith.constant 4 : i32
    %mul3A_1742 = vector.broadcast %mul3A_1741 : i32 to vector<16xi32>
    %mul3A_1743 = arith.muli %mul3A_1742, %add3A_1729 : vector<16xi32>
    %add3A_1744 = arith.constant 2 : i32
    %add3A_1745 = vector.broadcast %add3A_1744 : i32 to vector<16xi32>
    %add3A_1746 = arith.addi %mul3A_1743, %add3A_1745 : vector<16xi32>
    %gather3A_1747 = tpu.vector_load_idx %arg7[%add3A_1746] : memref<4096xi32, #tpu.memory_space<vmem>>[vector<16xi32>], vector<16xi32>,
    %mul3A_1748 = arith.constant 4 : i32
    %mul3A_1749 = vector.broadcast %mul3A_1748 : i32 to vector<16xi32>
    %mul3A_1750 = arith.muli %mul3A_1749, %add3A_1729 : vector<16xi32>
    %add3A_1751 = arith.constant 3 : i32
    %add3A_1752 = vector.broadcast %add3A_1751 : i32 to vector<16xi32>
    %add3A_1753 = arith.addi %mul3A_1750, %add3A_1752 : vector<16xi32>
    %gather3A_1754 = tpu.vector_load_idx %arg7[%add3A_1753] : memref<4096xi32, #tpu.memory_space<vmem>>[vector<16xi32>], vector<16xi32>,
    %gather3A_1755 = tpu.vector_load_idx %arg8[%gather3A_1733] : memref<16xi32, #tpu.memory_space<vmem>>[vector<16xi32>], vector<16xi32>,
    %add3A_1756 = arith.addi %gather3A_1755, %gather3A_1747 : vector<16xi32>
    %gather3A_1757 = tpu.vector_load_idx %arg8[%gather3A_1740] : memref<16xi32, #tpu.memory_space<vmem>>[vector<16xi32>], vector<16xi32>,
    %add3A_1758 = arith.addi %gather3A_1757, %gather3A_1754 : vector<16xi32>
    %add3A_1759 = vector.broadcast %mul3A_6 : i32 to vector<16xi32>
    %add3A_1760 = arith.addi %add3A_1759, %add3A_1729 : vector<16xi32>
    %mul3A_1761 = arith.constant 2 : i32
    %mul3A_1762 = vector.broadcast %mul3A_1761 : i32 to vector<16xi32>
    %mul3A_1763 = arith.muli %mul3A_1762, %add3A_1729 : vector<16xi32>
    %add3A_1764 = arith.constant 1 : i32
    %add3A_1765 = vector.broadcast %add3A_1764 : i32 to vector<16xi32>
    %add3A_1766 = arith.addi %mul3A_1763, %add3A_1765 : vector<16xi32>
    tpu.vector_store_idx %arg10[%mul3A_1763], %add3A_1756 : memref<2048xi32, #tpu.memory_space<vmem>>[vector<16xi32>], vector<16xi32>,
    tpu.vector_store_idx %arg10[%add3A_1766], %add3A_1758 : memref<2048xi32, #tpu.memory_space<vmem>>[vector<16xi32>], vector<16xi32>,
    tpu.vector_store_idx %arg11[%mul3A_1763], %add3A_1760 : memref<2048xi32, #tpu.memory_space<vmem>>[vector<16xi32>], vector<16xi32>,
    tpu.vector_store_idx %arg11[%add3A_1766], %add3A_1760 : memref<2048xi32, #tpu.memory_space<vmem>>[vector<16xi32>], vector<16xi32>,
    %iota3A_1767 = tpu.iota {dimensions = array<i32: 0>} : vector<16xi32>
    %add3A_1768 = arith.constant 688 : i32
    %add3A_1769 = vector.broadcast %add3A_1768 : i32 to vector<16xi32>
    %add3A_1770 = arith.addi %add3A_1769, %iota3A_1767 : vector<16xi32>
    %mul3A_1771 = arith.constant 4 : i32
    %mul3A_1772 = vector.broadcast %mul3A_1771 : i32 to vector<16xi32>
    %mul3A_1773 = arith.muli %mul3A_1772, %add3A_1770 : vector<16xi32>
    %gather3A_1774 = tpu.vector_load_idx %arg7[%mul3A_1773] : memref<4096xi32, #tpu.memory_space<vmem>>[vector<16xi32>], vector<16xi32>,
    %mul3A_1775 = arith.constant 4 : i32
    %mul3A_1776 = vector.broadcast %mul3A_1775 : i32 to vector<16xi32>
    %mul3A_1777 = arith.muli %mul3A_1776, %add3A_1770 : vector<16xi32>
    %add3A_1778 = arith.constant 1 : i32
    %add3A_1779 = vector.broadcast %add3A_1778 : i32 to vector<16xi32>
    %add3A_1780 = arith.addi %mul3A_1777, %add3A_1779 : vector<16xi32>
    %gather3A_1781 = tpu.vector_load_idx %arg7[%add3A_1780] : memref<4096xi32, #tpu.memory_space<vmem>>[vector<16xi32>], vector<16xi32>,
    %mul3A_1782 = arith.constant 4 : i32
    %mul3A_1783 = vector.broadcast %mul3A_1782 : i32 to vector<16xi32>
    %mul3A_1784 = arith.muli %mul3A_1783, %add3A_1770 : vector<16xi32>
    %add3A_1785 = arith.constant 2 : i32
    %add3A_1786 = vector.broadcast %add3A_1785 : i32 to vector<16xi32>
    %add3A_1787 = arith.addi %mul3A_1784, %add3A_1786 : vector<16xi32>
    %gather3A_1788 = tpu.vector_load_idx %arg7[%add3A_1787] : memref<4096xi32, #tpu.memory_space<vmem>>[vector<16xi32>], vector<16xi32>,
    %mul3A_1789 = arith.constant 4 : i32
    %mul3A_1790 = vector.broadcast %mul3A_1789 : i32 to vector<16xi32>
    %mul3A_1791 = arith.muli %mul3A_1790, %add3A_1770 : vector<16xi32>
    %add3A_1792 = arith.constant 3 : i32
    %add3A_1793 = vector.broadcast %add3A_1792 : i32 to vector<16xi32>
    %add3A_1794 = arith.addi %mul3A_1791, %add3A_1793 : vector<16xi32>
    %gather3A_1795 = tpu.vector_load_idx %arg7[%add3A_1794] : memref<4096xi32, #tpu.memory_space<vmem>>[vector<16xi32>], vector<16xi32>,
    %gather3A_1796 = tpu.vector_load_idx %arg8[%gather3A_1774] : memref<16xi32, #tpu.memory_space<vmem>>[vector<16xi32>], vector<16xi32>,
    %add3A_1797 = arith.addi %gather3A_1796, %gather3A_1788 : vector<16xi32>
    %gather3A_1798 = tpu.vector_load_idx %arg8[%gather3A_1781] : memref<16xi32, #tpu.memory_space<vmem>>[vector<16xi32>], vector<16xi32>,
    %add3A_1799 = arith.addi %gather3A_1798, %gather3A_1795 : vector<16xi32>
    %add3A_1800 = vector.broadcast %mul3A_6 : i32 to vector<16xi32>
    %add3A_1801 = arith.addi %add3A_1800, %add3A_1770 : vector<16xi32>
    %mul3A_1802 = arith.constant 2 : i32
    %mul3A_1803 = vector.broadcast %mul3A_1802 : i32 to vector<16xi32>
    %mul3A_1804 = arith.muli %mul3A_1803, %add3A_1770 : vector<16xi32>
    %add3A_1805 = arith.constant 1 : i32
    %add3A_1806 = vector.broadcast %add3A_1805 : i32 to vector<16xi32>
    %add3A_1807 = arith.addi %mul3A_1804, %add3A_1806 : vector<16xi32>
    tpu.vector_store_idx %arg10[%mul3A_1804], %add3A_1797 : memref<2048xi32, #tpu.memory_space<vmem>>[vector<16xi32>], vector<16xi32>,
    tpu.vector_store_idx %arg10[%add3A_1807], %add3A_1799 : memref<2048xi32, #tpu.memory_space<vmem>>[vector<16xi32>], vector<16xi32>,
    tpu.vector_store_idx %arg11[%mul3A_1804], %add3A_1801 : memref<2048xi32, #tpu.memory_space<vmem>>[vector<16xi32>], vector<16xi32>,
    tpu.vector_store_idx %arg11[%add3A_1807], %add3A_1801 : memref<2048xi32, #tpu.memory_space<vmem>>[vector<16xi32>], vector<16xi32>,
    %iota3A_1808 = tpu.iota {dimensions = array<i32: 0>} : vector<16xi32>
    %add3A_1809 = arith.constant 704 : i32
    %add3A_1810 = vector.broadcast %add3A_1809 : i32 to vector<16xi32>
    %add3A_1811 = arith.addi %add3A_1810, %iota3A_1808 : vector<16xi32>
    %mul3A_1812 = arith.constant 4 : i32
    %mul3A_1813 = vector.broadcast %mul3A_1812 : i32 to vector<16xi32>
    %mul3A_1814 = arith.muli %mul3A_1813, %add3A_1811 : vector<16xi32>
    %gather3A_1815 = tpu.vector_load_idx %arg7[%mul3A_1814] : memref<4096xi32, #tpu.memory_space<vmem>>[vector<16xi32>], vector<16xi32>,
    %mul3A_1816 = arith.constant 4 : i32
    %mul3A_1817 = vector.broadcast %mul3A_1816 : i32 to vector<16xi32>
    %mul3A_1818 = arith.muli %mul3A_1817, %add3A_1811 : vector<16xi32>
    %add3A_1819 = arith.constant 1 : i32
    %add3A_1820 = vector.broadcast %add3A_1819 : i32 to vector<16xi32>
    %add3A_1821 = arith.addi %mul3A_1818, %add3A_1820 : vector<16xi32>
    %gather3A_1822 = tpu.vector_load_idx %arg7[%add3A_1821] : memref<4096xi32, #tpu.memory_space<vmem>>[vector<16xi32>], vector<16xi32>,
    %mul3A_1823 = arith.constant 4 : i32
    %mul3A_1824 = vector.broadcast %mul3A_1823 : i32 to vector<16xi32>
    %mul3A_1825 = arith.muli %mul3A_1824, %add3A_1811 : vector<16xi32>
    %add3A_1826 = arith.constant 2 : i32
    %add3A_1827 = vector.broadcast %add3A_1826 : i32 to vector<16xi32>
    %add3A_1828 = arith.addi %mul3A_1825, %add3A_1827 : vector<16xi32>
    %gather3A_1829 = tpu.vector_load_idx %arg7[%add3A_1828] : memref<4096xi32, #tpu.memory_space<vmem>>[vector<16xi32>], vector<16xi32>,
    %mul3A_1830 = arith.constant 4 : i32
    %mul3A_1831 = vector.broadcast %mul3A_1830 : i32 to vector<16xi32>
    %mul3A_1832 = arith.muli %mul3A_1831, %add3A_1811 : vector<16xi32>
    %add3A_1833 = arith.constant 3 : i32
    %add3A_1834 = vector.broadcast %add3A_1833 : i32 to vector<16xi32>
    %add3A_1835 = arith.addi %mul3A_1832, %add3A_1834 : vector<16xi32>
    %gather3A_1836 = tpu.vector_load_idx %arg7[%add3A_1835] : memref<4096xi32, #tpu.memory_space<vmem>>[vector<16xi32>], vector<16xi32>,
    %gather3A_1837 = tpu.vector_load_idx %arg8[%gather3A_1815] : memref<16xi32, #tpu.memory_space<vmem>>[vector<16xi32>], vector<16xi32>,
    %add3A_1838 = arith.addi %gather3A_1837, %gather3A_1829 : vector<16xi32>
    %gather3A_1839 = tpu.vector_load_idx %arg8[%gather3A_1822] : memref<16xi32, #tpu.memory_space<vmem>>[vector<16xi32>], vector<16xi32>,
    %add3A_1840 = arith.addi %gather3A_1839, %gather3A_1836 : vector<16xi32>
    %add3A_1841 = vector.broadcast %mul3A_6 : i32 to vector<16xi32>
    %add3A_1842 = arith.addi %add3A_1841, %add3A_1811 : vector<16xi32>
    %mul3A_1843 = arith.constant 2 : i32
    %mul3A_1844 = vector.broadcast %mul3A_1843 : i32 to vector<16xi32>
    %mul3A_1845 = arith.muli %mul3A_1844, %add3A_1811 : vector<16xi32>
    %add3A_1846 = arith.constant 1 : i32
    %add3A_1847 = vector.broadcast %add3A_1846 : i32 to vector<16xi32>
    %add3A_1848 = arith.addi %mul3A_1845, %add3A_1847 : vector<16xi32>
    tpu.vector_store_idx %arg10[%mul3A_1845], %add3A_1838 : memref<2048xi32, #tpu.memory_space<vmem>>[vector<16xi32>], vector<16xi32>,
    tpu.vector_store_idx %arg10[%add3A_1848], %add3A_1840 : memref<2048xi32, #tpu.memory_space<vmem>>[vector<16xi32>], vector<16xi32>,
    tpu.vector_store_idx %arg11[%mul3A_1845], %add3A_1842 : memref<2048xi32, #tpu.memory_space<vmem>>[vector<16xi32>], vector<16xi32>,
    tpu.vector_store_idx %arg11[%add3A_1848], %add3A_1842 : memref<2048xi32, #tpu.memory_space<vmem>>[vector<16xi32>], vector<16xi32>,
    %iota3A_1849 = tpu.iota {dimensions = array<i32: 0>} : vector<16xi32>
    %add3A_1850 = arith.constant 720 : i32
    %add3A_1851 = vector.broadcast %add3A_1850 : i32 to vector<16xi32>
    %add3A_1852 = arith.addi %add3A_1851, %iota3A_1849 : vector<16xi32>
    %mul3A_1853 = arith.constant 4 : i32
    %mul3A_1854 = vector.broadcast %mul3A_1853 : i32 to vector<16xi32>
    %mul3A_1855 = arith.muli %mul3A_1854, %add3A_1852 : vector<16xi32>
    %gather3A_1856 = tpu.vector_load_idx %arg7[%mul3A_1855] : memref<4096xi32, #tpu.memory_space<vmem>>[vector<16xi32>], vector<16xi32>,
    %mul3A_1857 = arith.constant 4 : i32
    %mul3A_1858 = vector.broadcast %mul3A_1857 : i32 to vector<16xi32>
    %mul3A_1859 = arith.muli %mul3A_1858, %add3A_1852 : vector<16xi32>
    %add3A_1860 = arith.constant 1 : i32
    %add3A_1861 = vector.broadcast %add3A_1860 : i32 to vector<16xi32>
    %add3A_1862 = arith.addi %mul3A_1859, %add3A_1861 : vector<16xi32>
    %gather3A_1863 = tpu.vector_load_idx %arg7[%add3A_1862] : memref<4096xi32, #tpu.memory_space<vmem>>[vector<16xi32>], vector<16xi32>,
    %mul3A_1864 = arith.constant 4 : i32
    %mul3A_1865 = vector.broadcast %mul3A_1864 : i32 to vector<16xi32>
    %mul3A_1866 = arith.muli %mul3A_1865, %add3A_1852 : vector<16xi32>
    %add3A_1867 = arith.constant 2 : i32
    %add3A_1868 = vector.broadcast %add3A_1867 : i32 to vector<16xi32>
    %add3A_1869 = arith.addi %mul3A_1866, %add3A_1868 : vector<16xi32>
    %gather3A_1870 = tpu.vector_load_idx %arg7[%add3A_1869] : memref<4096xi32, #tpu.memory_space<vmem>>[vector<16xi32>], vector<16xi32>,
    %mul3A_1871 = arith.constant 4 : i32
    %mul3A_1872 = vector.broadcast %mul3A_1871 : i32 to vector<16xi32>
    %mul3A_1873 = arith.muli %mul3A_1872, %add3A_1852 : vector<16xi32>
    %add3A_1874 = arith.constant 3 : i32
    %add3A_1875 = vector.broadcast %add3A_1874 : i32 to vector<16xi32>
    %add3A_1876 = arith.addi %mul3A_1873, %add3A_1875 : vector<16xi32>
    %gather3A_1877 = tpu.vector_load_idx %arg7[%add3A_1876] : memref<4096xi32, #tpu.memory_space<vmem>>[vector<16xi32>], vector<16xi32>,
    %gather3A_1878 = tpu.vector_load_idx %arg8[%gather3A_1856] : memref<16xi32, #tpu.memory_space<vmem>>[vector<16xi32>], vector<16xi32>,
    %add3A_1879 = arith.addi %gather3A_1878, %gather3A_1870 : vector<16xi32>
    %gather3A_1880 = tpu.vector_load_idx %arg8[%gather3A_1863] : memref<16xi32, #tpu.memory_space<vmem>>[vector<16xi32>], vector<16xi32>,
    %add3A_1881 = arith.addi %gather3A_1880, %gather3A_1877 : vector<16xi32>
    %add3A_1882 = vector.broadcast %mul3A_6 : i32 to vector<16xi32>
    %add3A_1883 = arith.addi %add3A_1882, %add3A_1852 : vector<16xi32>
    %mul3A_1884 = arith.constant 2 : i32
    %mul3A_1885 = vector.broadcast %mul3A_1884 : i32 to vector<16xi32>
    %mul3A_1886 = arith.muli %mul3A_1885, %add3A_1852 : vector<16xi32>
    %add3A_1887 = arith.constant 1 : i32
    %add3A_1888 = vector.broadcast %add3A_1887 : i32 to vector<16xi32>
    %add3A_1889 = arith.addi %mul3A_1886, %add3A_1888 : vector<16xi32>
    tpu.vector_store_idx %arg10[%mul3A_1886], %add3A_1879 : memref<2048xi32, #tpu.memory_space<vmem>>[vector<16xi32>], vector<16xi32>,
    tpu.vector_store_idx %arg10[%add3A_1889], %add3A_1881 : memref<2048xi32, #tpu.memory_space<vmem>>[vector<16xi32>], vector<16xi32>,
    tpu.vector_store_idx %arg11[%mul3A_1886], %add3A_1883 : memref<2048xi32, #tpu.memory_space<vmem>>[vector<16xi32>], vector<16xi32>,
    tpu.vector_store_idx %arg11[%add3A_1889], %add3A_1883 : memref<2048xi32, #tpu.memory_space<vmem>>[vector<16xi32>], vector<16xi32>,
    %iota3A_1890 = tpu.iota {dimensions = array<i32: 0>} : vector<16xi32>
    %add3A_1891 = arith.constant 736 : i32
    %add3A_1892 = vector.broadcast %add3A_1891 : i32 to vector<16xi32>
    %add3A_1893 = arith.addi %add3A_1892, %iota3A_1890 : vector<16xi32>
    %mul3A_1894 = arith.constant 4 : i32
    %mul3A_1895 = vector.broadcast %mul3A_1894 : i32 to vector<16xi32>
    %mul3A_1896 = arith.muli %mul3A_1895, %add3A_1893 : vector<16xi32>
    %gather3A_1897 = tpu.vector_load_idx %arg7[%mul3A_1896] : memref<4096xi32, #tpu.memory_space<vmem>>[vector<16xi32>], vector<16xi32>,
    %mul3A_1898 = arith.constant 4 : i32
    %mul3A_1899 = vector.broadcast %mul3A_1898 : i32 to vector<16xi32>
    %mul3A_1900 = arith.muli %mul3A_1899, %add3A_1893 : vector<16xi32>
    %add3A_1901 = arith.constant 1 : i32
    %add3A_1902 = vector.broadcast %add3A_1901 : i32 to vector<16xi32>
    %add3A_1903 = arith.addi %mul3A_1900, %add3A_1902 : vector<16xi32>
    %gather3A_1904 = tpu.vector_load_idx %arg7[%add3A_1903] : memref<4096xi32, #tpu.memory_space<vmem>>[vector<16xi32>], vector<16xi32>,
    %mul3A_1905 = arith.constant 4 : i32
    %mul3A_1906 = vector.broadcast %mul3A_1905 : i32 to vector<16xi32>
    %mul3A_1907 = arith.muli %mul3A_1906, %add3A_1893 : vector<16xi32>
    %add3A_1908 = arith.constant 2 : i32
    %add3A_1909 = vector.broadcast %add3A_1908 : i32 to vector<16xi32>
    %add3A_1910 = arith.addi %mul3A_1907, %add3A_1909 : vector<16xi32>
    %gather3A_1911 = tpu.vector_load_idx %arg7[%add3A_1910] : memref<4096xi32, #tpu.memory_space<vmem>>[vector<16xi32>], vector<16xi32>,
    %mul3A_1912 = arith.constant 4 : i32
    %mul3A_1913 = vector.broadcast %mul3A_1912 : i32 to vector<16xi32>
    %mul3A_1914 = arith.muli %mul3A_1913, %add3A_1893 : vector<16xi32>
    %add3A_1915 = arith.constant 3 : i32
    %add3A_1916 = vector.broadcast %add3A_1915 : i32 to vector<16xi32>
    %add3A_1917 = arith.addi %mul3A_1914, %add3A_1916 : vector<16xi32>
    %gather3A_1918 = tpu.vector_load_idx %arg7[%add3A_1917] : memref<4096xi32, #tpu.memory_space<vmem>>[vector<16xi32>], vector<16xi32>,
    %gather3A_1919 = tpu.vector_load_idx %arg8[%gather3A_1897] : memref<16xi32, #tpu.memory_space<vmem>>[vector<16xi32>], vector<16xi32>,
    %add3A_1920 = arith.addi %gather3A_1919, %gather3A_1911 : vector<16xi32>
    %gather3A_1921 = tpu.vector_load_idx %arg8[%gather3A_1904] : memref<16xi32, #tpu.memory_space<vmem>>[vector<16xi32>], vector<16xi32>,
    %add3A_1922 = arith.addi %gather3A_1921, %gather3A_1918 : vector<16xi32>
    %add3A_1923 = vector.broadcast %mul3A_6 : i32 to vector<16xi32>
    %add3A_1924 = arith.addi %add3A_1923, %add3A_1893 : vector<16xi32>
    %mul3A_1925 = arith.constant 2 : i32
    %mul3A_1926 = vector.broadcast %mul3A_1925 : i32 to vector<16xi32>
    %mul3A_1927 = arith.muli %mul3A_1926, %add3A_1893 : vector<16xi32>
    %add3A_1928 = arith.constant 1 : i32
    %add3A_1929 = vector.broadcast %add3A_1928 : i32 to vector<16xi32>
    %add3A_1930 = arith.addi %mul3A_1927, %add3A_1929 : vector<16xi32>
    tpu.vector_store_idx %arg10[%mul3A_1927], %add3A_1920 : memref<2048xi32, #tpu.memory_space<vmem>>[vector<16xi32>], vector<16xi32>,
    tpu.vector_store_idx %arg10[%add3A_1930], %add3A_1922 : memref<2048xi32, #tpu.memory_space<vmem>>[vector<16xi32>], vector<16xi32>,
    tpu.vector_store_idx %arg11[%mul3A_1927], %add3A_1924 : memref<2048xi32, #tpu.memory_space<vmem>>[vector<16xi32>], vector<16xi32>,
    tpu.vector_store_idx %arg11[%add3A_1930], %add3A_1924 : memref<2048xi32, #tpu.memory_space<vmem>>[vector<16xi32>], vector<16xi32>,
    %iota3A_1931 = tpu.iota {dimensions = array<i32: 0>} : vector<16xi32>
    %add3A_1932 = arith.constant 752 : i32
    %add3A_1933 = vector.broadcast %add3A_1932 : i32 to vector<16xi32>
    %add3A_1934 = arith.addi %add3A_1933, %iota3A_1931 : vector<16xi32>
    %mul3A_1935 = arith.constant 4 : i32
    %mul3A_1936 = vector.broadcast %mul3A_1935 : i32 to vector<16xi32>
    %mul3A_1937 = arith.muli %mul3A_1936, %add3A_1934 : vector<16xi32>
    %gather3A_1938 = tpu.vector_load_idx %arg7[%mul3A_1937] : memref<4096xi32, #tpu.memory_space<vmem>>[vector<16xi32>], vector<16xi32>,
    %mul3A_1939 = arith.constant 4 : i32
    %mul3A_1940 = vector.broadcast %mul3A_1939 : i32 to vector<16xi32>
    %mul3A_1941 = arith.muli %mul3A_1940, %add3A_1934 : vector<16xi32>
    %add3A_1942 = arith.constant 1 : i32
    %add3A_1943 = vector.broadcast %add3A_1942 : i32 to vector<16xi32>
    %add3A_1944 = arith.addi %mul3A_1941, %add3A_1943 : vector<16xi32>
    %gather3A_1945 = tpu.vector_load_idx %arg7[%add3A_1944] : memref<4096xi32, #tpu.memory_space<vmem>>[vector<16xi32>], vector<16xi32>,
    %mul3A_1946 = arith.constant 4 : i32
    %mul3A_1947 = vector.broadcast %mul3A_1946 : i32 to vector<16xi32>
    %mul3A_1948 = arith.muli %mul3A_1947, %add3A_1934 : vector<16xi32>
    %add3A_1949 = arith.constant 2 : i32
    %add3A_1950 = vector.broadcast %add3A_1949 : i32 to vector<16xi32>
    %add3A_1951 = arith.addi %mul3A_1948, %add3A_1950 : vector<16xi32>
    %gather3A_1952 = tpu.vector_load_idx %arg7[%add3A_1951] : memref<4096xi32, #tpu.memory_space<vmem>>[vector<16xi32>], vector<16xi32>,
    %mul3A_1953 = arith.constant 4 : i32
    %mul3A_1954 = vector.broadcast %mul3A_1953 : i32 to vector<16xi32>
    %mul3A_1955 = arith.muli %mul3A_1954, %add3A_1934 : vector<16xi32>
    %add3A_1956 = arith.constant 3 : i32
    %add3A_1957 = vector.broadcast %add3A_1956 : i32 to vector<16xi32>
    %add3A_1958 = arith.addi %mul3A_1955, %add3A_1957 : vector<16xi32>
    %gather3A_1959 = tpu.vector_load_idx %arg7[%add3A_1958] : memref<4096xi32, #tpu.memory_space<vmem>>[vector<16xi32>], vector<16xi32>,
    %gather3A_1960 = tpu.vector_load_idx %arg8[%gather3A_1938] : memref<16xi32, #tpu.memory_space<vmem>>[vector<16xi32>], vector<16xi32>,
    %add3A_1961 = arith.addi %gather3A_1960, %gather3A_1952 : vector<16xi32>
    %gather3A_1962 = tpu.vector_load_idx %arg8[%gather3A_1945] : memref<16xi32, #tpu.memory_space<vmem>>[vector<16xi32>], vector<16xi32>,
    %add3A_1963 = arith.addi %gather3A_1962, %gather3A_1959 : vector<16xi32>
    %add3A_1964 = vector.broadcast %mul3A_6 : i32 to vector<16xi32>
    %add3A_1965 = arith.addi %add3A_1964, %add3A_1934 : vector<16xi32>
    %mul3A_1966 = arith.constant 2 : i32
    %mul3A_1967 = vector.broadcast %mul3A_1966 : i32 to vector<16xi32>
    %mul3A_1968 = arith.muli %mul3A_1967, %add3A_1934 : vector<16xi32>
    %add3A_1969 = arith.constant 1 : i32
    %add3A_1970 = vector.broadcast %add3A_1969 : i32 to vector<16xi32>
    %add3A_1971 = arith.addi %mul3A_1968, %add3A_1970 : vector<16xi32>
    tpu.vector_store_idx %arg10[%mul3A_1968], %add3A_1961 : memref<2048xi32, #tpu.memory_space<vmem>>[vector<16xi32>], vector<16xi32>,
    tpu.vector_store_idx %arg10[%add3A_1971], %add3A_1963 : memref<2048xi32, #tpu.memory_space<vmem>>[vector<16xi32>], vector<16xi32>,
    tpu.vector_store_idx %arg11[%mul3A_1968], %add3A_1965 : memref<2048xi32, #tpu.memory_space<vmem>>[vector<16xi32>], vector<16xi32>,
    tpu.vector_store_idx %arg11[%add3A_1971], %add3A_1965 : memref<2048xi32, #tpu.memory_space<vmem>>[vector<16xi32>], vector<16xi32>,
    %iota3A_1972 = tpu.iota {dimensions = array<i32: 0>} : vector<16xi32>
    %add3A_1973 = arith.constant 768 : i32
    %add3A_1974 = vector.broadcast %add3A_1973 : i32 to vector<16xi32>
    %add3A_1975 = arith.addi %add3A_1974, %iota3A_1972 : vector<16xi32>
    %mul3A_1976 = arith.constant 4 : i32
    %mul3A_1977 = vector.broadcast %mul3A_1976 : i32 to vector<16xi32>
    %mul3A_1978 = arith.muli %mul3A_1977, %add3A_1975 : vector<16xi32>
    %gather3A_1979 = tpu.vector_load_idx %arg7[%mul3A_1978] : memref<4096xi32, #tpu.memory_space<vmem>>[vector<16xi32>], vector<16xi32>,
    %mul3A_1980 = arith.constant 4 : i32
    %mul3A_1981 = vector.broadcast %mul3A_1980 : i32 to vector<16xi32>
    %mul3A_1982 = arith.muli %mul3A_1981, %add3A_1975 : vector<16xi32>
    %add3A_1983 = arith.constant 1 : i32
    %add3A_1984 = vector.broadcast %add3A_1983 : i32 to vector<16xi32>
    %add3A_1985 = arith.addi %mul3A_1982, %add3A_1984 : vector<16xi32>
    %gather3A_1986 = tpu.vector_load_idx %arg7[%add3A_1985] : memref<4096xi32, #tpu.memory_space<vmem>>[vector<16xi32>], vector<16xi32>,
    %mul3A_1987 = arith.constant 4 : i32
    %mul3A_1988 = vector.broadcast %mul3A_1987 : i32 to vector<16xi32>
    %mul3A_1989 = arith.muli %mul3A_1988, %add3A_1975 : vector<16xi32>
    %add3A_1990 = arith.constant 2 : i32
    %add3A_1991 = vector.broadcast %add3A_1990 : i32 to vector<16xi32>
    %add3A_1992 = arith.addi %mul3A_1989, %add3A_1991 : vector<16xi32>
    %gather3A_1993 = tpu.vector_load_idx %arg7[%add3A_1992] : memref<4096xi32, #tpu.memory_space<vmem>>[vector<16xi32>], vector<16xi32>,
    %mul3A_1994 = arith.constant 4 : i32
    %mul3A_1995 = vector.broadcast %mul3A_1994 : i32 to vector<16xi32>
    %mul3A_1996 = arith.muli %mul3A_1995, %add3A_1975 : vector<16xi32>
    %add3A_1997 = arith.constant 3 : i32
    %add3A_1998 = vector.broadcast %add3A_1997 : i32 to vector<16xi32>
    %add3A_1999 = arith.addi %mul3A_1996, %add3A_1998 : vector<16xi32>
    %gather3A_2000 = tpu.vector_load_idx %arg7[%add3A_1999] : memref<4096xi32, #tpu.memory_space<vmem>>[vector<16xi32>], vector<16xi32>,
    %gather3A_2001 = tpu.vector_load_idx %arg8[%gather3A_1979] : memref<16xi32, #tpu.memory_space<vmem>>[vector<16xi32>], vector<16xi32>,
    %add3A_2002 = arith.addi %gather3A_2001, %gather3A_1993 : vector<16xi32>
    %gather3A_2003 = tpu.vector_load_idx %arg8[%gather3A_1986] : memref<16xi32, #tpu.memory_space<vmem>>[vector<16xi32>], vector<16xi32>,
    %add3A_2004 = arith.addi %gather3A_2003, %gather3A_2000 : vector<16xi32>
    %add3A_2005 = vector.broadcast %mul3A_6 : i32 to vector<16xi32>
    %add3A_2006 = arith.addi %add3A_2005, %add3A_1975 : vector<16xi32>
    %mul3A_2007 = arith.constant 2 : i32
    %mul3A_2008 = vector.broadcast %mul3A_2007 : i32 to vector<16xi32>
    %mul3A_2009 = arith.muli %mul3A_2008, %add3A_1975 : vector<16xi32>
    %add3A_2010 = arith.constant 1 : i32
    %add3A_2011 = vector.broadcast %add3A_2010 : i32 to vector<16xi32>
    %add3A_2012 = arith.addi %mul3A_2009, %add3A_2011 : vector<16xi32>
    tpu.vector_store_idx %arg10[%mul3A_2009], %add3A_2002 : memref<2048xi32, #tpu.memory_space<vmem>>[vector<16xi32>], vector<16xi32>,
    tpu.vector_store_idx %arg10[%add3A_2012], %add3A_2004 : memref<2048xi32, #tpu.memory_space<vmem>>[vector<16xi32>], vector<16xi32>,
    tpu.vector_store_idx %arg11[%mul3A_2009], %add3A_2006 : memref<2048xi32, #tpu.memory_space<vmem>>[vector<16xi32>], vector<16xi32>,
    tpu.vector_store_idx %arg11[%add3A_2012], %add3A_2006 : memref<2048xi32, #tpu.memory_space<vmem>>[vector<16xi32>], vector<16xi32>,
    %iota3A_2013 = tpu.iota {dimensions = array<i32: 0>} : vector<16xi32>
    %add3A_2014 = arith.constant 784 : i32
    %add3A_2015 = vector.broadcast %add3A_2014 : i32 to vector<16xi32>
    %add3A_2016 = arith.addi %add3A_2015, %iota3A_2013 : vector<16xi32>
    %mul3A_2017 = arith.constant 4 : i32
    %mul3A_2018 = vector.broadcast %mul3A_2017 : i32 to vector<16xi32>
    %mul3A_2019 = arith.muli %mul3A_2018, %add3A_2016 : vector<16xi32>
    %gather3A_2020 = tpu.vector_load_idx %arg7[%mul3A_2019] : memref<4096xi32, #tpu.memory_space<vmem>>[vector<16xi32>], vector<16xi32>,
    %mul3A_2021 = arith.constant 4 : i32
    %mul3A_2022 = vector.broadcast %mul3A_2021 : i32 to vector<16xi32>
    %mul3A_2023 = arith.muli %mul3A_2022, %add3A_2016 : vector<16xi32>
    %add3A_2024 = arith.constant 1 : i32
    %add3A_2025 = vector.broadcast %add3A_2024 : i32 to vector<16xi32>
    %add3A_2026 = arith.addi %mul3A_2023, %add3A_2025 : vector<16xi32>
    %gather3A_2027 = tpu.vector_load_idx %arg7[%add3A_2026] : memref<4096xi32, #tpu.memory_space<vmem>>[vector<16xi32>], vector<16xi32>,
    %mul3A_2028 = arith.constant 4 : i32
    %mul3A_2029 = vector.broadcast %mul3A_2028 : i32 to vector<16xi32>
    %mul3A_2030 = arith.muli %mul3A_2029, %add3A_2016 : vector<16xi32>
    %add3A_2031 = arith.constant 2 : i32
    %add3A_2032 = vector.broadcast %add3A_2031 : i32 to vector<16xi32>
    %add3A_2033 = arith.addi %mul3A_2030, %add3A_2032 : vector<16xi32>
    %gather3A_2034 = tpu.vector_load_idx %arg7[%add3A_2033] : memref<4096xi32, #tpu.memory_space<vmem>>[vector<16xi32>], vector<16xi32>,
    %mul3A_2035 = arith.constant 4 : i32
    %mul3A_2036 = vector.broadcast %mul3A_2035 : i32 to vector<16xi32>
    %mul3A_2037 = arith.muli %mul3A_2036, %add3A_2016 : vector<16xi32>
    %add3A_2038 = arith.constant 3 : i32
    %add3A_2039 = vector.broadcast %add3A_2038 : i32 to vector<16xi32>
    %add3A_2040 = arith.addi %mul3A_2037, %add3A_2039 : vector<16xi32>
    %gather3A_2041 = tpu.vector_load_idx %arg7[%add3A_2040] : memref<4096xi32, #tpu.memory_space<vmem>>[vector<16xi32>], vector<16xi32>,
    %gather3A_2042 = tpu.vector_load_idx %arg8[%gather3A_2020] : memref<16xi32, #tpu.memory_space<vmem>>[vector<16xi32>], vector<16xi32>,
    %add3A_2043 = arith.addi %gather3A_2042, %gather3A_2034 : vector<16xi32>
    %gather3A_2044 = tpu.vector_load_idx %arg8[%gather3A_2027] : memref<16xi32, #tpu.memory_space<vmem>>[vector<16xi32>], vector<16xi32>,
    %add3A_2045 = arith.addi %gather3A_2044, %gather3A_2041 : vector<16xi32>
    %add3A_2046 = vector.broadcast %mul3A_6 : i32 to vector<16xi32>
    %add3A_2047 = arith.addi %add3A_2046, %add3A_2016 : vector<16xi32>
    %mul3A_2048 = arith.constant 2 : i32
    %mul3A_2049 = vector.broadcast %mul3A_2048 : i32 to vector<16xi32>
    %mul3A_2050 = arith.muli %mul3A_2049, %add3A_2016 : vector<16xi32>
    %add3A_2051 = arith.constant 1 : i32
    %add3A_2052 = vector.broadcast %add3A_2051 : i32 to vector<16xi32>
    %add3A_2053 = arith.addi %mul3A_2050, %add3A_2052 : vector<16xi32>
    tpu.vector_store_idx %arg10[%mul3A_2050], %add3A_2043 : memref<2048xi32, #tpu.memory_space<vmem>>[vector<16xi32>], vector<16xi32>,
    tpu.vector_store_idx %arg10[%add3A_2053], %add3A_2045 : memref<2048xi32, #tpu.memory_space<vmem>>[vector<16xi32>], vector<16xi32>,
    tpu.vector_store_idx %arg11[%mul3A_2050], %add3A_2047 : memref<2048xi32, #tpu.memory_space<vmem>>[vector<16xi32>], vector<16xi32>,
    tpu.vector_store_idx %arg11[%add3A_2053], %add3A_2047 : memref<2048xi32, #tpu.memory_space<vmem>>[vector<16xi32>], vector<16xi32>,
    %iota3A_2054 = tpu.iota {dimensions = array<i32: 0>} : vector<16xi32>
    %add3A_2055 = arith.constant 800 : i32
    %add3A_2056 = vector.broadcast %add3A_2055 : i32 to vector<16xi32>
    %add3A_2057 = arith.addi %add3A_2056, %iota3A_2054 : vector<16xi32>
    %mul3A_2058 = arith.constant 4 : i32
    %mul3A_2059 = vector.broadcast %mul3A_2058 : i32 to vector<16xi32>
    %mul3A_2060 = arith.muli %mul3A_2059, %add3A_2057 : vector<16xi32>
    %gather3A_2061 = tpu.vector_load_idx %arg7[%mul3A_2060] : memref<4096xi32, #tpu.memory_space<vmem>>[vector<16xi32>], vector<16xi32>,
    %mul3A_2062 = arith.constant 4 : i32
    %mul3A_2063 = vector.broadcast %mul3A_2062 : i32 to vector<16xi32>
    %mul3A_2064 = arith.muli %mul3A_2063, %add3A_2057 : vector<16xi32>
    %add3A_2065 = arith.constant 1 : i32
    %add3A_2066 = vector.broadcast %add3A_2065 : i32 to vector<16xi32>
    %add3A_2067 = arith.addi %mul3A_2064, %add3A_2066 : vector<16xi32>
    %gather3A_2068 = tpu.vector_load_idx %arg7[%add3A_2067] : memref<4096xi32, #tpu.memory_space<vmem>>[vector<16xi32>], vector<16xi32>,
    %mul3A_2069 = arith.constant 4 : i32
    %mul3A_2070 = vector.broadcast %mul3A_2069 : i32 to vector<16xi32>
    %mul3A_2071 = arith.muli %mul3A_2070, %add3A_2057 : vector<16xi32>
    %add3A_2072 = arith.constant 2 : i32
    %add3A_2073 = vector.broadcast %add3A_2072 : i32 to vector<16xi32>
    %add3A_2074 = arith.addi %mul3A_2071, %add3A_2073 : vector<16xi32>
    %gather3A_2075 = tpu.vector_load_idx %arg7[%add3A_2074] : memref<4096xi32, #tpu.memory_space<vmem>>[vector<16xi32>], vector<16xi32>,
    %mul3A_2076 = arith.constant 4 : i32
    %mul3A_2077 = vector.broadcast %mul3A_2076 : i32 to vector<16xi32>
    %mul3A_2078 = arith.muli %mul3A_2077, %add3A_2057 : vector<16xi32>
    %add3A_2079 = arith.constant 3 : i32
    %add3A_2080 = vector.broadcast %add3A_2079 : i32 to vector<16xi32>
    %add3A_2081 = arith.addi %mul3A_2078, %add3A_2080 : vector<16xi32>
    %gather3A_2082 = tpu.vector_load_idx %arg7[%add3A_2081] : memref<4096xi32, #tpu.memory_space<vmem>>[vector<16xi32>], vector<16xi32>,
    %gather3A_2083 = tpu.vector_load_idx %arg8[%gather3A_2061] : memref<16xi32, #tpu.memory_space<vmem>>[vector<16xi32>], vector<16xi32>,
    %add3A_2084 = arith.addi %gather3A_2083, %gather3A_2075 : vector<16xi32>
    %gather3A_2085 = tpu.vector_load_idx %arg8[%gather3A_2068] : memref<16xi32, #tpu.memory_space<vmem>>[vector<16xi32>], vector<16xi32>,
    %add3A_2086 = arith.addi %gather3A_2085, %gather3A_2082 : vector<16xi32>
    %add3A_2087 = vector.broadcast %mul3A_6 : i32 to vector<16xi32>
    %add3A_2088 = arith.addi %add3A_2087, %add3A_2057 : vector<16xi32>
    %mul3A_2089 = arith.constant 2 : i32
    %mul3A_2090 = vector.broadcast %mul3A_2089 : i32 to vector<16xi32>
    %mul3A_2091 = arith.muli %mul3A_2090, %add3A_2057 : vector<16xi32>
    %add3A_2092 = arith.constant 1 : i32
    %add3A_2093 = vector.broadcast %add3A_2092 : i32 to vector<16xi32>
    %add3A_2094 = arith.addi %mul3A_2091, %add3A_2093 : vector<16xi32>
    tpu.vector_store_idx %arg10[%mul3A_2091], %add3A_2084 : memref<2048xi32, #tpu.memory_space<vmem>>[vector<16xi32>], vector<16xi32>,
    tpu.vector_store_idx %arg10[%add3A_2094], %add3A_2086 : memref<2048xi32, #tpu.memory_space<vmem>>[vector<16xi32>], vector<16xi32>,
    tpu.vector_store_idx %arg11[%mul3A_2091], %add3A_2088 : memref<2048xi32, #tpu.memory_space<vmem>>[vector<16xi32>], vector<16xi32>,
    tpu.vector_store_idx %arg11[%add3A_2094], %add3A_2088 : memref<2048xi32, #tpu.memory_space<vmem>>[vector<16xi32>], vector<16xi32>,
    %iota3A_2095 = tpu.iota {dimensions = array<i32: 0>} : vector<16xi32>
    %add3A_2096 = arith.constant 816 : i32
    %add3A_2097 = vector.broadcast %add3A_2096 : i32 to vector<16xi32>
    %add3A_2098 = arith.addi %add3A_2097, %iota3A_2095 : vector<16xi32>
    %mul3A_2099 = arith.constant 4 : i32
    %mul3A_2100 = vector.broadcast %mul3A_2099 : i32 to vector<16xi32>
    %mul3A_2101 = arith.muli %mul3A_2100, %add3A_2098 : vector<16xi32>
    %gather3A_2102 = tpu.vector_load_idx %arg7[%mul3A_2101] : memref<4096xi32, #tpu.memory_space<vmem>>[vector<16xi32>], vector<16xi32>,
    %mul3A_2103 = arith.constant 4 : i32
    %mul3A_2104 = vector.broadcast %mul3A_2103 : i32 to vector<16xi32>
    %mul3A_2105 = arith.muli %mul3A_2104, %add3A_2098 : vector<16xi32>
    %add3A_2106 = arith.constant 1 : i32
    %add3A_2107 = vector.broadcast %add3A_2106 : i32 to vector<16xi32>
    %add3A_2108 = arith.addi %mul3A_2105, %add3A_2107 : vector<16xi32>
    %gather3A_2109 = tpu.vector_load_idx %arg7[%add3A_2108] : memref<4096xi32, #tpu.memory_space<vmem>>[vector<16xi32>], vector<16xi32>,
    %mul3A_2110 = arith.constant 4 : i32
    %mul3A_2111 = vector.broadcast %mul3A_2110 : i32 to vector<16xi32>
    %mul3A_2112 = arith.muli %mul3A_2111, %add3A_2098 : vector<16xi32>
    %add3A_2113 = arith.constant 2 : i32
    %add3A_2114 = vector.broadcast %add3A_2113 : i32 to vector<16xi32>
    %add3A_2115 = arith.addi %mul3A_2112, %add3A_2114 : vector<16xi32>
    %gather3A_2116 = tpu.vector_load_idx %arg7[%add3A_2115] : memref<4096xi32, #tpu.memory_space<vmem>>[vector<16xi32>], vector<16xi32>,
    %mul3A_2117 = arith.constant 4 : i32
    %mul3A_2118 = vector.broadcast %mul3A_2117 : i32 to vector<16xi32>
    %mul3A_2119 = arith.muli %mul3A_2118, %add3A_2098 : vector<16xi32>
    %add3A_2120 = arith.constant 3 : i32
    %add3A_2121 = vector.broadcast %add3A_2120 : i32 to vector<16xi32>
    %add3A_2122 = arith.addi %mul3A_2119, %add3A_2121 : vector<16xi32>
    %gather3A_2123 = tpu.vector_load_idx %arg7[%add3A_2122] : memref<4096xi32, #tpu.memory_space<vmem>>[vector<16xi32>], vector<16xi32>,
    %gather3A_2124 = tpu.vector_load_idx %arg8[%gather3A_2102] : memref<16xi32, #tpu.memory_space<vmem>>[vector<16xi32>], vector<16xi32>,
    %add3A_2125 = arith.addi %gather3A_2124, %gather3A_2116 : vector<16xi32>
    %gather3A_2126 = tpu.vector_load_idx %arg8[%gather3A_2109] : memref<16xi32, #tpu.memory_space<vmem>>[vector<16xi32>], vector<16xi32>,
    %add3A_2127 = arith.addi %gather3A_2126, %gather3A_2123 : vector<16xi32>
    %add3A_2128 = vector.broadcast %mul3A_6 : i32 to vector<16xi32>
    %add3A_2129 = arith.addi %add3A_2128, %add3A_2098 : vector<16xi32>
    %mul3A_2130 = arith.constant 2 : i32
    %mul3A_2131 = vector.broadcast %mul3A_2130 : i32 to vector<16xi32>
    %mul3A_2132 = arith.muli %mul3A_2131, %add3A_2098 : vector<16xi32>
    %add3A_2133 = arith.constant 1 : i32
    %add3A_2134 = vector.broadcast %add3A_2133 : i32 to vector<16xi32>
    %add3A_2135 = arith.addi %mul3A_2132, %add3A_2134 : vector<16xi32>
    tpu.vector_store_idx %arg10[%mul3A_2132], %add3A_2125 : memref<2048xi32, #tpu.memory_space<vmem>>[vector<16xi32>], vector<16xi32>,
    tpu.vector_store_idx %arg10[%add3A_2135], %add3A_2127 : memref<2048xi32, #tpu.memory_space<vmem>>[vector<16xi32>], vector<16xi32>,
    tpu.vector_store_idx %arg11[%mul3A_2132], %add3A_2129 : memref<2048xi32, #tpu.memory_space<vmem>>[vector<16xi32>], vector<16xi32>,
    tpu.vector_store_idx %arg11[%add3A_2135], %add3A_2129 : memref<2048xi32, #tpu.memory_space<vmem>>[vector<16xi32>], vector<16xi32>,
    %iota3A_2136 = tpu.iota {dimensions = array<i32: 0>} : vector<16xi32>
    %add3A_2137 = arith.constant 832 : i32
    %add3A_2138 = vector.broadcast %add3A_2137 : i32 to vector<16xi32>
    %add3A_2139 = arith.addi %add3A_2138, %iota3A_2136 : vector<16xi32>
    %mul3A_2140 = arith.constant 4 : i32
    %mul3A_2141 = vector.broadcast %mul3A_2140 : i32 to vector<16xi32>
    %mul3A_2142 = arith.muli %mul3A_2141, %add3A_2139 : vector<16xi32>
    %gather3A_2143 = tpu.vector_load_idx %arg7[%mul3A_2142] : memref<4096xi32, #tpu.memory_space<vmem>>[vector<16xi32>], vector<16xi32>,
    %mul3A_2144 = arith.constant 4 : i32
    %mul3A_2145 = vector.broadcast %mul3A_2144 : i32 to vector<16xi32>
    %mul3A_2146 = arith.muli %mul3A_2145, %add3A_2139 : vector<16xi32>
    %add3A_2147 = arith.constant 1 : i32
    %add3A_2148 = vector.broadcast %add3A_2147 : i32 to vector<16xi32>
    %add3A_2149 = arith.addi %mul3A_2146, %add3A_2148 : vector<16xi32>
    %gather3A_2150 = tpu.vector_load_idx %arg7[%add3A_2149] : memref<4096xi32, #tpu.memory_space<vmem>>[vector<16xi32>], vector<16xi32>,
    %mul3A_2151 = arith.constant 4 : i32
    %mul3A_2152 = vector.broadcast %mul3A_2151 : i32 to vector<16xi32>
    %mul3A_2153 = arith.muli %mul3A_2152, %add3A_2139 : vector<16xi32>
    %add3A_2154 = arith.constant 2 : i32
    %add3A_2155 = vector.broadcast %add3A_2154 : i32 to vector<16xi32>
    %add3A_2156 = arith.addi %mul3A_2153, %add3A_2155 : vector<16xi32>
    %gather3A_2157 = tpu.vector_load_idx %arg7[%add3A_2156] : memref<4096xi32, #tpu.memory_space<vmem>>[vector<16xi32>], vector<16xi32>,
    %mul3A_2158 = arith.constant 4 : i32
    %mul3A_2159 = vector.broadcast %mul3A_2158 : i32 to vector<16xi32>
    %mul3A_2160 = arith.muli %mul3A_2159, %add3A_2139 : vector<16xi32>
    %add3A_2161 = arith.constant 3 : i32
    %add3A_2162 = vector.broadcast %add3A_2161 : i32 to vector<16xi32>
    %add3A_2163 = arith.addi %mul3A_2160, %add3A_2162 : vector<16xi32>
    %gather3A_2164 = tpu.vector_load_idx %arg7[%add3A_2163] : memref<4096xi32, #tpu.memory_space<vmem>>[vector<16xi32>], vector<16xi32>,
    %gather3A_2165 = tpu.vector_load_idx %arg8[%gather3A_2143] : memref<16xi32, #tpu.memory_space<vmem>>[vector<16xi32>], vector<16xi32>,
    %add3A_2166 = arith.addi %gather3A_2165, %gather3A_2157 : vector<16xi32>
    %gather3A_2167 = tpu.vector_load_idx %arg8[%gather3A_2150] : memref<16xi32, #tpu.memory_space<vmem>>[vector<16xi32>], vector<16xi32>,
    %add3A_2168 = arith.addi %gather3A_2167, %gather3A_2164 : vector<16xi32>
    %add3A_2169 = vector.broadcast %mul3A_6 : i32 to vector<16xi32>
    %add3A_2170 = arith.addi %add3A_2169, %add3A_2139 : vector<16xi32>
    %mul3A_2171 = arith.constant 2 : i32
    %mul3A_2172 = vector.broadcast %mul3A_2171 : i32 to vector<16xi32>
    %mul3A_2173 = arith.muli %mul3A_2172, %add3A_2139 : vector<16xi32>
    %add3A_2174 = arith.constant 1 : i32
    %add3A_2175 = vector.broadcast %add3A_2174 : i32 to vector<16xi32>
    %add3A_2176 = arith.addi %mul3A_2173, %add3A_2175 : vector<16xi32>
    tpu.vector_store_idx %arg10[%mul3A_2173], %add3A_2166 : memref<2048xi32, #tpu.memory_space<vmem>>[vector<16xi32>], vector<16xi32>,
    tpu.vector_store_idx %arg10[%add3A_2176], %add3A_2168 : memref<2048xi32, #tpu.memory_space<vmem>>[vector<16xi32>], vector<16xi32>,
    tpu.vector_store_idx %arg11[%mul3A_2173], %add3A_2170 : memref<2048xi32, #tpu.memory_space<vmem>>[vector<16xi32>], vector<16xi32>,
    tpu.vector_store_idx %arg11[%add3A_2176], %add3A_2170 : memref<2048xi32, #tpu.memory_space<vmem>>[vector<16xi32>], vector<16xi32>,
    %iota3A_2177 = tpu.iota {dimensions = array<i32: 0>} : vector<16xi32>
    %add3A_2178 = arith.constant 848 : i32
    %add3A_2179 = vector.broadcast %add3A_2178 : i32 to vector<16xi32>
    %add3A_2180 = arith.addi %add3A_2179, %iota3A_2177 : vector<16xi32>
    %mul3A_2181 = arith.constant 4 : i32
    %mul3A_2182 = vector.broadcast %mul3A_2181 : i32 to vector<16xi32>
    %mul3A_2183 = arith.muli %mul3A_2182, %add3A_2180 : vector<16xi32>
    %gather3A_2184 = tpu.vector_load_idx %arg7[%mul3A_2183] : memref<4096xi32, #tpu.memory_space<vmem>>[vector<16xi32>], vector<16xi32>,
    %mul3A_2185 = arith.constant 4 : i32
    %mul3A_2186 = vector.broadcast %mul3A_2185 : i32 to vector<16xi32>
    %mul3A_2187 = arith.muli %mul3A_2186, %add3A_2180 : vector<16xi32>
    %add3A_2188 = arith.constant 1 : i32
    %add3A_2189 = vector.broadcast %add3A_2188 : i32 to vector<16xi32>
    %add3A_2190 = arith.addi %mul3A_2187, %add3A_2189 : vector<16xi32>
    %gather3A_2191 = tpu.vector_load_idx %arg7[%add3A_2190] : memref<4096xi32, #tpu.memory_space<vmem>>[vector<16xi32>], vector<16xi32>,
    %mul3A_2192 = arith.constant 4 : i32
    %mul3A_2193 = vector.broadcast %mul3A_2192 : i32 to vector<16xi32>
    %mul3A_2194 = arith.muli %mul3A_2193, %add3A_2180 : vector<16xi32>
    %add3A_2195 = arith.constant 2 : i32
    %add3A_2196 = vector.broadcast %add3A_2195 : i32 to vector<16xi32>
    %add3A_2197 = arith.addi %mul3A_2194, %add3A_2196 : vector<16xi32>
    %gather3A_2198 = tpu.vector_load_idx %arg7[%add3A_2197] : memref<4096xi32, #tpu.memory_space<vmem>>[vector<16xi32>], vector<16xi32>,
    %mul3A_2199 = arith.constant 4 : i32
    %mul3A_2200 = vector.broadcast %mul3A_2199 : i32 to vector<16xi32>
    %mul3A_2201 = arith.muli %mul3A_2200, %add3A_2180 : vector<16xi32>
    %add3A_2202 = arith.constant 3 : i32
    %add3A_2203 = vector.broadcast %add3A_2202 : i32 to vector<16xi32>
    %add3A_2204 = arith.addi %mul3A_2201, %add3A_2203 : vector<16xi32>
    %gather3A_2205 = tpu.vector_load_idx %arg7[%add3A_2204] : memref<4096xi32, #tpu.memory_space<vmem>>[vector<16xi32>], vector<16xi32>,
    %gather3A_2206 = tpu.vector_load_idx %arg8[%gather3A_2184] : memref<16xi32, #tpu.memory_space<vmem>>[vector<16xi32>], vector<16xi32>,
    %add3A_2207 = arith.addi %gather3A_2206, %gather3A_2198 : vector<16xi32>
    %gather3A_2208 = tpu.vector_load_idx %arg8[%gather3A_2191] : memref<16xi32, #tpu.memory_space<vmem>>[vector<16xi32>], vector<16xi32>,
    %add3A_2209 = arith.addi %gather3A_2208, %gather3A_2205 : vector<16xi32>
    %add3A_2210 = vector.broadcast %mul3A_6 : i32 to vector<16xi32>
    %add3A_2211 = arith.addi %add3A_2210, %add3A_2180 : vector<16xi32>
    %mul3A_2212 = arith.constant 2 : i32
    %mul3A_2213 = vector.broadcast %mul3A_2212 : i32 to vector<16xi32>
    %mul3A_2214 = arith.muli %mul3A_2213, %add3A_2180 : vector<16xi32>
    %add3A_2215 = arith.constant 1 : i32
    %add3A_2216 = vector.broadcast %add3A_2215 : i32 to vector<16xi32>
    %add3A_2217 = arith.addi %mul3A_2214, %add3A_2216 : vector<16xi32>
    tpu.vector_store_idx %arg10[%mul3A_2214], %add3A_2207 : memref<2048xi32, #tpu.memory_space<vmem>>[vector<16xi32>], vector<16xi32>,
    tpu.vector_store_idx %arg10[%add3A_2217], %add3A_2209 : memref<2048xi32, #tpu.memory_space<vmem>>[vector<16xi32>], vector<16xi32>,
    tpu.vector_store_idx %arg11[%mul3A_2214], %add3A_2211 : memref<2048xi32, #tpu.memory_space<vmem>>[vector<16xi32>], vector<16xi32>,
    tpu.vector_store_idx %arg11[%add3A_2217], %add3A_2211 : memref<2048xi32, #tpu.memory_space<vmem>>[vector<16xi32>], vector<16xi32>,
    %iota3A_2218 = tpu.iota {dimensions = array<i32: 0>} : vector<16xi32>
    %add3A_2219 = arith.constant 864 : i32
    %add3A_2220 = vector.broadcast %add3A_2219 : i32 to vector<16xi32>
    %add3A_2221 = arith.addi %add3A_2220, %iota3A_2218 : vector<16xi32>
    %mul3A_2222 = arith.constant 4 : i32
    %mul3A_2223 = vector.broadcast %mul3A_2222 : i32 to vector<16xi32>
    %mul3A_2224 = arith.muli %mul3A_2223, %add3A_2221 : vector<16xi32>
    %gather3A_2225 = tpu.vector_load_idx %arg7[%mul3A_2224] : memref<4096xi32, #tpu.memory_space<vmem>>[vector<16xi32>], vector<16xi32>,
    %mul3A_2226 = arith.constant 4 : i32
    %mul3A_2227 = vector.broadcast %mul3A_2226 : i32 to vector<16xi32>
    %mul3A_2228 = arith.muli %mul3A_2227, %add3A_2221 : vector<16xi32>
    %add3A_2229 = arith.constant 1 : i32
    %add3A_2230 = vector.broadcast %add3A_2229 : i32 to vector<16xi32>
    %add3A_2231 = arith.addi %mul3A_2228, %add3A_2230 : vector<16xi32>
    %gather3A_2232 = tpu.vector_load_idx %arg7[%add3A_2231] : memref<4096xi32, #tpu.memory_space<vmem>>[vector<16xi32>], vector<16xi32>,
    %mul3A_2233 = arith.constant 4 : i32
    %mul3A_2234 = vector.broadcast %mul3A_2233 : i32 to vector<16xi32>
    %mul3A_2235 = arith.muli %mul3A_2234, %add3A_2221 : vector<16xi32>
    %add3A_2236 = arith.constant 2 : i32
    %add3A_2237 = vector.broadcast %add3A_2236 : i32 to vector<16xi32>
    %add3A_2238 = arith.addi %mul3A_2235, %add3A_2237 : vector<16xi32>
    %gather3A_2239 = tpu.vector_load_idx %arg7[%add3A_2238] : memref<4096xi32, #tpu.memory_space<vmem>>[vector<16xi32>], vector<16xi32>,
    %mul3A_2240 = arith.constant 4 : i32
    %mul3A_2241 = vector.broadcast %mul3A_2240 : i32 to vector<16xi32>
    %mul3A_2242 = arith.muli %mul3A_2241, %add3A_2221 : vector<16xi32>
    %add3A_2243 = arith.constant 3 : i32
    %add3A_2244 = vector.broadcast %add3A_2243 : i32 to vector<16xi32>
    %add3A_2245 = arith.addi %mul3A_2242, %add3A_2244 : vector<16xi32>
    %gather3A_2246 = tpu.vector_load_idx %arg7[%add3A_2245] : memref<4096xi32, #tpu.memory_space<vmem>>[vector<16xi32>], vector<16xi32>,
    %gather3A_2247 = tpu.vector_load_idx %arg8[%gather3A_2225] : memref<16xi32, #tpu.memory_space<vmem>>[vector<16xi32>], vector<16xi32>,
    %add3A_2248 = arith.addi %gather3A_2247, %gather3A_2239 : vector<16xi32>
    %gather3A_2249 = tpu.vector_load_idx %arg8[%gather3A_2232] : memref<16xi32, #tpu.memory_space<vmem>>[vector<16xi32>], vector<16xi32>,
    %add3A_2250 = arith.addi %gather3A_2249, %gather3A_2246 : vector<16xi32>
    %add3A_2251 = vector.broadcast %mul3A_6 : i32 to vector<16xi32>
    %add3A_2252 = arith.addi %add3A_2251, %add3A_2221 : vector<16xi32>
    %mul3A_2253 = arith.constant 2 : i32
    %mul3A_2254 = vector.broadcast %mul3A_2253 : i32 to vector<16xi32>
    %mul3A_2255 = arith.muli %mul3A_2254, %add3A_2221 : vector<16xi32>
    %add3A_2256 = arith.constant 1 : i32
    %add3A_2257 = vector.broadcast %add3A_2256 : i32 to vector<16xi32>
    %add3A_2258 = arith.addi %mul3A_2255, %add3A_2257 : vector<16xi32>
    tpu.vector_store_idx %arg10[%mul3A_2255], %add3A_2248 : memref<2048xi32, #tpu.memory_space<vmem>>[vector<16xi32>], vector<16xi32>,
    tpu.vector_store_idx %arg10[%add3A_2258], %add3A_2250 : memref<2048xi32, #tpu.memory_space<vmem>>[vector<16xi32>], vector<16xi32>,
    tpu.vector_store_idx %arg11[%mul3A_2255], %add3A_2252 : memref<2048xi32, #tpu.memory_space<vmem>>[vector<16xi32>], vector<16xi32>,
    tpu.vector_store_idx %arg11[%add3A_2258], %add3A_2252 : memref<2048xi32, #tpu.memory_space<vmem>>[vector<16xi32>], vector<16xi32>,
    %iota3A_2259 = tpu.iota {dimensions = array<i32: 0>} : vector<16xi32>
    %add3A_2260 = arith.constant 880 : i32
    %add3A_2261 = vector.broadcast %add3A_2260 : i32 to vector<16xi32>
    %add3A_2262 = arith.addi %add3A_2261, %iota3A_2259 : vector<16xi32>
    %mul3A_2263 = arith.constant 4 : i32
    %mul3A_2264 = vector.broadcast %mul3A_2263 : i32 to vector<16xi32>
    %mul3A_2265 = arith.muli %mul3A_2264, %add3A_2262 : vector<16xi32>
    %gather3A_2266 = tpu.vector_load_idx %arg7[%mul3A_2265] : memref<4096xi32, #tpu.memory_space<vmem>>[vector<16xi32>], vector<16xi32>,
    %mul3A_2267 = arith.constant 4 : i32
    %mul3A_2268 = vector.broadcast %mul3A_2267 : i32 to vector<16xi32>
    %mul3A_2269 = arith.muli %mul3A_2268, %add3A_2262 : vector<16xi32>
    %add3A_2270 = arith.constant 1 : i32
    %add3A_2271 = vector.broadcast %add3A_2270 : i32 to vector<16xi32>
    %add3A_2272 = arith.addi %mul3A_2269, %add3A_2271 : vector<16xi32>
    %gather3A_2273 = tpu.vector_load_idx %arg7[%add3A_2272] : memref<4096xi32, #tpu.memory_space<vmem>>[vector<16xi32>], vector<16xi32>,
    %mul3A_2274 = arith.constant 4 : i32
    %mul3A_2275 = vector.broadcast %mul3A_2274 : i32 to vector<16xi32>
    %mul3A_2276 = arith.muli %mul3A_2275, %add3A_2262 : vector<16xi32>
    %add3A_2277 = arith.constant 2 : i32
    %add3A_2278 = vector.broadcast %add3A_2277 : i32 to vector<16xi32>
    %add3A_2279 = arith.addi %mul3A_2276, %add3A_2278 : vector<16xi32>
    %gather3A_2280 = tpu.vector_load_idx %arg7[%add3A_2279] : memref<4096xi32, #tpu.memory_space<vmem>>[vector<16xi32>], vector<16xi32>,
    %mul3A_2281 = arith.constant 4 : i32
    %mul3A_2282 = vector.broadcast %mul3A_2281 : i32 to vector<16xi32>
    %mul3A_2283 = arith.muli %mul3A_2282, %add3A_2262 : vector<16xi32>
    %add3A_2284 = arith.constant 3 : i32
    %add3A_2285 = vector.broadcast %add3A_2284 : i32 to vector<16xi32>
    %add3A_2286 = arith.addi %mul3A_2283, %add3A_2285 : vector<16xi32>
    %gather3A_2287 = tpu.vector_load_idx %arg7[%add3A_2286] : memref<4096xi32, #tpu.memory_space<vmem>>[vector<16xi32>], vector<16xi32>,
    %gather3A_2288 = tpu.vector_load_idx %arg8[%gather3A_2266] : memref<16xi32, #tpu.memory_space<vmem>>[vector<16xi32>], vector<16xi32>,
    %add3A_2289 = arith.addi %gather3A_2288, %gather3A_2280 : vector<16xi32>
    %gather3A_2290 = tpu.vector_load_idx %arg8[%gather3A_2273] : memref<16xi32, #tpu.memory_space<vmem>>[vector<16xi32>], vector<16xi32>,
    %add3A_2291 = arith.addi %gather3A_2290, %gather3A_2287 : vector<16xi32>
    %add3A_2292 = vector.broadcast %mul3A_6 : i32 to vector<16xi32>
    %add3A_2293 = arith.addi %add3A_2292, %add3A_2262 : vector<16xi32>
    %mul3A_2294 = arith.constant 2 : i32
    %mul3A_2295 = vector.broadcast %mul3A_2294 : i32 to vector<16xi32>
    %mul3A_2296 = arith.muli %mul3A_2295, %add3A_2262 : vector<16xi32>
    %add3A_2297 = arith.constant 1 : i32
    %add3A_2298 = vector.broadcast %add3A_2297 : i32 to vector<16xi32>
    %add3A_2299 = arith.addi %mul3A_2296, %add3A_2298 : vector<16xi32>
    tpu.vector_store_idx %arg10[%mul3A_2296], %add3A_2289 : memref<2048xi32, #tpu.memory_space<vmem>>[vector<16xi32>], vector<16xi32>,
    tpu.vector_store_idx %arg10[%add3A_2299], %add3A_2291 : memref<2048xi32, #tpu.memory_space<vmem>>[vector<16xi32>], vector<16xi32>,
    tpu.vector_store_idx %arg11[%mul3A_2296], %add3A_2293 : memref<2048xi32, #tpu.memory_space<vmem>>[vector<16xi32>], vector<16xi32>,
    tpu.vector_store_idx %arg11[%add3A_2299], %add3A_2293 : memref<2048xi32, #tpu.memory_space<vmem>>[vector<16xi32>], vector<16xi32>,
    %iota3A_2300 = tpu.iota {dimensions = array<i32: 0>} : vector<16xi32>
    %add3A_2301 = arith.constant 896 : i32
    %add3A_2302 = vector.broadcast %add3A_2301 : i32 to vector<16xi32>
    %add3A_2303 = arith.addi %add3A_2302, %iota3A_2300 : vector<16xi32>
    %mul3A_2304 = arith.constant 4 : i32
    %mul3A_2305 = vector.broadcast %mul3A_2304 : i32 to vector<16xi32>
    %mul3A_2306 = arith.muli %mul3A_2305, %add3A_2303 : vector<16xi32>
    %gather3A_2307 = tpu.vector_load_idx %arg7[%mul3A_2306] : memref<4096xi32, #tpu.memory_space<vmem>>[vector<16xi32>], vector<16xi32>,
    %mul3A_2308 = arith.constant 4 : i32
    %mul3A_2309 = vector.broadcast %mul3A_2308 : i32 to vector<16xi32>
    %mul3A_2310 = arith.muli %mul3A_2309, %add3A_2303 : vector<16xi32>
    %add3A_2311 = arith.constant 1 : i32
    %add3A_2312 = vector.broadcast %add3A_2311 : i32 to vector<16xi32>
    %add3A_2313 = arith.addi %mul3A_2310, %add3A_2312 : vector<16xi32>
    %gather3A_2314 = tpu.vector_load_idx %arg7[%add3A_2313] : memref<4096xi32, #tpu.memory_space<vmem>>[vector<16xi32>], vector<16xi32>,
    %mul3A_2315 = arith.constant 4 : i32
    %mul3A_2316 = vector.broadcast %mul3A_2315 : i32 to vector<16xi32>
    %mul3A_2317 = arith.muli %mul3A_2316, %add3A_2303 : vector<16xi32>
    %add3A_2318 = arith.constant 2 : i32
    %add3A_2319 = vector.broadcast %add3A_2318 : i32 to vector<16xi32>
    %add3A_2320 = arith.addi %mul3A_2317, %add3A_2319 : vector<16xi32>
    %gather3A_2321 = tpu.vector_load_idx %arg7[%add3A_2320] : memref<4096xi32, #tpu.memory_space<vmem>>[vector<16xi32>], vector<16xi32>,
    %mul3A_2322 = arith.constant 4 : i32
    %mul3A_2323 = vector.broadcast %mul3A_2322 : i32 to vector<16xi32>
    %mul3A_2324 = arith.muli %mul3A_2323, %add3A_2303 : vector<16xi32>
    %add3A_2325 = arith.constant 3 : i32
    %add3A_2326 = vector.broadcast %add3A_2325 : i32 to vector<16xi32>
    %add3A_2327 = arith.addi %mul3A_2324, %add3A_2326 : vector<16xi32>
    %gather3A_2328 = tpu.vector_load_idx %arg7[%add3A_2327] : memref<4096xi32, #tpu.memory_space<vmem>>[vector<16xi32>], vector<16xi32>,
    %gather3A_2329 = tpu.vector_load_idx %arg8[%gather3A_2307] : memref<16xi32, #tpu.memory_space<vmem>>[vector<16xi32>], vector<16xi32>,
    %add3A_2330 = arith.addi %gather3A_2329, %gather3A_2321 : vector<16xi32>
    %gather3A_2331 = tpu.vector_load_idx %arg8[%gather3A_2314] : memref<16xi32, #tpu.memory_space<vmem>>[vector<16xi32>], vector<16xi32>,
    %add3A_2332 = arith.addi %gather3A_2331, %gather3A_2328 : vector<16xi32>
    %add3A_2333 = vector.broadcast %mul3A_6 : i32 to vector<16xi32>
    %add3A_2334 = arith.addi %add3A_2333, %add3A_2303 : vector<16xi32>
    %mul3A_2335 = arith.constant 2 : i32
    %mul3A_2336 = vector.broadcast %mul3A_2335 : i32 to vector<16xi32>
    %mul3A_2337 = arith.muli %mul3A_2336, %add3A_2303 : vector<16xi32>
    %add3A_2338 = arith.constant 1 : i32
    %add3A_2339 = vector.broadcast %add3A_2338 : i32 to vector<16xi32>
    %add3A_2340 = arith.addi %mul3A_2337, %add3A_2339 : vector<16xi32>
    tpu.vector_store_idx %arg10[%mul3A_2337], %add3A_2330 : memref<2048xi32, #tpu.memory_space<vmem>>[vector<16xi32>], vector<16xi32>,
    tpu.vector_store_idx %arg10[%add3A_2340], %add3A_2332 : memref<2048xi32, #tpu.memory_space<vmem>>[vector<16xi32>], vector<16xi32>,
    tpu.vector_store_idx %arg11[%mul3A_2337], %add3A_2334 : memref<2048xi32, #tpu.memory_space<vmem>>[vector<16xi32>], vector<16xi32>,
    tpu.vector_store_idx %arg11[%add3A_2340], %add3A_2334 : memref<2048xi32, #tpu.memory_space<vmem>>[vector<16xi32>], vector<16xi32>,
    %iota3A_2341 = tpu.iota {dimensions = array<i32: 0>} : vector<16xi32>
    %add3A_2342 = arith.constant 912 : i32
    %add3A_2343 = vector.broadcast %add3A_2342 : i32 to vector<16xi32>
    %add3A_2344 = arith.addi %add3A_2343, %iota3A_2341 : vector<16xi32>
    %mul3A_2345 = arith.constant 4 : i32
    %mul3A_2346 = vector.broadcast %mul3A_2345 : i32 to vector<16xi32>
    %mul3A_2347 = arith.muli %mul3A_2346, %add3A_2344 : vector<16xi32>
    %gather3A_2348 = tpu.vector_load_idx %arg7[%mul3A_2347] : memref<4096xi32, #tpu.memory_space<vmem>>[vector<16xi32>], vector<16xi32>,
    %mul3A_2349 = arith.constant 4 : i32
    %mul3A_2350 = vector.broadcast %mul3A_2349 : i32 to vector<16xi32>
    %mul3A_2351 = arith.muli %mul3A_2350, %add3A_2344 : vector<16xi32>
    %add3A_2352 = arith.constant 1 : i32
    %add3A_2353 = vector.broadcast %add3A_2352 : i32 to vector<16xi32>
    %add3A_2354 = arith.addi %mul3A_2351, %add3A_2353 : vector<16xi32>
    %gather3A_2355 = tpu.vector_load_idx %arg7[%add3A_2354] : memref<4096xi32, #tpu.memory_space<vmem>>[vector<16xi32>], vector<16xi32>,
    %mul3A_2356 = arith.constant 4 : i32
    %mul3A_2357 = vector.broadcast %mul3A_2356 : i32 to vector<16xi32>
    %mul3A_2358 = arith.muli %mul3A_2357, %add3A_2344 : vector<16xi32>
    %add3A_2359 = arith.constant 2 : i32
    %add3A_2360 = vector.broadcast %add3A_2359 : i32 to vector<16xi32>
    %add3A_2361 = arith.addi %mul3A_2358, %add3A_2360 : vector<16xi32>
    %gather3A_2362 = tpu.vector_load_idx %arg7[%add3A_2361] : memref<4096xi32, #tpu.memory_space<vmem>>[vector<16xi32>], vector<16xi32>,
    %mul3A_2363 = arith.constant 4 : i32
    %mul3A_2364 = vector.broadcast %mul3A_2363 : i32 to vector<16xi32>
    %mul3A_2365 = arith.muli %mul3A_2364, %add3A_2344 : vector<16xi32>
    %add3A_2366 = arith.constant 3 : i32
    %add3A_2367 = vector.broadcast %add3A_2366 : i32 to vector<16xi32>
    %add3A_2368 = arith.addi %mul3A_2365, %add3A_2367 : vector<16xi32>
    %gather3A_2369 = tpu.vector_load_idx %arg7[%add3A_2368] : memref<4096xi32, #tpu.memory_space<vmem>>[vector<16xi32>], vector<16xi32>,
    %gather3A_2370 = tpu.vector_load_idx %arg8[%gather3A_2348] : memref<16xi32, #tpu.memory_space<vmem>>[vector<16xi32>], vector<16xi32>,
    %add3A_2371 = arith.addi %gather3A_2370, %gather3A_2362 : vector<16xi32>
    %gather3A_2372 = tpu.vector_load_idx %arg8[%gather3A_2355] : memref<16xi32, #tpu.memory_space<vmem>>[vector<16xi32>], vector<16xi32>,
    %add3A_2373 = arith.addi %gather3A_2372, %gather3A_2369 : vector<16xi32>
    %add3A_2374 = vector.broadcast %mul3A_6 : i32 to vector<16xi32>
    %add3A_2375 = arith.addi %add3A_2374, %add3A_2344 : vector<16xi32>
    %mul3A_2376 = arith.constant 2 : i32
    %mul3A_2377 = vector.broadcast %mul3A_2376 : i32 to vector<16xi32>
    %mul3A_2378 = arith.muli %mul3A_2377, %add3A_2344 : vector<16xi32>
    %add3A_2379 = arith.constant 1 : i32
    %add3A_2380 = vector.broadcast %add3A_2379 : i32 to vector<16xi32>
    %add3A_2381 = arith.addi %mul3A_2378, %add3A_2380 : vector<16xi32>
    tpu.vector_store_idx %arg10[%mul3A_2378], %add3A_2371 : memref<2048xi32, #tpu.memory_space<vmem>>[vector<16xi32>], vector<16xi32>,
    tpu.vector_store_idx %arg10[%add3A_2381], %add3A_2373 : memref<2048xi32, #tpu.memory_space<vmem>>[vector<16xi32>], vector<16xi32>,
    tpu.vector_store_idx %arg11[%mul3A_2378], %add3A_2375 : memref<2048xi32, #tpu.memory_space<vmem>>[vector<16xi32>], vector<16xi32>,
    tpu.vector_store_idx %arg11[%add3A_2381], %add3A_2375 : memref<2048xi32, #tpu.memory_space<vmem>>[vector<16xi32>], vector<16xi32>,
    %iota3A_2382 = tpu.iota {dimensions = array<i32: 0>} : vector<16xi32>
    %add3A_2383 = arith.constant 928 : i32
    %add3A_2384 = vector.broadcast %add3A_2383 : i32 to vector<16xi32>
    %add3A_2385 = arith.addi %add3A_2384, %iota3A_2382 : vector<16xi32>
    %mul3A_2386 = arith.constant 4 : i32
    %mul3A_2387 = vector.broadcast %mul3A_2386 : i32 to vector<16xi32>
    %mul3A_2388 = arith.muli %mul3A_2387, %add3A_2385 : vector<16xi32>
    %gather3A_2389 = tpu.vector_load_idx %arg7[%mul3A_2388] : memref<4096xi32, #tpu.memory_space<vmem>>[vector<16xi32>], vector<16xi32>,
    %mul3A_2390 = arith.constant 4 : i32
    %mul3A_2391 = vector.broadcast %mul3A_2390 : i32 to vector<16xi32>
    %mul3A_2392 = arith.muli %mul3A_2391, %add3A_2385 : vector<16xi32>
    %add3A_2393 = arith.constant 1 : i32
    %add3A_2394 = vector.broadcast %add3A_2393 : i32 to vector<16xi32>
    %add3A_2395 = arith.addi %mul3A_2392, %add3A_2394 : vector<16xi32>
    %gather3A_2396 = tpu.vector_load_idx %arg7[%add3A_2395] : memref<4096xi32, #tpu.memory_space<vmem>>[vector<16xi32>], vector<16xi32>,
    %mul3A_2397 = arith.constant 4 : i32
    %mul3A_2398 = vector.broadcast %mul3A_2397 : i32 to vector<16xi32>
    %mul3A_2399 = arith.muli %mul3A_2398, %add3A_2385 : vector<16xi32>
    %add3A_2400 = arith.constant 2 : i32
    %add3A_2401 = vector.broadcast %add3A_2400 : i32 to vector<16xi32>
    %add3A_2402 = arith.addi %mul3A_2399, %add3A_2401 : vector<16xi32>
    %gather3A_2403 = tpu.vector_load_idx %arg7[%add3A_2402] : memref<4096xi32, #tpu.memory_space<vmem>>[vector<16xi32>], vector<16xi32>,
    %mul3A_2404 = arith.constant 4 : i32
    %mul3A_2405 = vector.broadcast %mul3A_2404 : i32 to vector<16xi32>
    %mul3A_2406 = arith.muli %mul3A_2405, %add3A_2385 : vector<16xi32>
    %add3A_2407 = arith.constant 3 : i32
    %add3A_2408 = vector.broadcast %add3A_2407 : i32 to vector<16xi32>
    %add3A_2409 = arith.addi %mul3A_2406, %add3A_2408 : vector<16xi32>
    %gather3A_2410 = tpu.vector_load_idx %arg7[%add3A_2409] : memref<4096xi32, #tpu.memory_space<vmem>>[vector<16xi32>], vector<16xi32>,
    %gather3A_2411 = tpu.vector_load_idx %arg8[%gather3A_2389] : memref<16xi32, #tpu.memory_space<vmem>>[vector<16xi32>], vector<16xi32>,
    %add3A_2412 = arith.addi %gather3A_2411, %gather3A_2403 : vector<16xi32>
    %gather3A_2413 = tpu.vector_load_idx %arg8[%gather3A_2396] : memref<16xi32, #tpu.memory_space<vmem>>[vector<16xi32>], vector<16xi32>,
    %add3A_2414 = arith.addi %gather3A_2413, %gather3A_2410 : vector<16xi32>
    %add3A_2415 = vector.broadcast %mul3A_6 : i32 to vector<16xi32>
    %add3A_2416 = arith.addi %add3A_2415, %add3A_2385 : vector<16xi32>
    %mul3A_2417 = arith.constant 2 : i32
    %mul3A_2418 = vector.broadcast %mul3A_2417 : i32 to vector<16xi32>
    %mul3A_2419 = arith.muli %mul3A_2418, %add3A_2385 : vector<16xi32>
    %add3A_2420 = arith.constant 1 : i32
    %add3A_2421 = vector.broadcast %add3A_2420 : i32 to vector<16xi32>
    %add3A_2422 = arith.addi %mul3A_2419, %add3A_2421 : vector<16xi32>
    tpu.vector_store_idx %arg10[%mul3A_2419], %add3A_2412 : memref<2048xi32, #tpu.memory_space<vmem>>[vector<16xi32>], vector<16xi32>,
    tpu.vector_store_idx %arg10[%add3A_2422], %add3A_2414 : memref<2048xi32, #tpu.memory_space<vmem>>[vector<16xi32>], vector<16xi32>,
    tpu.vector_store_idx %arg11[%mul3A_2419], %add3A_2416 : memref<2048xi32, #tpu.memory_space<vmem>>[vector<16xi32>], vector<16xi32>,
    tpu.vector_store_idx %arg11[%add3A_2422], %add3A_2416 : memref<2048xi32, #tpu.memory_space<vmem>>[vector<16xi32>], vector<16xi32>,
    %iota3A_2423 = tpu.iota {dimensions = array<i32: 0>} : vector<16xi32>
    %add3A_2424 = arith.constant 944 : i32
    %add3A_2425 = vector.broadcast %add3A_2424 : i32 to vector<16xi32>
    %add3A_2426 = arith.addi %add3A_2425, %iota3A_2423 : vector<16xi32>
    %mul3A_2427 = arith.constant 4 : i32
    %mul3A_2428 = vector.broadcast %mul3A_2427 : i32 to vector<16xi32>
    %mul3A_2429 = arith.muli %mul3A_2428, %add3A_2426 : vector<16xi32>
    %gather3A_2430 = tpu.vector_load_idx %arg7[%mul3A_2429] : memref<4096xi32, #tpu.memory_space<vmem>>[vector<16xi32>], vector<16xi32>,
    %mul3A_2431 = arith.constant 4 : i32
    %mul3A_2432 = vector.broadcast %mul3A_2431 : i32 to vector<16xi32>
    %mul3A_2433 = arith.muli %mul3A_2432, %add3A_2426 : vector<16xi32>
    %add3A_2434 = arith.constant 1 : i32
    %add3A_2435 = vector.broadcast %add3A_2434 : i32 to vector<16xi32>
    %add3A_2436 = arith.addi %mul3A_2433, %add3A_2435 : vector<16xi32>
    %gather3A_2437 = tpu.vector_load_idx %arg7[%add3A_2436] : memref<4096xi32, #tpu.memory_space<vmem>>[vector<16xi32>], vector<16xi32>,
    %mul3A_2438 = arith.constant 4 : i32
    %mul3A_2439 = vector.broadcast %mul3A_2438 : i32 to vector<16xi32>
    %mul3A_2440 = arith.muli %mul3A_2439, %add3A_2426 : vector<16xi32>
    %add3A_2441 = arith.constant 2 : i32
    %add3A_2442 = vector.broadcast %add3A_2441 : i32 to vector<16xi32>
    %add3A_2443 = arith.addi %mul3A_2440, %add3A_2442 : vector<16xi32>
    %gather3A_2444 = tpu.vector_load_idx %arg7[%add3A_2443] : memref<4096xi32, #tpu.memory_space<vmem>>[vector<16xi32>], vector<16xi32>,
    %mul3A_2445 = arith.constant 4 : i32
    %mul3A_2446 = vector.broadcast %mul3A_2445 : i32 to vector<16xi32>
    %mul3A_2447 = arith.muli %mul3A_2446, %add3A_2426 : vector<16xi32>
    %add3A_2448 = arith.constant 3 : i32
    %add3A_2449 = vector.broadcast %add3A_2448 : i32 to vector<16xi32>
    %add3A_2450 = arith.addi %mul3A_2447, %add3A_2449 : vector<16xi32>
    %gather3A_2451 = tpu.vector_load_idx %arg7[%add3A_2450] : memref<4096xi32, #tpu.memory_space<vmem>>[vector<16xi32>], vector<16xi32>,
    %gather3A_2452 = tpu.vector_load_idx %arg8[%gather3A_2430] : memref<16xi32, #tpu.memory_space<vmem>>[vector<16xi32>], vector<16xi32>,
    %add3A_2453 = arith.addi %gather3A_2452, %gather3A_2444 : vector<16xi32>
    %gather3A_2454 = tpu.vector_load_idx %arg8[%gather3A_2437] : memref<16xi32, #tpu.memory_space<vmem>>[vector<16xi32>], vector<16xi32>,
    %add3A_2455 = arith.addi %gather3A_2454, %gather3A_2451 : vector<16xi32>
    %add3A_2456 = vector.broadcast %mul3A_6 : i32 to vector<16xi32>
    %add3A_2457 = arith.addi %add3A_2456, %add3A_2426 : vector<16xi32>
    %mul3A_2458 = arith.constant 2 : i32
    %mul3A_2459 = vector.broadcast %mul3A_2458 : i32 to vector<16xi32>
    %mul3A_2460 = arith.muli %mul3A_2459, %add3A_2426 : vector<16xi32>
    %add3A_2461 = arith.constant 1 : i32
    %add3A_2462 = vector.broadcast %add3A_2461 : i32 to vector<16xi32>
    %add3A_2463 = arith.addi %mul3A_2460, %add3A_2462 : vector<16xi32>
    tpu.vector_store_idx %arg10[%mul3A_2460], %add3A_2453 : memref<2048xi32, #tpu.memory_space<vmem>>[vector<16xi32>], vector<16xi32>,
    tpu.vector_store_idx %arg10[%add3A_2463], %add3A_2455 : memref<2048xi32, #tpu.memory_space<vmem>>[vector<16xi32>], vector<16xi32>,
    tpu.vector_store_idx %arg11[%mul3A_2460], %add3A_2457 : memref<2048xi32, #tpu.memory_space<vmem>>[vector<16xi32>], vector<16xi32>,
    tpu.vector_store_idx %arg11[%add3A_2463], %add3A_2457 : memref<2048xi32, #tpu.memory_space<vmem>>[vector<16xi32>], vector<16xi32>,
    %iota3A_2464 = tpu.iota {dimensions = array<i32: 0>} : vector<16xi32>
    %add3A_2465 = arith.constant 960 : i32
    %add3A_2466 = vector.broadcast %add3A_2465 : i32 to vector<16xi32>
    %add3A_2467 = arith.addi %add3A_2466, %iota3A_2464 : vector<16xi32>
    %mul3A_2468 = arith.constant 4 : i32
    %mul3A_2469 = vector.broadcast %mul3A_2468 : i32 to vector<16xi32>
    %mul3A_2470 = arith.muli %mul3A_2469, %add3A_2467 : vector<16xi32>
    %gather3A_2471 = tpu.vector_load_idx %arg7[%mul3A_2470] : memref<4096xi32, #tpu.memory_space<vmem>>[vector<16xi32>], vector<16xi32>,
    %mul3A_2472 = arith.constant 4 : i32
    %mul3A_2473 = vector.broadcast %mul3A_2472 : i32 to vector<16xi32>
    %mul3A_2474 = arith.muli %mul3A_2473, %add3A_2467 : vector<16xi32>
    %add3A_2475 = arith.constant 1 : i32
    %add3A_2476 = vector.broadcast %add3A_2475 : i32 to vector<16xi32>
    %add3A_2477 = arith.addi %mul3A_2474, %add3A_2476 : vector<16xi32>
    %gather3A_2478 = tpu.vector_load_idx %arg7[%add3A_2477] : memref<4096xi32, #tpu.memory_space<vmem>>[vector<16xi32>], vector<16xi32>,
    %mul3A_2479 = arith.constant 4 : i32
    %mul3A_2480 = vector.broadcast %mul3A_2479 : i32 to vector<16xi32>
    %mul3A_2481 = arith.muli %mul3A_2480, %add3A_2467 : vector<16xi32>
    %add3A_2482 = arith.constant 2 : i32
    %add3A_2483 = vector.broadcast %add3A_2482 : i32 to vector<16xi32>
    %add3A_2484 = arith.addi %mul3A_2481, %add3A_2483 : vector<16xi32>
    %gather3A_2485 = tpu.vector_load_idx %arg7[%add3A_2484] : memref<4096xi32, #tpu.memory_space<vmem>>[vector<16xi32>], vector<16xi32>,
    %mul3A_2486 = arith.constant 4 : i32
    %mul3A_2487 = vector.broadcast %mul3A_2486 : i32 to vector<16xi32>
    %mul3A_2488 = arith.muli %mul3A_2487, %add3A_2467 : vector<16xi32>
    %add3A_2489 = arith.constant 3 : i32
    %add3A_2490 = vector.broadcast %add3A_2489 : i32 to vector<16xi32>
    %add3A_2491 = arith.addi %mul3A_2488, %add3A_2490 : vector<16xi32>
    %gather3A_2492 = tpu.vector_load_idx %arg7[%add3A_2491] : memref<4096xi32, #tpu.memory_space<vmem>>[vector<16xi32>], vector<16xi32>,
    %gather3A_2493 = tpu.vector_load_idx %arg8[%gather3A_2471] : memref<16xi32, #tpu.memory_space<vmem>>[vector<16xi32>], vector<16xi32>,
    %add3A_2494 = arith.addi %gather3A_2493, %gather3A_2485 : vector<16xi32>
    %gather3A_2495 = tpu.vector_load_idx %arg8[%gather3A_2478] : memref<16xi32, #tpu.memory_space<vmem>>[vector<16xi32>], vector<16xi32>,
    %add3A_2496 = arith.addi %gather3A_2495, %gather3A_2492 : vector<16xi32>
    %add3A_2497 = vector.broadcast %mul3A_6 : i32 to vector<16xi32>
    %add3A_2498 = arith.addi %add3A_2497, %add3A_2467 : vector<16xi32>
    %mul3A_2499 = arith.constant 2 : i32
    %mul3A_2500 = vector.broadcast %mul3A_2499 : i32 to vector<16xi32>
    %mul3A_2501 = arith.muli %mul3A_2500, %add3A_2467 : vector<16xi32>
    %add3A_2502 = arith.constant 1 : i32
    %add3A_2503 = vector.broadcast %add3A_2502 : i32 to vector<16xi32>
    %add3A_2504 = arith.addi %mul3A_2501, %add3A_2503 : vector<16xi32>
    tpu.vector_store_idx %arg10[%mul3A_2501], %add3A_2494 : memref<2048xi32, #tpu.memory_space<vmem>>[vector<16xi32>], vector<16xi32>,
    tpu.vector_store_idx %arg10[%add3A_2504], %add3A_2496 : memref<2048xi32, #tpu.memory_space<vmem>>[vector<16xi32>], vector<16xi32>,
    tpu.vector_store_idx %arg11[%mul3A_2501], %add3A_2498 : memref<2048xi32, #tpu.memory_space<vmem>>[vector<16xi32>], vector<16xi32>,
    tpu.vector_store_idx %arg11[%add3A_2504], %add3A_2498 : memref<2048xi32, #tpu.memory_space<vmem>>[vector<16xi32>], vector<16xi32>,
    %iota3A_2505 = tpu.iota {dimensions = array<i32: 0>} : vector<16xi32>
    %add3A_2506 = arith.constant 976 : i32
    %add3A_2507 = vector.broadcast %add3A_2506 : i32 to vector<16xi32>
    %add3A_2508 = arith.addi %add3A_2507, %iota3A_2505 : vector<16xi32>
    %mul3A_2509 = arith.constant 4 : i32
    %mul3A_2510 = vector.broadcast %mul3A_2509 : i32 to vector<16xi32>
    %mul3A_2511 = arith.muli %mul3A_2510, %add3A_2508 : vector<16xi32>
    %gather3A_2512 = tpu.vector_load_idx %arg7[%mul3A_2511] : memref<4096xi32, #tpu.memory_space<vmem>>[vector<16xi32>], vector<16xi32>,
    %mul3A_2513 = arith.constant 4 : i32
    %mul3A_2514 = vector.broadcast %mul3A_2513 : i32 to vector<16xi32>
    %mul3A_2515 = arith.muli %mul3A_2514, %add3A_2508 : vector<16xi32>
    %add3A_2516 = arith.constant 1 : i32
    %add3A_2517 = vector.broadcast %add3A_2516 : i32 to vector<16xi32>
    %add3A_2518 = arith.addi %mul3A_2515, %add3A_2517 : vector<16xi32>
    %gather3A_2519 = tpu.vector_load_idx %arg7[%add3A_2518] : memref<4096xi32, #tpu.memory_space<vmem>>[vector<16xi32>], vector<16xi32>,
    %mul3A_2520 = arith.constant 4 : i32
    %mul3A_2521 = vector.broadcast %mul3A_2520 : i32 to vector<16xi32>
    %mul3A_2522 = arith.muli %mul3A_2521, %add3A_2508 : vector<16xi32>
    %add3A_2523 = arith.constant 2 : i32
    %add3A_2524 = vector.broadcast %add3A_2523 : i32 to vector<16xi32>
    %add3A_2525 = arith.addi %mul3A_2522, %add3A_2524 : vector<16xi32>
    %gather3A_2526 = tpu.vector_load_idx %arg7[%add3A_2525] : memref<4096xi32, #tpu.memory_space<vmem>>[vector<16xi32>], vector<16xi32>,
    %mul3A_2527 = arith.constant 4 : i32
    %mul3A_2528 = vector.broadcast %mul3A_2527 : i32 to vector<16xi32>
    %mul3A_2529 = arith.muli %mul3A_2528, %add3A_2508 : vector<16xi32>
    %add3A_2530 = arith.constant 3 : i32
    %add3A_2531 = vector.broadcast %add3A_2530 : i32 to vector<16xi32>
    %add3A_2532 = arith.addi %mul3A_2529, %add3A_2531 : vector<16xi32>
    %gather3A_2533 = tpu.vector_load_idx %arg7[%add3A_2532] : memref<4096xi32, #tpu.memory_space<vmem>>[vector<16xi32>], vector<16xi32>,
    %gather3A_2534 = tpu.vector_load_idx %arg8[%gather3A_2512] : memref<16xi32, #tpu.memory_space<vmem>>[vector<16xi32>], vector<16xi32>,
    %add3A_2535 = arith.addi %gather3A_2534, %gather3A_2526 : vector<16xi32>
    %gather3A_2536 = tpu.vector_load_idx %arg8[%gather3A_2519] : memref<16xi32, #tpu.memory_space<vmem>>[vector<16xi32>], vector<16xi32>,
    %add3A_2537 = arith.addi %gather3A_2536, %gather3A_2533 : vector<16xi32>
    %add3A_2538 = vector.broadcast %mul3A_6 : i32 to vector<16xi32>
    %add3A_2539 = arith.addi %add3A_2538, %add3A_2508 : vector<16xi32>
    %mul3A_2540 = arith.constant 2 : i32
    %mul3A_2541 = vector.broadcast %mul3A_2540 : i32 to vector<16xi32>
    %mul3A_2542 = arith.muli %mul3A_2541, %add3A_2508 : vector<16xi32>
    %add3A_2543 = arith.constant 1 : i32
    %add3A_2544 = vector.broadcast %add3A_2543 : i32 to vector<16xi32>
    %add3A_2545 = arith.addi %mul3A_2542, %add3A_2544 : vector<16xi32>
    tpu.vector_store_idx %arg10[%mul3A_2542], %add3A_2535 : memref<2048xi32, #tpu.memory_space<vmem>>[vector<16xi32>], vector<16xi32>,
    tpu.vector_store_idx %arg10[%add3A_2545], %add3A_2537 : memref<2048xi32, #tpu.memory_space<vmem>>[vector<16xi32>], vector<16xi32>,
    tpu.vector_store_idx %arg11[%mul3A_2542], %add3A_2539 : memref<2048xi32, #tpu.memory_space<vmem>>[vector<16xi32>], vector<16xi32>,
    tpu.vector_store_idx %arg11[%add3A_2545], %add3A_2539 : memref<2048xi32, #tpu.memory_space<vmem>>[vector<16xi32>], vector<16xi32>,
    %iota3A_2546 = tpu.iota {dimensions = array<i32: 0>} : vector<16xi32>
    %add3A_2547 = arith.constant 992 : i32
    %add3A_2548 = vector.broadcast %add3A_2547 : i32 to vector<16xi32>
    %add3A_2549 = arith.addi %add3A_2548, %iota3A_2546 : vector<16xi32>
    %mul3A_2550 = arith.constant 4 : i32
    %mul3A_2551 = vector.broadcast %mul3A_2550 : i32 to vector<16xi32>
    %mul3A_2552 = arith.muli %mul3A_2551, %add3A_2549 : vector<16xi32>
    %gather3A_2553 = tpu.vector_load_idx %arg7[%mul3A_2552] : memref<4096xi32, #tpu.memory_space<vmem>>[vector<16xi32>], vector<16xi32>,
    %mul3A_2554 = arith.constant 4 : i32
    %mul3A_2555 = vector.broadcast %mul3A_2554 : i32 to vector<16xi32>
    %mul3A_2556 = arith.muli %mul3A_2555, %add3A_2549 : vector<16xi32>
    %add3A_2557 = arith.constant 1 : i32
    %add3A_2558 = vector.broadcast %add3A_2557 : i32 to vector<16xi32>
    %add3A_2559 = arith.addi %mul3A_2556, %add3A_2558 : vector<16xi32>
    %gather3A_2560 = tpu.vector_load_idx %arg7[%add3A_2559] : memref<4096xi32, #tpu.memory_space<vmem>>[vector<16xi32>], vector<16xi32>,
    %mul3A_2561 = arith.constant 4 : i32
    %mul3A_2562 = vector.broadcast %mul3A_2561 : i32 to vector<16xi32>
    %mul3A_2563 = arith.muli %mul3A_2562, %add3A_2549 : vector<16xi32>
    %add3A_2564 = arith.constant 2 : i32
    %add3A_2565 = vector.broadcast %add3A_2564 : i32 to vector<16xi32>
    %add3A_2566 = arith.addi %mul3A_2563, %add3A_2565 : vector<16xi32>
    %gather3A_2567 = tpu.vector_load_idx %arg7[%add3A_2566] : memref<4096xi32, #tpu.memory_space<vmem>>[vector<16xi32>], vector<16xi32>,
    %mul3A_2568 = arith.constant 4 : i32
    %mul3A_2569 = vector.broadcast %mul3A_2568 : i32 to vector<16xi32>
    %mul3A_2570 = arith.muli %mul3A_2569, %add3A_2549 : vector<16xi32>
    %add3A_2571 = arith.constant 3 : i32
    %add3A_2572 = vector.broadcast %add3A_2571 : i32 to vector<16xi32>
    %add3A_2573 = arith.addi %mul3A_2570, %add3A_2572 : vector<16xi32>
    %gather3A_2574 = tpu.vector_load_idx %arg7[%add3A_2573] : memref<4096xi32, #tpu.memory_space<vmem>>[vector<16xi32>], vector<16xi32>,
    %gather3A_2575 = tpu.vector_load_idx %arg8[%gather3A_2553] : memref<16xi32, #tpu.memory_space<vmem>>[vector<16xi32>], vector<16xi32>,
    %add3A_2576 = arith.addi %gather3A_2575, %gather3A_2567 : vector<16xi32>
    %gather3A_2577 = tpu.vector_load_idx %arg8[%gather3A_2560] : memref<16xi32, #tpu.memory_space<vmem>>[vector<16xi32>], vector<16xi32>,
    %add3A_2578 = arith.addi %gather3A_2577, %gather3A_2574 : vector<16xi32>
    %add3A_2579 = vector.broadcast %mul3A_6 : i32 to vector<16xi32>
    %add3A_2580 = arith.addi %add3A_2579, %add3A_2549 : vector<16xi32>
    %mul3A_2581 = arith.constant 2 : i32
    %mul3A_2582 = vector.broadcast %mul3A_2581 : i32 to vector<16xi32>
    %mul3A_2583 = arith.muli %mul3A_2582, %add3A_2549 : vector<16xi32>
    %add3A_2584 = arith.constant 1 : i32
    %add3A_2585 = vector.broadcast %add3A_2584 : i32 to vector<16xi32>
    %add3A_2586 = arith.addi %mul3A_2583, %add3A_2585 : vector<16xi32>
    tpu.vector_store_idx %arg10[%mul3A_2583], %add3A_2576 : memref<2048xi32, #tpu.memory_space<vmem>>[vector<16xi32>], vector<16xi32>,
    tpu.vector_store_idx %arg10[%add3A_2586], %add3A_2578 : memref<2048xi32, #tpu.memory_space<vmem>>[vector<16xi32>], vector<16xi32>,
    tpu.vector_store_idx %arg11[%mul3A_2583], %add3A_2580 : memref<2048xi32, #tpu.memory_space<vmem>>[vector<16xi32>], vector<16xi32>,
    tpu.vector_store_idx %arg11[%add3A_2586], %add3A_2580 : memref<2048xi32, #tpu.memory_space<vmem>>[vector<16xi32>], vector<16xi32>,
    %iota3A_2587 = tpu.iota {dimensions = array<i32: 0>} : vector<16xi32>
    %add3A_2588 = arith.constant 1008 : i32
    %add3A_2589 = vector.broadcast %add3A_2588 : i32 to vector<16xi32>
    %add3A_2590 = arith.addi %add3A_2589, %iota3A_2587 : vector<16xi32>
    %mul3A_2591 = arith.constant 4 : i32
    %mul3A_2592 = vector.broadcast %mul3A_2591 : i32 to vector<16xi32>
    %mul3A_2593 = arith.muli %mul3A_2592, %add3A_2590 : vector<16xi32>
    %gather3A_2594 = tpu.vector_load_idx %arg7[%mul3A_2593] : memref<4096xi32, #tpu.memory_space<vmem>>[vector<16xi32>], vector<16xi32>,
    %mul3A_2595 = arith.constant 4 : i32
    %mul3A_2596 = vector.broadcast %mul3A_2595 : i32 to vector<16xi32>
    %mul3A_2597 = arith.muli %mul3A_2596, %add3A_2590 : vector<16xi32>
    %add3A_2598 = arith.constant 1 : i32
    %add3A_2599 = vector.broadcast %add3A_2598 : i32 to vector<16xi32>
    %add3A_2600 = arith.addi %mul3A_2597, %add3A_2599 : vector<16xi32>
    %gather3A_2601 = tpu.vector_load_idx %arg7[%add3A_2600] : memref<4096xi32, #tpu.memory_space<vmem>>[vector<16xi32>], vector<16xi32>,
    %mul3A_2602 = arith.constant 4 : i32
    %mul3A_2603 = vector.broadcast %mul3A_2602 : i32 to vector<16xi32>
    %mul3A_2604 = arith.muli %mul3A_2603, %add3A_2590 : vector<16xi32>
    %add3A_2605 = arith.constant 2 : i32
    %add3A_2606 = vector.broadcast %add3A_2605 : i32 to vector<16xi32>
    %add3A_2607 = arith.addi %mul3A_2604, %add3A_2606 : vector<16xi32>
    %gather3A_2608 = tpu.vector_load_idx %arg7[%add3A_2607] : memref<4096xi32, #tpu.memory_space<vmem>>[vector<16xi32>], vector<16xi32>,
    %mul3A_2609 = arith.constant 4 : i32
    %mul3A_2610 = vector.broadcast %mul3A_2609 : i32 to vector<16xi32>
    %mul3A_2611 = arith.muli %mul3A_2610, %add3A_2590 : vector<16xi32>
    %add3A_2612 = arith.constant 3 : i32
    %add3A_2613 = vector.broadcast %add3A_2612 : i32 to vector<16xi32>
    %add3A_2614 = arith.addi %mul3A_2611, %add3A_2613 : vector<16xi32>
    %gather3A_2615 = tpu.vector_load_idx %arg7[%add3A_2614] : memref<4096xi32, #tpu.memory_space<vmem>>[vector<16xi32>], vector<16xi32>,
    %gather3A_2616 = tpu.vector_load_idx %arg8[%gather3A_2594] : memref<16xi32, #tpu.memory_space<vmem>>[vector<16xi32>], vector<16xi32>,
    %add3A_2617 = arith.addi %gather3A_2616, %gather3A_2608 : vector<16xi32>
    %gather3A_2618 = tpu.vector_load_idx %arg8[%gather3A_2601] : memref<16xi32, #tpu.memory_space<vmem>>[vector<16xi32>], vector<16xi32>,
    %add3A_2619 = arith.addi %gather3A_2618, %gather3A_2615 : vector<16xi32>
    %add3A_2620 = vector.broadcast %mul3A_6 : i32 to vector<16xi32>
    %add3A_2621 = arith.addi %add3A_2620, %add3A_2590 : vector<16xi32>
    %mul3A_2622 = arith.constant 2 : i32
    %mul3A_2623 = vector.broadcast %mul3A_2622 : i32 to vector<16xi32>
    %mul3A_2624 = arith.muli %mul3A_2623, %add3A_2590 : vector<16xi32>
    %add3A_2625 = arith.constant 1 : i32
    %add3A_2626 = vector.broadcast %add3A_2625 : i32 to vector<16xi32>
    %add3A_2627 = arith.addi %mul3A_2624, %add3A_2626 : vector<16xi32>
    tpu.vector_store_idx %arg10[%mul3A_2624], %add3A_2617 : memref<2048xi32, #tpu.memory_space<vmem>>[vector<16xi32>], vector<16xi32>,
    tpu.vector_store_idx %arg10[%add3A_2627], %add3A_2619 : memref<2048xi32, #tpu.memory_space<vmem>>[vector<16xi32>], vector<16xi32>,
    tpu.vector_store_idx %arg11[%mul3A_2624], %add3A_2621 : memref<2048xi32, #tpu.memory_space<vmem>>[vector<16xi32>], vector<16xi32>,
    tpu.vector_store_idx %arg11[%add3A_2627], %add3A_2621 : memref<2048xi32, #tpu.memory_space<vmem>>[vector<16xi32>], vector<16xi32>,
    %eq3A_2628 = arith.constant 0 : i32
    %eq3A_2629 = arith.cmpi eq, %arg0, %eq3A_2628 : i32
    %convert_element_type3A_2630 = arith.extui %eq3A_2629 : i1 to i32
    %cond3A_2631 = arith.constant 0 : i32
    %cond3A_2632 = arith.cmpi ne, %convert_element_type3A_2630, %cond3A_2631 : i32
    scf.if %cond3A_2632 {
      "tpu.region"() ({
        %run_scoped3A = tpu.sem_alloc : memref<!tpu.dma_semaphore, #tpu.memory_space<semaphore_mem>>
        %dma_start3A = arith.constant 0 : i32
        %dma_start3A_2650 = tpu.memref_slice %arg12[%dma_start3A] : memref<32768xf32, #tpu.memory_space<vmem_shared>> -> memref<32768xf32, #tpu.memory_space<vmem_shared>>
        tpu.enqueue_indirect_dma source(%arg9 : memref<2048xf32, #tpu.memory_space<vmem>>) target(%dma_start3A_2650 : memref<32768xf32, #tpu.memory_space<vmem_shared>>) offsets(%arg10 : memref<2048xi32, #tpu.memory_space<vmem>>) semaphore(%run_scoped3A : memref<!tpu.dma_semaphore, #tpu.memory_space<semaphore_mem>>)
        %dma_wait3A = arith.constant 0 : i32
        %dma_wait3A_2651 = tpu.memref_slice %arg12[%dma_wait3A] : memref<32768xf32, #tpu.memory_space<vmem_shared>> -> memref<32768xf32, #tpu.memory_space<vmem_shared>>
        tpu.wait_indirect_dma semaphore(%run_scoped3A : memref<!tpu.dma_semaphore, #tpu.memory_space<semaphore_mem>>) src(%arg9 : memref<2048xf32, #tpu.memory_space<vmem>>) dst(%dma_wait3A_2651 : memref<32768xf32, #tpu.memory_space<vmem_shared>>)
        tpu.yield
      }) : () -> ()
    } else {
    }
    %eq3A_2633 = arith.constant 1 : i32
    %eq3A_2634 = arith.cmpi eq, %arg0, %eq3A_2633 : i32
    %convert_element_type3A_2635 = arith.extui %eq3A_2634 : i1 to i32
    %cond3A_2636 = arith.constant 0 : i32
    %cond3A_2637 = arith.cmpi ne, %convert_element_type3A_2635, %cond3A_2636 : i32
    scf.if %cond3A_2637 {
      "tpu.region"() ({
        %run_scoped3A = tpu.sem_alloc : memref<!tpu.dma_semaphore, #tpu.memory_space<semaphore_mem>>
        %dma_start3A = arith.constant 0 : i32
        %dma_start3A_2650 = tpu.memref_slice %arg13[%dma_start3A] : memref<32768xi32, #tpu.memory_space<vmem_shared>> -> memref<32768xi32, #tpu.memory_space<vmem_shared>>
        tpu.enqueue_indirect_dma source(%arg11 : memref<2048xi32, #tpu.memory_space<vmem>>) target(%dma_start3A_2650 : memref<32768xi32, #tpu.memory_space<vmem_shared>>) offsets(%arg10 : memref<2048xi32, #tpu.memory_space<vmem>>) semaphore(%run_scoped3A : memref<!tpu.dma_semaphore, #tpu.memory_space<semaphore_mem>>)
        %dma_wait3A = arith.constant 0 : i32
        %dma_wait3A_2651 = tpu.memref_slice %arg13[%dma_wait3A] : memref<32768xi32, #tpu.memory_space<vmem_shared>> -> memref<32768xi32, #tpu.memory_space<vmem_shared>>
        tpu.wait_indirect_dma semaphore(%run_scoped3A : memref<!tpu.dma_semaphore, #tpu.memory_space<semaphore_mem>>) src(%arg11 : memref<2048xi32, #tpu.memory_space<vmem>>) dst(%dma_wait3A_2651 : memref<32768xi32, #tpu.memory_space<vmem_shared>>)
        tpu.yield
      }) : () -> ()
    } else {
    }
    %barrier3A = arith.constant 0 : index
    tpu.barrier barrier_id(%barrier3A)
    %mul3A_2638 = arith.constant 2048 : i32
    %mul3A_2639 = arith.muli %arg1, %mul3A_2638 : i32
    %eq3A_2640 = arith.constant 0 : i32
    %eq3A_2641 = arith.cmpi eq, %arg0, %eq3A_2640 : i32
    %convert_element_type3A_2642 = arith.extui %eq3A_2641 : i1 to i32
    %cond3A_2643 = arith.constant 0 : i32
    %cond3A_2644 = arith.cmpi ne, %convert_element_type3A_2642, %cond3A_2643 : i32
    scf.if %cond3A_2644 {
      "tpu.region"() ({
        %run_scoped3A = tpu.sem_alloc : memref<!tpu.dma_semaphore, #tpu.memory_space<semaphore_mem>>
        %dma_start3A = tpu.memref_slice %arg12[%mul3A_2639] : memref<32768xf32, #tpu.memory_space<vmem_shared>> -> memref<2048xf32, #tpu.memory_space<vmem_shared>>
        %dma_start3A_2650 = tpu.memref_slice %arg12[%mul3A_2639] : memref<32768xf32, #tpu.memory_space<vmem_shared>> -> memref<2048xf32, #tpu.memory_space<vmem_shared>>
        tpu.enqueue_dma source(%dma_start3A_2650 : memref<2048xf32, #tpu.memory_space<vmem_shared>>) target(%arg9 : memref<2048xf32, #tpu.memory_space<vmem>>) target_semaphore(%run_scoped3A : memref<!tpu.dma_semaphore, #tpu.memory_space<semaphore_mem>>)
        %dma_wait3A = tpu.memref_slice %arg12[%mul3A_2639] : memref<32768xf32, #tpu.memory_space<vmem_shared>> -> memref<2048xf32, #tpu.memory_space<vmem_shared>>
        %dma_wait3A_2651 = tpu.memref_slice %arg12[%mul3A_2639] : memref<32768xf32, #tpu.memory_space<vmem_shared>> -> memref<2048xf32, #tpu.memory_space<vmem_shared>>
        tpu.wait_dma2 semaphore(%run_scoped3A : memref<!tpu.dma_semaphore, #tpu.memory_space<semaphore_mem>>) src(%dma_wait3A_2651 : memref<2048xf32, #tpu.memory_space<vmem_shared>>) dst(%arg9 : memref<2048xf32, #tpu.memory_space<vmem>>)
        tpu.yield
      }) : () -> ()
      "tpu.region"() ({
        %run_scoped3A = tpu.sem_alloc : memref<!tpu.dma_semaphore, #tpu.memory_space<semaphore_mem>>
        %dma_start3A = tpu.memref_slice %arg5[%mul3A_2639] : memref<32768xf32, #tpu.memory_space<hbm>> -> memref<2048xf32, #tpu.memory_space<hbm>>
        %dma_start3A_2650 = tpu.memref_slice %arg5[%mul3A_2639] : memref<32768xf32, #tpu.memory_space<hbm>> -> memref<2048xf32, #tpu.memory_space<hbm>>
        tpu.enqueue_dma source(%arg9 : memref<2048xf32, #tpu.memory_space<vmem>>) target(%dma_start3A_2650 : memref<2048xf32, #tpu.memory_space<hbm>>) target_semaphore(%run_scoped3A : memref<!tpu.dma_semaphore, #tpu.memory_space<semaphore_mem>>)
        %dma_wait3A = tpu.memref_slice %arg5[%mul3A_2639] : memref<32768xf32, #tpu.memory_space<hbm>> -> memref<2048xf32, #tpu.memory_space<hbm>>
        %dma_wait3A_2651 = tpu.memref_slice %arg5[%mul3A_2639] : memref<32768xf32, #tpu.memory_space<hbm>> -> memref<2048xf32, #tpu.memory_space<hbm>>
        tpu.wait_dma2 semaphore(%run_scoped3A : memref<!tpu.dma_semaphore, #tpu.memory_space<semaphore_mem>>) src(%arg9 : memref<2048xf32, #tpu.memory_space<vmem>>) dst(%dma_wait3A_2651 : memref<2048xf32, #tpu.memory_space<hbm>>)
        tpu.yield
      }) : () -> ()
    } else {
    }
    %eq3A_2645 = arith.constant 1 : i32
    %eq3A_2646 = arith.cmpi eq, %arg0, %eq3A_2645 : i32
    %convert_element_type3A_2647 = arith.extui %eq3A_2646 : i1 to i32
    %cond3A_2648 = arith.constant 0 : i32
    %cond3A_2649 = arith.cmpi ne, %convert_element_type3A_2647, %cond3A_2648 : i32
    scf.if %cond3A_2649 {
      "tpu.region"() ({
        %run_scoped3A = tpu.sem_alloc : memref<!tpu.dma_semaphore, #tpu.memory_space<semaphore_mem>>
        %dma_start3A = tpu.memref_slice %arg13[%mul3A_2639] : memref<32768xi32, #tpu.memory_space<vmem_shared>> -> memref<2048xi32, #tpu.memory_space<vmem_shared>>
        %dma_start3A_2650 = tpu.memref_slice %arg13[%mul3A_2639] : memref<32768xi32, #tpu.memory_space<vmem_shared>> -> memref<2048xi32, #tpu.memory_space<vmem_shared>>
        tpu.enqueue_dma source(%dma_start3A_2650 : memref<2048xi32, #tpu.memory_space<vmem_shared>>) target(%arg11 : memref<2048xi32, #tpu.memory_space<vmem>>) target_semaphore(%run_scoped3A : memref<!tpu.dma_semaphore, #tpu.memory_space<semaphore_mem>>)
        %dma_wait3A = tpu.memref_slice %arg13[%mul3A_2639] : memref<32768xi32, #tpu.memory_space<vmem_shared>> -> memref<2048xi32, #tpu.memory_space<vmem_shared>>
        %dma_wait3A_2651 = tpu.memref_slice %arg13[%mul3A_2639] : memref<32768xi32, #tpu.memory_space<vmem_shared>> -> memref<2048xi32, #tpu.memory_space<vmem_shared>>
        tpu.wait_dma2 semaphore(%run_scoped3A : memref<!tpu.dma_semaphore, #tpu.memory_space<semaphore_mem>>) src(%dma_wait3A_2651 : memref<2048xi32, #tpu.memory_space<vmem_shared>>) dst(%arg11 : memref<2048xi32, #tpu.memory_space<vmem>>)
        tpu.yield
      }) : () -> ()
      "tpu.region"() ({
        %run_scoped3A = tpu.sem_alloc : memref<!tpu.dma_semaphore, #tpu.memory_space<semaphore_mem>>
        %dma_start3A = tpu.memref_slice %arg6[%mul3A_2639] : memref<32768xi32, #tpu.memory_space<hbm>> -> memref<2048xi32, #tpu.memory_space<hbm>>
        %dma_start3A_2650 = tpu.memref_slice %arg6[%mul3A_2639] : memref<32768xi32, #tpu.memory_space<hbm>> -> memref<2048xi32, #tpu.memory_space<hbm>>
        tpu.enqueue_dma source(%arg11 : memref<2048xi32, #tpu.memory_space<vmem>>) target(%dma_start3A_2650 : memref<2048xi32, #tpu.memory_space<hbm>>) target_semaphore(%run_scoped3A : memref<!tpu.dma_semaphore, #tpu.memory_space<semaphore_mem>>)
        %dma_wait3A = tpu.memref_slice %arg6[%mul3A_2639] : memref<32768xi32, #tpu.memory_space<hbm>> -> memref<2048xi32, #tpu.memory_space<hbm>>
        %dma_wait3A_2651 = tpu.memref_slice %arg6[%mul3A_2639] : memref<32768xi32, #tpu.memory_space<hbm>> -> memref<2048xi32, #tpu.memory_space<hbm>>
        tpu.wait_dma2 semaphore(%run_scoped3A : memref<!tpu.dma_semaphore, #tpu.memory_space<semaphore_mem>>) src(%arg11 : memref<2048xi32, #tpu.memory_space<vmem>>) dst(%dma_wait3A_2651 : memref<2048xi32, #tpu.memory_space<hbm>>)
        tpu.yield
      }) : () -> ()
    } else {
    }
    return
  }
}

module attributes {stable_mosaic.version = 14 : i64} {
  func.func @_route_block(%arg0: i32, %arg1: memref<1024x2048xf32, #tpu.memory_space<vmem>>, %arg2: memref<2048x16xf32, #tpu.memory_space<vmem>>, %arg3: memref<1024x4xi32, #tpu.memory_space<vmem>>, %arg4: memref<1024x2xf32, #tpu.memory_space<vmem>>, %arg5: memref<1x16xi32, #tpu.memory_space<vmem>>, %arg6: memref<1x16xi32, #tpu.memory_space<vmem>>) attributes {dimension_semantics = [#tpu.dimension_semantics<arbitrary>], iteration_bounds = array<i64: 16>, scalar_prefetch = 0 : i64, scratch_operands = 0 : i64, tpu.core_type = #tpu.core_type<tc>, window_params = [{transform_indices = @transform_0, window_bounds = array<i64: 1024, 2048>}, {pipeline_mode = #tpu.pipeline_mode<synchronous>, transform_indices = @transform_1, window_bounds = array<i64: 2048, 16>}, {transform_indices = @transform_2, window_bounds = array<i64: 1024, 4>}, {transform_indices = @transform_3, window_bounds = array<i64: 1024, 2>}, {pipeline_mode = #tpu.pipeline_mode<synchronous>, transform_indices = @transform_4, window_bounds = array<i64: 1, 16>}, {pipeline_mode = #tpu.pipeline_mode<synchronous>, transform_indices = @transform_5, window_bounds = array<i64: 1, 16>}]} {
    %eq3A = arith.constant 0 : i32
    %eq3A_0 = arith.cmpi eq, %arg0, %eq3A : i32
    %convert_element_type3A = arith.extui %eq3A_0 : i1 to i32
    %cond3A = arith.constant 0 : i32
    %cond3A_1 = arith.cmpi ne, %convert_element_type3A, %cond3A : i32
    scf.if %cond3A_1 {
      %broadcast_in_dim3A_88 = arith.constant 0 : i32
      %broadcast_in_dim3A_89 = vector.broadcast %broadcast_in_dim3A_88 : i32 to vector<1x16xi32>
      %swap3A_90 = arith.constant 0 : index
      %swap3A_91 = arith.constant 0 : index
      %swap3A_92 = vector.load %arg5[%swap3A_90, %swap3A_91] : memref<1x16xi32, #tpu.memory_space<vmem>>, vector<1x16xi32>
      tpu.vector_store %arg5[%swap3A_90, %swap3A_91], %broadcast_in_dim3A_89 {strides = array<i32>} : memref<1x16xi32, #tpu.memory_space<vmem>>, vector<1x16xi32>,
    } else {
    }
    %get3A = arith.constant 0 : index
    %get3A_2 = arith.constant 0 : index
    %get3A_3 = vector.load %arg1[%get3A, %get3A_2] : memref<1024x2048xf32, #tpu.memory_space<vmem>>, vector<1024x2048xf32>
    %get3A_4 = arith.constant 0 : index
    %get3A_5 = arith.constant 0 : index
    %get3A_6 = vector.load %arg2[%get3A_4, %get3A_5] : memref<2048x16xf32, #tpu.memory_space<vmem>>, vector<2048x16xf32>
    %dot_general3A = arith.constant dense<0.000000e+00> : vector<1024x16xf32>
    %dot_general3A_7 = tpu.matmul %get3A_3, %get3A_6, %dot_general3A {dimension_numbers = #tpu.dot_dimension_numbers<[1], [0], [0], [1], [0, 0, 1, 1], [], []>, transpose_lhs_hint = false} : vector<1024x2048xf32>, vector<2048x16xf32>, vector<1024x16xf32> -> vector<1024x16xf32>
    %logistic3A = arith.negf %dot_general3A_7 : vector<1024x16xf32>
    %logistic3A_8 = math.exp %logistic3A : vector<1024x16xf32>
    %logistic3A_9 = arith.constant 1.000000e+00 : f32
    %logistic3A_10 = vector.broadcast %logistic3A_9 : f32 to vector<1024x16xf32>
    %logistic3A_11 = arith.addf %logistic3A_10, %logistic3A_8 : vector<1024x16xf32>
    %logistic3A_12 = arith.divf %logistic3A_10, %logistic3A_11 : vector<1024x16xf32>
    %iota3A = tpu.iota {dimensions = array<i32: 1>} : vector<1024x16xi32>
    %reduce_max3A = arith.constant dense<0xFF800000> : vector<1024xf32>
    %reduce_max3A_13 = vector.multi_reduction <maximumf>, %logistic3A_12, %reduce_max3A [1] : vector<1024x16xf32> to vector<1024xf32>
    %broadcast_in_dim3A = vector.shape_cast %reduce_max3A_13 : vector<1024xf32> to vector<1024x1xf32>
    %eq3A_14 = vector.broadcast %broadcast_in_dim3A : vector<1024x1xf32> to vector<1024x16xf32>
    %eq3A_15 = arith.cmpf oeq, %logistic3A_12, %eq3A_14 : vector<1024x16xf32>
    %jit3A = arith.constant 16 : i32
    %broadcast_in_dim3A_16 = vector.broadcast %jit3A : i32 to vector<1024x16xi32>
    %select_n3A = arith.select %eq3A_15, %iota3A, %broadcast_in_dim3A_16 : vector<1024x16xi1>, vector<1024x16xi32>
    %reduce_min3A = arith.constant dense<2147483647> : vector<1024xi32>
    %reduce_min3A_17 = vector.multi_reduction <minsi>, %select_n3A, %reduce_min3A [1] : vector<1024x16xi32> to vector<1024xi32>
    %broadcast_in_dim3A_18 = vector.shape_cast %reduce_min3A_17 : vector<1024xi32> to vector<1024x1xi32>
    %eq3A_19 = vector.broadcast %broadcast_in_dim3A_18 : vector<1024x1xi32> to vector<1024x16xi32>
    %eq3A_20 = arith.cmpi eq, %iota3A, %eq3A_19 : vector<1024x16xi32>
    %jit3A_21 = arith.constant -1.000000e+00 : f32
    %broadcast_in_dim3A_22 = vector.broadcast %jit3A_21 : f32 to vector<1024x16xf32>
    %select_n3A_23 = arith.select %eq3A_20, %broadcast_in_dim3A_22, %logistic3A_12 : vector<1024x16xi1>, vector<1024x16xf32>
    %reduce_max3A_24 = arith.constant dense<0xFF800000> : vector<1024xf32>
    %reduce_max3A_25 = vector.multi_reduction <maximumf>, %select_n3A_23, %reduce_max3A_24 [1] : vector<1024x16xf32> to vector<1024xf32>
    %broadcast_in_dim3A_26 = vector.shape_cast %reduce_max3A_25 : vector<1024xf32> to vector<1024x1xf32>
    %eq3A_27 = vector.broadcast %broadcast_in_dim3A_26 : vector<1024x1xf32> to vector<1024x16xf32>
    %eq3A_28 = arith.cmpf oeq, %select_n3A_23, %eq3A_27 : vector<1024x16xf32>
    %jit3A_29 = arith.constant 16 : i32
    %broadcast_in_dim3A_30 = vector.broadcast %jit3A_29 : i32 to vector<1024x16xi32>
    %select_n3A_31 = arith.select %eq3A_28, %iota3A, %broadcast_in_dim3A_30 : vector<1024x16xi1>, vector<1024x16xi32>
    %reduce_min3A_32 = arith.constant dense<2147483647> : vector<1024xi32>
    %reduce_min3A_33 = vector.multi_reduction <minsi>, %select_n3A_31, %reduce_min3A_32 [1] : vector<1024x16xi32> to vector<1024xi32>
    %broadcast_in_dim3A_34 = vector.shape_cast %reduce_min3A_33 : vector<1024xi32> to vector<1024x1xi32>
    %eq3A_35 = vector.broadcast %broadcast_in_dim3A_34 : vector<1024x1xi32> to vector<1024x16xi32>
    %eq3A_36 = arith.cmpi eq, %iota3A, %eq3A_35 : vector<1024x16xi32>
    %convert_element_type3A_37 = arith.extui %eq3A_20 : vector<1024x16xi1> to vector<1024x16xi32>
    %convert_element_type3A_38 = arith.extui %eq3A_36 : vector<1024x16xi1> to vector<1024x16xi32>
    %add3A = arith.addi %convert_element_type3A_37, %convert_element_type3A_38 : vector<1024x16xi32>
    %iota3A_39 = tpu.iota {dimensions = array<i32: 0>} : vector<1024x1024xi32>
    %iota3A_40 = tpu.iota {dimensions = array<i32: 1>} : vector<1024x1024xi32>
    %lt3A = arith.cmpi slt, %iota3A_40, %iota3A_39 : vector<1024x1024xi32>
    %convert_element_type3A_41 = arith.extui %lt3A : vector<1024x1024xi1> to vector<1024x1024xi32>
    %convert_element_type3A_42 = arith.sitofp %convert_element_type3A_41 : vector<1024x1024xi32> to vector<1024x1024xf32>
    %convert_element_type3A_43 = arith.sitofp %add3A : vector<1024x16xi32> to vector<1024x16xf32>
    %dot_general3A_44 = arith.constant dense<0.000000e+00> : vector<1024x16xf32>
    %dot_general3A_45 = tpu.matmul %convert_element_type3A_42, %convert_element_type3A_43, %dot_general3A_44 {dimension_numbers = #tpu.dot_dimension_numbers<[1], [0], [0], [1], [0, 0, 1, 1], [], []>, transpose_lhs_hint = false} : vector<1024x1024xf32>, vector<1024x16xf32>, vector<1024x16xf32> -> vector<1024x16xf32>
    %convert_element_type3A_46 = arith.fptosi %dot_general3A_45 : vector<1024x16xf32> to vector<1024x16xi32>
    %get3A_47 = arith.constant 0 : index
    %get3A_48 = arith.constant 0 : index
    %get3A_49 = vector.load %arg5[%get3A_47, %get3A_48] : memref<1x16xi32, #tpu.memory_space<vmem>>, vector<1x16xi32>
    %add3A_50 = vector.broadcast %get3A_49 : vector<1x16xi32> to vector<1024x16xi32>
    %add3A_51 = arith.addi %convert_element_type3A_46, %add3A_50 : vector<1024x16xi32>
    %jit3A_52 = arith.constant 0 : i32
    %broadcast_in_dim3A_53 = vector.broadcast %jit3A_52 : i32 to vector<1024x16xi32>
    %select_n3A_54 = arith.select %eq3A_20, %add3A_51, %broadcast_in_dim3A_53 : vector<1024x16xi1>, vector<1024x16xi32>
    %reduce_sum3A = arith.constant dense<0> : vector<1024xi32>
    %reduce_sum3A_55 = vector.multi_reduction <add>, %select_n3A_54, %reduce_sum3A [1] : vector<1024x16xi32> to vector<1024xi32>
    %broadcast_in_dim3A_56 = vector.shape_cast %reduce_sum3A_55 : vector<1024xi32> to vector<1024x1xi32>
    %jit3A_57 = arith.constant 0 : i32
    %broadcast_in_dim3A_58 = vector.broadcast %jit3A_57 : i32 to vector<1024x16xi32>
    %select_n3A_59 = arith.select %eq3A_36, %add3A_51, %broadcast_in_dim3A_58 : vector<1024x16xi1>, vector<1024x16xi32>
    %reduce_sum3A_60 = arith.constant dense<0> : vector<1024xi32>
    %reduce_sum3A_61 = vector.multi_reduction <add>, %select_n3A_59, %reduce_sum3A_60 [1] : vector<1024x16xi32> to vector<1024xi32>
    %broadcast_in_dim3A_62 = vector.shape_cast %reduce_sum3A_61 : vector<1024xi32> to vector<1024x1xi32>
    %concatenate3A = tpu.concatenate %broadcast_in_dim3A_18, %broadcast_in_dim3A_34, %broadcast_in_dim3A_56, %broadcast_in_dim3A_62 in 1 : vector<1024x1xi32>, vector<1024x1xi32>, vector<1024x1xi32>, vector<1024x1xi32> -> vector<1024x4xi32>
    %reduce_sum3A_63 = arith.constant dense<0> : vector<16xi32>
    %reduce_sum3A_64 = vector.multi_reduction <add>, %add3A, %reduce_sum3A_63 [0] : vector<1024x16xi32> to vector<16xi32>
    %broadcast_in_dim3A_65 = vector.shape_cast %reduce_sum3A_64 : vector<16xi32> to vector<1x16xi32>
    %add3A_66 = arith.addi %get3A_49, %broadcast_in_dim3A_65 : vector<1x16xi32>
    %swap3A = arith.constant 0 : index
    %swap3A_67 = arith.constant 0 : index
    %swap3A_68 = vector.load %arg5[%swap3A, %swap3A_67] : memref<1x16xi32, #tpu.memory_space<vmem>>, vector<1x16xi32>
    tpu.vector_store %arg5[%swap3A, %swap3A_67], %add3A_66 {strides = array<i32>} : memref<1x16xi32, #tpu.memory_space<vmem>>, vector<1x16xi32>,
    %iota3A_69 = tpu.iota {dimensions = array<i32: 0>} : vector<16x16xi32>
    %iota3A_70 = tpu.iota {dimensions = array<i32: 1>} : vector<16x16xi32>
    %convert_element_type3A_71 = arith.sitofp %add3A_66 : vector<1x16xi32> to vector<1x16xf32>
    %lt3A_72 = arith.cmpi slt, %iota3A_69, %iota3A_70 : vector<16x16xi32>
    %convert_element_type3A_73 = arith.extui %lt3A_72 : vector<16x16xi1> to vector<16x16xi32>
    %convert_element_type3A_74 = arith.sitofp %convert_element_type3A_73 : vector<16x16xi32> to vector<16x16xf32>
    %dot_general3A_75 = arith.constant dense<0.000000e+00> : vector<1x16xf32>
    %dot_general3A_76 = tpu.matmul %convert_element_type3A_71, %convert_element_type3A_74, %dot_general3A_75 {dimension_numbers = #tpu.dot_dimension_numbers<[1], [0], [0], [1], [0, 0, 1, 1], [], []>, precision = #tpu.contract_precision<fp32>, transpose_lhs_hint = false} : vector<1x16xf32>, vector<16x16xf32>, vector<1x16xf32> -> vector<1x16xf32>
    %convert_element_type3A_77 = arith.fptosi %dot_general3A_76 : vector<1x16xf32> to vector<1x16xi32>
    %swap3A_78 = arith.constant 0 : index
    %swap3A_79 = arith.constant 0 : index
    %swap3A_80 = vector.load %arg6[%swap3A_78, %swap3A_79] : memref<1x16xi32, #tpu.memory_space<vmem>>, vector<1x16xi32>
    tpu.vector_store %arg6[%swap3A_78, %swap3A_79], %convert_element_type3A_77 {strides = array<i32>} : memref<1x16xi32, #tpu.memory_space<vmem>>, vector<1x16xi32>,
    %swap3A_81 = arith.constant 0 : index
    %swap3A_82 = arith.constant 0 : index
    %swap3A_83 = vector.load %arg3[%swap3A_81, %swap3A_82] : memref<1024x4xi32, #tpu.memory_space<vmem>>, vector<1024x4xi32>
    tpu.vector_store %arg3[%swap3A_81, %swap3A_82], %concatenate3A {strides = array<i32>} : memref<1024x4xi32, #tpu.memory_space<vmem>>, vector<1024x4xi32>,
    %concatenate3A_84 = tpu.concatenate %broadcast_in_dim3A, %broadcast_in_dim3A_26 in 1 : vector<1024x1xf32>, vector<1024x1xf32> -> vector<1024x2xf32>
    %swap3A_85 = arith.constant 0 : index
    %swap3A_86 = arith.constant 0 : index
    %swap3A_87 = vector.load %arg4[%swap3A_85, %swap3A_86] : memref<1024x2xf32, #tpu.memory_space<vmem>>, vector<1024x2xf32>
    tpu.vector_store %arg4[%swap3A_85, %swap3A_86], %concatenate3A_84 {strides = array<i32>} : memref<1024x2xf32, #tpu.memory_space<vmem>>, vector<1024x2xf32>,
    return
  }
  func.func @transform_0(%arg0: i32) -> (i32, i32) {
    %c0_i32 = arith.constant 0 : i32
    %c0_i32_0 = arith.constant 0 : i32
    return %arg0, %c0_i32 : i32, i32
  }
  func.func @transform_1(%arg0: i32) -> (i32, i32) {
    %c0_i32 = arith.constant 0 : i32
    %c0_i32_0 = arith.constant 0 : i32
    %c0_i32_1 = arith.constant 0 : i32
    return %c0_i32, %c0_i32_0 : i32, i32
  }
  func.func @transform_2(%arg0: i32) -> (i32, i32) {
    %c0_i32 = arith.constant 0 : i32
    %c0_i32_0 = arith.constant 0 : i32
    return %arg0, %c0_i32 : i32, i32
  }
  func.func @transform_3(%arg0: i32) -> (i32, i32) {
    %c0_i32 = arith.constant 0 : i32
    %c0_i32_0 = arith.constant 0 : i32
    return %arg0, %c0_i32 : i32, i32
  }
  func.func @transform_4(%arg0: i32) -> (i32, i32) {
    %c0_i32 = arith.constant 0 : i32
    %c0_i32_0 = arith.constant 0 : i32
    %c0_i32_1 = arith.constant 0 : i32
    return %c0_i32, %c0_i32_0 : i32, i32
  }
  func.func @transform_5(%arg0: i32) -> (i32, i32) {
    %c0_i32 = arith.constant 0 : i32
    %c0_i32_0 = arith.constant 0 : i32
    %c0_i32_1 = arith.constant 0 : i32
    return %c0_i32, %c0_i32_0 : i32, i32
  }
}

</mosaic_0001>

<sc_bundles>
// kernel: kernel.4.cloned.1.call-start
scs
__scs_entry_jumppad:
0x0: {  	(pc) =	sbr.rel $0x88, $3  }
0x1: {  	(tag) =	ssettag $0x0;
	lr =	simm.s32 $0x1  }
0x2: {  	[smem:$0x3F9F] =	sst lr;
	_ =	strace $0xD0000000  }
0x3: {  	_ = 	snop  }
0x4: {  	_ = 	snop  }
0x5: {  	_ = 	snop  }
0x6: {  	_ = 	snop  }
0x7: {  	_ = 	snop  }
__scs_overlays_trampoline_lowered:
0x8: {  	[smem:$0x3FAE] =	sst s0  }
0x9: {  	[smem:$0x3FAF] =	sst s1  }
0xa: {  	[smem:$0x3FB0] =	sst s2  }
0xb: {  	[smem:$0x3FB1] =	sst s3  }
0xc: {  	[smem:$0x3FB2] =	sst s4  }
0xd: {  	[smem:$0x3FB3] =	sst s5  }
0xe: {  	[smem:$0x3FB4] =	sst s6  }
0xf: {  	[smem:$0x3FB5] =	sst s7  }
0x10: {  	[smem:$0x3FB6] =	sst s8  }
0x11: {  	[smem:$0x3FB7] =	sst s9;
	s0 =	simm.s32 @!p0 $0x0  }
0x12: {  	s1 =	sld [smem:$0x3F9D];
	s0 =	simm.s32 @p0 $0x1  }
0x13: {  	[smem:$0x3FB8] =	sst s0;
	s0 =	simm.s32 @!p1 $0x0  }
0x14: {  	s2 =	sld [smem:$0x3F9C];
	s0 =	simm.s32 @p1 $0x1  }
0x15: {  	[smem:$0x3FB9] =	sst s0;
	s0 =	simm.s32 @!p2 $0x0  }
0x16: {  	s3 =	sld [smem:$0x3FDB];
	s0 =	simm.s32 @p2 $0x1  }
0x17: {  	s4 =	simm.s32 $0x1BF5;
	[smem:$0x3FBB] =	sst s0  }
0x18: {  	s0 =	sld [smem:$0x3F9E];
	_ =	swait.ge [sflag:s4], $0x0  }
0x19: {  	s7 =	sld [smem:$0x3F9F]  }
0x1a: {  	s8 =	sadd.s32 $0xFFFFE003, lr  }
0x1b: {  	s9 =	sadd.s32 $0xFFFFFEF7, lr;
	s5 =	simm.s32 $0xFFFFFFFF;
	p2 =	slt.u32 s8, $0xFFFFF086  }
0x1c: {  	p1 =	slt.u32 s9, $0xF7A;
	s5 =	simm.s32 @!p2 $0x0  }
0x1d: {  	s5 =	simm.s32 @p1 $0x1;
	p0 =	seq.s32 s7, s2  }
0x1e: {  	s7 =	smul.u32 @!p0 $0xF7A, s2;
	p2 =	seq.s32 @!p0 s5, $0x0  }
0x1f: {  	s9 =	smul.u32 $0xF7A, s1;
	s8 =	simm.s32 @!p0 $0x1BF5;
	p2 =	por !p2, p0  }
0x20: {  	[sflag:s8] =	ssyncset.s32 @!p0 $0xFFFFF086;
	s6 =	sadd.s32 @!p0 s3, s7;
	s7 =	simm.s32 @!p0 $0x108  }
0x21: {  	s3 =	sadd.s32 s3, s9;
	s6 =	sadd.s32 @!p0 $0x88, s6;
	s7 =	simm.s32 @p2 $0x1082  }
0x22: {  	[simem:s7], [sflag:s8] =	dma.local @!p0 [hbm:s6], $0xF7A  }
0x23: {  	s9 =	sor.u32 $0xD0000000, s2;
	s6 =	simm.s32 $0x108;
	_ =	swait.ge @!p0 [sflag:s8], $0x0  }
0x24: {  	s3 =	sadd.s32 $0x88, s3;
	s6 =	simm.s32 @!p1 $0x1082;
	[sflag:s4] =	ssyncset.s32 $0xFFFFF086  }
0x25: {  	[simem:s6], [sflag:s4] =	dma.local [hbm:s3], $0xF7A  }
0x26: {  	[smem:$0x3F9F] =	sst s1;
	(tag) =	ssettag s2;
	_ =	strace s9  }
0x27: {  	s1 =	sld [smem:$0x3FAF]  }
0x28: {  	s2 =	sld [smem:$0x3FB0]  }
0x29: {  	s4 =	sld [smem:$0x3FB2]  }
0x2a: {  	p0 =	seq.s32 s5, $0x0;
	s5 =	sld [smem:$0x3FB3]  }
0x2b: {  	s6 =	sld [smem:$0x3FB4]  }
0x2c: {  	s7 =	sld [smem:$0x3FB5]  }
0x2d: {  	s3 =	simm.s32 $0x108;
	s8 =	sld [smem:$0x3FB6]  }
0x2e: {  	s3 =	simm.s32 @!p0 $0x1082;
	s9 =	sld [smem:$0x3FB7]  }
0x2f: {  	lr =	sadd.s32 s0, s3;
	s0 =	sld [smem:$0x3FAE]  }
0x30: {  	s3 =	sld [smem:$0x3FB1]  }
0x31: {  	[smem:$0x3FBA] =	sst s10  }
0x32: {  	s10 =	sld [smem:$0x3FB8];
	_ =	sdelay $0x3  }
0x33: {  	p0 =	seq.s32 s10, $0x1;
	s10 =	sld [smem:$0x3FBA];
	_ =	sdelay $0x3  }
0x34: {  	[smem:$0x3FBA] =	sst s10  }
0x35: {  	s10 =	sld [smem:$0x3FB9];
	_ =	sdelay $0x3  }
0x36: {  	p1 =	seq.s32 s10, $0x1;
	s10 =	sld [smem:$0x3FBA];
	_ =	sdelay $0x3  }
0x37: {  	[smem:$0x3FBA] =	sst s10  }
0x38: {  	s10 =	sld [smem:$0x3FBB]  }
0x39: {  	_ = 	snop;
	(pc) =	sbr.ind lr, $3  }
0x3a: {  	_ = 	snop  }
0x3b: {  	_ = 	snop  }
0x3c: {  	p2 =	seq.s32 s10, $0x1;
	s10 =	sld [smem:$0x3FBA]  }
0x3d: {  	_ =	shalt  }
0x3e: {  	_ =	shalt  }
0x3f: {  	_ =	shalt  }
0x40: {  	_ =	shalt  }
0x41: {  	_ =	shalt  }
0x42: {  	_ =	shalt  }
0x43: {  	_ =	shalt  }
0x44: {  	_ =	shalt  }
0x45: {  	_ =	shalt  }
0x46: {  	_ =	shalt  }
0x47: {  	_ =	shalt  }
0x48: {  	_ =	shalt  }
0x49: {  	_ =	shalt  }
0x4a: {  	_ =	shalt  }
0x4b: {  	_ =	shalt  }
0x4c: {  	_ =	shalt  }
0x4d: {  	_ =	shalt  }
0x4e: {  	_ =	shalt  }
0x4f: {  	_ =	shalt  }
0x50: {  	_ =	shalt  }
0x51: {  	_ =	shalt  }
0x52: {  	_ =	shalt  }
0x53: {  	_ =	shalt  }
0x54: {  	_ =	shalt  }
0x55: {  	_ =	shalt  }
0x56: {  	_ =	shalt  }
0x57: {  	_ =	shalt  }
0x58: {  	_ =	shalt  }
0x59: {  	_ =	shalt  }
0x5a: {  	_ =	shalt  }
0x5b: {  	_ =	shalt  }
0x5c: {  	_ =	shalt  }
0x5d: {  	_ =	shalt  }
0x5e: {  	_ =	shalt  }
0x5f: {  	_ =	shalt  }
0x60: {  	_ =	shalt  }
0x61: {  	_ =	shalt  }
0x62: {  	_ =	shalt  }
0x63: {  	_ =	shalt  }
0x64: {  	_ =	shalt  }
0x65: {  	_ =	shalt  }
0x66: {  	_ =	shalt  }
0x67: {  	_ =	shalt  }
0x68: {  	_ =	shalt  }
0x69: {  	_ =	shalt  }
0x6a: {  	_ =	shalt  }
0x6b: {  	_ =	shalt  }
0x6c: {  	_ =	shalt  }
0x6d: {  	_ =	shalt  }
0x6e: {  	_ =	shalt  }
0x6f: {  	_ =	shalt  }
0x70: {  	_ =	shalt  }
0x71: {  	_ =	shalt  }
0x72: {  	_ =	shalt  }
0x73: {  	_ =	shalt  }
0x74: {  	_ =	shalt  }
0x75: {  	_ =	shalt  }
0x76: {  	_ =	shalt  }
0x77: {  	_ =	shalt  }
0x78: {  	_ =	shalt  }
0x79: {  	_ =	shalt  }
0x7a: {  	_ =	shalt  }
0x7b: {  	_ =	shalt  }
0x7c: {  	_ =	shalt  }
0x7d: {  	_ =	shalt  }
0x7e: {  	_ =	shalt  }
0x7f: {  	_ =	shalt  }
0x80: {  	_ =	shalt  }
0x81: {  	_ =	shalt  }
0x82: {  	_ =	shalt  }
0x83: {  	_ =	shalt  }
0x84: {  	_ =	shalt  }
0x85: {  	_ =	shalt  }
0x86: {  	_ =	shalt  }
0x87: {  	_ =	shalt  }
.Lfunc_end0:
.L_simem_size_0:
called_computation_lowered:
.L_overlay_start_0:
0x88: {  	s2 =	sld [smem:$0x3FD9]  }
0x89: {  	s3 =	sld [smem:$0x3FFE];
	_ =	sdelay $0x1  }
0x8a: {  	s1 =	srdreg.scid  }
0x8b: {  	s0 =	sand.u32 $0x1, s1  }
0x8c: {  	s14 =	sshll.u32 s0, $0xA;
	s2 =	sadd.s32 s3, s2  }
0x8d: {  	s2 =	sadd.s32 s2, s14  }
0x8e: {  	[smem:$0x3FC6] =	sst s2  }
0x8f: {  	_ = 	snop  }
0x90: {  	s2 =	sld [smem:$0x3FD0];
	_ =	sdelay $0x2  }
0x91: {  	s15 =	simm.s32 $0xA;
	s4 =	simm.s32 $0x10  }
0x92: {  	[smem:s4], [sflag:s15] =	dma.local [hbm:s2], $0x1  }
0x93: {  	_ =	swait.eq [sflag:s15], $0x1  }
0x94: {  	[sflag:s15] =	ssyncset.done $0x0  }
0x95: {  	s16 =	sld [smem:$0x10];
	[sflag:s15] =	ssyncadd.s32 $0xFFFFFFFF  }
0x96: {  	s17 =	sld [smem:$0x11];
	(tm) =	ssettm $0x1  }
0x97: {  	s18 =	sld [smem:$0x3FFB];
	_ =	sdelay $0x3  }
0x98: {  	_ =	strace s18  }
0x99: {  	s4 =	sld [smem:$0x3FFC];
	_ =	sdelay $0x3  }
0x9a: {  	_ =	strace s4  }
0x9b: {  	s4 =	sld [smem:$0x3FFD];
	_ =	sdelay $0x3  }
0x9c: {  	_ =	strace s4  }
0x9d: {  	_ =	strace $0x8FFFFFFF  }
0x9e: {  	s19 =	sld [smem:$0x3FDB];
	_ =	sdelay $0x1  }
0x9f: {  	s5 =	simm.s32 $_scs_section_size  }
0xa0: {  	s6 =	simm.s32 $_size__tile_overlayer_lowered;
	s7 =	simm.s32 $_tile_overlayer_lowered  }
0xa1: {  	s22 =	simm.s32 $0x1BFF;
	s21 =	sshll.u32 s7, $0x1;
	s4 =	sadd.s32 s5, s19  }
0xa2: {  	s8 =	simm.s32 $0x0;
	s20 =	sshll.u32 s6, $0x1;
	s6 =	sadd.s32 s21, s4  }
0xa3: {  	[timem:s8], [sflag:s22] =	dma.local [hbm:s6], s20  }
0xa4: {  	_ =	swait.ge [sflag:s22], s20  }
0xa5: {  	s5 =	ssub.s32 $0x0, s20;
	[sflag:s22] =	ssyncset.done $0x0  }
0xa6: {  	[sflag:s22] =	ssyncadd.s32 s5;
	_ =	sdelay $0x1  }
0xa7: {  	s23 =	simm.s32 $0x1B8B  }
0xa8: {  	_ =	swait.ge [sflag:s23], $0x1  }
0xa9: {  	[sflag:s23] =	ssyncset.done $0x0  }
0xaa: {  	s25 =	simm.s32 $0x1B8E;
	s24 =	sld [smem:$0x3FFE];
	[sflag:s23] =	ssyncadd.s32 $0xFFFFFFFF  }
0xab: {  	s26 =	simm.s32 $execute0_lowered;
	[smem:$0x3FD2] =	sst s25  }
0xac: {  	s6 =	sshll.u32 s26, $0x1;
	_ =	strace $0x80000046;
	[dreg:$0x1] =	wrdreg $0xFFFFFFFF  }
0xad: {  	s28 =	simm.s32 $_size_execute0_lowered;
	s4 =	sadd.s32 s4, s6;
	[dreg:$0x0] =	wrdreg $0x0  }
0xae: {  	s6 =	sshll.u32 s28, $0x1;
	[dreg:$0x2] =	wrdreg s4  }
0xaf: {  	[dreg:$0x3] =	wrdreg s6  }
0xb0: {  	[dreg:$0x4] =	wrdreg $0xC0  }
0xb1: {  	_ =	task [dreg:s8], $0x5FFFF  }
0xb2: {  	[dreg:$0x1] =	wrdreg $0xFFFFFFFF  }
0xb3: {  	[dreg:$0x0] =	wrdreg $0x60  }
0xb4: {  	[dreg:$0x2] =	wrdreg s24  }
0xb5: {  	[dreg:$0x3] =	wrdreg s16  }
0xb6: {  	[dreg:$0x4] =	wrdreg s17  }
0xb7: {  	[dreg:$0x5] =	wrdreg $0x28800  }
0xb8: {  	[dreg:$0x6] =	wrdreg $0x30800  }
0xb9: {  	[dreg:$0x7] =	wrdreg $0x9  }
0xba: {  	_ =	task.clear_ibuf [dreg:s8], $0x8FFFF;
	_ =	strace $0x90000046  }
0xbb: {  	s29 =	simm.s32 $0x9;
	_ =	strace $0x80000048  }
0xbc: {  	_ =	swait.ge [sflag:s29], $0x1  }
0xbd: {  	[sflag:s29] =	ssyncadd.s32 $0xFFFFFFFF  }
0xbe: {  	_ =	strace $0x90000048  }
0xbf: {  	_ =	sfence  }
0xc0: {  	s30 =	sld [smem:$0x0];
	_ =	sdelay $0x2  }
0xc1: {  	s31 =	sshll.u32 s1, $0xD;
	s1 =	sshrl.u32 s1, $0x2  }
0xc2: {  	s3 =	sand.u32 $0x4000, s31;
	s1 =	sadd.s32 s1, s30  }
0xc3: {  	s0 =	sor.u32 s3, s0;
	s1 =	sshll.u32 s1, $0x11  }
0xc4: {  	s0 =	sor.u32 s1, s0  }
0xc5: {  	s0 =	sadd.s32 $0x8F2B, s0  }
0xc6: {  	[sflag:s0] =	ssyncadd.remote.s32 $0x1  }
0xc7: {  	_ =	sfence.sel $0xFFFF  }
0xc8: {  	[dreg:$0x0] =	wrdreg $0xFFFFFFFF;
	(pc) =	sbr.abs _section_cstart, $3  }
0xc9: {  	[dreg:$0x1] =	wrdreg $0xFFFFFFFF  }
0xca: {  	_ =	task.clear_ibuf [dreg:s8], $0x2FFFF;
	_ =	strace $0x9FFFFFFF  }
0xcb: {  	(tm) =	ssettm $0x7FFFFFFF  }
tec
execute0_lowered:
.L_overlay_start_1:
0x0: {  	(tag) =	ssettag $0x1  }
0x1: {  	s0 =	stileid.u32;
	v2 =	vlaneseq.u32  }
0x2: {  	s16 =	sshll.u32 s0, $0xA;
	v0 =	vor.u32 $0x10, v2  }
0x3: {  	v0 =	vor.u32 s16, v0  }
0x4: {  	[tilespmem:$0x1FF80] =	vst v0;
	v0 =	vor.u32 $0x20, v2  }
0x5: {  	v1 =	vor.u32 $0x30, v2;
	v0 =	vor.u32 s16, v0  }
0x6: {  	[tilespmem:$0x1FF90] =	vst v0;
	v0 =	vor.u32 s16, v1  }
0x7: {  	[tilespmem:$0x1FFA0] =	vst v0;
	v0 =	vor.u32 $0x40, v2  }
0x8: {  	v0 =	vor.u32 s16, v0  }
0x9: {  	[tilespmem:$0x1FFB0] =	vst v0;
	v0 =	vor.u32 $0x50, v2  }
0xa: {  	v1 =	vor.u32 $0x60, v2;
	v0 =	vor.u32 s16, v0  }
0xb: {  	[tilespmem:$0x1FFC0] =	vst v0;
	v0 =	vor.u32 s16, v1  }
0xc: {  	[tilespmem:$0x1FFD0] =	vst v0;
	v0 =	vor.u32 $0x70, v2  }
0xd: {  	v0 =	vor.u32 s16, v0  }
0xe: {  	[tilespmem:$0x1FFE0] =	vst v0;
	v0 =	vor.u32 $0x80, v2  }
0xf: {  	v1 =	vor.u32 $0x90, v2;
	v0 =	vor.u32 s16, v0  }
0x10: {  	v9 =	vor.u32 s16, v1;
	[tilespmem:$0x1FFF0] =	vst v0;
	v0 =	vor.u32 $0xA0, v2  }
0x11: {  	v1 =	vor.u32 $0xC0, v2;
	v10 =	vor.u32 s16, v0;
	v0 =	vor.u32 $0xB0, v2  }
0x12: {  	v12 =	vor.u32 s16, v1;
	v11 =	vor.u32 s16, v0;
	v0 =	vor.u32 $0xD0, v2  }
0x13: {  	v1 =	vor.u32 $0xF0, v2;
	v13 =	vor.u32 s16, v0;
	v0 =	vor.u32 $0xE0, v2  }
0x14: {  	v15 =	vor.u32 s16, v1;
	v14 =	vor.u32 s16, v0;
	v0 =	vor.u32 $0x100, v2  }
0x15: {  	v1 =	vor.u32 $0x120, v2;
	v16 =	vor.u32 s16, v0;
	v0 =	vor.u32 $0x110, v2  }
0x16: {  	v18 =	vor.u32 s16, v1;
	v17 =	vor.u32 s16, v0;
	v0 =	vor.u32 $0x130, v2  }
0x17: {  	v1 =	vor.u32 $0x150, v2;
	v19 =	vor.u32 s16, v0;
	v0 =	vor.u32 $0x140, v2  }
0x18: {  	v21 =	vor.u32 s16, v1;
	v20 =	vor.u32 s16, v0;
	v0 =	vor.u32 $0x160, v2  }
0x19: {  	v1 =	vor.u32 $0x180, v2;
	v22 =	vor.u32 s16, v0;
	v0 =	vor.u32 $0x170, v2  }
0x1a: {  	v24 =	vor.u32 s16, v1;
	v23 =	vor.u32 s16, v0;
	v0 =	vor.u32 $0x190, v2  }
0x1b: {  	v1 =	vor.u32 $0x1B0, v2;
	v25 =	vor.u32 s16, v0;
	v0 =	vor.u32 $0x1A0, v2  }
0x1c: {  	v27 =	vor.u32 s16, v1;
	v26 =	vor.u32 s16, v0;
	v0 =	vor.u32 $0x1C0, v2  }
0x1d: {  	v1 =	vor.u32 $0x1E0, v2;
	v28 =	vor.u32 s16, v0;
	v0 =	vor.u32 $0x1D0, v2  }
0x1e: {  	v30 =	vor.u32 s16, v1;
	v29 =	vor.u32 s16, v0;
	v0 =	vor.u32 $0x1F0, v2  }
0x1f: {  	v1 =	vor.u32 $0x210, v2;
	v31 =	vor.u32 s16, v0;
	v0 =	vor.u32 $0x200, v2  }
0x20: {  	v33 =	vor.u32 s16, v1;
	v32 =	vor.u32 s16, v0;
	v0 =	vor.u32 $0x220, v2  }
0x21: {  	v1 =	vor.u32 $0x240, v2;
	v34 =	vor.u32 s16, v0;
	v0 =	vor.u32 $0x230, v2  }
0x22: {  	v36 =	vor.u32 s16, v1;
	v35 =	vor.u32 s16, v0;
	v0 =	vor.u32 $0x250, v2  }
0x23: {  	v1 =	vor.u32 $0x270, v2;
	v37 =	vor.u32 s16, v0;
	v0 =	vor.u32 $0x260, v2  }
0x24: {  	v39 =	vor.u32 s16, v1;
	v38 =	vor.u32 s16, v0;
	v0 =	vor.u32 $0x280, v2  }
0x25: {  	v1 =	vor.u32 $0x2A0, v2;
	v40 =	vor.u32 s16, v0;
	v0 =	vor.u32 $0x290, v2  }
0x26: {  	v42 =	vor.u32 s16, v1;
	v41 =	vor.u32 s16, v0;
	v0 =	vor.u32 $0x2B0, v2  }
0x27: {  	s6 =	rddreg [dreg:$0x0];
	v1 =	vor.u32 $0x2D0, v2;
	v43 =	vor.u32 s16, v0;
	v0 =	vor.u32 $0x2C0, v2  }
0x28: {  	s15 =	rddreg [dreg:$0x1];
	v45 =	vor.u32 s16, v1;
	v44 =	vor.u32 s16, v0;
	v0 =	vor.u32 $0x2E0, v2  }
0x29: {  	s13 =	rddreg [dreg:$0x2];
	v1 =	vor.u32 $0x300, v2;
	v46 =	vor.u32 s16, v0;
	v0 =	vor.u32 $0x2F0, v2  }
0x2a: {  	s1 =	rddreg [dreg:$0x3];
	v48 =	vor.u32 s16, v1;
	v47 =	vor.u32 s16, v0;
	v0 =	vor.u32 $0x310, v2  }
0x2b: {  	s3 =	rddreg [dreg:$0x4];
	v1 =	vor.u32 $0x330, v2;
	v49 =	vor.u32 s16, v0;
	v0 =	vor.u32 $0x320, v2  }
0x2c: {  	s2 =	rddreg [dreg:$0x5];
	s4 =	simm.s32 $0x0;
	s5 =	srdreg.scid;
	v51 =	vor.u32 s16, v1;
	v50 =	vor.u32 s16, v0;
	v0 =	vor.u32 $0x340, v2  }
0x2d: {  	s14 =	simm.s32 $0x2080;
	[smem:$0x7FF] =	sst s4;
	s7 =	sshll.u32 s0, $0x9;
	v1 =	vor.u32 $0x360, v2;
	v52 =	vor.u32 s16, v0;
	v0 =	vor.u32 $0x350, v2  }
0x2e: {  	s11 =	sand.u32 $0x1, s5;
	s5 =	sadd.s32 $0xC00, s6;
	s17 =	sshll.u32 s0, $0x8;
	v54 =	vor.u32 s16, v1;
	v53 =	vor.u32 s16, v0;
	v0 =	vor.u32 $0x370, v2  }
0x2f: {  	s31 =	sshll.u32 s0, $0xB;
	s7 =	sadd.s32 s7, s6;
	s8 =	ssub.s32 $0x2, s11;
	v1 =	vor.u32 $0x390, v2;
	v55 =	vor.u32 s16, v0;
	v0 =	vor.u32 $0x380, v2  }
0x30: {  	s10 =	sadd.s32 s17, s6;
	p0 =	sne.s32 s11, $0x0;
	s11 =	simm.s32 $0x1;
	v57 =	vor.u32 s16, v1;
	v56 =	vor.u32 s16, v0;
	v0 =	vor.u32 $0x3A0, v2  }
0x31: {  	s9 =	sshrl.u32 s8, $0x1;
	s6 =	sadd.s32 $0xE00, s7;
	s7 =	sadd.s32 $0x2E00, s10;
	v1 =	vor.u32 $0x3C0, v2;
	v58 =	vor.u32 s16, v0;
	v0 =	vor.u32 $0x3B0, v2  }
0x32: {  	s15 =	smov.u32 @p0 s13;
	s13 =	simm.s32 $0x1880;
	s12 =	ssub.s32 s8, s9;
	v60 =	vor.u32 s16, v1;
	v59 =	vor.u32 s16, v0;
	v0 =	vor.u32 $0x3D0, v2  }
0x33: {  	s8 =	sadd.s32 s31, s3;
	s9 =	sadd.s32 s31, s1;
	s15 =	sadd.s32 s15, s17;
	v1 =	vor.u32 $0x3F0, v2;
	v61 =	vor.u32 s16, v0;
	v0 =	vor.u32 $0x3E0, v2  }
0x34: {  	s10 =	smax.u32 s12, $0x1;
	s12 =	simm.s32 $0x1000;
	_ =	strace $0x80000047;
	v63 =	vor.u32 s16, v1;
	v62 =	vor.u32 s16, v0;
	v0 =	vor.u32 s16, v2  }
.LBB2_1:
0x35: {  	[tilespmem:s4], [sflag:$0x1] =	stream.linear.gather [hbm4b:s6+s4], $0x1000, $0x38;
	[tilespmem:$0x3880] =	vst v63  }
0x36: {  	_ =	swait.ge [sflag:s11], $0x1000  }
0x37: {  	[sflag:s11] =	ssyncset.done $0x0  }
0x38: {  	[sflag:s11] =	ssyncadd.s32 $0xFFFFF000  }
0x39: {  	[tilespmem:s12], [sflag:$0x1] =	stream.linear.gather [hbm4b:s5+s4], $0x80, $0x38;
	[tilespmem:$0x3880] =	vst v63  }
0x3a: {  	_ =	swait.ge [sflag:s11], $0x80  }
0x3b: {  	v7 =	vlaneseq.u32;
	[sflag:s11] =	ssyncset.done $0x0  }
0x3c: {  	s17 =	simm.s32 @!p0 $0x0;
	s16 =	simm.s32 @!p0 $0x1080;
	v1 =	vmul.u32 $0x4, v7;
	[sflag:s11] =	ssyncadd.s32 $0xFFFFFF80  }
0x3d: {  	[tilespmem:s16], [sflag:$0x1] =	stream.linear.gather @!p0 [hbm4b:s7+s17], $0x800, $0x38;
	[tilespmem:$0x3880] =	vst v63  }
0x3e: {  	v2 =	vor.u32 $0x1, v1;
	s17 =	simm.s32 @!p0 $0x1  }
0x3f: {  	_ =	swait.ge @!p0 [sflag:s17], $0x800  }
0x40: {  	[sflag:s17] =	ssyncset.done @!p0 $0x0  }
0x41: {  	[sflag:s17] =	ssyncadd.s32 @!p0 $0xFFFFF800  }
0x42: {  	v3 =	vld.idx.msk [tilespmem:v1+s4+$0x0], $0xffff  }
0x43: {  	v5 =	vor.u32 $0x3, v1;
	v4 =	vld.idx.msk [tilespmem:v2+s4+$0x0], $0xffff  }
0x44: {  	v2 =	vor.u32 $0x2, v1;
	_ =	sdelay $0x3  }
0x45: {  	v5 =	vld.idx.msk [tilespmem:v5+s4+$0x0], $0xffff  }
0x46: {  	v6 =	vld.idx.msk [tilespmem:v2+s4+$0x0], $0xffff  }
0x47: {  	v2 =	vmul.u32 $0x2, v7;
	v3 =	vld.idx.msk [tilespmem:v3+s12+$0x0], $0xffff  }
0x48: {  	v4 =	vld.idx.msk [tilespmem:v4+s12+$0x0], $0xffff  }
0x49: {  	v7 =	vor.u32 $0x1, v2;
	_ =	sdelay $0x2  }
0x4a: {  	v3 =	vadd.s32 v6, v3;
	v6 =	vor.u32 $0x40, v1  }
0x4b: {  	v4 =	vadd.s32 v5, v4;
	[tilespmem:v2+s13+$0x0] =	vst.idx.msk $0xffff, v3;
	v3 =	vor.u32 $0x41, v1  }
0x4c: {  	[tilespmem:v7+s13+$0x0] =	vst.idx.msk $0xffff, v4  }
0x4d: {  	[tilespmem:v2+s14+$0x0] =	vst.idx.msk $0xffff, v0  }
0x4e: {  	[tilespmem:v7+s14+$0x0] =	vst.idx.msk $0xffff, v0  }
0x4f: {  	v4 =	vld.idx.msk [tilespmem:v6+s4+$0x0], $0xffff  }
0x50: {  	v5 =	vor.u32 $0x42, v1;
	v3 =	vld.idx.msk [tilespmem:v3+s4+$0x0], $0xffff  }
0x51: {  	v6 =	vor.u32 $0x43, v1;
	_ =	sdelay $0x3  }
0x52: {  	v5 =	vld.idx.msk [tilespmem:v5+s4+$0x0], $0xffff  }
0x53: {  	v6 =	vld.idx.msk [tilespmem:v6+s4+$0x0], $0xffff  }
0x54: {  	v4 =	vld.idx.msk [tilespmem:v4+s12+$0x0], $0xffff  }
0x55: {  	v7 =	vor.u32 $0x20, v2;
	v3 =	vld.idx.msk [tilespmem:v3+s12+$0x0], $0xffff  }
0x56: {  	v8 =	vor.u32 $0x21, v2;
	_ =	sdelay $0x2  }
0x57: {  	v4 =	vadd.s32 v5, v4  }
0x58: {  	v3 =	vadd.s32 v6, v3;
	[tilespmem:v7+s13+$0x0] =	vst.idx.msk $0xffff, v4  }
0x59: {  	[tilespmem:v8+s13+$0x0] =	vst.idx.msk $0xffff, v3;
	v3 =	vld [tilespmem:$0x1FF80];
	_ =	sdelay $0x1  }
0x5a: {  	v5 =	vor.u32 $0x80, v1  }
0x5b: {  	v4 =	vor.u32 $0x81, v1;
	_ =	sdelay $0x1  }
0x5c: {  	[tilespmem:v7+s14+$0x0] =	vst.idx.msk $0xffff, v3  }
0x5d: {  	[tilespmem:v8+s14+$0x0] =	vst.idx.msk $0xffff, v3  }
0x5e: {  	v3 =	vld.idx.msk [tilespmem:v5+s4+$0x0], $0xffff  }
0x5f: {  	v6 =	vor.u32 $0x83, v1;
	v4 =	vld.idx.msk [tilespmem:v4+s4+$0x0], $0xffff  }
0x60: {  	v5 =	vor.u32 $0x82, v1;
	_ =	sdelay $0x3  }
0x61: {  	v6 =	vld.idx.msk [tilespmem:v6+s4+$0x0], $0xffff  }
0x62: {  	v5 =	vld.idx.msk [tilespmem:v5+s4+$0x0], $0xffff  }
0x63: {  	v3 =	vld.idx.msk [tilespmem:v3+s12+$0x0], $0xffff  }
0x64: {  	v7 =	vor.u32 $0x40, v2;
	v4 =	vld.idx.msk [tilespmem:v4+s12+$0x0], $0xffff  }
0x65: {  	v8 =	vor.u32 $0x41, v2;
	_ =	sdelay $0x2  }
0x66: {  	v3 =	vadd.s32 v5, v3  }
0x67: {  	v4 =	vadd.s32 v6, v4;
	[tilespmem:v7+s13+$0x0] =	vst.idx.msk $0xffff, v3  }
0x68: {  	[tilespmem:v8+s13+$0x0] =	vst.idx.msk $0xffff, v4;
	v4 =	vld [tilespmem:$0x1FF90];
	_ =	sdelay $0x1  }
0x69: {  	v5 =	vor.u32 $0xC0, v1  }
0x6a: {  	v3 =	vor.u32 $0xC1, v1;
	_ =	sdelay $0x1  }
0x6b: {  	[tilespmem:v7+s14+$0x0] =	vst.idx.msk $0xffff, v4  }
0x6c: {  	[tilespmem:v8+s14+$0x0] =	vst.idx.msk $0xffff, v4  }
0x6d: {  	v4 =	vld.idx.msk [tilespmem:v5+s4+$0x0], $0xffff  }
0x6e: {  	v6 =	vor.u32 $0xC3, v1;
	v3 =	vld.idx.msk [tilespmem:v3+s4+$0x0], $0xffff  }
0x6f: {  	v5 =	vor.u32 $0xC2, v1;
	_ =	sdelay $0x3  }
0x70: {  	v6 =	vld.idx.msk [tilespmem:v6+s4+$0x0], $0xffff  }
0x71: {  	v5 =	vld.idx.msk [tilespmem:v5+s4+$0x0], $0xffff  }
0x72: {  	v4 =	vld.idx.msk [tilespmem:v4+s12+$0x0], $0xffff  }
0x73: {  	v7 =	vor.u32 $0x60, v2;
	v3 =	vld.idx.msk [tilespmem:v3+s12+$0x0], $0xffff  }
0x74: {  	v8 =	vor.u32 $0x61, v2;
	_ =	sdelay $0x2  }
0x75: {  	v4 =	vadd.s32 v5, v4  }
0x76: {  	v3 =	vadd.s32 v6, v3;
	[tilespmem:v7+s13+$0x0] =	vst.idx.msk $0xffff, v4  }
0x77: {  	[tilespmem:v8+s13+$0x0] =	vst.idx.msk $0xffff, v3;
	v3 =	vld [tilespmem:$0x1FFA0];
	_ =	sdelay $0x1  }
0x78: {  	v5 =	vor.u32 $0x100, v1  }
0x79: {  	v4 =	vor.u32 $0x101, v1;
	_ =	sdelay $0x1  }
0x7a: {  	[tilespmem:v7+s14+$0x0] =	vst.idx.msk $0xffff, v3  }
0x7b: {  	[tilespmem:v8+s14+$0x0] =	vst.idx.msk $0xffff, v3  }
0x7c: {  	v3 =	vld.idx.msk [tilespmem:v5+s4+$0x0], $0xffff  }
0x7d: {  	v6 =	vor.u32 $0x103, v1;
	v4 =	vld.idx.msk [tilespmem:v4+s4+$0x0], $0xffff  }
0x7e: {  	v5 =	vor.u32 $0x102, v1;
	_ =	sdelay $0x3  }
0x7f: {  	v6 =	vld.idx.msk [tilespmem:v6+s4+$0x0], $0xffff  }
0x80: {  	v5 =	vld.idx.msk [tilespmem:v5+s4+$0x0], $0xffff  }
0x81: {  	v3 =	vld.idx.msk [tilespmem:v3+s12+$0x0], $0xffff  }
0x82: {  	v7 =	vor.u32 $0x80, v2;
	v4 =	vld.idx.msk [tilespmem:v4+s12+$0x0], $0xffff  }
0x83: {  	v8 =	vor.u32 $0x81, v2;
	_ =	sdelay $0x2  }
0x84: {  	v3 =	vadd.s32 v5, v3  }
0x85: {  	v4 =	vadd.s32 v6, v4;
	[tilespmem:v7+s13+$0x0] =	vst.idx.msk $0xffff, v3  }
0x86: {  	[tilespmem:v8+s13+$0x0] =	vst.idx.msk $0xffff, v4;
	v4 =	vld [tilespmem:$0x1FFB0];
	_ =	sdelay $0x1  }
0x87: {  	v5 =	vor.u32 $0x140, v1  }
0x88: {  	v3 =	vor.u32 $0x141, v1;
	_ =	sdelay $0x1  }
0x89: {  	[tilespmem:v7+s14+$0x0] =	vst.idx.msk $0xffff, v4  }
0x8a: {  	[tilespmem:v8+s14+$0x0] =	vst.idx.msk $0xffff, v4  }
0x8b: {  	v4 =	vld.idx.msk [tilespmem:v5+s4+$0x0], $0xffff  }
0x8c: {  	v6 =	vor.u32 $0x143, v1;
	v3 =	vld.idx.msk [tilespmem:v3+s4+$0x0], $0xffff  }
0x8d: {  	v5 =	vor.u32 $0x142, v1;
	_ =	sdelay $0x3  }
0x8e: {  	v6 =	vld.idx.msk [tilespmem:v6+s4+$0x0], $0xffff  }
0x8f: {  	v5 =	vld.idx.msk [tilespmem:v5+s4+$0x0], $0xffff  }
0x90: {  	v4 =	vld.idx.msk [tilespmem:v4+s12+$0x0], $0xffff  }
0x91: {  	v7 =	vor.u32 $0xA0, v2;
	v3 =	vld.idx.msk [tilespmem:v3+s12+$0x0], $0xffff  }
0x92: {  	v8 =	vor.u32 $0xA1, v2;
	_ =	sdelay $0x2  }
0x93: {  	v4 =	vadd.s32 v5, v4  }
0x94: {  	v3 =	vadd.s32 v6, v3;
	[tilespmem:v7+s13+$0x0] =	vst.idx.msk $0xffff, v4  }
0x95: {  	[tilespmem:v8+s13+$0x0] =	vst.idx.msk $0xffff, v3;
	v3 =	vld [tilespmem:$0x1FFC0];
	_ =	sdelay $0x1  }
0x96: {  	v5 =	vor.u32 $0x180, v1  }
0x97: {  	v4 =	vor.u32 $0x181, v1;
	_ =	sdelay $0x1  }
0x98: {  	[tilespmem:v7+s14+$0x0] =	vst.idx.msk $0xffff, v3  }
0x99: {  	[tilespmem:v8+s14+$0x0] =	vst.idx.msk $0xffff, v3  }
0x9a: {  	v3 =	vld.idx.msk [tilespmem:v5+s4+$0x0], $0xffff  }
0x9b: {  	v6 =	vor.u32 $0x183, v1;
	v4 =	vld.idx.msk [tilespmem:v4+s4+$0x0], $0xffff  }
0x9c: {  	v5 =	vor.u32 $0x182, v1;
	_ =	sdelay $0x3  }
0x9d: {  	v6 =	vld.idx.msk [tilespmem:v6+s4+$0x0], $0xffff  }
0x9e: {  	v5 =	vld.idx.msk [tilespmem:v5+s4+$0x0], $0xffff  }
0x9f: {  	v3 =	vld.idx.msk [tilespmem:v3+s12+$0x0], $0xffff  }
0xa0: {  	v7 =	vor.u32 $0xC0, v2;
	v4 =	vld.idx.msk [tilespmem:v4+s12+$0x0], $0xffff  }
0xa1: {  	v8 =	vor.u32 $0xC1, v2;
	_ =	sdelay $0x2  }
0xa2: {  	v3 =	vadd.s32 v5, v3  }
0xa3: {  	v4 =	vadd.s32 v6, v4;
	[tilespmem:v7+s13+$0x0] =	vst.idx.msk $0xffff, v3  }
0xa4: {  	[tilespmem:v8+s13+$0x0] =	vst.idx.msk $0xffff, v4;
	v4 =	vld [tilespmem:$0x1FFD0];
	_ =	sdelay $0x1  }
0xa5: {  	v5 =	vor.u32 $0x1C0, v1  }
0xa6: {  	v3 =	vor.u32 $0x1C1, v1;
	_ =	sdelay $0x1  }
0xa7: {  	[tilespmem:v7+s14+$0x0] =	vst.idx.msk $0xffff, v4  }
0xa8: {  	[tilespmem:v8+s14+$0x0] =	vst.idx.msk $0xffff, v4  }
0xa9: {  	v4 =	vld.idx.msk [tilespmem:v5+s4+$0x0], $0xffff  }
0xaa: {  	v6 =	vor.u32 $0x1C3, v1;
	v3 =	vld.idx.msk [tilespmem:v3+s4+$0x0], $0xffff  }
0xab: {  	v5 =	vor.u32 $0x1C2, v1;
	_ =	sdelay $0x3  }
0xac: {  	v6 =	vld.idx.msk [tilespmem:v6+s4+$0x0], $0xffff  }
0xad: {  	v5 =	vld.idx.msk [tilespmem:v5+s4+$0x0], $0xffff  }
0xae: {  	v4 =	vld.idx.msk [tilespmem:v4+s12+$0x0], $0xffff  }
0xaf: {  	v7 =	vor.u32 $0xE0, v2;
	v3 =	vld.idx.msk [tilespmem:v3+s12+$0x0], $0xffff  }
0xb0: {  	v8 =	vor.u32 $0xE1, v2;
	_ =	sdelay $0x2  }
0xb1: {  	v4 =	vadd.s32 v5, v4  }
0xb2: {  	v3 =	vadd.s32 v6, v3;
	[tilespmem:v7+s13+$0x0] =	vst.idx.msk $0xffff, v4  }
0xb3: {  	[tilespmem:v8+s13+$0x0] =	vst.idx.msk $0xffff, v3;
	v3 =	vld [tilespmem:$0x1FFE0];
	_ =	sdelay $0x1  }
0xb4: {  	v5 =	vor.u32 $0x200, v1  }
0xb5: {  	v4 =	vor.u32 $0x201, v1;
	_ =	sdelay $0x1  }
0xb6: {  	[tilespmem:v7+s14+$0x0] =	vst.idx.msk $0xffff, v3  }
0xb7: {  	[tilespmem:v8+s14+$0x0] =	vst.idx.msk $0xffff, v3  }
0xb8: {  	v3 =	vld.idx.msk [tilespmem:v5+s4+$0x0], $0xffff  }
0xb9: {  	v6 =	vor.u32 $0x203, v1;
	v4 =	vld.idx.msk [tilespmem:v4+s4+$0x0], $0xffff  }
0xba: {  	v5 =	vor.u32 $0x202, v1;
	_ =	sdelay $0x3  }
0xbb: {  	v6 =	vld.idx.msk [tilespmem:v6+s4+$0x0], $0xffff  }
0xbc: {  	v5 =	vld.idx.msk [tilespmem:v5+s4+$0x0], $0xffff  }
0xbd: {  	v3 =	vld.idx.msk [tilespmem:v3+s12+$0x0], $0xffff  }
0xbe: {  	v7 =	vor.u32 $0x100, v2;
	v4 =	vld.idx.msk [tilespmem:v4+s12+$0x0], $0xffff  }
0xbf: {  	v8 =	vor.u32 $0x101, v2;
	_ =	sdelay $0x2  }
0xc0: {  	v3 =	vadd.s32 v5, v3  }
0xc1: {  	v4 =	vadd.s32 v6, v4;
	[tilespmem:v7+s13+$0x0] =	vst.idx.msk $0xffff, v3  }
0xc2: {  	[tilespmem:v8+s13+$0x0] =	vst.idx.msk $0xffff, v4;
	v4 =	vld [tilespmem:$0x1FFF0];
	_ =	sdelay $0x1  }
0xc3: {  	v5 =	vor.u32 $0x240, v1  }
0xc4: {  	v3 =	vor.u32 $0x241, v1;
	_ =	sdelay $0x1  }
0xc5: {  	[tilespmem:v7+s14+$0x0] =	vst.idx.msk $0xffff, v4  }
0xc6: {  	[tilespmem:v8+s14+$0x0] =	vst.idx.msk $0xffff, v4  }
0xc7: {  	v4 =	vld.idx.msk [tilespmem:v5+s4+$0x0], $0xffff  }
0xc8: {  	v6 =	vor.u32 $0x243, v1;
	v3 =	vld.idx.msk [tilespmem:v3+s4+$0x0], $0xffff  }
0xc9: {  	v5 =	vor.u32 $0x242, v1;
	_ =	sdelay $0x3  }
0xca: {  	v6 =	vld.idx.msk [tilespmem:v6+s4+$0x0], $0xffff  }
0xcb: {  	v5 =	vld.idx.msk [tilespmem:v5+s4+$0x0], $0xffff  }
0xcc: {  	v4 =	vld.idx.msk [tilespmem:v4+s12+$0x0], $0xffff  }
0xcd: {  	v7 =	vor.u32 $0x120, v2;
	v3 =	vld.idx.msk [tilespmem:v3+s12+$0x0], $0xffff  }
0xce: {  	v8 =	vor.u32 $0x121, v2;
	_ =	sdelay $0x2  }
0xcf: {  	v4 =	vadd.s32 v5, v4;
	v5 =	vor.u32 $0x280, v1  }
0xd0: {  	v3 =	vadd.s32 v6, v3;
	[tilespmem:v7+s13+$0x0] =	vst.idx.msk $0xffff, v4;
	v4 =	vor.u32 $0x281, v1  }
0xd1: {  	[tilespmem:v8+s13+$0x0] =	vst.idx.msk $0xffff, v3  }
0xd2: {  	[tilespmem:v7+s14+$0x0] =	vst.idx.msk $0xffff, v9  }
0xd3: {  	[tilespmem:v8+s14+$0x0] =	vst.idx.msk $0xffff, v9  }
0xd4: {  	v3 =	vld.idx.msk [tilespmem:v5+s4+$0x0], $0xffff  }
0xd5: {  	v6 =	vor.u32 $0x283, v1;
	v4 =	vld.idx.msk [tilespmem:v4+s4+$0x0], $0xffff  }
0xd6: {  	v5 =	vor.u32 $0x282, v1;
	_ =	sdelay $0x3  }
0xd7: {  	v6 =	vld.idx.msk [tilespmem:v6+s4+$0x0], $0xffff  }
0xd8: {  	v5 =	vld.idx.msk [tilespmem:v5+s4+$0x0], $0xffff  }
0xd9: {  	v3 =	vld.idx.msk [tilespmem:v3+s12+$0x0], $0xffff  }
0xda: {  	v7 =	vor.u32 $0x140, v2;
	v4 =	vld.idx.msk [tilespmem:v4+s12+$0x0], $0xffff  }
0xdb: {  	v8 =	vor.u32 $0x141, v2;
	_ =	sdelay $0x2  }
0xdc: {  	v3 =	vadd.s32 v5, v3;
	v5 =	vor.u32 $0x2C0, v1  }
0xdd: {  	v4 =	vadd.s32 v6, v4;
	[tilespmem:v7+s13+$0x0] =	vst.idx.msk $0xffff, v3;
	v3 =	vor.u32 $0x2C1, v1  }
0xde: {  	[tilespmem:v8+s13+$0x0] =	vst.idx.msk $0xffff, v4  }
0xdf: {  	[tilespmem:v7+s14+$0x0] =	vst.idx.msk $0xffff, v10  }
0xe0: {  	[tilespmem:v8+s14+$0x0] =	vst.idx.msk $0xffff, v10  }
0xe1: {  	v4 =	vld.idx.msk [tilespmem:v5+s4+$0x0], $0xffff  }
0xe2: {  	v6 =	vor.u32 $0x2C3, v1;
	v3 =	vld.idx.msk [tilespmem:v3+s4+$0x0], $0xffff  }
0xe3: {  	v5 =	vor.u32 $0x2C2, v1;
	_ =	sdelay $0x3  }
0xe4: {  	v6 =	vld.idx.msk [tilespmem:v6+s4+$0x0], $0xffff  }
0xe5: {  	v5 =	vld.idx.msk [tilespmem:v5+s4+$0x0], $0xffff  }
0xe6: {  	v4 =	vld.idx.msk [tilespmem:v4+s12+$0x0], $0xffff  }
0xe7: {  	v7 =	vor.u32 $0x160, v2;
	v3 =	vld.idx.msk [tilespmem:v3+s12+$0x0], $0xffff  }
0xe8: {  	v8 =	vor.u32 $0x161, v2;
	_ =	sdelay $0x2  }
0xe9: {  	v4 =	vadd.s32 v5, v4;
	v5 =	vor.u32 $0x300, v1  }
0xea: {  	v3 =	vadd.s32 v6, v3;
	[tilespmem:v7+s13+$0x0] =	vst.idx.msk $0xffff, v4;
	v4 =	vor.u32 $0x301, v1  }
0xeb: {  	[tilespmem:v8+s13+$0x0] =	vst.idx.msk $0xffff, v3  }
0xec: {  	[tilespmem:v7+s14+$0x0] =	vst.idx.msk $0xffff, v11  }
0xed: {  	[tilespmem:v8+s14+$0x0] =	vst.idx.msk $0xffff, v11  }
0xee: {  	v3 =	vld.idx.msk [tilespmem:v5+s4+$0x0], $0xffff  }
0xef: {  	v6 =	vor.u32 $0x303, v1;
	v4 =	vld.idx.msk [tilespmem:v4+s4+$0x0], $0xffff  }
0xf0: {  	v5 =	vor.u32 $0x302, v1;
	_ =	sdelay $0x3  }
0xf1: {  	v6 =	vld.idx.msk [tilespmem:v6+s4+$0x0], $0xffff  }
0xf2: {  	v5 =	vld.idx.msk [tilespmem:v5+s4+$0x0], $0xffff  }
0xf3: {  	v3 =	vld.idx.msk [tilespmem:v3+s12+$0x0], $0xffff  }
0xf4: {  	v7 =	vor.u32 $0x180, v2;
	v4 =	vld.idx.msk [tilespmem:v4+s12+$0x0], $0xffff  }
0xf5: {  	v8 =	vor.u32 $0x181, v2;
	_ =	sdelay $0x2  }
0xf6: {  	v3 =	vadd.s32 v5, v3;
	v5 =	vor.u32 $0x340, v1  }
0xf7: {  	v4 =	vadd.s32 v6, v4;
	[tilespmem:v7+s13+$0x0] =	vst.idx.msk $0xffff, v3;
	v3 =	vor.u32 $0x341, v1  }
0xf8: {  	[tilespmem:v8+s13+$0x0] =	vst.idx.msk $0xffff, v4  }
0xf9: {  	[tilespmem:v7+s14+$0x0] =	vst.idx.msk $0xffff, v12  }
0xfa: {  	[tilespmem:v8+s14+$0x0] =	vst.idx.msk $0xffff, v12  }
0xfb: {  	v4 =	vld.idx.msk [tilespmem:v5+s4+$0x0], $0xffff  }
0xfc: {  	v6 =	vor.u32 $0x343, v1;
	v3 =	vld.idx.msk [tilespmem:v3+s4+$0x0], $0xffff  }
0xfd: {  	v5 =	vor.u32 $0x342, v1;
	_ =	sdelay $0x3  }
0xfe: {  	v6 =	vld.idx.msk [tilespmem:v6+s4+$0x0], $0xffff  }
0xff: {  	v5 =	vld.idx.msk [tilespmem:v5+s4+$0x0], $0xffff  }
0x100: {  	v4 =	vld.idx.msk [tilespmem:v4+s12+$0x0], $0xffff  }
0x101: {  	v7 =	vor.u32 $0x1A0, v2;
	v3 =	vld.idx.msk [tilespmem:v3+s12+$0x0], $0xffff  }
0x102: {  	v8 =	vor.u32 $0x1A1, v2;
	_ =	sdelay $0x2  }
0x103: {  	v4 =	vadd.s32 v5, v4;
	v5 =	vor.u32 $0x380, v1  }
0x104: {  	v3 =	vadd.s32 v6, v3;
	[tilespmem:v7+s13+$0x0] =	vst.idx.msk $0xffff, v4;
	v4 =	vor.u32 $0x381, v1  }
0x105: {  	[tilespmem:v8+s13+$0x0] =	vst.idx.msk $0xffff, v3  }
0x106: {  	[tilespmem:v7+s14+$0x0] =	vst.idx.msk $0xffff, v13  }
0x107: {  	[tilespmem:v8+s14+$0x0] =	vst.idx.msk $0xffff, v13  }
0x108: {  	v3 =	vld.idx.msk [tilespmem:v5+s4+$0x0], $0xffff  }
0x109: {  	v6 =	vor.u32 $0x383, v1;
	v4 =	vld.idx.msk [tilespmem:v4+s4+$0x0], $0xffff  }
0x10a: {  	v5 =	vor.u32 $0x382, v1;
	_ =	sdelay $0x3  }
0x10b: {  	v6 =	vld.idx.msk [tilespmem:v6+s4+$0x0], $0xffff  }
0x10c: {  	v5 =	vld.idx.msk [tilespmem:v5+s4+$0x0], $0xffff  }
0x10d: {  	v3 =	vld.idx.msk [tilespmem:v3+s12+$0x0], $0xffff  }
0x10e: {  	v7 =	vor.u32 $0x1C0, v2;
	v4 =	vld.idx.msk [tilespmem:v4+s12+$0x0], $0xffff  }
0x10f: {  	v8 =	vor.u32 $0x1C1, v2;
	_ =	sdelay $0x2  }
0x110: {  	v3 =	vadd.s32 v5, v3;
	v5 =	vor.u32 $0x3C0, v1  }
0x111: {  	v4 =	vadd.s32 v6, v4;
	[tilespmem:v7+s13+$0x0] =	vst.idx.msk $0xffff, v3;
	v3 =	vor.u32 $0x3C1, v1  }
0x112: {  	[tilespmem:v8+s13+$0x0] =	vst.idx.msk $0xffff, v4  }
0x113: {  	[tilespmem:v7+s14+$0x0] =	vst.idx.msk $0xffff, v14  }
0x114: {  	[tilespmem:v8+s14+$0x0] =	vst.idx.msk $0xffff, v14  }
0x115: {  	v4 =	vld.idx.msk [tilespmem:v5+s4+$0x0], $0xffff  }
0x116: {  	v5 =	vor.u32 $0x3C2, v1;
	v3 =	vld.idx.msk [tilespmem:v3+s4+$0x0], $0xffff  }
0x117: {  	v6 =	vor.u32 $0x3C3, v1;
	_ =	sdelay $0x3  }
0x118: {  	v5 =	vld.idx.msk [tilespmem:v5+s4+$0x0], $0xffff  }
0x119: {  	v6 =	vld.idx.msk [tilespmem:v6+s4+$0x0], $0xffff  }
0x11a: {  	v4 =	vld.idx.msk [tilespmem:v4+s12+$0x0], $0xffff  }
0x11b: {  	v7 =	vor.u32 $0x1E0, v2;
	v3 =	vld.idx.msk [tilespmem:v3+s12+$0x0], $0xffff  }
0x11c: {  	v8 =	vor.u32 $0x1E1, v2;
	_ =	sdelay $0x2  }
0x11d: {  	v4 =	vadd.s32 v5, v4;
	v5 =	vor.u32 $0x400, v1  }
0x11e: {  	v3 =	vadd.s32 v6, v3;
	[tilespmem:v7+s13+$0x0] =	vst.idx.msk $0xffff, v4;
	v4 =	vor.u32 $0x401, v1  }
0x11f: {  	[tilespmem:v8+s13+$0x0] =	vst.idx.msk $0xffff, v3  }
0x120: {  	[tilespmem:v7+s14+$0x0] =	vst.idx.msk $0xffff, v15  }
0x121: {  	[tilespmem:v8+s14+$0x0] =	vst.idx.msk $0xffff, v15  }
0x122: {  	v3 =	vld.idx.msk [tilespmem:v5+s4+$0x0], $0xffff  }
0x123: {  	v6 =	vor.u32 $0x403, v1;
	v4 =	vld.idx.msk [tilespmem:v4+s4+$0x0], $0xffff  }
0x124: {  	v5 =	vor.u32 $0x402, v1;
	_ =	sdelay $0x3  }
0x125: {  	v6 =	vld.idx.msk [tilespmem:v6+s4+$0x0], $0xffff  }
0x126: {  	v5 =	vld.idx.msk [tilespmem:v5+s4+$0x0], $0xffff  }
0x127: {  	v3 =	vld.idx.msk [tilespmem:v3+s12+$0x0], $0xffff  }
0x128: {  	v7 =	vor.u32 $0x200, v2;
	v4 =	vld.idx.msk [tilespmem:v4+s12+$0x0], $0xffff  }
0x129: {  	v8 =	vor.u32 $0x201, v2;
	_ =	sdelay $0x2  }
0x12a: {  	v3 =	vadd.s32 v5, v3;
	v5 =	vor.u32 $0x440, v1  }
0x12b: {  	v4 =	vadd.s32 v6, v4;
	[tilespmem:v7+s13+$0x0] =	vst.idx.msk $0xffff, v3;
	v3 =	vor.u32 $0x441, v1  }
0x12c: {  	[tilespmem:v8+s13+$0x0] =	vst.idx.msk $0xffff, v4  }
0x12d: {  	[tilespmem:v7+s14+$0x0] =	vst.idx.msk $0xffff, v16  }
0x12e: {  	[tilespmem:v8+s14+$0x0] =	vst.idx.msk $0xffff, v16  }
0x12f: {  	v4 =	vld.idx.msk [tilespmem:v5+s4+$0x0], $0xffff  }
0x130: {  	v6 =	vor.u32 $0x443, v1;
	v3 =	vld.idx.msk [tilespmem:v3+s4+$0x0], $0xffff  }
0x131: {  	v5 =	vor.u32 $0x442, v1;
	_ =	sdelay $0x3  }
0x132: {  	v6 =	vld.idx.msk [tilespmem:v6+s4+$0x0], $0xffff  }
0x133: {  	v5 =	vld.idx.msk [tilespmem:v5+s4+$0x0], $0xffff  }
0x134: {  	v4 =	vld.idx.msk [tilespmem:v4+s12+$0x0], $0xffff  }
0x135: {  	v7 =	vor.u32 $0x220, v2;
	v3 =	vld.idx.msk [tilespmem:v3+s12+$0x0], $0xffff  }
0x136: {  	v8 =	vor.u32 $0x221, v2;
	_ =	sdelay $0x2  }
0x137: {  	v4 =	vadd.s32 v5, v4;
	v5 =	vor.u32 $0x480, v1  }
0x138: {  	v3 =	vadd.s32 v6, v3;
	[tilespmem:v7+s13+$0x0] =	vst.idx.msk $0xffff, v4;
	v4 =	vor.u32 $0x481, v1  }
0x139: {  	[tilespmem:v8+s13+$0x0] =	vst.idx.msk $0xffff, v3  }
0x13a: {  	[tilespmem:v7+s14+$0x0] =	vst.idx.msk $0xffff, v17  }
0x13b: {  	[tilespmem:v8+s14+$0x0] =	vst.idx.msk $0xffff, v17  }
0x13c: {  	v3 =	vld.idx.msk [tilespmem:v5+s4+$0x0], $0xffff  }
0x13d: {  	v6 =	vor.u32 $0x483, v1;
	v4 =	vld.idx.msk [tilespmem:v4+s4+$0x0], $0xffff  }
0x13e: {  	v5 =	vor.u32 $0x482, v1;
	_ =	sdelay $0x3  }
0x13f: {  	v6 =	vld.idx.msk [tilespmem:v6+s4+$0x0], $0xffff  }
0x140: {  	v5 =	vld.idx.msk [tilespmem:v5+s4+$0x0], $0xffff  }
0x141: {  	v3 =	vld.idx.msk [tilespmem:v3+s12+$0x0], $0xffff  }
0x142: {  	v7 =	vor.u32 $0x240, v2;
	v4 =	vld.idx.msk [tilespmem:v4+s12+$0x0], $0xffff  }
0x143: {  	v8 =	vor.u32 $0x241, v2;
	_ =	sdelay $0x2  }
0x144: {  	v3 =	vadd.s32 v5, v3;
	v5 =	vor.u32 $0x4C0, v1  }
0x145: {  	v4 =	vadd.s32 v6, v4;
	[tilespmem:v7+s13+$0x0] =	vst.idx.msk $0xffff, v3;
	v3 =	vor.u32 $0x4C1, v1  }
0x146: {  	[tilespmem:v8+s13+$0x0] =	vst.idx.msk $0xffff, v4  }
0x147: {  	[tilespmem:v7+s14+$0x0] =	vst.idx.msk $0xffff, v18  }
0x148: {  	[tilespmem:v8+s14+$0x0] =	vst.idx.msk $0xffff, v18  }
0x149: {  	v4 =	vld.idx.msk [tilespmem:v5+s4+$0x0], $0xffff  }
0x14a: {  	v6 =	vor.u32 $0x4C3, v1;
	v3 =	vld.idx.msk [tilespmem:v3+s4+$0x0], $0xffff  }
0x14b: {  	v5 =	vor.u32 $0x4C2, v1;
	_ =	sdelay $0x3  }
0x14c: {  	v6 =	vld.idx.msk [tilespmem:v6+s4+$0x0], $0xffff  }
0x14d: {  	v5 =	vld.idx.msk [tilespmem:v5+s4+$0x0], $0xffff  }
0x14e: {  	v4 =	vld.idx.msk [tilespmem:v4+s12+$0x0], $0xffff  }
0x14f: {  	v7 =	vor.u32 $0x260, v2;
	v3 =	vld.idx.msk [tilespmem:v3+s12+$0x0], $0xffff  }
0x150: {  	v8 =	vor.u32 $0x261, v2;
	_ =	sdelay $0x2  }
0x151: {  	v4 =	vadd.s32 v5, v4;
	v5 =	vor.u32 $0x500, v1  }
0x152: {  	v3 =	vadd.s32 v6, v3;
	[tilespmem:v7+s13+$0x0] =	vst.idx.msk $0xffff, v4;
	v4 =	vor.u32 $0x501, v1  }
0x153: {  	[tilespmem:v8+s13+$0x0] =	vst.idx.msk $0xffff, v3  }
0x154: {  	[tilespmem:v7+s14+$0x0] =	vst.idx.msk $0xffff, v19  }
0x155: {  	[tilespmem:v8+s14+$0x0] =	vst.idx.msk $0xffff, v19  }
0x156: {  	v3 =	vld.idx.msk [tilespmem:v5+s4+$0x0], $0xffff  }
0x157: {  	v6 =	vor.u32 $0x503, v1;
	v4 =	vld.idx.msk [tilespmem:v4+s4+$0x0], $0xffff  }
0x158: {  	v5 =	vor.u32 $0x502, v1;
	_ =	sdelay $0x3  }
0x159: {  	v6 =	vld.idx.msk [tilespmem:v6+s4+$0x0], $0xffff  }
0x15a: {  	v5 =	vld.idx.msk [tilespmem:v5+s4+$0x0], $0xffff  }
0x15b: {  	v3 =	vld.idx.msk [tilespmem:v3+s12+$0x0], $0xffff  }
0x15c: {  	v7 =	vor.u32 $0x280, v2;
	v4 =	vld.idx.msk [tilespmem:v4+s12+$0x0], $0xffff  }
0x15d: {  	v8 =	vor.u32 $0x281, v2;
	_ =	sdelay $0x2  }
0x15e: {  	v3 =	vadd.s32 v5, v3;
	v5 =	vor.u32 $0x540, v1  }
0x15f: {  	v4 =	vadd.s32 v6, v4;
	[tilespmem:v7+s13+$0x0] =	vst.idx.msk $0xffff, v3;
	v3 =	vor.u32 $0x541, v1  }
0x160: {  	[tilespmem:v8+s13+$0x0] =	vst.idx.msk $0xffff, v4  }
0x161: {  	[tilespmem:v7+s14+$0x0] =	vst.idx.msk $0xffff, v20  }
0x162: {  	[tilespmem:v8+s14+$0x0] =	vst.idx.msk $0xffff, v20  }
0x163: {  	v4 =	vld.idx.msk [tilespmem:v5+s4+$0x0], $0xffff  }
0x164: {  	v6 =	vor.u32 $0x543, v1;
	v3 =	vld.idx.msk [tilespmem:v3+s4+$0x0], $0xffff  }
0x165: {  	v5 =	vor.u32 $0x542, v1;
	_ =	sdelay $0x3  }
0x166: {  	v6 =	vld.idx.msk [tilespmem:v6+s4+$0x0], $0xffff  }
0x167: {  	v5 =	vld.idx.msk [tilespmem:v5+s4+$0x0], $0xffff  }
0x168: {  	v4 =	vld.idx.msk [tilespmem:v4+s12+$0x0], $0xffff  }
0x169: {  	v7 =	vor.u32 $0x2A0, v2;
	v3 =	vld.idx.msk [tilespmem:v3+s12+$0x0], $0xffff  }
0x16a: {  	v8 =	vor.u32 $0x2A1, v2;
	_ =	sdelay $0x2  }
0x16b: {  	v4 =	vadd.s32 v5, v4;
	v5 =	vor.u32 $0x580, v1  }
0x16c: {  	v3 =	vadd.s32 v6, v3;
	[tilespmem:v7+s13+$0x0] =	vst.idx.msk $0xffff, v4;
	v4 =	vor.u32 $0x581, v1  }
0x16d: {  	[tilespmem:v8+s13+$0x0] =	vst.idx.msk $0xffff, v3  }
0x16e: {  	[tilespmem:v7+s14+$0x0] =	vst.idx.msk $0xffff, v21  }
0x16f: {  	[tilespmem:v8+s14+$0x0] =	vst.idx.msk $0xffff, v21  }
0x170: {  	v3 =	vld.idx.msk [tilespmem:v5+s4+$0x0], $0xffff  }
0x171: {  	v6 =	vor.u32 $0x583, v1;
	v4 =	vld.idx.msk [tilespmem:v4+s4+$0x0], $0xffff  }
0x172: {  	v5 =	vor.u32 $0x582, v1;
	_ =	sdelay $0x3  }
0x173: {  	v6 =	vld.idx.msk [tilespmem:v6+s4+$0x0], $0xffff  }
0x174: {  	v5 =	vld.idx.msk [tilespmem:v5+s4+$0x0], $0xffff  }
0x175: {  	v3 =	vld.idx.msk [tilespmem:v3+s12+$0x0], $0xffff  }
0x176: {  	v7 =	vor.u32 $0x2C0, v2;
	v4 =	vld.idx.msk [tilespmem:v4+s12+$0x0], $0xffff  }
0x177: {  	v8 =	vor.u32 $0x2C1, v2;
	_ =	sdelay $0x2  }
0x178: {  	v3 =	vadd.s32 v5, v3;
	v5 =	vor.u32 $0x5C0, v1  }
0x179: {  	v4 =	vadd.s32 v6, v4;
	[tilespmem:v7+s13+$0x0] =	vst.idx.msk $0xffff, v3;
	v3 =	vor.u32 $0x5C1, v1  }
0x17a: {  	[tilespmem:v8+s13+$0x0] =	vst.idx.msk $0xffff, v4  }
0x17b: {  	[tilespmem:v7+s14+$0x0] =	vst.idx.msk $0xffff, v22  }
0x17c: {  	[tilespmem:v8+s14+$0x0] =	vst.idx.msk $0xffff, v22  }
0x17d: {  	v4 =	vld.idx.msk [tilespmem:v5+s4+$0x0], $0xffff  }
0x17e: {  	v6 =	vor.u32 $0x5C3, v1;
	v3 =	vld.idx.msk [tilespmem:v3+s4+$0x0], $0xffff  }
0x17f: {  	v5 =	vor.u32 $0x5C2, v1;
	_ =	sdelay $0x3  }
0x180: {  	v6 =	vld.idx.msk [tilespmem:v6+s4+$0x0], $0xffff  }
0x181: {  	v5 =	vld.idx.msk [tilespmem:v5+s4+$0x0], $0xffff  }
0x182: {  	v4 =	vld.idx.msk [tilespmem:v4+s12+$0x0], $0xffff  }
0x183: {  	v7 =	vor.u32 $0x2E0, v2;
	v3 =	vld.idx.msk [tilespmem:v3+s12+$0x0], $0xffff  }
0x184: {  	v8 =	vor.u32 $0x2E1, v2;
	_ =	sdelay $0x2  }
0x185: {  	v4 =	vadd.s32 v5, v4;
	v5 =	vor.u32 $0x600, v1  }
0x186: {  	v3 =	vadd.s32 v6, v3;
	[tilespmem:v7+s13+$0x0] =	vst.idx.msk $0xffff, v4;
	v4 =	vor.u32 $0x601, v1  }
0x187: {  	[tilespmem:v8+s13+$0x0] =	vst.idx.msk $0xffff, v3  }
0x188: {  	[tilespmem:v7+s14+$0x0] =	vst.idx.msk $0xffff, v23  }
0x189: {  	[tilespmem:v8+s14+$0x0] =	vst.idx.msk $0xffff, v23  }
0x18a: {  	v3 =	vld.idx.msk [tilespmem:v5+s4+$0x0], $0xffff  }
0x18b: {  	v6 =	vor.u32 $0x603, v1;
	v4 =	vld.idx.msk [tilespmem:v4+s4+$0x0], $0xffff  }
0x18c: {  	v5 =	vor.u32 $0x602, v1;
	_ =	sdelay $0x3  }
0x18d: {  	v6 =	vld.idx.msk [tilespmem:v6+s4+$0x0], $0xffff  }
0x18e: {  	v5 =	vld.idx.msk [tilespmem:v5+s4+$0x0], $0xffff  }
0x18f: {  	v3 =	vld.idx.msk [tilespmem:v3+s12+$0x0], $0xffff  }
0x190: {  	v7 =	vor.u32 $0x300, v2;
	v4 =	vld.idx.msk [tilespmem:v4+s12+$0x0], $0xffff  }
0x191: {  	v8 =	vor.u32 $0x301, v2;
	_ =	sdelay $0x2  }
0x192: {  	v3 =	vadd.s32 v5, v3;
	v5 =	vor.u32 $0x640, v1  }
0x193: {  	v4 =	vadd.s32 v6, v4;
	[tilespmem:v7+s13+$0x0] =	vst.idx.msk $0xffff, v3;
	v3 =	vor.u32 $0x641, v1  }
0x194: {  	[tilespmem:v8+s13+$0x0] =	vst.idx.msk $0xffff, v4  }
0x195: {  	[tilespmem:v7+s14+$0x0] =	vst.idx.msk $0xffff, v24  }
0x196: {  	[tilespmem:v8+s14+$0x0] =	vst.idx.msk $0xffff, v24  }
0x197: {  	v4 =	vld.idx.msk [tilespmem:v5+s4+$0x0], $0xffff  }
0x198: {  	v6 =	vor.u32 $0x643, v1;
	v3 =	vld.idx.msk [tilespmem:v3+s4+$0x0], $0xffff  }
0x199: {  	v5 =	vor.u32 $0x642, v1;
	_ =	sdelay $0x3  }
0x19a: {  	v6 =	vld.idx.msk [tilespmem:v6+s4+$0x0], $0xffff  }
0x19b: {  	v5 =	vld.idx.msk [tilespmem:v5+s4+$0x0], $0xffff  }
0x19c: {  	v4 =	vld.idx.msk [tilespmem:v4+s12+$0x0], $0xffff  }
0x19d: {  	v7 =	vor.u32 $0x320, v2;
	v3 =	vld.idx.msk [tilespmem:v3+s12+$0x0], $0xffff  }
0x19e: {  	v8 =	vor.u32 $0x321, v2;
	_ =	sdelay $0x2  }
0x19f: {  	v4 =	vadd.s32 v5, v4;
	v5 =	vor.u32 $0x680, v1  }
0x1a0: {  	v3 =	vadd.s32 v6, v3;
	[tilespmem:v7+s13+$0x0] =	vst.idx.msk $0xffff, v4;
	v4 =	vor.u32 $0x681, v1  }
0x1a1: {  	[tilespmem:v8+s13+$0x0] =	vst.idx.msk $0xffff, v3  }
0x1a2: {  	[tilespmem:v7+s14+$0x0] =	vst.idx.msk $0xffff, v25  }
0x1a3: {  	[tilespmem:v8+s14+$0x0] =	vst.idx.msk $0xffff, v25  }
0x1a4: {  	v3 =	vld.idx.msk [tilespmem:v5+s4+$0x0], $0xffff  }
0x1a5: {  	v6 =	vor.u32 $0x683, v1;
	v4 =	vld.idx.msk [tilespmem:v4+s4+$0x0], $0xffff  }
0x1a6: {  	v5 =	vor.u32 $0x682, v1;
	_ =	sdelay $0x3  }
0x1a7: {  	v6 =	vld.idx.msk [tilespmem:v6+s4+$0x0], $0xffff  }
0x1a8: {  	v5 =	vld.idx.msk [tilespmem:v5+s4+$0x0], $0xffff  }
0x1a9: {  	v3 =	vld.idx.msk [tilespmem:v3+s12+$0x0], $0xffff  }
0x1aa: {  	v7 =	vor.u32 $0x340, v2;
	v4 =	vld.idx.msk [tilespmem:v4+s12+$0x0], $0xffff  }
0x1ab: {  	v8 =	vor.u32 $0x341, v2;
	_ =	sdelay $0x2  }
0x1ac: {  	v3 =	vadd.s32 v5, v3;
	v5 =	vor.u32 $0x6C0, v1  }
0x1ad: {  	v4 =	vadd.s32 v6, v4;
	[tilespmem:v7+s13+$0x0] =	vst.idx.msk $0xffff, v3;
	v3 =	vor.u32 $0x6C1, v1  }
0x1ae: {  	[tilespmem:v8+s13+$0x0] =	vst.idx.msk $0xffff, v4  }
0x1af: {  	[tilespmem:v7+s14+$0x0] =	vst.idx.msk $0xffff, v26  }
0x1b0: {  	[tilespmem:v8+s14+$0x0] =	vst.idx.msk $0xffff, v26  }
0x1b1: {  	v4 =	vld.idx.msk [tilespmem:v5+s4+$0x0], $0xffff  }
0x1b2: {  	v6 =	vor.u32 $0x6C3, v1;
	v3 =	vld.idx.msk [tilespmem:v3+s4+$0x0], $0xffff  }
0x1b3: {  	v5 =	vor.u32 $0x6C2, v1;
	_ =	sdelay $0x3  }
0x1b4: {  	v6 =	vld.idx.msk [tilespmem:v6+s4+$0x0], $0xffff  }
0x1b5: {  	v5 =	vld.idx.msk [tilespmem:v5+s4+$0x0], $0xffff  }
0x1b6: {  	v4 =	vld.idx.msk [tilespmem:v4+s12+$0x0], $0xffff  }
0x1b7: {  	v7 =	vor.u32 $0x360, v2;
	v3 =	vld.idx.msk [tilespmem:v3+s12+$0x0], $0xffff  }
0x1b8: {  	v8 =	vor.u32 $0x361, v2;
	_ =	sdelay $0x2  }
0x1b9: {  	v4 =	vadd.s32 v5, v4;
	v5 =	vor.u32 $0x700, v1  }
0x1ba: {  	v3 =	vadd.s32 v6, v3;
	[tilespmem:v7+s13+$0x0] =	vst.idx.msk $0xffff, v4;
	v4 =	vor.u32 $0x701, v1  }
0x1bb: {  	[tilespmem:v8+s13+$0x0] =	vst.idx.msk $0xffff, v3  }
0x1bc: {  	[tilespmem:v7+s14+$0x0] =	vst.idx.msk $0xffff, v27  }
0x1bd: {  	[tilespmem:v8+s14+$0x0] =	vst.idx.msk $0xffff, v27  }
0x1be: {  	v3 =	vld.idx.msk [tilespmem:v5+s4+$0x0], $0xffff  }
0x1bf: {  	v6 =	vor.u32 $0x703, v1;
	v4 =	vld.idx.msk [tilespmem:v4+s4+$0x0], $0xffff  }
0x1c0: {  	v5 =	vor.u32 $0x702, v1;
	_ =	sdelay $0x3  }
0x1c1: {  	v6 =	vld.idx.msk [tilespmem:v6+s4+$0x0], $0xffff  }
0x1c2: {  	v5 =	vld.idx.msk [tilespmem:v5+s4+$0x0], $0xffff  }
0x1c3: {  	v3 =	vld.idx.msk [tilespmem:v3+s12+$0x0], $0xffff  }
0x1c4: {  	v7 =	vor.u32 $0x380, v2;
	v4 =	vld.idx.msk [tilespmem:v4+s12+$0x0], $0xffff  }
0x1c5: {  	v8 =	vor.u32 $0x381, v2;
	_ =	sdelay $0x2  }
0x1c6: {  	v3 =	vadd.s32 v5, v3;
	v5 =	vor.u32 $0x740, v1  }
0x1c7: {  	v4 =	vadd.s32 v6, v4;
	[tilespmem:v7+s13+$0x0] =	vst.idx.msk $0xffff, v3;
	v3 =	vor.u32 $0x741, v1  }
0x1c8: {  	[tilespmem:v8+s13+$0x0] =	vst.idx.msk $0xffff, v4  }
0x1c9: {  	[tilespmem:v7+s14+$0x0] =	vst.idx.msk $0xffff, v28  }
0x1ca: {  	[tilespmem:v8+s14+$0x0] =	vst.idx.msk $0xffff, v28  }
0x1cb: {  	v4 =	vld.idx.msk [tilespmem:v5+s4+$0x0], $0xffff  }
0x1cc: {  	v6 =	vor.u32 $0x743, v1;
	v3 =	vld.idx.msk [tilespmem:v3+s4+$0x0], $0xffff  }
0x1cd: {  	v5 =	vor.u32 $0x742, v1;
	_ =	sdelay $0x3  }
0x1ce: {  	v6 =	vld.idx.msk [tilespmem:v6+s4+$0x0], $0xffff  }
0x1cf: {  	v5 =	vld.idx.msk [tilespmem:v5+s4+$0x0], $0xffff  }
0x1d0: {  	v4 =	vld.idx.msk [tilespmem:v4+s12+$0x0], $0xffff  }
0x1d1: {  	v7 =	vor.u32 $0x3A0, v2;
	v3 =	vld.idx.msk [tilespmem:v3+s12+$0x0], $0xffff  }
0x1d2: {  	v8 =	vor.u32 $0x3A1, v2;
	_ =	sdelay $0x2  }
0x1d3: {  	v4 =	vadd.s32 v5, v4;
	v5 =	vor.u32 $0x780, v1  }
0x1d4: {  	v3 =	vadd.s32 v6, v3;
	[tilespmem:v7+s13+$0x0] =	vst.idx.msk $0xffff, v4;
	v4 =	vor.u32 $0x781, v1  }
0x1d5: {  	[tilespmem:v8+s13+$0x0] =	vst.idx.msk $0xffff, v3  }
0x1d6: {  	[tilespmem:v7+s14+$0x0] =	vst.idx.msk $0xffff, v29  }
0x1d7: {  	[tilespmem:v8+s14+$0x0] =	vst.idx.msk $0xffff, v29  }
0x1d8: {  	v3 =	vld.idx.msk [tilespmem:v5+s4+$0x0], $0xffff  }
0x1d9: {  	v6 =	vor.u32 $0x783, v1;
	v4 =	vld.idx.msk [tilespmem:v4+s4+$0x0], $0xffff  }
0x1da: {  	v5 =	vor.u32 $0x782, v1;
	_ =	sdelay $0x3  }
0x1db: {  	v6 =	vld.idx.msk [tilespmem:v6+s4+$0x0], $0xffff  }
0x1dc: {  	v5 =	vld.idx.msk [tilespmem:v5+s4+$0x0], $0xffff  }
0x1dd: {  	v3 =	vld.idx.msk [tilespmem:v3+s12+$0x0], $0xffff  }
0x1de: {  	v7 =	vor.u32 $0x3C0, v2;
	v4 =	vld.idx.msk [tilespmem:v4+s12+$0x0], $0xffff  }
0x1df: {  	v8 =	vor.u32 $0x3C1, v2;
	_ =	sdelay $0x2  }
0x1e0: {  	v3 =	vadd.s32 v5, v3;
	v5 =	vor.u32 $0x7C0, v1  }
0x1e1: {  	v4 =	vadd.s32 v6, v4;
	[tilespmem:v7+s13+$0x0] =	vst.idx.msk $0xffff, v3;
	v3 =	vor.u32 $0x7C1, v1  }
0x1e2: {  	[tilespmem:v8+s13+$0x0] =	vst.idx.msk $0xffff, v4  }
0x1e3: {  	[tilespmem:v7+s14+$0x0] =	vst.idx.msk $0xffff, v30  }
0x1e4: {  	[tilespmem:v8+s14+$0x0] =	vst.idx.msk $0xffff, v30  }
0x1e5: {  	v4 =	vld.idx.msk [tilespmem:v5+s4+$0x0], $0xffff  }
0x1e6: {  	v6 =	vor.u32 $0x7C3, v1;
	v3 =	vld.idx.msk [tilespmem:v3+s4+$0x0], $0xffff  }
0x1e7: {  	v5 =	vor.u32 $0x7C2, v1;
	_ =	sdelay $0x3  }
0x1e8: {  	v6 =	vld.idx.msk [tilespmem:v6+s4+$0x0], $0xffff  }
0x1e9: {  	v5 =	vld.idx.msk [tilespmem:v5+s4+$0x0], $0xffff  }
0x1ea: {  	v4 =	vld.idx.msk [tilespmem:v4+s12+$0x0], $0xffff  }
0x1eb: {  	v7 =	vor.u32 $0x3E0, v2;
	v3 =	vld.idx.msk [tilespmem:v3+s12+$0x0], $0xffff  }
0x1ec: {  	v8 =	vor.u32 $0x3E1, v2;
	_ =	sdelay $0x2  }
0x1ed: {  	v4 =	vadd.s32 v5, v4;
	v5 =	vor.u32 $0x800, v1  }
0x1ee: {  	v3 =	vadd.s32 v6, v3;
	[tilespmem:v7+s13+$0x0] =	vst.idx.msk $0xffff, v4;
	v4 =	vor.u32 $0x801, v1  }
0x1ef: {  	[tilespmem:v8+s13+$0x0] =	vst.idx.msk $0xffff, v3  }
0x1f0: {  	[tilespmem:v7+s14+$0x0] =	vst.idx.msk $0xffff, v31  }
0x1f1: {  	[tilespmem:v8+s14+$0x0] =	vst.idx.msk $0xffff, v31  }
0x1f2: {  	v3 =	vld.idx.msk [tilespmem:v5+s4+$0x0], $0xffff  }
0x1f3: {  	v6 =	vor.u32 $0x803, v1;
	v4 =	vld.idx.msk [tilespmem:v4+s4+$0x0], $0xffff  }
0x1f4: {  	v5 =	vor.u32 $0x802, v1;
	_ =	sdelay $0x3  }
0x1f5: {  	v6 =	vld.idx.msk [tilespmem:v6+s4+$0x0], $0xffff  }
0x1f6: {  	v5 =	vld.idx.msk [tilespmem:v5+s4+$0x0], $0xffff  }
0x1f7: {  	v3 =	vld.idx.msk [tilespmem:v3+s12+$0x0], $0xffff  }
0x1f8: {  	v7 =	vor.u32 $0x400, v2;
	v4 =	vld.idx.msk [tilespmem:v4+s12+$0x0], $0xffff  }
0x1f9: {  	v8 =	vor.u32 $0x401, v2;
	_ =	sdelay $0x2  }
0x1fa: {  	v3 =	vadd.s32 v5, v3;
	v5 =	vor.u32 $0x840, v1  }
0x1fb: {  	v4 =	vadd.s32 v6, v4;
	[tilespmem:v7+s13+$0x0] =	vst.idx.msk $0xffff, v3;
	v3 =	vor.u32 $0x841, v1  }
0x1fc: {  	[tilespmem:v8+s13+$0x0] =	vst.idx.msk $0xffff, v4  }
0x1fd: {  	[tilespmem:v7+s14+$0x0] =	vst.idx.msk $0xffff, v32  }
0x1fe: {  	[tilespmem:v8+s14+$0x0] =	vst.idx.msk $0xffff, v32  }
0x1ff: {  	v4 =	vld.idx.msk [tilespmem:v5+s4+$0x0], $0xffff  }
0x200: {  	v6 =	vor.u32 $0x843, v1;
	v3 =	vld.idx.msk [tilespmem:v3+s4+$0x0], $0xffff  }
0x201: {  	v5 =	vor.u32 $0x842, v1;
	_ =	sdelay $0x3  }
0x202: {  	v6 =	vld.idx.msk [tilespmem:v6+s4+$0x0], $0xffff  }
0x203: {  	v5 =	vld.idx.msk [tilespmem:v5+s4+$0x0], $0xffff  }
0x204: {  	v4 =	vld.idx.msk [tilespmem:v4+s12+$0x0], $0xffff  }
0x205: {  	v7 =	vor.u32 $0x420, v2;
	v3 =	vld.idx.msk [tilespmem:v3+s12+$0x0], $0xffff  }
0x206: {  	v8 =	vor.u32 $0x421, v2;
	_ =	sdelay $0x2  }
0x207: {  	v4 =	vadd.s32 v5, v4;
	v5 =	vor.u32 $0x880, v1  }
0x208: {  	v3 =	vadd.s32 v6, v3;
	[tilespmem:v7+s13+$0x0] =	vst.idx.msk $0xffff, v4;
	v4 =	vor.u32 $0x881, v1  }
0x209: {  	[tilespmem:v8+s13+$0x0] =	vst.idx.msk $0xffff, v3  }
0x20a: {  	[tilespmem:v7+s14+$0x0] =	vst.idx.msk $0xffff, v33  }
0x20b: {  	[tilespmem:v8+s14+$0x0] =	vst.idx.msk $0xffff, v33  }
0x20c: {  	v3 =	vld.idx.msk [tilespmem:v5+s4+$0x0], $0xffff  }
0x20d: {  	v6 =	vor.u32 $0x883, v1;
	v4 =	vld.idx.msk [tilespmem:v4+s4+$0x0], $0xffff  }
0x20e: {  	v5 =	vor.u32 $0x882, v1;
	_ =	sdelay $0x3  }
0x20f: {  	v6 =	vld.idx.msk [tilespmem:v6+s4+$0x0], $0xffff  }
0x210: {  	v5 =	vld.idx.msk [tilespmem:v5+s4+$0x0], $0xffff  }
0x211: {  	v3 =	vld.idx.msk [tilespmem:v3+s12+$0x0], $0xffff  }
0x212: {  	v7 =	vor.u32 $0x440, v2;
	v4 =	vld.idx.msk [tilespmem:v4+s12+$0x0], $0xffff  }
0x213: {  	v8 =	vor.u32 $0x441, v2;
	_ =	sdelay $0x2  }
0x214: {  	v3 =	vadd.s32 v5, v3;
	v5 =	vor.u32 $0x8C0, v1  }
0x215: {  	v4 =	vadd.s32 v6, v4;
	[tilespmem:v7+s13+$0x0] =	vst.idx.msk $0xffff, v3;
	v3 =	vor.u32 $0x8C1, v1  }
0x216: {  	[tilespmem:v8+s13+$0x0] =	vst.idx.msk $0xffff, v4  }
0x217: {  	[tilespmem:v7+s14+$0x0] =	vst.idx.msk $0xffff, v34  }
0x218: {  	[tilespmem:v8+s14+$0x0] =	vst.idx.msk $0xffff, v34  }
0x219: {  	v4 =	vld.idx.msk [tilespmem:v5+s4+$0x0], $0xffff  }
0x21a: {  	v6 =	vor.u32 $0x8C3, v1;
	v3 =	vld.idx.msk [tilespmem:v3+s4+$0x0], $0xffff  }
0x21b: {  	v5 =	vor.u32 $0x8C2, v1;
	_ =	sdelay $0x3  }
0x21c: {  	v6 =	vld.idx.msk [tilespmem:v6+s4+$0x0], $0xffff  }
0x21d: {  	v5 =	vld.idx.msk [tilespmem:v5+s4+$0x0], $0xffff  }
0x21e: {  	v4 =	vld.idx.msk [tilespmem:v4+s12+$0x0], $0xffff  }
0x21f: {  	v7 =	vor.u32 $0x460, v2;
	v3 =	vld.idx.msk [tilespmem:v3+s12+$0x0], $0xffff  }
0x220: {  	v8 =	vor.u32 $0x461, v2;
	_ =	sdelay $0x2  }
0x221: {  	v4 =	vadd.s32 v5, v4;
	v5 =	vor.u32 $0x900, v1  }
0x222: {  	v3 =	vadd.s32 v6, v3;
	[tilespmem:v7+s13+$0x0] =	vst.idx.msk $0xffff, v4;
	v4 =	vor.u32 $0x901, v1  }
0x223: {  	[tilespmem:v8+s13+$0x0] =	vst.idx.msk $0xffff, v3  }
0x224: {  	[tilespmem:v7+s14+$0x0] =	vst.idx.msk $0xffff, v35  }
0x225: {  	[tilespmem:v8+s14+$0x0] =	vst.idx.msk $0xffff, v35  }
0x226: {  	v3 =	vld.idx.msk [tilespmem:v5+s4+$0x0], $0xffff  }
0x227: {  	v6 =	vor.u32 $0x903, v1;
	v4 =	vld.idx.msk [tilespmem:v4+s4+$0x0], $0xffff  }
0x228: {  	v5 =	vor.u32 $0x902, v1;
	_ =	sdelay $0x3  }
0x229: {  	v6 =	vld.idx.msk [tilespmem:v6+s4+$0x0], $0xffff  }
0x22a: {  	v5 =	vld.idx.msk [tilespmem:v5+s4+$0x0], $0xffff  }
0x22b: {  	v3 =	vld.idx.msk [tilespmem:v3+s12+$0x0], $0xffff  }
0x22c: {  	v7 =	vor.u32 $0x480, v2;
	v4 =	vld.idx.msk [tilespmem:v4+s12+$0x0], $0xffff  }
0x22d: {  	v8 =	vor.u32 $0x481, v2;
	_ =	sdelay $0x2  }
0x22e: {  	v3 =	vadd.s32 v5, v3;
	v5 =	vor.u32 $0x940, v1  }
0x22f: {  	v4 =	vadd.s32 v6, v4;
	[tilespmem:v7+s13+$0x0] =	vst.idx.msk $0xffff, v3;
	v3 =	vor.u32 $0x941, v1  }
0x230: {  	[tilespmem:v8+s13+$0x0] =	vst.idx.msk $0xffff, v4  }
0x231: {  	[tilespmem:v7+s14+$0x0] =	vst.idx.msk $0xffff, v36  }
0x232: {  	[tilespmem:v8+s14+$0x0] =	vst.idx.msk $0xffff, v36  }
0x233: {  	v4 =	vld.idx.msk [tilespmem:v5+s4+$0x0], $0xffff  }
0x234: {  	v6 =	vor.u32 $0x943, v1;
	v3 =	vld.idx.msk [tilespmem:v3+s4+$0x0], $0xffff  }
0x235: {  	v5 =	vor.u32 $0x942, v1;
	_ =	sdelay $0x3  }
0x236: {  	v6 =	vld.idx.msk [tilespmem:v6+s4+$0x0], $0xffff  }
0x237: {  	v5 =	vld.idx.msk [tilespmem:v5+s4+$0x0], $0xffff  }
0x238: {  	v4 =	vld.idx.msk [tilespmem:v4+s12+$0x0], $0xffff  }
0x239: {  	v7 =	vor.u32 $0x4A0, v2;
	v3 =	vld.idx.msk [tilespmem:v3+s12+$0x0], $0xffff  }
0x23a: {  	v8 =	vor.u32 $0x4A1, v2;
	_ =	sdelay $0x2  }
0x23b: {  	v4 =	vadd.s32 v5, v4;
	v5 =	vor.u32 $0x980, v1  }
0x23c: {  	v3 =	vadd.s32 v6, v3;
	[tilespmem:v7+s13+$0x0] =	vst.idx.msk $0xffff, v4;
	v4 =	vor.u32 $0x981, v1  }
0x23d: {  	[tilespmem:v8+s13+$0x0] =	vst.idx.msk $0xffff, v3  }
0x23e: {  	[tilespmem:v7+s14+$0x0] =	vst.idx.msk $0xffff, v37  }
0x23f: {  	[tilespmem:v8+s14+$0x0] =	vst.idx.msk $0xffff, v37  }
0x240: {  	v3 =	vld.idx.msk [tilespmem:v5+s4+$0x0], $0xffff  }
0x241: {  	v6 =	vor.u32 $0x983, v1;
	v4 =	vld.idx.msk [tilespmem:v4+s4+$0x0], $0xffff  }
0x242: {  	v5 =	vor.u32 $0x982, v1;
	_ =	sdelay $0x3  }
0x243: {  	v6 =	vld.idx.msk [tilespmem:v6+s4+$0x0], $0xffff  }
0x244: {  	v5 =	vld.idx.msk [tilespmem:v5+s4+$0x0], $0xffff  }
0x245: {  	v3 =	vld.idx.msk [tilespmem:v3+s12+$0x0], $0xffff  }
0x246: {  	v7 =	vor.u32 $0x4C0, v2;
	v4 =	vld.idx.msk [tilespmem:v4+s12+$0x0], $0xffff  }
0x247: {  	v8 =	vor.u32 $0x4C1, v2;
	_ =	sdelay $0x2  }
0x248: {  	v3 =	vadd.s32 v5, v3;
	v5 =	vor.u32 $0x9C0, v1  }
0x249: {  	v4 =	vadd.s32 v6, v4;
	[tilespmem:v7+s13+$0x0] =	vst.idx.msk $0xffff, v3;
	v3 =	vor.u32 $0x9C1, v1  }
0x24a: {  	[tilespmem:v8+s13+$0x0] =	vst.idx.msk $0xffff, v4  }
0x24b: {  	[tilespmem:v7+s14+$0x0] =	vst.idx.msk $0xffff, v38  }
0x24c: {  	[tilespmem:v8+s14+$0x0] =	vst.idx.msk $0xffff, v38  }
0x24d: {  	v4 =	vld.idx.msk [tilespmem:v5+s4+$0x0], $0xffff  }
0x24e: {  	v6 =	vor.u32 $0x9C3, v1;
	v3 =	vld.idx.msk [tilespmem:v3+s4+$0x0], $0xffff  }
0x24f: {  	v5 =	vor.u32 $0x9C2, v1;
	_ =	sdelay $0x3  }
0x250: {  	v6 =	vld.idx.msk [tilespmem:v6+s4+$0x0], $0xffff  }
0x251: {  	v5 =	vld.idx.msk [tilespmem:v5+s4+$0x0], $0xffff  }
0x252: {  	v4 =	vld.idx.msk [tilespmem:v4+s12+$0x0], $0xffff  }
0x253: {  	v7 =	vor.u32 $0x4E0, v2;
	v3 =	vld.idx.msk [tilespmem:v3+s12+$0x0], $0xffff  }
0x254: {  	v8 =	vor.u32 $0x4E1, v2;
	_ =	sdelay $0x2  }
0x255: {  	v4 =	vadd.s32 v5, v4;
	v5 =	vor.u32 $0xA00, v1  }
0x256: {  	v3 =	vadd.s32 v6, v3;
	[tilespmem:v7+s13+$0x0] =	vst.idx.msk $0xffff, v4;
	v4 =	vor.u32 $0xA01, v1  }
0x257: {  	[tilespmem:v8+s13+$0x0] =	vst.idx.msk $0xffff, v3  }
0x258: {  	[tilespmem:v7+s14+$0x0] =	vst.idx.msk $0xffff, v39  }
0x259: {  	[tilespmem:v8+s14+$0x0] =	vst.idx.msk $0xffff, v39  }
0x25a: {  	v3 =	vld.idx.msk [tilespmem:v5+s4+$0x0], $0xffff  }
0x25b: {  	v6 =	vor.u32 $0xA03, v1;
	v4 =	vld.idx.msk [tilespmem:v4+s4+$0x0], $0xffff  }
0x25c: {  	v5 =	vor.u32 $0xA02, v1;
	_ =	sdelay $0x3  }
0x25d: {  	v6 =	vld.idx.msk [tilespmem:v6+s4+$0x0], $0xffff  }
0x25e: {  	v5 =	vld.idx.msk [tilespmem:v5+s4+$0x0], $0xffff  }
0x25f: {  	v3 =	vld.idx.msk [tilespmem:v3+s12+$0x0], $0xffff  }
0x260: {  	v7 =	vor.u32 $0x500, v2;
	v4 =	vld.idx.msk [tilespmem:v4+s12+$0x0], $0xffff  }
0x261: {  	v8 =	vor.u32 $0x501, v2;
	_ =	sdelay $0x2  }
0x262: {  	v3 =	vadd.s32 v5, v3;
	v5 =	vor.u32 $0xA40, v1  }
0x263: {  	v4 =	vadd.s32 v6, v4;
	[tilespmem:v7+s13+$0x0] =	vst.idx.msk $0xffff, v3;
	v3 =	vor.u32 $0xA41, v1  }
0x264: {  	[tilespmem:v8+s13+$0x0] =	vst.idx.msk $0xffff, v4  }
0x265: {  	[tilespmem:v7+s14+$0x0] =	vst.idx.msk $0xffff, v40  }
0x266: {  	[tilespmem:v8+s14+$0x0] =	vst.idx.msk $0xffff, v40  }
0x267: {  	v4 =	vld.idx.msk [tilespmem:v5+s4+$0x0], $0xffff  }
0x268: {  	v6 =	vor.u32 $0xA43, v1;
	v3 =	vld.idx.msk [tilespmem:v3+s4+$0x0], $0xffff  }
0x269: {  	v5 =	vor.u32 $0xA42, v1;
	_ =	sdelay $0x3  }
0x26a: {  	v6 =	vld.idx.msk [tilespmem:v6+s4+$0x0], $0xffff  }
0x26b: {  	v5 =	vld.idx.msk [tilespmem:v5+s4+$0x0], $0xffff  }
0x26c: {  	v4 =	vld.idx.msk [tilespmem:v4+s12+$0x0], $0xffff  }
0x26d: {  	v7 =	vor.u32 $0x520, v2;
	v3 =	vld.idx.msk [tilespmem:v3+s12+$0x0], $0xffff  }
0x26e: {  	v8 =	vor.u32 $0x521, v2;
	_ =	sdelay $0x2  }
0x26f: {  	v4 =	vadd.s32 v5, v4;
	v5 =	vor.u32 $0xA80, v1  }
0x270: {  	v3 =	vadd.s32 v6, v3;
	[tilespmem:v7+s13+$0x0] =	vst.idx.msk $0xffff, v4;
	v4 =	vor.u32 $0xA81, v1  }
0x271: {  	[tilespmem:v8+s13+$0x0] =	vst.idx.msk $0xffff, v3  }
0x272: {  	[tilespmem:v7+s14+$0x0] =	vst.idx.msk $0xffff, v41  }
0x273: {  	[tilespmem:v8+s14+$0x0] =	vst.idx.msk $0xffff, v41  }
0x274: {  	v3 =	vld.idx.msk [tilespmem:v5+s4+$0x0], $0xffff  }
0x275: {  	v6 =	vor.u32 $0xA83, v1;
	v4 =	vld.idx.msk [tilespmem:v4+s4+$0x0], $0xffff  }
0x276: {  	v5 =	vor.u32 $0xA82, v1;
	_ =	sdelay $0x3  }
0x277: {  	v6 =	vld.idx.msk [tilespmem:v6+s4+$0x0], $0xffff  }
0x278: {  	v5 =	vld.idx.msk [tilespmem:v5+s4+$0x0], $0xffff  }
0x279: {  	v3 =	vld.idx.msk [tilespmem:v3+s12+$0x0], $0xffff  }
0x27a: {  	v7 =	vor.u32 $0x540, v2;
	v4 =	vld.idx.msk [tilespmem:v4+s12+$0x0], $0xffff  }
0x27b: {  	v8 =	vor.u32 $0x541, v2;
	_ =	sdelay $0x2  }
0x27c: {  	v3 =	vadd.s32 v5, v3;
	v5 =	vor.u32 $0xAC0, v1  }
0x27d: {  	v4 =	vadd.s32 v6, v4;
	[tilespmem:v7+s13+$0x0] =	vst.idx.msk $0xffff, v3;
	v3 =	vor.u32 $0xAC1, v1  }
0x27e: {  	[tilespmem:v8+s13+$0x0] =	vst.idx.msk $0xffff, v4  }
0x27f: {  	[tilespmem:v7+s14+$0x0] =	vst.idx.msk $0xffff, v42  }
0x280: {  	[tilespmem:v8+s14+$0x0] =	vst.idx.msk $0xffff, v42  }
0x281: {  	v4 =	vld.idx.msk [tilespmem:v5+s4+$0x0], $0xffff  }
0x282: {  	v6 =	vor.u32 $0xAC3, v1;
	v3 =	vld.idx.msk [tilespmem:v3+s4+$0x0], $0xffff  }
0x283: {  	v5 =	vor.u32 $0xAC2, v1;
	_ =	sdelay $0x3  }
0x284: {  	v6 =	vld.idx.msk [tilespmem:v6+s4+$0x0], $0xffff  }
0x285: {  	v5 =	vld.idx.msk [tilespmem:v5+s4+$0x0], $0xffff  }
0x286: {  	v4 =	vld.idx.msk [tilespmem:v4+s12+$0x0], $0xffff  }
0x287: {  	v7 =	vor.u32 $0x560, v2;
	v3 =	vld.idx.msk [tilespmem:v3+s12+$0x0], $0xffff  }
0x288: {  	v8 =	vor.u32 $0x561, v2;
	_ =	sdelay $0x2  }
0x289: {  	v4 =	vadd.s32 v5, v4;
	v5 =	vor.u32 $0xB00, v1  }
0x28a: {  	v3 =	vadd.s32 v6, v3;
	[tilespmem:v7+s13+$0x0] =	vst.idx.msk $0xffff, v4;
	v4 =	vor.u32 $0xB01, v1  }
0x28b: {  	[tilespmem:v8+s13+$0x0] =	vst.idx.msk $0xffff, v3  }
0x28c: {  	[tilespmem:v7+s14+$0x0] =	vst.idx.msk $0xffff, v43  }
0x28d: {  	[tilespmem:v8+s14+$0x0] =	vst.idx.msk $0xffff, v43  }
0x28e: {  	v3 =	vld.idx.msk [tilespmem:v5+s4+$0x0], $0xffff  }
0x28f: {  	v6 =	vor.u32 $0xB03, v1;
	v4 =	vld.idx.msk [tilespmem:v4+s4+$0x0], $0xffff  }
0x290: {  	v5 =	vor.u32 $0xB02, v1;
	_ =	sdelay $0x3  }
0x291: {  	v6 =	vld.idx.msk [tilespmem:v6+s4+$0x0], $0xffff  }
0x292: {  	v5 =	vld.idx.msk [tilespmem:v5+s4+$0x0], $0xffff  }
0x293: {  	v3 =	vld.idx.msk [tilespmem:v3+s12+$0x0], $0xffff  }
0x294: {  	v7 =	vor.u32 $0x580, v2;
	v4 =	vld.idx.msk [tilespmem:v4+s12+$0x0], $0xffff  }
0x295: {  	v8 =	vor.u32 $0x581, v2;
	_ =	sdelay $0x2  }
0x296: {  	v3 =	vadd.s32 v5, v3;
	v5 =	vor.u32 $0xB40, v1  }
0x297: {  	v4 =	vadd.s32 v6, v4;
	[tilespmem:v7+s13+$0x0] =	vst.idx.msk $0xffff, v3;
	v3 =	vor.u32 $0xB41, v1  }
0x298: {  	[tilespmem:v8+s13+$0x0] =	vst.idx.msk $0xffff, v4  }
0x299: {  	[tilespmem:v7+s14+$0x0] =	vst.idx.msk $0xffff, v44  }
0x29a: {  	[tilespmem:v8+s14+$0x0] =	vst.idx.msk $0xffff, v44  }
0x29b: {  	v4 =	vld.idx.msk [tilespmem:v5+s4+$0x0], $0xffff  }
0x29c: {  	v6 =	vor.u32 $0xB43, v1;
	v3 =	vld.idx.msk [tilespmem:v3+s4+$0x0], $0xffff  }
0x29d: {  	v5 =	vor.u32 $0xB42, v1;
	_ =	sdelay $0x3  }
0x29e: {  	v6 =	vld.idx.msk [tilespmem:v6+s4+$0x0], $0xffff  }
0x29f: {  	v5 =	vld.idx.msk [tilespmem:v5+s4+$0x0], $0xffff  }
0x2a0: {  	v4 =	vld.idx.msk [tilespmem:v4+s12+$0x0], $0xffff  }
0x2a1: {  	v7 =	vor.u32 $0x5A0, v2;
	v3 =	vld.idx.msk [tilespmem:v3+s12+$0x0], $0xffff  }
0x2a2: {  	v8 =	vor.u32 $0x5A1, v2;
	_ =	sdelay $0x2  }
0x2a3: {  	v4 =	vadd.s32 v5, v4;
	v5 =	vor.u32 $0xB80, v1  }
0x2a4: {  	v3 =	vadd.s32 v6, v3;
	[tilespmem:v7+s13+$0x0] =	vst.idx.msk $0xffff, v4;
	v4 =	vor.u32 $0xB81, v1  }
0x2a5: {  	[tilespmem:v8+s13+$0x0] =	vst.idx.msk $0xffff, v3  }
0x2a6: {  	[tilespmem:v7+s14+$0x0] =	vst.idx.msk $0xffff, v45  }
0x2a7: {  	[tilespmem:v8+s14+$0x0] =	vst.idx.msk $0xffff, v45  }
0x2a8: {  	v3 =	vld.idx.msk [tilespmem:v5+s4+$0x0], $0xffff  }
0x2a9: {  	v6 =	vor.u32 $0xB83, v1;
	v4 =	vld.idx.msk [tilespmem:v4+s4+$0x0], $0xffff  }
0x2aa: {  	v5 =	vor.u32 $0xB82, v1;
	_ =	sdelay $0x3  }
0x2ab: {  	v6 =	vld.idx.msk [tilespmem:v6+s4+$0x0], $0xffff  }
0x2ac: {  	v5 =	vld.idx.msk [tilespmem:v5+s4+$0x0], $0xffff  }
0x2ad: {  	v3 =	vld.idx.msk [tilespmem:v3+s12+$0x0], $0xffff  }
0x2ae: {  	v7 =	vor.u32 $0x5C0, v2;
	v4 =	vld.idx.msk [tilespmem:v4+s12+$0x0], $0xffff  }
0x2af: {  	v8 =	vor.u32 $0x5C1, v2;
	_ =	sdelay $0x2  }
0x2b0: {  	v3 =	vadd.s32 v5, v3;
	v5 =	vor.u32 $0xBC0, v1  }
0x2b1: {  	v4 =	vadd.s32 v6, v4;
	[tilespmem:v7+s13+$0x0] =	vst.idx.msk $0xffff, v3;
	v3 =	vor.u32 $0xBC1, v1  }
0x2b2: {  	[tilespmem:v8+s13+$0x0] =	vst.idx.msk $0xffff, v4  }
0x2b3: {  	[tilespmem:v7+s14+$0x0] =	vst.idx.msk $0xffff, v46  }
0x2b4: {  	[tilespmem:v8+s14+$0x0] =	vst.idx.msk $0xffff, v46  }
0x2b5: {  	v4 =	vld.idx.msk [tilespmem:v5+s4+$0x0], $0xffff  }
0x2b6: {  	v6 =	vor.u32 $0xBC3, v1;
	v3 =	vld.idx.msk [tilespmem:v3+s4+$0x0], $0xffff  }
0x2b7: {  	v5 =	vor.u32 $0xBC2, v1;
	_ =	sdelay $0x3  }
0x2b8: {  	v6 =	vld.idx.msk [tilespmem:v6+s4+$0x0], $0xffff  }
0x2b9: {  	v5 =	vld.idx.msk [tilespmem:v5+s4+$0x0], $0xffff  }
0x2ba: {  	v4 =	vld.idx.msk [tilespmem:v4+s12+$0x0], $0xffff  }
0x2bb: {  	v7 =	vor.u32 $0x5E0, v2;
	v3 =	vld.idx.msk [tilespmem:v3+s12+$0x0], $0xffff  }
0x2bc: {  	v8 =	vor.u32 $0x5E1, v2;
	_ =	sdelay $0x2  }
0x2bd: {  	v4 =	vadd.s32 v5, v4;
	v5 =	vor.u32 $0xC00, v1  }
0x2be: {  	v3 =	vadd.s32 v6, v3;
	[tilespmem:v7+s13+$0x0] =	vst.idx.msk $0xffff, v4;
	v4 =	vor.u32 $0xC01, v1  }
0x2bf: {  	[tilespmem:v8+s13+$0x0] =	vst.idx.msk $0xffff, v3  }
0x2c0: {  	[tilespmem:v7+s14+$0x0] =	vst.idx.msk $0xffff, v47  }
0x2c1: {  	[tilespmem:v8+s14+$0x0] =	vst.idx.msk $0xffff, v47  }
0x2c2: {  	v3 =	vld.idx.msk [tilespmem:v5+s4+$0x0], $0xffff  }
0x2c3: {  	v6 =	vor.u32 $0xC03, v1;
	v4 =	vld.idx.msk [tilespmem:v4+s4+$0x0], $0xffff  }
0x2c4: {  	v5 =	vor.u32 $0xC02, v1;
	_ =	sdelay $0x3  }
0x2c5: {  	v6 =	vld.idx.msk [tilespmem:v6+s4+$0x0], $0xffff  }
0x2c6: {  	v5 =	vld.idx.msk [tilespmem:v5+s4+$0x0], $0xffff  }
0x2c7: {  	v3 =	vld.idx.msk [tilespmem:v3+s12+$0x0], $0xffff  }
0x2c8: {  	v7 =	vor.u32 $0x600, v2;
	v4 =	vld.idx.msk [tilespmem:v4+s12+$0x0], $0xffff  }
0x2c9: {  	v8 =	vor.u32 $0x601, v2;
	_ =	sdelay $0x2  }
0x2ca: {  	v3 =	vadd.s32 v5, v3;
	v5 =	vor.u32 $0xC40, v1  }
0x2cb: {  	v4 =	vadd.s32 v6, v4;
	[tilespmem:v7+s13+$0x0] =	vst.idx.msk $0xffff, v3;
	v3 =	vor.u32 $0xC41, v1  }
0x2cc: {  	[tilespmem:v8+s13+$0x0] =	vst.idx.msk $0xffff, v4  }
0x2cd: {  	[tilespmem:v7+s14+$0x0] =	vst.idx.msk $0xffff, v48  }
0x2ce: {  	[tilespmem:v8+s14+$0x0] =	vst.idx.msk $0xffff, v48  }
0x2cf: {  	v4 =	vld.idx.msk [tilespmem:v5+s4+$0x0], $0xffff  }
0x2d0: {  	v6 =	vor.u32 $0xC43, v1;
	v3 =	vld.idx.msk [tilespmem:v3+s4+$0x0], $0xffff  }
0x2d1: {  	v5 =	vor.u32 $0xC42, v1;
	_ =	sdelay $0x3  }
0x2d2: {  	v6 =	vld.idx.msk [tilespmem:v6+s4+$0x0], $0xffff  }
0x2d3: {  	v5 =	vld.idx.msk [tilespmem:v5+s4+$0x0], $0xffff  }
0x2d4: {  	v4 =	vld.idx.msk [tilespmem:v4+s12+$0x0], $0xffff  }
0x2d5: {  	v7 =	vor.u32 $0x620, v2;
	v3 =	vld.idx.msk [tilespmem:v3+s12+$0x0], $0xffff  }
0x2d6: {  	v8 =	vor.u32 $0x621, v2;
	_ =	sdelay $0x2  }
0x2d7: {  	v4 =	vadd.s32 v5, v4;
	v5 =	vor.u32 $0xC80, v1  }
0x2d8: {  	v3 =	vadd.s32 v6, v3;
	[tilespmem:v7+s13+$0x0] =	vst.idx.msk $0xffff, v4;
	v4 =	vor.u32 $0xC81, v1  }
0x2d9: {  	[tilespmem:v8+s13+$0x0] =	vst.idx.msk $0xffff, v3  }
0x2da: {  	[tilespmem:v7+s14+$0x0] =	vst.idx.msk $0xffff, v49  }
0x2db: {  	[tilespmem:v8+s14+$0x0] =	vst.idx.msk $0xffff, v49  }
0x2dc: {  	v3 =	vld.idx.msk [tilespmem:v5+s4+$0x0], $0xffff  }
0x2dd: {  	v6 =	vor.u32 $0xC83, v1;
	v4 =	vld.idx.msk [tilespmem:v4+s4+$0x0], $0xffff  }
0x2de: {  	v5 =	vor.u32 $0xC82, v1;
	_ =	sdelay $0x3  }
0x2df: {  	v6 =	vld.idx.msk [tilespmem:v6+s4+$0x0], $0xffff  }
0x2e0: {  	v5 =	vld.idx.msk [tilespmem:v5+s4+$0x0], $0xffff  }
0x2e1: {  	v3 =	vld.idx.msk [tilespmem:v3+s12+$0x0], $0xffff  }
0x2e2: {  	v7 =	vor.u32 $0x640, v2;
	v4 =	vld.idx.msk [tilespmem:v4+s12+$0x0], $0xffff  }
0x2e3: {  	v8 =	vor.u32 $0x641, v2;
	_ =	sdelay $0x2  }
0x2e4: {  	v3 =	vadd.s32 v5, v3;
	v5 =	vor.u32 $0xCC0, v1  }
0x2e5: {  	v4 =	vadd.s32 v6, v4;
	[tilespmem:v7+s13+$0x0] =	vst.idx.msk $0xffff, v3;
	v3 =	vor.u32 $0xCC1, v1  }
0x2e6: {  	[tilespmem:v8+s13+$0x0] =	vst.idx.msk $0xffff, v4  }
0x2e7: {  	[tilespmem:v7+s14+$0x0] =	vst.idx.msk $0xffff, v50  }
0x2e8: {  	[tilespmem:v8+s14+$0x0] =	vst.idx.msk $0xffff, v50  }
0x2e9: {  	v4 =	vld.idx.msk [tilespmem:v5+s4+$0x0], $0xffff  }
0x2ea: {  	v6 =	vor.u32 $0xCC3, v1;
	v3 =	vld.idx.msk [tilespmem:v3+s4+$0x0], $0xffff  }
0x2eb: {  	v5 =	vor.u32 $0xCC2, v1;
	_ =	sdelay $0x3  }
0x2ec: {  	v6 =	vld.idx.msk [tilespmem:v6+s4+$0x0], $0xffff  }
0x2ed: {  	v5 =	vld.idx.msk [tilespmem:v5+s4+$0x0], $0xffff  }
0x2ee: {  	v4 =	vld.idx.msk [tilespmem:v4+s12+$0x0], $0xffff  }
0x2ef: {  	v7 =	vor.u32 $0x660, v2;
	v3 =	vld.idx.msk [tilespmem:v3+s12+$0x0], $0xffff  }
0x2f0: {  	v8 =	vor.u32 $0x661, v2;
	_ =	sdelay $0x2  }
0x2f1: {  	v4 =	vadd.s32 v5, v4;
	v5 =	vor.u32 $0xD00, v1  }
0x2f2: {  	v3 =	vadd.s32 v6, v3;
	[tilespmem:v7+s13+$0x0] =	vst.idx.msk $0xffff, v4;
	v4 =	vor.u32 $0xD01, v1  }
0x2f3: {  	[tilespmem:v8+s13+$0x0] =	vst.idx.msk $0xffff, v3  }
0x2f4: {  	[tilespmem:v7+s14+$0x0] =	vst.idx.msk $0xffff, v51  }
0x2f5: {  	[tilespmem:v8+s14+$0x0] =	vst.idx.msk $0xffff, v51  }
0x2f6: {  	v3 =	vld.idx.msk [tilespmem:v5+s4+$0x0], $0xffff  }
0x2f7: {  	v6 =	vor.u32 $0xD03, v1;
	v4 =	vld.idx.msk [tilespmem:v4+s4+$0x0], $0xffff  }
0x2f8: {  	v5 =	vor.u32 $0xD02, v1;
	_ =	sdelay $0x3  }
0x2f9: {  	v6 =	vld.idx.msk [tilespmem:v6+s4+$0x0], $0xffff  }
0x2fa: {  	v5 =	vld.idx.msk [tilespmem:v5+s4+$0x0], $0xffff  }
0x2fb: {  	v3 =	vld.idx.msk [tilespmem:v3+s12+$0x0], $0xffff  }
0x2fc: {  	v7 =	vor.u32 $0x680, v2;
	v4 =	vld.idx.msk [tilespmem:v4+s12+$0x0], $0xffff  }
0x2fd: {  	v8 =	vor.u32 $0x681, v2;
	_ =	sdelay $0x2  }
0x2fe: {  	v3 =	vadd.s32 v5, v3;
	v5 =	vor.u32 $0xD40, v1  }
0x2ff: {  	v4 =	vadd.s32 v6, v4;
	[tilespmem:v7+s13+$0x0] =	vst.idx.msk $0xffff, v3;
	v3 =	vor.u32 $0xD41, v1  }
0x300: {  	[tilespmem:v8+s13+$0x0] =	vst.idx.msk $0xffff, v4  }
0x301: {  	[tilespmem:v7+s14+$0x0] =	vst.idx.msk $0xffff, v52  }
0x302: {  	[tilespmem:v8+s14+$0x0] =	vst.idx.msk $0xffff, v52  }
0x303: {  	v4 =	vld.idx.msk [tilespmem:v5+s4+$0x0], $0xffff  }
0x304: {  	v6 =	vor.u32 $0xD43, v1;
	v3 =	vld.idx.msk [tilespmem:v3+s4+$0x0], $0xffff  }
0x305: {  	v5 =	vor.u32 $0xD42, v1;
	_ =	sdelay $0x3  }
0x306: {  	v6 =	vld.idx.msk [tilespmem:v6+s4+$0x0], $0xffff  }
0x307: {  	v5 =	vld.idx.msk [tilespmem:v5+s4+$0x0], $0xffff  }
0x308: {  	v4 =	vld.idx.msk [tilespmem:v4+s12+$0x0], $0xffff  }
0x309: {  	v7 =	vor.u32 $0x6A0, v2;
	v3 =	vld.idx.msk [tilespmem:v3+s12+$0x0], $0xffff  }
0x30a: {  	v8 =	vor.u32 $0x6A1, v2;
	_ =	sdelay $0x2  }
0x30b: {  	v4 =	vadd.s32 v5, v4;
	v5 =	vor.u32 $0xD80, v1  }
0x30c: {  	v3 =	vadd.s32 v6, v3;
	[tilespmem:v7+s13+$0x0] =	vst.idx.msk $0xffff, v4;
	v4 =	vor.u32 $0xD81, v1  }
0x30d: {  	[tilespmem:v8+s13+$0x0] =	vst.idx.msk $0xffff, v3  }
0x30e: {  	[tilespmem:v7+s14+$0x0] =	vst.idx.msk $0xffff, v53  }
0x30f: {  	[tilespmem:v8+s14+$0x0] =	vst.idx.msk $0xffff, v53  }
0x310: {  	v3 =	vld.idx.msk [tilespmem:v5+s4+$0x0], $0xffff  }
0x311: {  	v6 =	vor.u32 $0xD83, v1;
	v4 =	vld.idx.msk [tilespmem:v4+s4+$0x0], $0xffff  }
0x312: {  	v5 =	vor.u32 $0xD82, v1;
	_ =	sdelay $0x3  }
0x313: {  	v6 =	vld.idx.msk [tilespmem:v6+s4+$0x0], $0xffff  }
0x314: {  	v5 =	vld.idx.msk [tilespmem:v5+s4+$0x0], $0xffff  }
0x315: {  	v3 =	vld.idx.msk [tilespmem:v3+s12+$0x0], $0xffff  }
0x316: {  	v7 =	vor.u32 $0x6C0, v2;
	v4 =	vld.idx.msk [tilespmem:v4+s12+$0x0], $0xffff  }
0x317: {  	v8 =	vor.u32 $0x6C1, v2;
	_ =	sdelay $0x2  }
0x318: {  	v3 =	vadd.s32 v5, v3;
	v5 =	vor.u32 $0xDC0, v1  }
0x319: {  	v4 =	vadd.s32 v6, v4;
	[tilespmem:v7+s13+$0x0] =	vst.idx.msk $0xffff, v3;
	v3 =	vor.u32 $0xDC1, v1  }
0x31a: {  	[tilespmem:v8+s13+$0x0] =	vst.idx.msk $0xffff, v4  }
0x31b: {  	[tilespmem:v7+s14+$0x0] =	vst.idx.msk $0xffff, v54  }
0x31c: {  	[tilespmem:v8+s14+$0x0] =	vst.idx.msk $0xffff, v54  }
0x31d: {  	v4 =	vld.idx.msk [tilespmem:v5+s4+$0x0], $0xffff  }
0x31e: {  	v6 =	vor.u32 $0xDC3, v1;
	v3 =	vld.idx.msk [tilespmem:v3+s4+$0x0], $0xffff  }
0x31f: {  	v5 =	vor.u32 $0xDC2, v1;
	_ =	sdelay $0x3  }
0x320: {  	v6 =	vld.idx.msk [tilespmem:v6+s4+$0x0], $0xffff  }
0x321: {  	v5 =	vld.idx.msk [tilespmem:v5+s4+$0x0], $0xffff  }
0x322: {  	v4 =	vld.idx.msk [tilespmem:v4+s12+$0x0], $0xffff  }
0x323: {  	v7 =	vor.u32 $0x6E0, v2;
	v3 =	vld.idx.msk [tilespmem:v3+s12+$0x0], $0xffff  }
0x324: {  	v8 =	vor.u32 $0x6E1, v2;
	_ =	sdelay $0x2  }
0x325: {  	v4 =	vadd.s32 v5, v4;
	v5 =	vor.u32 $0xE00, v1  }
0x326: {  	v3 =	vadd.s32 v6, v3;
	[tilespmem:v7+s13+$0x0] =	vst.idx.msk $0xffff, v4;
	v4 =	vor.u32 $0xE01, v1  }
0x327: {  	[tilespmem:v8+s13+$0x0] =	vst.idx.msk $0xffff, v3  }
0x328: {  	[tilespmem:v7+s14+$0x0] =	vst.idx.msk $0xffff, v55  }
0x329: {  	[tilespmem:v8+s14+$0x0] =	vst.idx.msk $0xffff, v55  }
0x32a: {  	v3 =	vld.idx.msk [tilespmem:v5+s4+$0x0], $0xffff  }
0x32b: {  	v6 =	vor.u32 $0xE03, v1;
	v4 =	vld.idx.msk [tilespmem:v4+s4+$0x0], $0xffff  }
0x32c: {  	v5 =	vor.u32 $0xE02, v1;
	_ =	sdelay $0x3  }
0x32d: {  	v6 =	vld.idx.msk [tilespmem:v6+s4+$0x0], $0xffff  }
0x32e: {  	v5 =	vld.idx.msk [tilespmem:v5+s4+$0x0], $0xffff  }
0x32f: {  	v3 =	vld.idx.msk [tilespmem:v3+s12+$0x0], $0xffff  }
0x330: {  	v7 =	vor.u32 $0x700, v2;
	v4 =	vld.idx.msk [tilespmem:v4+s12+$0x0], $0xffff  }
0x331: {  	v8 =	vor.u32 $0x701, v2;
	_ =	sdelay $0x2  }
0x332: {  	v3 =	vadd.s32 v5, v3;
	v5 =	vor.u32 $0xE40, v1  }
0x333: {  	v4 =	vadd.s32 v6, v4;
	[tilespmem:v7+s13+$0x0] =	vst.idx.msk $0xffff, v3;
	v3 =	vor.u32 $0xE41, v1  }
0x334: {  	[tilespmem:v8+s13+$0x0] =	vst.idx.msk $0xffff, v4  }
0x335: {  	[tilespmem:v7+s14+$0x0] =	vst.idx.msk $0xffff, v56  }
0x336: {  	[tilespmem:v8+s14+$0x0] =	vst.idx.msk $0xffff, v56  }
0x337: {  	v4 =	vld.idx.msk [tilespmem:v5+s4+$0x0], $0xffff  }
0x338: {  	v6 =	vor.u32 $0xE43, v1;
	v3 =	vld.idx.msk [tilespmem:v3+s4+$0x0], $0xffff  }
0x339: {  	v5 =	vor.u32 $0xE42, v1;
	_ =	sdelay $0x3  }
0x33a: {  	v6 =	vld.idx.msk [tilespmem:v6+s4+$0x0], $0xffff  }
0x33b: {  	v5 =	vld.idx.msk [tilespmem:v5+s4+$0x0], $0xffff  }
0x33c: {  	v4 =	vld.idx.msk [tilespmem:v4+s12+$0x0], $0xffff  }
0x33d: {  	v7 =	vor.u32 $0x720, v2;
	v3 =	vld.idx.msk [tilespmem:v3+s12+$0x0], $0xffff  }
0x33e: {  	v8 =	vor.u32 $0x721, v2;
	_ =	sdelay $0x2  }
0x33f: {  	v4 =	vadd.s32 v5, v4;
	v5 =	vor.u32 $0xE80, v1  }
0x340: {  	v3 =	vadd.s32 v6, v3;
	[tilespmem:v7+s13+$0x0] =	vst.idx.msk $0xffff, v4;
	v4 =	vor.u32 $0xE81, v1  }
0x341: {  	[tilespmem:v8+s13+$0x0] =	vst.idx.msk $0xffff, v3  }
0x342: {  	[tilespmem:v7+s14+$0x0] =	vst.idx.msk $0xffff, v57  }
0x343: {  	[tilespmem:v8+s14+$0x0] =	vst.idx.msk $0xffff, v57  }
0x344: {  	v3 =	vld.idx.msk [tilespmem:v5+s4+$0x0], $0xffff  }
0x345: {  	v6 =	vor.u32 $0xE83, v1;
	v4 =	vld.idx.msk [tilespmem:v4+s4+$0x0], $0xffff  }
0x346: {  	v5 =	vor.u32 $0xE82, v1;
	_ =	sdelay $0x3  }
0x347: {  	v6 =	vld.idx.msk [tilespmem:v6+s4+$0x0], $0xffff  }
0x348: {  	v5 =	vld.idx.msk [tilespmem:v5+s4+$0x0], $0xffff  }
0x349: {  	v3 =	vld.idx.msk [tilespmem:v3+s12+$0x0], $0xffff  }
0x34a: {  	v7 =	vor.u32 $0x740, v2;
	v4 =	vld.idx.msk [tilespmem:v4+s12+$0x0], $0xffff  }
0x34b: {  	v8 =	vor.u32 $0x741, v2;
	_ =	sdelay $0x2  }
0x34c: {  	v3 =	vadd.s32 v5, v3;
	v5 =	vor.u32 $0xEC0, v1  }
0x34d: {  	v4 =	vadd.s32 v6, v4;
	[tilespmem:v7+s13+$0x0] =	vst.idx.msk $0xffff, v3;
	v3 =	vor.u32 $0xEC1, v1  }
0x34e: {  	[tilespmem:v8+s13+$0x0] =	vst.idx.msk $0xffff, v4  }
0x34f: {  	[tilespmem:v7+s14+$0x0] =	vst.idx.msk $0xffff, v58  }
0x350: {  	[tilespmem:v8+s14+$0x0] =	vst.idx.msk $0xffff, v58  }
0x351: {  	v4 =	vld.idx.msk [tilespmem:v5+s4+$0x0], $0xffff  }
0x352: {  	v6 =	vor.u32 $0xEC3, v1;
	v3 =	vld.idx.msk [tilespmem:v3+s4+$0x0], $0xffff  }
0x353: {  	v5 =	vor.u32 $0xEC2, v1;
	_ =	sdelay $0x3  }
0x354: {  	v6 =	vld.idx.msk [tilespmem:v6+s4+$0x0], $0xffff  }
0x355: {  	v5 =	vld.idx.msk [tilespmem:v5+s4+$0x0], $0xffff  }
0x356: {  	v4 =	vld.idx.msk [tilespmem:v4+s12+$0x0], $0xffff  }
0x357: {  	v7 =	vor.u32 $0x760, v2;
	v3 =	vld.idx.msk [tilespmem:v3+s12+$0x0], $0xffff  }
0x358: {  	v8 =	vor.u32 $0x761, v2;
	_ =	sdelay $0x2  }
0x359: {  	v4 =	vadd.s32 v5, v4;
	v5 =	vor.u32 $0xF00, v1  }
0x35a: {  	v3 =	vadd.s32 v6, v3;
	[tilespmem:v7+s13+$0x0] =	vst.idx.msk $0xffff, v4;
	v4 =	vor.u32 $0xF01, v1  }
0x35b: {  	[tilespmem:v8+s13+$0x0] =	vst.idx.msk $0xffff, v3  }
0x35c: {  	[tilespmem:v7+s14+$0x0] =	vst.idx.msk $0xffff, v59  }
0x35d: {  	[tilespmem:v8+s14+$0x0] =	vst.idx.msk $0xffff, v59  }
0x35e: {  	v3 =	vld.idx.msk [tilespmem:v5+s4+$0x0], $0xffff  }
0x35f: {  	v6 =	vor.u32 $0xF03, v1;
	v4 =	vld.idx.msk [tilespmem:v4+s4+$0x0], $0xffff  }
0x360: {  	v5 =	vor.u32 $0xF02, v1;
	_ =	sdelay $0x3  }
0x361: {  	v6 =	vld.idx.msk [tilespmem:v6+s4+$0x0], $0xffff  }
0x362: {  	v5 =	vld.idx.msk [tilespmem:v5+s4+$0x0], $0xffff  }
0x363: {  	v3 =	vld.idx.msk [tilespmem:v3+s12+$0x0], $0xffff  }
0x364: {  	v7 =	vor.u32 $0x780, v2;
	v4 =	vld.idx.msk [tilespmem:v4+s12+$0x0], $0xffff  }
0x365: {  	v8 =	vor.u32 $0x781, v2;
	_ =	sdelay $0x2  }
0x366: {  	v3 =	vadd.s32 v5, v3;
	v5 =	vor.u32 $0xF40, v1  }
0x367: {  	v4 =	vadd.s32 v6, v4;
	[tilespmem:v7+s13+$0x0] =	vst.idx.msk $0xffff, v3;
	v3 =	vor.u32 $0xF41, v1  }
0x368: {  	[tilespmem:v8+s13+$0x0] =	vst.idx.msk $0xffff, v4  }
0x369: {  	[tilespmem:v7+s14+$0x0] =	vst.idx.msk $0xffff, v60  }
0x36a: {  	[tilespmem:v8+s14+$0x0] =	vst.idx.msk $0xffff, v60  }
0x36b: {  	v4 =	vld.idx.msk [tilespmem:v5+s4+$0x0], $0xffff  }
0x36c: {  	v6 =	vor.u32 $0xF43, v1;
	v3 =	vld.idx.msk [tilespmem:v3+s4+$0x0], $0xffff  }
0x36d: {  	v5 =	vor.u32 $0xF42, v1;
	_ =	sdelay $0x3  }
0x36e: {  	v6 =	vld.idx.msk [tilespmem:v6+s4+$0x0], $0xffff  }
0x36f: {  	v5 =	vld.idx.msk [tilespmem:v5+s4+$0x0], $0xffff  }
0x370: {  	v4 =	vld.idx.msk [tilespmem:v4+s12+$0x0], $0xffff  }
0x371: {  	v7 =	vor.u32 $0x7A0, v2;
	v3 =	vld.idx.msk [tilespmem:v3+s12+$0x0], $0xffff  }
0x372: {  	v8 =	vor.u32 $0x7A1, v2;
	_ =	sdelay $0x2  }
0x373: {  	v4 =	vadd.s32 v5, v4;
	v5 =	vor.u32 $0xF80, v1  }
0x374: {  	v3 =	vadd.s32 v6, v3;
	[tilespmem:v7+s13+$0x0] =	vst.idx.msk $0xffff, v4;
	v4 =	vor.u32 $0xF81, v1  }
0x375: {  	[tilespmem:v8+s13+$0x0] =	vst.idx.msk $0xffff, v3  }
0x376: {  	[tilespmem:v7+s14+$0x0] =	vst.idx.msk $0xffff, v61  }
0x377: {  	[tilespmem:v8+s14+$0x0] =	vst.idx.msk $0xffff, v61  }
0x378: {  	v3 =	vld.idx.msk [tilespmem:v5+s4+$0x0], $0xffff  }
0x379: {  	v6 =	vor.u32 $0xF83, v1;
	v4 =	vld.idx.msk [tilespmem:v4+s4+$0x0], $0xffff  }
0x37a: {  	v5 =	vor.u32 $0xF82, v1;
	_ =	sdelay $0x3  }
0x37b: {  	v6 =	vld.idx.msk [tilespmem:v6+s4+$0x0], $0xffff  }
0x37c: {  	v5 =	vld.idx.msk [tilespmem:v5+s4+$0x0], $0xffff  }
0x37d: {  	v3 =	vld.idx.msk [tilespmem:v3+s12+$0x0], $0xffff  }
0x37e: {  	v7 =	vor.u32 $0x7C0, v2;
	v4 =	vld.idx.msk [tilespmem:v4+s12+$0x0], $0xffff  }
0x37f: {  	v8 =	vor.u32 $0x7C1, v2;
	_ =	sdelay $0x2  }
0x380: {  	v3 =	vadd.s32 v5, v3;
	v5 =	vor.u32 $0xFC0, v1  }
0x381: {  	v4 =	vadd.s32 v6, v4;
	[tilespmem:v7+s13+$0x0] =	vst.idx.msk $0xffff, v3;
	v3 =	vor.u32 $0xFC1, v1  }
0x382: {  	[tilespmem:v8+s13+$0x0] =	vst.idx.msk $0xffff, v4  }
0x383: {  	[tilespmem:v7+s14+$0x0] =	vst.idx.msk $0xffff, v62  }
0x384: {  	[tilespmem:v8+s14+$0x0] =	vst.idx.msk $0xffff, v62  }
0x385: {  	v4 =	vld.idx.msk [tilespmem:v5+s4+$0x0], $0xffff  }
0x386: {  	v5 =	vor.u32 $0xFC2, v1;
	v3 =	vld.idx.msk [tilespmem:v3+s4+$0x0], $0xffff  }
0x387: {  	v1 =	vor.u32 $0xFC3, v1;
	_ =	sdelay $0x3  }
0x388: {  	v5 =	vld.idx.msk [tilespmem:v5+s4+$0x0], $0xffff  }
0x389: {  	v1 =	vld.idx.msk [tilespmem:v1+s4+$0x0], $0xffff  }
0x38a: {  	v4 =	vld.idx.msk [tilespmem:v4+s12+$0x0], $0xffff  }
0x38b: {  	v6 =	vor.u32 $0x7E0, v2;
	v3 =	vld.idx.msk [tilespmem:v3+s12+$0x0], $0xffff  }
0x38c: {  	v2 =	vor.u32 $0x7E1, v2;
	_ =	sdelay $0x2  }
0x38d: {  	v4 =	vadd.s32 v5, v4  }
0x38e: {  	v1 =	vadd.s32 v1, v3;
	[tilespmem:v6+s13+$0x0] =	vst.idx.msk $0xffff, v4  }
0x38f: {  	[tilespmem:v2+s13+$0x0] =	vst.idx.msk $0xffff, v1  }
0x390: {  	[tilespmem:v6+s14+$0x0] =	vst.idx.msk $0xffff, v63  }
0x391: {  	s18 =	simm.s32 @p0 $0x800;
	s19 =	simm.s32 @p0 $0x1880;
	s20 =	simm.s32 @p0 $0x2080;
	[tilespmem:v2+s14+$0x0] =	vst.idx.msk $0xffff, v63  }
0x392: {  	[spmem:s3] =	stream.indirect.scatter @p0 [tilespmem:s20], [sflag:$0x1], $0x1, s19, s18, $0xb8;
	[tilespmem:$0x3880] =	vst v63  }
0x393: {  	s18 =	simm.s32 @p0 $0x1  }
0x394: {  	_ =	swait.ge @p0 [sflag:s18], $0x800  }
0x395: {  	[sflag:s18] =	ssyncset.done @p0 $0x0  }
0x396: {  	[sflag:s18] =	ssyncadd.s32 @p0 $0xFFFFF800  }
0x397: {  	[bflag:$0x0] =	sbarrier.arrive @p0 $0xFFFF  }
0x398: {  	[tilespmem:s20], [sflag:$0x1] =	stream.linear.gather @p0 [spmem:s8], $0x800, $0x38;
	[tilespmem:$0x3880] =	vst v63  }
0x399: {  	s19 =	simm.s32 @!p0 $0x1880;
	s18 =	simm.s32 @!p0 $0x800  }
0x39a: {  	[spmem:s1] =	stream.indirect.scatter @!p0 [tilespmem:s16], [sflag:$0x1], $0x1, s19, s18, $0xb8;
	[tilespmem:$0x3880] =	vst v63  }
0x39b: {  	_ =	swait.ge @!p0 [sflag:s17], $0x800  }
0x39c: {  	[sflag:s17] =	ssyncset.done @!p0 $0x0  }
0x39d: {  	[sflag:s17] =	ssyncadd.s32 @!p0 $0xFFFFF800  }
0x39e: {  	[bflag:$0x0] =	sbarrier.arrive @!p0 $0xFFFF  }
0x39f: {  	[tilespmem:s16], [sflag:$0x1] =	stream.linear.gather @!p0 [spmem:s9], $0x800, $0x38;
	[tilespmem:$0x3880] =	vst v63  }
0x3a0: {  	s10 =	sadd.s32 $0xFFFFFFFF, s10;
	_ =	swait.ge [sflag:s11], $0x800  }
0x3a1: {  	p1 =	sne.s32 s10, $0x0;
	[sflag:s11] =	ssyncset.done $0x0  }
.Ltmp0:
0x3a2: {  	s16 =	simm.s32 @p0 $0x2080;
	[sflag:s11] =	ssyncadd.s32 $0xFFFFF800;
	(pc) =	sbr.rel @p1 .LBB2_1-.Ltmp0, $4  }
0x3a3: {  	[hbm4b:s15+s4] =	stream.linear.scatter [tilespmem:s16], [sflag:$0x1], $0x800, $0x38;
	[tilespmem:$0x3880] =	vst v63  }
0x3a4: {  	_ =	swait.ge [sflag:s11], $0x800  }
0x3a5: {  	[sflag:s11] =	ssyncset.done $0x0  }
0x3a6: {  	[sflag:s11] =	ssyncadd.s32 $0xFFFFF800  }
0x3a7: {  	_ =	sfence.sel $0x180000  }
0x3a8: {  	[bflag:$0x0] =	sbarrier.arrive $0xFFFF  }
0x3a9: {  	p0 =	sne.s32 s0, $0x0;
	_ =	strace $0x90000047  }
0x3aa: {  	s0 =	sadd.s32 @!p0 $0x100000, s2;
	[bflag:$0x2] =	sbarrier.arrive $0xFFFF  }
0x3ab: {  	[sflag:s0] =	ssyncadd.tile.s32 @!p0 $0x1;
	_ =	shalt  }
.Lfunc_end2:
_tile_overlayer_lowered:
.L_overlay_start_2:
0x3ac: {  	(tag) =	ssettag $0x2  }
0x3ad: {  	s0 =	rddreg [dreg:$0x0];
	s2 =	stileid.u32  }
0x3ae: {  	s1 =	rddreg [dreg:$0x1];
	p0 =	sne.s32 s2, $0x0  }
0x3af: {  	s3 =	rddreg [dreg:$0x2];
	[bflag:$0x3] =	sbarrier.arrive $0xFFFF;
	s2 =	simm.s32 @!p0 $0x1C01  }
0x3b0: {  	[timem:s3], [sflag:s2] =	dma.local @!p0 [hbm:s0], s1  }
0x3b1: {  	s0 =	simm.s32 @!p0 $0x1  }
0x3b2: {  	_ =	swait.ge @!p0 [sflag:s0], s1  }
0x3b3: {  	s1 =	ssub.s32 @!p0 $0x0, s1;
	[sflag:s0] =	ssyncset.done @!p0 $0x0  }
0x3b4: {  	[sflag:s0] =	ssyncadd.s32 @!p0 s1  }
0x3b5: {  	[bflag:$0x3] =	sbarrier.arrive $0xFFFF  }
0x3b6: {  	_ =	shalt  }

</sc_bundles>
